<compile_context>
chip_gen: v7x
topology: tpu7x:2x2x1
jax: 0.10.2.dev20260603
libtpu: 0.0.44.dev20260713+nightly
codegen_flags: <defaults>
</compile_context>

<pallas_src>
import functools

import jax
import jax.numpy as jnp
from jax import lax
from jax.experimental import pallas as pl
from jax.experimental.pallas import tpu as pltpu
from jax.experimental.pallas import tpu_sc as plsc

N_NODES = 10000
D = 128

NPAD = 10240
NBLK = NPAD // 128
NW = 32
B = 128
NCH = 80
EW = NCH * B
EPAD = NW * EW
ROWS_PER_TILE = NPAD // 16
NT = ROWS_PER_TILE // B

BA = 64
NCHA = EW // BA
NTA = ROWS_PER_TILE // BA

_MESH = dict(core_axis_name="c", subcore_axis_name="s")


def _sc_degree(dst_flat, zer, one):
  @functools.partial(
      pl.kernel,
      mesh=plsc.VectorSubcoreMesh(**_MESH),
      out_type=jax.ShapeDtypeStruct((2 * NPAD, D), jnp.float32),
      scratch_types=(
          [pltpu.VMEM((B,), jnp.int32)] * 4 +
          [pltpu.VMEM((B, D), jnp.float32)] * 2 +
          [pltpu.VMEM_SHARED((NPAD, D), jnp.float32)] +
          [pltpu.SemaphoreType.DMA] * 8
      ),
  )
  def k(dst_hbm, zer_hbm, one_hbm, out_hbm, *sc):
    didx = sc[0:4]
    ones_v, zbuf = sc[4:6]
    acc = sc[6]
    jsem = sc[7:11]
    tsem = sc[11:13]
    wsem = sc[13:15]
    c = lax.axis_index("c")
    s = lax.axis_index("s")
    w = c * 16 + s
    base = w * EW

    for q in range(4):
      pltpu.async_copy(dst_hbm.at[pl.ds(base + q * B, B)], didx[q], jsem[q])

    pltpu.sync_copy(zer_hbm, zbuf)
    for t in range(NT):
      pltpu.sync_copy(zbuf, acc.at[pl.ds(s * ROWS_PER_TILE + t * B, B)])
    pltpu.sync_copy(one_hbm, ones_v)
    plsc.subcore_barrier()

    for b in range(2):
      pltpu.make_async_copy(
          dst_hbm.at[pl.ds(base + b * B, B)], didx[b], jsem[b]).wait()
      pltpu.async_copy(ones_v, acc.at[didx[b]], tsem[b], add=True)

    def body(g, _):
      j0 = 4 * g + 2
      for p in range(4):
        u = (p + 2) % 4
        b = p % 2
        u2 = p
        pltpu.make_async_copy(ones_v, acc.at[didx[u2]], tsem[b]).wait()
        pltpu.async_copy(
            dst_hbm.at[pl.ds(base + (j0 + p + 2) * B, B)], didx[u2], jsem[u2])
        pltpu.make_async_copy(
            dst_hbm.at[pl.ds(base + (j0 + p) * B, B)], didx[u], jsem[u]).wait()
        pltpu.async_copy(ones_v, acc.at[didx[u]], tsem[b], add=True)
      return 0
    lax.fori_loop(0, (NCH - 4) // 4, body, 0)

    for p in range(2):
      u = 2 + p
      pltpu.make_async_copy(ones_v, acc.at[didx[p]], tsem[p]).wait()
      pltpu.make_async_copy(
          dst_hbm.at[pl.ds(base + (NCH - 2 + p) * B, B)], didx[u], jsem[u]).wait()
      pltpu.async_copy(ones_v, acc.at[didx[u]], tsem[p], add=True)
    for p in range(2):
      pltpu.make_async_copy(ones_v, acc.at[didx[2 + p]], tsem[p]).wait()

    plsc.subcore_barrier()
    wb = (ones_v, zbuf)
    for t in range(NT):
      b = t % 2
      if t >= 2:
        rp = s * ROWS_PER_TILE + (t - 2) * B
        pltpu.make_async_copy(
            wb[b], out_hbm.at[pl.ds(c * NPAD + rp, B)], wsem[b]).wait()
      r = s * ROWS_PER_TILE + t * B
      pltpu.sync_copy(acc.at[pl.ds(r, B)], wb[b])
      pltpu.async_copy(wb[b], out_hbm.at[pl.ds(c * NPAD + r, B)], wsem[b])
    for t in range(NT - 2, NT):
      b = t % 2
      r = s * ROWS_PER_TILE + t * B
      pltpu.make_async_copy(
          wb[b], out_hbm.at[pl.ds(c * NPAD + r, B)], wsem[b]).wait()

  return k(dst_flat, zer, one)


def _sc_aggregate(hs, src_flat, dst_flat, zer):
  @functools.partial(
      pl.kernel,
      mesh=plsc.VectorSubcoreMesh(**_MESH),
      out_type=jax.ShapeDtypeStruct((2 * NPAD, D), jnp.float32),
      scratch_types=(
          [pltpu.VMEM((BA,), jnp.int32)] * 8 +
          [pltpu.VMEM((BA,), jnp.int32)] * 8 +
          [pltpu.VMEM((BA, D), jnp.float32)] * 4 +
          [pltpu.VMEM_SHARED((NPAD, D), jnp.float32)] +
          [pltpu.SemaphoreType.DMA] * 24
      ),
  )
  def k(hs_hbm, src_hbm, dst_hbm, zer_hbm, out_hbm, *sc):
    sidx = sc[0:8]
    didx = sc[8:16]
    buf = sc[16:20]
    acc = sc[20]
    isem = sc[21:29]
    jsem = sc[29:37]
    gsem = sc[37:41]
    tsem = sc[41:45]
    c = lax.axis_index("c")
    s = lax.axis_index("s")
    w = c * 16 + s
    base = w * EW

    for q in range(8):
      pltpu.async_copy(src_hbm.at[pl.ds(base + q * BA, BA)], sidx[q], isem[q])
      pltpu.async_copy(dst_hbm.at[pl.ds(base + q * BA, BA)], didx[q], jsem[q])

    pltpu.sync_copy(zer_hbm, buf[0])
    for t in range(NTA):
      pltpu.sync_copy(buf[0], acc.at[pl.ds(s * ROWS_PER_TILE + t * BA, BA)])

    for b in range(4):
      pltpu.make_async_copy(
          src_hbm.at[pl.ds(base + b * BA, BA)], sidx[b], isem[b]).wait()
      pltpu.make_async_copy(
          dst_hbm.at[pl.ds(base + b * BA, BA)], didx[b], jsem[b]).wait()
      pltpu.async_copy(hs_hbm.at[sidx[b]], buf[b], gsem[b])
    plsc.subcore_barrier()

    def body(g, _):
      j0 = 8 * g
      for p in range(2):
        for b in range(4):
          u = (4 * p + b) % 8
          pltpu.make_async_copy(hs_hbm.at[sidx[u]], buf[b], gsem[b]).wait()
          pltpu.async_copy(buf[b], acc.at[didx[u]], tsem[b], add=True)
        for b in range(4):
          u = (4 * p + b) % 8
          u2 = (u + 4) % 8
          off4 = base + (j0 + 4 * p + b + 4) * BA
          off8 = base + (j0 + 4 * p + b + 8) * BA
          pltpu.make_async_copy(buf[b], acc.at[didx[u]], tsem[b]).wait()
          pltpu.make_async_copy(
              src_hbm.at[pl.ds(off4, BA)], sidx[u2], isem[u2]).wait()
          pltpu.make_async_copy(
              dst_hbm.at[pl.ds(off4, BA)], didx[u2], jsem[u2]).wait()
          pltpu.async_copy(hs_hbm.at[sidx[u2]], buf[b], gsem[b])
          pltpu.async_copy(src_hbm.at[pl.ds(off8, BA)], sidx[u], isem[u])
          pltpu.async_copy(dst_hbm.at[pl.ds(off8, BA)], didx[u], jsem[u])
      return 0
    lax.fori_loop(0, (NCHA - 8) // 8, body, 0)

    for b in range(4):
      pltpu.make_async_copy(hs_hbm.at[sidx[b]], buf[b], gsem[b]).wait()
      pltpu.async_copy(buf[b], acc.at[didx[b]], tsem[b], add=True)
    for b in range(4):
      u2 = b + 4
      off4 = base + (NCHA - 4 + b) * BA
      pltpu.make_async_copy(buf[b], acc.at[didx[b]], tsem[b]).wait()
      pltpu.make_async_copy(
          src_hbm.at[pl.ds(off4, BA)], sidx[u2], isem[u2]).wait()
      pltpu.make_async_copy(
          dst_hbm.at[pl.ds(off4, BA)], didx[u2], jsem[u2]).wait()
      pltpu.async_copy(hs_hbm.at[sidx[u2]], buf[b], gsem[b])
    for b in range(4):
      u = b + 4
      pltpu.make_async_copy(hs_hbm.at[sidx[u]], buf[b], gsem[b]).wait()
      pltpu.async_copy(buf[b], acc.at[didx[u]], tsem[b], add=True)
    for b in range(4):
      u = b + 4
      pltpu.make_async_copy(buf[b], acc.at[didx[u]], tsem[b]).wait()

    plsc.subcore_barrier()
    for t in range(NTA):
      b = t % 4
      if t >= 4:
        rp = s * ROWS_PER_TILE + (t - 4) * BA
        pltpu.make_async_copy(
            buf[b], out_hbm.at[pl.ds(c * NPAD + rp, BA)], gsem[b]).wait()
      r = s * ROWS_PER_TILE + t * BA
      pltpu.sync_copy(acc.at[pl.ds(r, BA)], buf[b])
      pltpu.async_copy(buf[b], out_hbm.at[pl.ds(c * NPAD + r, BA)], gsem[b])
    for t in range(NTA - 4, NTA):
      b = t % 4
      r = s * ROWS_PER_TILE + t * BA
      pltpu.make_async_copy(
          buf[b], out_hbm.at[pl.ds(c * NPAD + r, BA)], gsem[b]).wait()

  return k(hs, src_flat, dst_flat, zer)


def _tc_prescale(x_pad, degp, w1):
  def body(x_ref, dp_ref, w_ref, hs_ref, dis_ref):
    deg = dp_ref[0, :, 0] + dp_ref[1, :, 0] + 1.0
    dis = lax.rsqrt(deg)
    h = jnp.dot(x_ref[...], w_ref[...], preferred_element_type=jnp.float32)
    hs_ref[...] = h * dis[:, None]
    dis_ref[...] = dis[:, None]

  return pl.pallas_call(
      body,
      grid=(NBLK,),
      in_specs=[
          pl.BlockSpec((128, D), lambda i: (i, 0)),
          pl.BlockSpec((2, 128, D), lambda i: (0, i, 0)),
          pl.BlockSpec((D, D), lambda i: (0, 0)),
      ],
      out_specs=[
          pl.BlockSpec((128, D), lambda i: (i, 0)),
          pl.BlockSpec((128, 1), lambda i: (i, 0)),
      ],
      out_shape=[
          jax.ShapeDtypeStruct((NPAD, D), jnp.float32),
          jax.ShapeDtypeStruct((NPAD, 1), jnp.float32),
      ],
  )(x_pad, degp, w1)


def _tc_mid(parts, hs1, dis, b1, w2):
  def body(p_ref, hs_ref, dis_ref, b_ref, w_ref, out_ref):
    agg = p_ref[0] + p_ref[1] + hs_ref[...]
    h = jnp.maximum(agg * dis_ref[...] + b_ref[...], 0.0)
    out_ref[...] = jnp.dot(
        h, w_ref[...], preferred_element_type=jnp.float32) * dis_ref[...]

  return pl.pallas_call(
      body,
      grid=(NBLK,),
      in_specs=[
          pl.BlockSpec((2, 128, D), lambda i: (0, i, 0)),
          pl.BlockSpec((128, D), lambda i: (i, 0)),
          pl.BlockSpec((128, 1), lambda i: (i, 0)),
          pl.BlockSpec((1, D), lambda i: (0, 0)),
          pl.BlockSpec((D, D), lambda i: (0, 0)),
      ],
      out_specs=pl.BlockSpec((128, D), lambda i: (i, 0)),
      out_shape=jax.ShapeDtypeStruct((NPAD, D), jnp.float32),
  )(parts, hs1, dis, b1, w2)


def _tc_final(parts, hs2, dis, b2):
  def body(p_ref, hs_ref, dis_ref, b_ref, out_ref):
    agg = p_ref[0] + p_ref[1] + hs_ref[...]
    out_ref[...] = agg * dis_ref[...] + b_ref[...]

  return pl.pallas_call(
      body,
      grid=(NBLK,),
      in_specs=[
          pl.BlockSpec((2, 128, D), lambda i: (0, i, 0)),
          pl.BlockSpec((128, D), lambda i: (i, 0)),
          pl.BlockSpec((128, 1), lambda i: (i, 0)),
          pl.BlockSpec((1, D), lambda i: (0, 0)),
      ],
      out_specs=pl.BlockSpec((128, D), lambda i: (i, 0)),
      out_shape=jax.ShapeDtypeStruct((NPAD, D), jnp.float32),
  )(parts, hs2, dis, b2)


def kernel(x, edge_index, W1, b1, W2, b2):
  src = edge_index[0].astype(jnp.int32)
  dst = edge_index[1].astype(jnp.int32)
  npad_e = EPAD - src.shape[0]
  src_flat = jnp.concatenate([src, jnp.zeros((npad_e,), jnp.int32)])
  dst_flat = jnp.concatenate([dst, jnp.full((npad_e,), N_NODES, jnp.int32)])
  x_pad = jnp.pad(x, ((0, NPAD - N_NODES), (0, 0)))
  b1r = b1.reshape(1, D)
  b2r = b2.reshape(1, D)
  zer = jnp.zeros((B, D), jnp.float32)
  zera = jnp.zeros((BA, D), jnp.float32)
  one = jnp.ones((B, D), jnp.float32)

  degp = _sc_degree(dst_flat, zer, one).reshape(2, NPAD, D)
  hs1, dis = _tc_prescale(x_pad, degp, W1)
  parts1 = _sc_aggregate(hs1, src_flat, dst_flat, zera).reshape(2, NPAD, D)
  hs2 = _tc_mid(parts1, hs1, dis, b1r, W2)
  parts2 = _sc_aggregate(hs2, src_flat, dst_flat, zera).reshape(2, NPAD, D)
  out = _tc_final(parts2, hs2, dis, b2r)
  return out[:N_NODES]

# --- scband reference (transcript-rebuilt; emitter-appended) ---
"""Pipeline reference for scband-gcnmodel-10960756540204 (READ-ONLY COPY).

The authoritative reference and input builder live on the scoring server;
editing this copy changes nothing except your own understanding.
"""

import jax, jax.numpy as jnp
import numpy as np

N_NODES = 10000
N_EDGES = 320000
D_IN = 128
D_HID = 128
D_OUT = 128


def setup_inputs(seed: int = 0) -> dict:
    key = jax.random.key(seed)
    k1, k2, k3, k4, k5, k6 = jax.random.split(key, 6)
    x = jax.random.normal(k1, (N_NODES, D_IN), dtype=jnp.float32)
    edge_index = jax.random.randint(k2, (2, N_EDGES), 0, N_NODES, dtype=jnp.int64)
    # GCNConv weights (glorot-ish init) and biases
    W1 = jax.random.normal(k3, (D_IN, D_HID), dtype=jnp.float32) * (1.0 / np.sqrt(D_IN))
    b1 = jnp.zeros((D_HID,), dtype=jnp.float32)
    W2 = jax.random.normal(k4, (D_HID, D_OUT), dtype=jnp.float32) * (1.0 / np.sqrt(D_HID))
    b2 = jnp.zeros((D_OUT,), dtype=jnp.float32)
    return {"x": x, "edge_index": edge_index, "W1": W1, "b1": b1, "W2": W2, "b2": b2}


def _gcn_conv(x, edge_index, W, b):
    # Faithful GCNConv: add self-loops, symmetric normalization, scatter-add aggregation.
    num_nodes = x.shape[0]
    h = x @ W
    src = edge_index[0]
    dst = edge_index[1]
    loop = jnp.arange(num_nodes, dtype=edge_index.dtype)
    src = jnp.concatenate([src, loop])
    dst = jnp.concatenate([dst, loop])
    deg = jnp.zeros((num_nodes,), dtype=h.dtype).at[dst].add(1.0)
    deg_inv_sqrt = jnp.where(deg > 0, deg ** -0.5, 0.0)
    norm = deg_inv_sqrt[src] * deg_inv_sqrt[dst]
    msg = h[src] * norm[:, None]
    out = jnp.zeros_like(h).at[dst].add(msg)
    return out + b


def reference(x, edge_index, W1, b1, W2, b2):
    h = jax.nn.relu(_gcn_conv(x, edge_index, W1, b1))
    out = _gcn_conv(h, edge_index, W2, b2)
    return out

if __name__ == "__main__":
    import jax
    _d = setup_inputs()
    print(jax.jit(kernel)(*tuple(_d.values())))

</pallas_src>

<mosaic_0001>
#map = affine_map<(d0, d1) -> (0, 0)>
#map1 = affine_map<(d0, d1) -> (0)>
module attributes {stable_mosaic.version = 14 : i64} {
  func.func @k(%arg0: i32, %arg1: i32, %arg2: memref<10240x128xf32, #tpu.memory_space<hbm>>, %arg3: memref<327680xi32, #tpu.memory_space<hbm>>, %arg4: memref<327680xi32, #tpu.memory_space<hbm>>, %arg5: memref<64x128xf32, #tpu.memory_space<hbm>>, %arg6: memref<20480x128xf32, #tpu.memory_space<hbm>>, %arg7: memref<64xi32, #tpu.memory_space<vmem>>, %arg8: memref<64xi32, #tpu.memory_space<vmem>>, %arg9: memref<64xi32, #tpu.memory_space<vmem>>, %arg10: memref<64xi32, #tpu.memory_space<vmem>>, %arg11: memref<64xi32, #tpu.memory_space<vmem>>, %arg12: memref<64xi32, #tpu.memory_space<vmem>>, %arg13: memref<64xi32, #tpu.memory_space<vmem>>, %arg14: memref<64xi32, #tpu.memory_space<vmem>>, %arg15: memref<64xi32, #tpu.memory_space<vmem>>, %arg16: memref<64xi32, #tpu.memory_space<vmem>>, %arg17: memref<64xi32, #tpu.memory_space<vmem>>, %arg18: memref<64xi32, #tpu.memory_space<vmem>>, %arg19: memref<64xi32, #tpu.memory_space<vmem>>, %arg20: memref<64xi32, #tpu.memory_space<vmem>>, %arg21: memref<64xi32, #tpu.memory_space<vmem>>, %arg22: memref<64xi32, #tpu.memory_space<vmem>>, %arg23: memref<64x128xf32, #tpu.memory_space<vmem>>, %arg24: memref<64x128xf32, #tpu.memory_space<vmem>>, %arg25: memref<64x128xf32, #tpu.memory_space<vmem>>, %arg26: memref<64x128xf32, #tpu.memory_space<vmem>>, %arg27: memref<10240x128xf32, #tpu.memory_space<vmem_shared>>, %arg28: memref<!tpu.dma_semaphore, #tpu.memory_space<semaphore_mem>>, %arg29: memref<!tpu.dma_semaphore, #tpu.memory_space<semaphore_mem>>, %arg30: memref<!tpu.dma_semaphore, #tpu.memory_space<semaphore_mem>>, %arg31: memref<!tpu.dma_semaphore, #tpu.memory_space<semaphore_mem>>, %arg32: memref<!tpu.dma_semaphore, #tpu.memory_space<semaphore_mem>>, %arg33: memref<!tpu.dma_semaphore, #tpu.memory_space<semaphore_mem>>, %arg34: memref<!tpu.dma_semaphore, #tpu.memory_space<semaphore_mem>>, %arg35: memref<!tpu.dma_semaphore, #tpu.memory_space<semaphore_mem>>, %arg36: memref<!tpu.dma_semaphore, #tpu.memory_space<semaphore_mem>>, %arg37: memref<!tpu.dma_semaphore, #tpu.memory_space<semaphore_mem>>, %arg38: memref<!tpu.dma_semaphore, #tpu.memory_space<semaphore_mem>>, %arg39: memref<!tpu.dma_semaphore, #tpu.memory_space<semaphore_mem>>, %arg40: memref<!tpu.dma_semaphore, #tpu.memory_space<semaphore_mem>>, %arg41: memref<!tpu.dma_semaphore, #tpu.memory_space<semaphore_mem>>, %arg42: memref<!tpu.dma_semaphore, #tpu.memory_space<semaphore_mem>>, %arg43: memref<!tpu.dma_semaphore, #tpu.memory_space<semaphore_mem>>, %arg44: memref<!tpu.dma_semaphore, #tpu.memory_space<semaphore_mem>>, %arg45: memref<!tpu.dma_semaphore, #tpu.memory_space<semaphore_mem>>, %arg46: memref<!tpu.dma_semaphore, #tpu.memory_space<semaphore_mem>>, %arg47: memref<!tpu.dma_semaphore, #tpu.memory_space<semaphore_mem>>, %arg48: memref<!tpu.dma_semaphore, #tpu.memory_space<semaphore_mem>>, %arg49: memref<!tpu.dma_semaphore, #tpu.memory_space<semaphore_mem>>, %arg50: memref<!tpu.dma_semaphore, #tpu.memory_space<semaphore_mem>>, %arg51: memref<!tpu.dma_semaphore, #tpu.memory_space<semaphore_mem>>) attributes {dimension_semantics = [#tpu.dimension_semantics<core_parallel>, #tpu.dimension_semantics<subcore_parallel>], iteration_bounds = array<i64: 2, 16>, scalar_prefetch = 0 : i64, scratch_operands = 45 : i64, tpu.core_type = #tpu.core_type<sc_vector_subcore>, window_params = [{transform_indices = #map}, {transform_indices = #map1}, {transform_indices = #map1}, {transform_indices = #map}, {transform_indices = #map}]} {
    %mul3A = arith.constant 16 : i32
    %mul3A_0 = arith.muli %arg0, %mul3A : i32
    %add3A = arith.addi %mul3A_0, %arg1 : i32
    %mul3A_1 = arith.constant 10240 : i32
    %mul3A_2 = arith.muli %add3A, %mul3A_1 : i32
    %add3A_3 = arith.constant 0 : i32
    %add3A_4 = arith.addi %mul3A_2, %add3A_3 : i32
    %dma_start3A = tpu.memref_slice %arg3[%add3A_4] : memref<327680xi32, #tpu.memory_space<hbm>> -> memref<64xi32, #tpu.memory_space<hbm>>
    %dma_start3A_5 = tpu.memref_slice %arg3[%add3A_4] : memref<327680xi32, #tpu.memory_space<hbm>> -> memref<64xi32, #tpu.memory_space<hbm>>
    tpu.enqueue_dma source(%dma_start3A_5 : memref<64xi32, #tpu.memory_space<hbm>>) target(%arg7 : memref<64xi32, #tpu.memory_space<vmem>>) target_semaphore(%arg28 : memref<!tpu.dma_semaphore, #tpu.memory_space<semaphore_mem>>)
    %add3A_6 = arith.constant 0 : i32
    %add3A_7 = arith.addi %mul3A_2, %add3A_6 : i32
    %dma_start3A_8 = tpu.memref_slice %arg4[%add3A_7] : memref<327680xi32, #tpu.memory_space<hbm>> -> memref<64xi32, #tpu.memory_space<hbm>>
    %dma_start3A_9 = tpu.memref_slice %arg4[%add3A_7] : memref<327680xi32, #tpu.memory_space<hbm>> -> memref<64xi32, #tpu.memory_space<hbm>>
    tpu.enqueue_dma source(%dma_start3A_9 : memref<64xi32, #tpu.memory_space<hbm>>) target(%arg15 : memref<64xi32, #tpu.memory_space<vmem>>) target_semaphore(%arg36 : memref<!tpu.dma_semaphore, #tpu.memory_space<semaphore_mem>>)
    %add3A_10 = arith.constant 64 : i32
    %add3A_11 = arith.addi %mul3A_2, %add3A_10 : i32
    %dma_start3A_12 = tpu.memref_slice %arg3[%add3A_11] : memref<327680xi32, #tpu.memory_space<hbm>> -> memref<64xi32, #tpu.memory_space<hbm>>
    %dma_start3A_13 = tpu.memref_slice %arg3[%add3A_11] : memref<327680xi32, #tpu.memory_space<hbm>> -> memref<64xi32, #tpu.memory_space<hbm>>
    tpu.enqueue_dma source(%dma_start3A_13 : memref<64xi32, #tpu.memory_space<hbm>>) target(%arg8 : memref<64xi32, #tpu.memory_space<vmem>>) target_semaphore(%arg29 : memref<!tpu.dma_semaphore, #tpu.memory_space<semaphore_mem>>)
    %add3A_14 = arith.constant 64 : i32
    %add3A_15 = arith.addi %mul3A_2, %add3A_14 : i32
    %dma_start3A_16 = tpu.memref_slice %arg4[%add3A_15] : memref<327680xi32, #tpu.memory_space<hbm>> -> memref<64xi32, #tpu.memory_space<hbm>>
    %dma_start3A_17 = tpu.memref_slice %arg4[%add3A_15] : memref<327680xi32, #tpu.memory_space<hbm>> -> memref<64xi32, #tpu.memory_space<hbm>>
    tpu.enqueue_dma source(%dma_start3A_17 : memref<64xi32, #tpu.memory_space<hbm>>) target(%arg16 : memref<64xi32, #tpu.memory_space<vmem>>) target_semaphore(%arg37 : memref<!tpu.dma_semaphore, #tpu.memory_space<semaphore_mem>>)
    %add3A_18 = arith.constant 128 : i32
    %add3A_19 = arith.addi %mul3A_2, %add3A_18 : i32
    %dma_start3A_20 = tpu.memref_slice %arg3[%add3A_19] : memref<327680xi32, #tpu.memory_space<hbm>> -> memref<64xi32, #tpu.memory_space<hbm>>
    %dma_start3A_21 = tpu.memref_slice %arg3[%add3A_19] : memref<327680xi32, #tpu.memory_space<hbm>> -> memref<64xi32, #tpu.memory_space<hbm>>
    tpu.enqueue_dma source(%dma_start3A_21 : memref<64xi32, #tpu.memory_space<hbm>>) target(%arg9 : memref<64xi32, #tpu.memory_space<vmem>>) target_semaphore(%arg30 : memref<!tpu.dma_semaphore, #tpu.memory_space<semaphore_mem>>)
    %add3A_22 = arith.constant 128 : i32
    %add3A_23 = arith.addi %mul3A_2, %add3A_22 : i32
    %dma_start3A_24 = tpu.memref_slice %arg4[%add3A_23] : memref<327680xi32, #tpu.memory_space<hbm>> -> memref<64xi32, #tpu.memory_space<hbm>>
    %dma_start3A_25 = tpu.memref_slice %arg4[%add3A_23] : memref<327680xi32, #tpu.memory_space<hbm>> -> memref<64xi32, #tpu.memory_space<hbm>>
    tpu.enqueue_dma source(%dma_start3A_25 : memref<64xi32, #tpu.memory_space<hbm>>) target(%arg17 : memref<64xi32, #tpu.memory_space<vmem>>) target_semaphore(%arg38 : memref<!tpu.dma_semaphore, #tpu.memory_space<semaphore_mem>>)
    %add3A_26 = arith.constant 192 : i32
    %add3A_27 = arith.addi %mul3A_2, %add3A_26 : i32
    %dma_start3A_28 = tpu.memref_slice %arg3[%add3A_27] : memref<327680xi32, #tpu.memory_space<hbm>> -> memref<64xi32, #tpu.memory_space<hbm>>
    %dma_start3A_29 = tpu.memref_slice %arg3[%add3A_27] : memref<327680xi32, #tpu.memory_space<hbm>> -> memref<64xi32, #tpu.memory_space<hbm>>
    tpu.enqueue_dma source(%dma_start3A_29 : memref<64xi32, #tpu.memory_space<hbm>>) target(%arg10 : memref<64xi32, #tpu.memory_space<vmem>>) target_semaphore(%arg31 : memref<!tpu.dma_semaphore, #tpu.memory_space<semaphore_mem>>)
    %add3A_30 = arith.constant 192 : i32
    %add3A_31 = arith.addi %mul3A_2, %add3A_30 : i32
    %dma_start3A_32 = tpu.memref_slice %arg4[%add3A_31] : memref<327680xi32, #tpu.memory_space<hbm>> -> memref<64xi32, #tpu.memory_space<hbm>>
    %dma_start3A_33 = tpu.memref_slice %arg4[%add3A_31] : memref<327680xi32, #tpu.memory_space<hbm>> -> memref<64xi32, #tpu.memory_space<hbm>>
    tpu.enqueue_dma source(%dma_start3A_33 : memref<64xi32, #tpu.memory_space<hbm>>) target(%arg18 : memref<64xi32, #tpu.memory_space<vmem>>) target_semaphore(%arg39 : memref<!tpu.dma_semaphore, #tpu.memory_space<semaphore_mem>>)
    %add3A_34 = arith.constant 256 : i32
    %add3A_35 = arith.addi %mul3A_2, %add3A_34 : i32
    %dma_start3A_36 = tpu.memref_slice %arg3[%add3A_35] : memref<327680xi32, #tpu.memory_space<hbm>> -> memref<64xi32, #tpu.memory_space<hbm>>
    %dma_start3A_37 = tpu.memref_slice %arg3[%add3A_35] : memref<327680xi32, #tpu.memory_space<hbm>> -> memref<64xi32, #tpu.memory_space<hbm>>
    tpu.enqueue_dma source(%dma_start3A_37 : memref<64xi32, #tpu.memory_space<hbm>>) target(%arg11 : memref<64xi32, #tpu.memory_space<vmem>>) target_semaphore(%arg32 : memref<!tpu.dma_semaphore, #tpu.memory_space<semaphore_mem>>)
    %add3A_38 = arith.constant 256 : i32
    %add3A_39 = arith.addi %mul3A_2, %add3A_38 : i32
    %dma_start3A_40 = tpu.memref_slice %arg4[%add3A_39] : memref<327680xi32, #tpu.memory_space<hbm>> -> memref<64xi32, #tpu.memory_space<hbm>>
    %dma_start3A_41 = tpu.memref_slice %arg4[%add3A_39] : memref<327680xi32, #tpu.memory_space<hbm>> -> memref<64xi32, #tpu.memory_space<hbm>>
    tpu.enqueue_dma source(%dma_start3A_41 : memref<64xi32, #tpu.memory_space<hbm>>) target(%arg19 : memref<64xi32, #tpu.memory_space<vmem>>) target_semaphore(%arg40 : memref<!tpu.dma_semaphore, #tpu.memory_space<semaphore_mem>>)
    %add3A_42 = arith.constant 320 : i32
    %add3A_43 = arith.addi %mul3A_2, %add3A_42 : i32
    %dma_start3A_44 = tpu.memref_slice %arg3[%add3A_43] : memref<327680xi32, #tpu.memory_space<hbm>> -> memref<64xi32, #tpu.memory_space<hbm>>
    %dma_start3A_45 = tpu.memref_slice %arg3[%add3A_43] : memref<327680xi32, #tpu.memory_space<hbm>> -> memref<64xi32, #tpu.memory_space<hbm>>
    tpu.enqueue_dma source(%dma_start3A_45 : memref<64xi32, #tpu.memory_space<hbm>>) target(%arg12 : memref<64xi32, #tpu.memory_space<vmem>>) target_semaphore(%arg33 : memref<!tpu.dma_semaphore, #tpu.memory_space<semaphore_mem>>)
    %add3A_46 = arith.constant 320 : i32
    %add3A_47 = arith.addi %mul3A_2, %add3A_46 : i32
    %dma_start3A_48 = tpu.memref_slice %arg4[%add3A_47] : memref<327680xi32, #tpu.memory_space<hbm>> -> memref<64xi32, #tpu.memory_space<hbm>>
    %dma_start3A_49 = tpu.memref_slice %arg4[%add3A_47] : memref<327680xi32, #tpu.memory_space<hbm>> -> memref<64xi32, #tpu.memory_space<hbm>>
    tpu.enqueue_dma source(%dma_start3A_49 : memref<64xi32, #tpu.memory_space<hbm>>) target(%arg20 : memref<64xi32, #tpu.memory_space<vmem>>) target_semaphore(%arg41 : memref<!tpu.dma_semaphore, #tpu.memory_space<semaphore_mem>>)
    %add3A_50 = arith.constant 384 : i32
    %add3A_51 = arith.addi %mul3A_2, %add3A_50 : i32
    %dma_start3A_52 = tpu.memref_slice %arg3[%add3A_51] : memref<327680xi32, #tpu.memory_space<hbm>> -> memref<64xi32, #tpu.memory_space<hbm>>
    %dma_start3A_53 = tpu.memref_slice %arg3[%add3A_51] : memref<327680xi32, #tpu.memory_space<hbm>> -> memref<64xi32, #tpu.memory_space<hbm>>
    tpu.enqueue_dma source(%dma_start3A_53 : memref<64xi32, #tpu.memory_space<hbm>>) target(%arg13 : memref<64xi32, #tpu.memory_space<vmem>>) target_semaphore(%arg34 : memref<!tpu.dma_semaphore, #tpu.memory_space<semaphore_mem>>)
    %add3A_54 = arith.constant 384 : i32
    %add3A_55 = arith.addi %mul3A_2, %add3A_54 : i32
    %dma_start3A_56 = tpu.memref_slice %arg4[%add3A_55] : memref<327680xi32, #tpu.memory_space<hbm>> -> memref<64xi32, #tpu.memory_space<hbm>>
    %dma_start3A_57 = tpu.memref_slice %arg4[%add3A_55] : memref<327680xi32, #tpu.memory_space<hbm>> -> memref<64xi32, #tpu.memory_space<hbm>>
    tpu.enqueue_dma source(%dma_start3A_57 : memref<64xi32, #tpu.memory_space<hbm>>) target(%arg21 : memref<64xi32, #tpu.memory_space<vmem>>) target_semaphore(%arg42 : memref<!tpu.dma_semaphore, #tpu.memory_space<semaphore_mem>>)
    %add3A_58 = arith.constant 448 : i32
    %add3A_59 = arith.addi %mul3A_2, %add3A_58 : i32
    %dma_start3A_60 = tpu.memref_slice %arg3[%add3A_59] : memref<327680xi32, #tpu.memory_space<hbm>> -> memref<64xi32, #tpu.memory_space<hbm>>
    %dma_start3A_61 = tpu.memref_slice %arg3[%add3A_59] : memref<327680xi32, #tpu.memory_space<hbm>> -> memref<64xi32, #tpu.memory_space<hbm>>
    tpu.enqueue_dma source(%dma_start3A_61 : memref<64xi32, #tpu.memory_space<hbm>>) target(%arg14 : memref<64xi32, #tpu.memory_space<vmem>>) target_semaphore(%arg35 : memref<!tpu.dma_semaphore, #tpu.memory_space<semaphore_mem>>)
    %add3A_62 = arith.constant 448 : i32
    %add3A_63 = arith.addi %mul3A_2, %add3A_62 : i32
    %dma_start3A_64 = tpu.memref_slice %arg4[%add3A_63] : memref<327680xi32, #tpu.memory_space<hbm>> -> memref<64xi32, #tpu.memory_space<hbm>>
    %dma_start3A_65 = tpu.memref_slice %arg4[%add3A_63] : memref<327680xi32, #tpu.memory_space<hbm>> -> memref<64xi32, #tpu.memory_space<hbm>>
    tpu.enqueue_dma source(%dma_start3A_65 : memref<64xi32, #tpu.memory_space<hbm>>) target(%arg22 : memref<64xi32, #tpu.memory_space<vmem>>) target_semaphore(%arg43 : memref<!tpu.dma_semaphore, #tpu.memory_space<semaphore_mem>>)
    "tpu.region"() ({
      %run_scoped3A = tpu.sem_alloc : memref<!tpu.dma_semaphore, #tpu.memory_space<semaphore_mem>>
      tpu.enqueue_dma source(%arg5 : memref<64x128xf32, #tpu.memory_space<hbm>>) target(%arg23 : memref<64x128xf32, #tpu.memory_space<vmem>>) target_semaphore(%run_scoped3A : memref<!tpu.dma_semaphore, #tpu.memory_space<semaphore_mem>>)
      tpu.wait_dma2 semaphore(%run_scoped3A : memref<!tpu.dma_semaphore, #tpu.memory_space<semaphore_mem>>) src(%arg5 : memref<64x128xf32, #tpu.memory_space<hbm>>) dst(%arg23 : memref<64x128xf32, #tpu.memory_space<vmem>>)
      tpu.yield
    }) : () -> ()
    %mul3A_66 = arith.constant 640 : i32
    %mul3A_67 = arith.muli %arg1, %mul3A_66 : i32
    %add3A_68 = arith.constant 0 : i32
    %add3A_69 = arith.addi %mul3A_67, %add3A_68 : i32
    "tpu.region"() ({
      %run_scoped3A = tpu.sem_alloc : memref<!tpu.dma_semaphore, #tpu.memory_space<semaphore_mem>>
      %dma_start3A_484 = arith.constant 0 : i32
      %dma_start3A_485 = tpu.memref_slice %arg27[%add3A_69, %dma_start3A_484] : memref<10240x128xf32, #tpu.memory_space<vmem_shared>> -> memref<64x128xf32, #tpu.memory_space<vmem_shared>>
      %dma_start3A_486 = arith.constant 0 : i32
      %dma_start3A_487 = tpu.memref_slice %arg27[%add3A_69, %dma_start3A_486] : memref<10240x128xf32, #tpu.memory_space<vmem_shared>> -> memref<64x128xf32, #tpu.memory_space<vmem_shared>>
      tpu.enqueue_dma source(%arg23 : memref<64x128xf32, #tpu.memory_space<vmem>>) target(%dma_start3A_487 : memref<64x128xf32, #tpu.memory_space<vmem_shared>>) target_semaphore(%run_scoped3A : memref<!tpu.dma_semaphore, #tpu.memory_space<semaphore_mem>>)
      %dma_wait3A_488 = arith.constant 0 : i32
      %dma_wait3A_489 = tpu.memref_slice %arg27[%add3A_69, %dma_wait3A_488] : memref<10240x128xf32, #tpu.memory_space<vmem_shared>> -> memref<64x128xf32, #tpu.memory_space<vmem_shared>>
      %dma_wait3A_490 = arith.constant 0 : i32
      %dma_wait3A_491 = tpu.memref_slice %arg27[%add3A_69, %dma_wait3A_490] : memref<10240x128xf32, #tpu.memory_space<vmem_shared>> -> memref<64x128xf32, #tpu.memory_space<vmem_shared>>
      tpu.wait_dma2 semaphore(%run_scoped3A : memref<!tpu.dma_semaphore, #tpu.memory_space<semaphore_mem>>) src(%arg23 : memref<64x128xf32, #tpu.memory_space<vmem>>) dst(%dma_wait3A_491 : memref<64x128xf32, #tpu.memory_space<vmem_shared>>)
      tpu.yield
    }) : () -> ()
    %mul3A_70 = arith.constant 640 : i32
    %mul3A_71 = arith.muli %arg1, %mul3A_70 : i32
    %add3A_72 = arith.constant 64 : i32
    %add3A_73 = arith.addi %mul3A_71, %add3A_72 : i32
    "tpu.region"() ({
      %run_scoped3A = tpu.sem_alloc : memref<!tpu.dma_semaphore, #tpu.memory_space<semaphore_mem>>
      %dma_start3A_484 = arith.constant 0 : i32
      %dma_start3A_485 = tpu.memref_slice %arg27[%add3A_73, %dma_start3A_484] : memref<10240x128xf32, #tpu.memory_space<vmem_shared>> -> memref<64x128xf32, #tpu.memory_space<vmem_shared>>
      %dma_start3A_486 = arith.constant 0 : i32
      %dma_start3A_487 = tpu.memref_slice %arg27[%add3A_73, %dma_start3A_486] : memref<10240x128xf32, #tpu.memory_space<vmem_shared>> -> memref<64x128xf32, #tpu.memory_space<vmem_shared>>
      tpu.enqueue_dma source(%arg23 : memref<64x128xf32, #tpu.memory_space<vmem>>) target(%dma_start3A_487 : memref<64x128xf32, #tpu.memory_space<vmem_shared>>) target_semaphore(%run_scoped3A : memref<!tpu.dma_semaphore, #tpu.memory_space<semaphore_mem>>)
      %dma_wait3A_488 = arith.constant 0 : i32
      %dma_wait3A_489 = tpu.memref_slice %arg27[%add3A_73, %dma_wait3A_488] : memref<10240x128xf32, #tpu.memory_space<vmem_shared>> -> memref<64x128xf32, #tpu.memory_space<vmem_shared>>
      %dma_wait3A_490 = arith.constant 0 : i32
      %dma_wait3A_491 = tpu.memref_slice %arg27[%add3A_73, %dma_wait3A_490] : memref<10240x128xf32, #tpu.memory_space<vmem_shared>> -> memref<64x128xf32, #tpu.memory_space<vmem_shared>>
      tpu.wait_dma2 semaphore(%run_scoped3A : memref<!tpu.dma_semaphore, #tpu.memory_space<semaphore_mem>>) src(%arg23 : memref<64x128xf32, #tpu.memory_space<vmem>>) dst(%dma_wait3A_491 : memref<64x128xf32, #tpu.memory_space<vmem_shared>>)
      tpu.yield
    }) : () -> ()
    %mul3A_74 = arith.constant 640 : i32
    %mul3A_75 = arith.muli %arg1, %mul3A_74 : i32
    %add3A_76 = arith.constant 128 : i32
    %add3A_77 = arith.addi %mul3A_75, %add3A_76 : i32
    "tpu.region"() ({
      %run_scoped3A = tpu.sem_alloc : memref<!tpu.dma_semaphore, #tpu.memory_space<semaphore_mem>>
      %dma_start3A_484 = arith.constant 0 : i32
      %dma_start3A_485 = tpu.memref_slice %arg27[%add3A_77, %dma_start3A_484] : memref<10240x128xf32, #tpu.memory_space<vmem_shared>> -> memref<64x128xf32, #tpu.memory_space<vmem_shared>>
      %dma_start3A_486 = arith.constant 0 : i32
      %dma_start3A_487 = tpu.memref_slice %arg27[%add3A_77, %dma_start3A_486] : memref<10240x128xf32, #tpu.memory_space<vmem_shared>> -> memref<64x128xf32, #tpu.memory_space<vmem_shared>>
      tpu.enqueue_dma source(%arg23 : memref<64x128xf32, #tpu.memory_space<vmem>>) target(%dma_start3A_487 : memref<64x128xf32, #tpu.memory_space<vmem_shared>>) target_semaphore(%run_scoped3A : memref<!tpu.dma_semaphore, #tpu.memory_space<semaphore_mem>>)
      %dma_wait3A_488 = arith.constant 0 : i32
      %dma_wait3A_489 = tpu.memref_slice %arg27[%add3A_77, %dma_wait3A_488] : memref<10240x128xf32, #tpu.memory_space<vmem_shared>> -> memref<64x128xf32, #tpu.memory_space<vmem_shared>>
      %dma_wait3A_490 = arith.constant 0 : i32
      %dma_wait3A_491 = tpu.memref_slice %arg27[%add3A_77, %dma_wait3A_490] : memref<10240x128xf32, #tpu.memory_space<vmem_shared>> -> memref<64x128xf32, #tpu.memory_space<vmem_shared>>
      tpu.wait_dma2 semaphore(%run_scoped3A : memref<!tpu.dma_semaphore, #tpu.memory_space<semaphore_mem>>) src(%arg23 : memref<64x128xf32, #tpu.memory_space<vmem>>) dst(%dma_wait3A_491 : memref<64x128xf32, #tpu.memory_space<vmem_shared>>)
      tpu.yield
    }) : () -> ()
    %mul3A_78 = arith.constant 640 : i32
    %mul3A_79 = arith.muli %arg1, %mul3A_78 : i32
    %add3A_80 = arith.constant 192 : i32
    %add3A_81 = arith.addi %mul3A_79, %add3A_80 : i32
    "tpu.region"() ({
      %run_scoped3A = tpu.sem_alloc : memref<!tpu.dma_semaphore, #tpu.memory_space<semaphore_mem>>
      %dma_start3A_484 = arith.constant 0 : i32
      %dma_start3A_485 = tpu.memref_slice %arg27[%add3A_81, %dma_start3A_484] : memref<10240x128xf32, #tpu.memory_space<vmem_shared>> -> memref<64x128xf32, #tpu.memory_space<vmem_shared>>
      %dma_start3A_486 = arith.constant 0 : i32
      %dma_start3A_487 = tpu.memref_slice %arg27[%add3A_81, %dma_start3A_486] : memref<10240x128xf32, #tpu.memory_space<vmem_shared>> -> memref<64x128xf32, #tpu.memory_space<vmem_shared>>
      tpu.enqueue_dma source(%arg23 : memref<64x128xf32, #tpu.memory_space<vmem>>) target(%dma_start3A_487 : memref<64x128xf32, #tpu.memory_space<vmem_shared>>) target_semaphore(%run_scoped3A : memref<!tpu.dma_semaphore, #tpu.memory_space<semaphore_mem>>)
      %dma_wait3A_488 = arith.constant 0 : i32
      %dma_wait3A_489 = tpu.memref_slice %arg27[%add3A_81, %dma_wait3A_488] : memref<10240x128xf32, #tpu.memory_space<vmem_shared>> -> memref<64x128xf32, #tpu.memory_space<vmem_shared>>
      %dma_wait3A_490 = arith.constant 0 : i32
      %dma_wait3A_491 = tpu.memref_slice %arg27[%add3A_81, %dma_wait3A_490] : memref<10240x128xf32, #tpu.memory_space<vmem_shared>> -> memref<64x128xf32, #tpu.memory_space<vmem_shared>>
      tpu.wait_dma2 semaphore(%run_scoped3A : memref<!tpu.dma_semaphore, #tpu.memory_space<semaphore_mem>>) src(%arg23 : memref<64x128xf32, #tpu.memory_space<vmem>>) dst(%dma_wait3A_491 : memref<64x128xf32, #tpu.memory_space<vmem_shared>>)
      tpu.yield
    }) : () -> ()
    %mul3A_82 = arith.constant 640 : i32
    %mul3A_83 = arith.muli %arg1, %mul3A_82 : i32
    %add3A_84 = arith.constant 256 : i32
    %add3A_85 = arith.addi %mul3A_83, %add3A_84 : i32
    "tpu.region"() ({
      %run_scoped3A = tpu.sem_alloc : memref<!tpu.dma_semaphore, #tpu.memory_space<semaphore_mem>>
      %dma_start3A_484 = arith.constant 0 : i32
      %dma_start3A_485 = tpu.memref_slice %arg27[%add3A_85, %dma_start3A_484] : memref<10240x128xf32, #tpu.memory_space<vmem_shared>> -> memref<64x128xf32, #tpu.memory_space<vmem_shared>>
      %dma_start3A_486 = arith.constant 0 : i32
      %dma_start3A_487 = tpu.memref_slice %arg27[%add3A_85, %dma_start3A_486] : memref<10240x128xf32, #tpu.memory_space<vmem_shared>> -> memref<64x128xf32, #tpu.memory_space<vmem_shared>>
      tpu.enqueue_dma source(%arg23 : memref<64x128xf32, #tpu.memory_space<vmem>>) target(%dma_start3A_487 : memref<64x128xf32, #tpu.memory_space<vmem_shared>>) target_semaphore(%run_scoped3A : memref<!tpu.dma_semaphore, #tpu.memory_space<semaphore_mem>>)
      %dma_wait3A_488 = arith.constant 0 : i32
      %dma_wait3A_489 = tpu.memref_slice %arg27[%add3A_85, %dma_wait3A_488] : memref<10240x128xf32, #tpu.memory_space<vmem_shared>> -> memref<64x128xf32, #tpu.memory_space<vmem_shared>>
      %dma_wait3A_490 = arith.constant 0 : i32
      %dma_wait3A_491 = tpu.memref_slice %arg27[%add3A_85, %dma_wait3A_490] : memref<10240x128xf32, #tpu.memory_space<vmem_shared>> -> memref<64x128xf32, #tpu.memory_space<vmem_shared>>
      tpu.wait_dma2 semaphore(%run_scoped3A : memref<!tpu.dma_semaphore, #tpu.memory_space<semaphore_mem>>) src(%arg23 : memref<64x128xf32, #tpu.memory_space<vmem>>) dst(%dma_wait3A_491 : memref<64x128xf32, #tpu.memory_space<vmem_shared>>)
      tpu.yield
    }) : () -> ()
    %mul3A_86 = arith.constant 640 : i32
    %mul3A_87 = arith.muli %arg1, %mul3A_86 : i32
    %add3A_88 = arith.constant 320 : i32
    %add3A_89 = arith.addi %mul3A_87, %add3A_88 : i32
    "tpu.region"() ({
      %run_scoped3A = tpu.sem_alloc : memref<!tpu.dma_semaphore, #tpu.memory_space<semaphore_mem>>
      %dma_start3A_484 = arith.constant 0 : i32
      %dma_start3A_485 = tpu.memref_slice %arg27[%add3A_89, %dma_start3A_484] : memref<10240x128xf32, #tpu.memory_space<vmem_shared>> -> memref<64x128xf32, #tpu.memory_space<vmem_shared>>
      %dma_start3A_486 = arith.constant 0 : i32
      %dma_start3A_487 = tpu.memref_slice %arg27[%add3A_89, %dma_start3A_486] : memref<10240x128xf32, #tpu.memory_space<vmem_shared>> -> memref<64x128xf32, #tpu.memory_space<vmem_shared>>
      tpu.enqueue_dma source(%arg23 : memref<64x128xf32, #tpu.memory_space<vmem>>) target(%dma_start3A_487 : memref<64x128xf32, #tpu.memory_space<vmem_shared>>) target_semaphore(%run_scoped3A : memref<!tpu.dma_semaphore, #tpu.memory_space<semaphore_mem>>)
      %dma_wait3A_488 = arith.constant 0 : i32
      %dma_wait3A_489 = tpu.memref_slice %arg27[%add3A_89, %dma_wait3A_488] : memref<10240x128xf32, #tpu.memory_space<vmem_shared>> -> memref<64x128xf32, #tpu.memory_space<vmem_shared>>
      %dma_wait3A_490 = arith.constant 0 : i32
      %dma_wait3A_491 = tpu.memref_slice %arg27[%add3A_89, %dma_wait3A_490] : memref<10240x128xf32, #tpu.memory_space<vmem_shared>> -> memref<64x128xf32, #tpu.memory_space<vmem_shared>>
      tpu.wait_dma2 semaphore(%run_scoped3A : memref<!tpu.dma_semaphore, #tpu.memory_space<semaphore_mem>>) src(%arg23 : memref<64x128xf32, #tpu.memory_space<vmem>>) dst(%dma_wait3A_491 : memref<64x128xf32, #tpu.memory_space<vmem_shared>>)
      tpu.yield
    }) : () -> ()
    %mul3A_90 = arith.constant 640 : i32
    %mul3A_91 = arith.muli %arg1, %mul3A_90 : i32
    %add3A_92 = arith.constant 384 : i32
    %add3A_93 = arith.addi %mul3A_91, %add3A_92 : i32
    "tpu.region"() ({
      %run_scoped3A = tpu.sem_alloc : memref<!tpu.dma_semaphore, #tpu.memory_space<semaphore_mem>>
      %dma_start3A_484 = arith.constant 0 : i32
      %dma_start3A_485 = tpu.memref_slice %arg27[%add3A_93, %dma_start3A_484] : memref<10240x128xf32, #tpu.memory_space<vmem_shared>> -> memref<64x128xf32, #tpu.memory_space<vmem_shared>>
      %dma_start3A_486 = arith.constant 0 : i32
      %dma_start3A_487 = tpu.memref_slice %arg27[%add3A_93, %dma_start3A_486] : memref<10240x128xf32, #tpu.memory_space<vmem_shared>> -> memref<64x128xf32, #tpu.memory_space<vmem_shared>>
      tpu.enqueue_dma source(%arg23 : memref<64x128xf32, #tpu.memory_space<vmem>>) target(%dma_start3A_487 : memref<64x128xf32, #tpu.memory_space<vmem_shared>>) target_semaphore(%run_scoped3A : memref<!tpu.dma_semaphore, #tpu.memory_space<semaphore_mem>>)
      %dma_wait3A_488 = arith.constant 0 : i32
      %dma_wait3A_489 = tpu.memref_slice %arg27[%add3A_93, %dma_wait3A_488] : memref<10240x128xf32, #tpu.memory_space<vmem_shared>> -> memref<64x128xf32, #tpu.memory_space<vmem_shared>>
      %dma_wait3A_490 = arith.constant 0 : i32
      %dma_wait3A_491 = tpu.memref_slice %arg27[%add3A_93, %dma_wait3A_490] : memref<10240x128xf32, #tpu.memory_space<vmem_shared>> -> memref<64x128xf32, #tpu.memory_space<vmem_shared>>
      tpu.wait_dma2 semaphore(%run_scoped3A : memref<!tpu.dma_semaphore, #tpu.memory_space<semaphore_mem>>) src(%arg23 : memref<64x128xf32, #tpu.memory_space<vmem>>) dst(%dma_wait3A_491 : memref<64x128xf32, #tpu.memory_space<vmem_shared>>)
      tpu.yield
    }) : () -> ()
    %mul3A_94 = arith.constant 640 : i32
    %mul3A_95 = arith.muli %arg1, %mul3A_94 : i32
    %add3A_96 = arith.constant 448 : i32
    %add3A_97 = arith.addi %mul3A_95, %add3A_96 : i32
    "tpu.region"() ({
      %run_scoped3A = tpu.sem_alloc : memref<!tpu.dma_semaphore, #tpu.memory_space<semaphore_mem>>
      %dma_start3A_484 = arith.constant 0 : i32
      %dma_start3A_485 = tpu.memref_slice %arg27[%add3A_97, %dma_start3A_484] : memref<10240x128xf32, #tpu.memory_space<vmem_shared>> -> memref<64x128xf32, #tpu.memory_space<vmem_shared>>
      %dma_start3A_486 = arith.constant 0 : i32
      %dma_start3A_487 = tpu.memref_slice %arg27[%add3A_97, %dma_start3A_486] : memref<10240x128xf32, #tpu.memory_space<vmem_shared>> -> memref<64x128xf32, #tpu.memory_space<vmem_shared>>
      tpu.enqueue_dma source(%arg23 : memref<64x128xf32, #tpu.memory_space<vmem>>) target(%dma_start3A_487 : memref<64x128xf32, #tpu.memory_space<vmem_shared>>) target_semaphore(%run_scoped3A : memref<!tpu.dma_semaphore, #tpu.memory_space<semaphore_mem>>)
      %dma_wait3A_488 = arith.constant 0 : i32
      %dma_wait3A_489 = tpu.memref_slice %arg27[%add3A_97, %dma_wait3A_488] : memref<10240x128xf32, #tpu.memory_space<vmem_shared>> -> memref<64x128xf32, #tpu.memory_space<vmem_shared>>
      %dma_wait3A_490 = arith.constant 0 : i32
      %dma_wait3A_491 = tpu.memref_slice %arg27[%add3A_97, %dma_wait3A_490] : memref<10240x128xf32, #tpu.memory_space<vmem_shared>> -> memref<64x128xf32, #tpu.memory_space<vmem_shared>>
      tpu.wait_dma2 semaphore(%run_scoped3A : memref<!tpu.dma_semaphore, #tpu.memory_space<semaphore_mem>>) src(%arg23 : memref<64x128xf32, #tpu.memory_space<vmem>>) dst(%dma_wait3A_491 : memref<64x128xf32, #tpu.memory_space<vmem_shared>>)
      tpu.yield
    }) : () -> ()
    %mul3A_98 = arith.constant 640 : i32
    %mul3A_99 = arith.muli %arg1, %mul3A_98 : i32
    %add3A_100 = arith.constant 512 : i32
    %add3A_101 = arith.addi %mul3A_99, %add3A_100 : i32
    "tpu.region"() ({
      %run_scoped3A = tpu.sem_alloc : memref<!tpu.dma_semaphore, #tpu.memory_space<semaphore_mem>>
      %dma_start3A_484 = arith.constant 0 : i32
      %dma_start3A_485 = tpu.memref_slice %arg27[%add3A_101, %dma_start3A_484] : memref<10240x128xf32, #tpu.memory_space<vmem_shared>> -> memref<64x128xf32, #tpu.memory_space<vmem_shared>>
      %dma_start3A_486 = arith.constant 0 : i32
      %dma_start3A_487 = tpu.memref_slice %arg27[%add3A_101, %dma_start3A_486] : memref<10240x128xf32, #tpu.memory_space<vmem_shared>> -> memref<64x128xf32, #tpu.memory_space<vmem_shared>>
      tpu.enqueue_dma source(%arg23 : memref<64x128xf32, #tpu.memory_space<vmem>>) target(%dma_start3A_487 : memref<64x128xf32, #tpu.memory_space<vmem_shared>>) target_semaphore(%run_scoped3A : memref<!tpu.dma_semaphore, #tpu.memory_space<semaphore_mem>>)
      %dma_wait3A_488 = arith.constant 0 : i32
      %dma_wait3A_489 = tpu.memref_slice %arg27[%add3A_101, %dma_wait3A_488] : memref<10240x128xf32, #tpu.memory_space<vmem_shared>> -> memref<64x128xf32, #tpu.memory_space<vmem_shared>>
      %dma_wait3A_490 = arith.constant 0 : i32
      %dma_wait3A_491 = tpu.memref_slice %arg27[%add3A_101, %dma_wait3A_490] : memref<10240x128xf32, #tpu.memory_space<vmem_shared>> -> memref<64x128xf32, #tpu.memory_space<vmem_shared>>
      tpu.wait_dma2 semaphore(%run_scoped3A : memref<!tpu.dma_semaphore, #tpu.memory_space<semaphore_mem>>) src(%arg23 : memref<64x128xf32, #tpu.memory_space<vmem>>) dst(%dma_wait3A_491 : memref<64x128xf32, #tpu.memory_space<vmem_shared>>)
      tpu.yield
    }) : () -> ()
    %mul3A_102 = arith.constant 640 : i32
    %mul3A_103 = arith.muli %arg1, %mul3A_102 : i32
    %add3A_104 = arith.constant 576 : i32
    %add3A_105 = arith.addi %mul3A_103, %add3A_104 : i32
    "tpu.region"() ({
      %run_scoped3A = tpu.sem_alloc : memref<!tpu.dma_semaphore, #tpu.memory_space<semaphore_mem>>
      %dma_start3A_484 = arith.constant 0 : i32
      %dma_start3A_485 = tpu.memref_slice %arg27[%add3A_105, %dma_start3A_484] : memref<10240x128xf32, #tpu.memory_space<vmem_shared>> -> memref<64x128xf32, #tpu.memory_space<vmem_shared>>
      %dma_start3A_486 = arith.constant 0 : i32
      %dma_start3A_487 = tpu.memref_slice %arg27[%add3A_105, %dma_start3A_486] : memref<10240x128xf32, #tpu.memory_space<vmem_shared>> -> memref<64x128xf32, #tpu.memory_space<vmem_shared>>
      tpu.enqueue_dma source(%arg23 : memref<64x128xf32, #tpu.memory_space<vmem>>) target(%dma_start3A_487 : memref<64x128xf32, #tpu.memory_space<vmem_shared>>) target_semaphore(%run_scoped3A : memref<!tpu.dma_semaphore, #tpu.memory_space<semaphore_mem>>)
      %dma_wait3A_488 = arith.constant 0 : i32
      %dma_wait3A_489 = tpu.memref_slice %arg27[%add3A_105, %dma_wait3A_488] : memref<10240x128xf32, #tpu.memory_space<vmem_shared>> -> memref<64x128xf32, #tpu.memory_space<vmem_shared>>
      %dma_wait3A_490 = arith.constant 0 : i32
      %dma_wait3A_491 = tpu.memref_slice %arg27[%add3A_105, %dma_wait3A_490] : memref<10240x128xf32, #tpu.memory_space<vmem_shared>> -> memref<64x128xf32, #tpu.memory_space<vmem_shared>>
      tpu.wait_dma2 semaphore(%run_scoped3A : memref<!tpu.dma_semaphore, #tpu.memory_space<semaphore_mem>>) src(%arg23 : memref<64x128xf32, #tpu.memory_space<vmem>>) dst(%dma_wait3A_491 : memref<64x128xf32, #tpu.memory_space<vmem_shared>>)
      tpu.yield
    }) : () -> ()
    %add3A_106 = arith.constant 0 : i32
    %add3A_107 = arith.addi %mul3A_2, %add3A_106 : i32
    %dma_wait3A = tpu.memref_slice %arg3[%add3A_107] : memref<327680xi32, #tpu.memory_space<hbm>> -> memref<64xi32, #tpu.memory_space<hbm>>
    %dma_wait3A_108 = tpu.memref_slice %arg3[%add3A_107] : memref<327680xi32, #tpu.memory_space<hbm>> -> memref<64xi32, #tpu.memory_space<hbm>>
    tpu.wait_dma2 semaphore(%arg28 : memref<!tpu.dma_semaphore, #tpu.memory_space<semaphore_mem>>) src(%dma_wait3A_108 : memref<64xi32, #tpu.memory_space<hbm>>) dst(%arg7 : memref<64xi32, #tpu.memory_space<vmem>>)
    %add3A_109 = arith.constant 0 : i32
    %add3A_110 = arith.addi %mul3A_2, %add3A_109 : i32
    %dma_wait3A_111 = tpu.memref_slice %arg4[%add3A_110] : memref<327680xi32, #tpu.memory_space<hbm>> -> memref<64xi32, #tpu.memory_space<hbm>>
    %dma_wait3A_112 = tpu.memref_slice %arg4[%add3A_110] : memref<327680xi32, #tpu.memory_space<hbm>> -> memref<64xi32, #tpu.memory_space<hbm>>
    tpu.wait_dma2 semaphore(%arg36 : memref<!tpu.dma_semaphore, #tpu.memory_space<semaphore_mem>>) src(%dma_wait3A_112 : memref<64xi32, #tpu.memory_space<hbm>>) dst(%arg15 : memref<64xi32, #tpu.memory_space<vmem>>)
    %dma_start3A_113 = arith.constant 0 : i32
    %dma_start3A_114 = arith.constant 0 : i32
    %dma_start3A_115 = tpu.memref_slice %arg2[%dma_start3A_113, %dma_start3A_114] : memref<10240x128xf32, #tpu.memory_space<hbm>> -> memref<10240x128xf32, #tpu.memory_space<hbm>>
    tpu.enqueue_indirect_dma source(%dma_start3A_115 : memref<10240x128xf32, #tpu.memory_space<hbm>>) target(%arg23 : memref<64x128xf32, #tpu.memory_space<vmem>>) offsets(%arg7 : memref<64xi32, #tpu.memory_space<vmem>>) semaphore(%arg44 : memref<!tpu.dma_semaphore, #tpu.memory_space<semaphore_mem>>)
    %add3A_116 = arith.constant 64 : i32
    %add3A_117 = arith.addi %mul3A_2, %add3A_116 : i32
    %dma_wait3A_118 = tpu.memref_slice %arg3[%add3A_117] : memref<327680xi32, #tpu.memory_space<hbm>> -> memref<64xi32, #tpu.memory_space<hbm>>
    %dma_wait3A_119 = tpu.memref_slice %arg3[%add3A_117] : memref<327680xi32, #tpu.memory_space<hbm>> -> memref<64xi32, #tpu.memory_space<hbm>>
    tpu.wait_dma2 semaphore(%arg29 : memref<!tpu.dma_semaphore, #tpu.memory_space<semaphore_mem>>) src(%dma_wait3A_119 : memref<64xi32, #tpu.memory_space<hbm>>) dst(%arg8 : memref<64xi32, #tpu.memory_space<vmem>>)
    %add3A_120 = arith.constant 64 : i32
    %add3A_121 = arith.addi %mul3A_2, %add3A_120 : i32
    %dma_wait3A_122 = tpu.memref_slice %arg4[%add3A_121] : memref<327680xi32, #tpu.memory_space<hbm>> -> memref<64xi32, #tpu.memory_space<hbm>>
    %dma_wait3A_123 = tpu.memref_slice %arg4[%add3A_121] : memref<327680xi32, #tpu.memory_space<hbm>> -> memref<64xi32, #tpu.memory_space<hbm>>
    tpu.wait_dma2 semaphore(%arg37 : memref<!tpu.dma_semaphore, #tpu.memory_space<semaphore_mem>>) src(%dma_wait3A_123 : memref<64xi32, #tpu.memory_space<hbm>>) dst(%arg16 : memref<64xi32, #tpu.memory_space<vmem>>)
    %dma_start3A_124 = arith.constant 0 : i32
    %dma_start3A_125 = arith.constant 0 : i32
    %dma_start3A_126 = tpu.memref_slice %arg2[%dma_start3A_124, %dma_start3A_125] : memref<10240x128xf32, #tpu.memory_space<hbm>> -> memref<10240x128xf32, #tpu.memory_space<hbm>>
    tpu.enqueue_indirect_dma source(%dma_start3A_126 : memref<10240x128xf32, #tpu.memory_space<hbm>>) target(%arg24 : memref<64x128xf32, #tpu.memory_space<vmem>>) offsets(%arg8 : memref<64xi32, #tpu.memory_space<vmem>>) semaphore(%arg45 : memref<!tpu.dma_semaphore, #tpu.memory_space<semaphore_mem>>)
    %add3A_127 = arith.constant 128 : i32
    %add3A_128 = arith.addi %mul3A_2, %add3A_127 : i32
    %dma_wait3A_129 = tpu.memref_slice %arg3[%add3A_128] : memref<327680xi32, #tpu.memory_space<hbm>> -> memref<64xi32, #tpu.memory_space<hbm>>
    %dma_wait3A_130 = tpu.memref_slice %arg3[%add3A_128] : memref<327680xi32, #tpu.memory_space<hbm>> -> memref<64xi32, #tpu.memory_space<hbm>>
    tpu.wait_dma2 semaphore(%arg30 : memref<!tpu.dma_semaphore, #tpu.memory_space<semaphore_mem>>) src(%dma_wait3A_130 : memref<64xi32, #tpu.memory_space<hbm>>) dst(%arg9 : memref<64xi32, #tpu.memory_space<vmem>>)
    %add3A_131 = arith.constant 128 : i32
    %add3A_132 = arith.addi %mul3A_2, %add3A_131 : i32
    %dma_wait3A_133 = tpu.memref_slice %arg4[%add3A_132] : memref<327680xi32, #tpu.memory_space<hbm>> -> memref<64xi32, #tpu.memory_space<hbm>>
    %dma_wait3A_134 = tpu.memref_slice %arg4[%add3A_132] : memref<327680xi32, #tpu.memory_space<hbm>> -> memref<64xi32, #tpu.memory_space<hbm>>
    tpu.wait_dma2 semaphore(%arg38 : memref<!tpu.dma_semaphore, #tpu.memory_space<semaphore_mem>>) src(%dma_wait3A_134 : memref<64xi32, #tpu.memory_space<hbm>>) dst(%arg17 : memref<64xi32, #tpu.memory_space<vmem>>)
    %dma_start3A_135 = arith.constant 0 : i32
    %dma_start3A_136 = arith.constant 0 : i32
    %dma_start3A_137 = tpu.memref_slice %arg2[%dma_start3A_135, %dma_start3A_136] : memref<10240x128xf32, #tpu.memory_space<hbm>> -> memref<10240x128xf32, #tpu.memory_space<hbm>>
    tpu.enqueue_indirect_dma source(%dma_start3A_137 : memref<10240x128xf32, #tpu.memory_space<hbm>>) target(%arg25 : memref<64x128xf32, #tpu.memory_space<vmem>>) offsets(%arg9 : memref<64xi32, #tpu.memory_space<vmem>>) semaphore(%arg46 : memref<!tpu.dma_semaphore, #tpu.memory_space<semaphore_mem>>)
    %add3A_138 = arith.constant 192 : i32
    %add3A_139 = arith.addi %mul3A_2, %add3A_138 : i32
    %dma_wait3A_140 = tpu.memref_slice %arg3[%add3A_139] : memref<327680xi32, #tpu.memory_space<hbm>> -> memref<64xi32, #tpu.memory_space<hbm>>
    %dma_wait3A_141 = tpu.memref_slice %arg3[%add3A_139] : memref<327680xi32, #tpu.memory_space<hbm>> -> memref<64xi32, #tpu.memory_space<hbm>>
    tpu.wait_dma2 semaphore(%arg31 : memref<!tpu.dma_semaphore, #tpu.memory_space<semaphore_mem>>) src(%dma_wait3A_141 : memref<64xi32, #tpu.memory_space<hbm>>) dst(%arg10 : memref<64xi32, #tpu.memory_space<vmem>>)
    %add3A_142 = arith.constant 192 : i32
    %add3A_143 = arith.addi %mul3A_2, %add3A_142 : i32
    %dma_wait3A_144 = tpu.memref_slice %arg4[%add3A_143] : memref<327680xi32, #tpu.memory_space<hbm>> -> memref<64xi32, #tpu.memory_space<hbm>>
    %dma_wait3A_145 = tpu.memref_slice %arg4[%add3A_143] : memref<327680xi32, #tpu.memory_space<hbm>> -> memref<64xi32, #tpu.memory_space<hbm>>
    tpu.wait_dma2 semaphore(%arg39 : memref<!tpu.dma_semaphore, #tpu.memory_space<semaphore_mem>>) src(%dma_wait3A_145 : memref<64xi32, #tpu.memory_space<hbm>>) dst(%arg18 : memref<64xi32, #tpu.memory_space<vmem>>)
    %dma_start3A_146 = arith.constant 0 : i32
    %dma_start3A_147 = arith.constant 0 : i32
    %dma_start3A_148 = tpu.memref_slice %arg2[%dma_start3A_146, %dma_start3A_147] : memref<10240x128xf32, #tpu.memory_space<hbm>> -> memref<10240x128xf32, #tpu.memory_space<hbm>>
    tpu.enqueue_indirect_dma source(%dma_start3A_148 : memref<10240x128xf32, #tpu.memory_space<hbm>>) target(%arg26 : memref<64x128xf32, #tpu.memory_space<vmem>>) offsets(%arg10 : memref<64xi32, #tpu.memory_space<vmem>>) semaphore(%arg47 : memref<!tpu.dma_semaphore, #tpu.memory_space<semaphore_mem>>)
    %barrier3A = arith.constant 0 : index
    tpu.barrier barrier_id(%barrier3A)
    %scan3A = arith.constant 0 : i32
    %scan3A_149 = arith.constant 0 : i32
    %scan3A_150 = arith.constant 19 : i32
    %scan3A_151 = arith.addi %scan3A_149, %scan3A_150 : i32
    %scan3A_152 = arith.constant 1 : i32
    %scan3A_153 = scf.for %scan3A_484 = %scan3A_149 to %scan3A_151 step %scan3A_152 iter_args(%scan3A_485 = %scan3A) -> (i32)  : i32 {
      %mul3A_486 = arith.constant 8 : i32
      %mul3A_487 = arith.muli %mul3A_486, %scan3A_484 : i32
      %dma_wait3A_488 = arith.constant 0 : i32
      %dma_wait3A_489 = arith.constant 0 : i32
      %dma_wait3A_490 = tpu.memref_slice %arg2[%dma_wait3A_488, %dma_wait3A_489] : memref<10240x128xf32, #tpu.memory_space<hbm>> -> memref<10240x128xf32, #tpu.memory_space<hbm>>
      tpu.wait_indirect_dma semaphore(%arg44 : memref<!tpu.dma_semaphore, #tpu.memory_space<semaphore_mem>>) src(%dma_wait3A_490 : memref<10240x128xf32, #tpu.memory_space<hbm>>) dst(%arg23 : memref<64x128xf32, #tpu.memory_space<vmem>>)
      %dma_start3A_491 = arith.constant 0 : i32
      %dma_start3A_492 = arith.constant 0 : i32
      %dma_start3A_493 = tpu.memref_slice %arg27[%dma_start3A_491, %dma_start3A_492] : memref<10240x128xf32, #tpu.memory_space<vmem_shared>> -> memref<10240x128xf32, #tpu.memory_space<vmem_shared>>
      tpu.enqueue_indirect_dma source(%arg23 : memref<64x128xf32, #tpu.memory_space<vmem>>) target(%dma_start3A_493 : memref<10240x128xf32, #tpu.memory_space<vmem_shared>>) offsets(%arg15 : memref<64xi32, #tpu.memory_space<vmem>>) semaphore(%arg48 : memref<!tpu.dma_semaphore, #tpu.memory_space<semaphore_mem>>) {add = true}
      %dma_wait3A_494 = arith.constant 0 : i32
      %dma_wait3A_495 = arith.constant 0 : i32
      %dma_wait3A_496 = tpu.memref_slice %arg2[%dma_wait3A_494, %dma_wait3A_495] : memref<10240x128xf32, #tpu.memory_space<hbm>> -> memref<10240x128xf32, #tpu.memory_space<hbm>>
      tpu.wait_indirect_dma semaphore(%arg45 : memref<!tpu.dma_semaphore, #tpu.memory_space<semaphore_mem>>) src(%dma_wait3A_496 : memref<10240x128xf32, #tpu.memory_space<hbm>>) dst(%arg24 : memref<64x128xf32, #tpu.memory_space<vmem>>)
      %dma_start3A_497 = arith.constant 0 : i32
      %dma_start3A_498 = arith.constant 0 : i32
      %dma_start3A_499 = tpu.memref_slice %arg27[%dma_start3A_497, %dma_start3A_498] : memref<10240x128xf32, #tpu.memory_space<vmem_shared>> -> memref<10240x128xf32, #tpu.memory_space<vmem_shared>>
      tpu.enqueue_indirect_dma source(%arg24 : memref<64x128xf32, #tpu.memory_space<vmem>>) target(%dma_start3A_499 : memref<10240x128xf32, #tpu.memory_space<vmem_shared>>) offsets(%arg16 : memref<64xi32, #tpu.memory_space<vmem>>) semaphore(%arg49 : memref<!tpu.dma_semaphore, #tpu.memory_space<semaphore_mem>>) {add = true}
      %dma_wait3A_500 = arith.constant 0 : i32
      %dma_wait3A_501 = arith.constant 0 : i32
      %dma_wait3A_502 = tpu.memref_slice %arg2[%dma_wait3A_500, %dma_wait3A_501] : memref<10240x128xf32, #tpu.memory_space<hbm>> -> memref<10240x128xf32, #tpu.memory_space<hbm>>
      tpu.wait_indirect_dma semaphore(%arg46 : memref<!tpu.dma_semaphore, #tpu.memory_space<semaphore_mem>>) src(%dma_wait3A_502 : memref<10240x128xf32, #tpu.memory_space<hbm>>) dst(%arg25 : memref<64x128xf32, #tpu.memory_space<vmem>>)
      %dma_start3A_503 = arith.constant 0 : i32
      %dma_start3A_504 = arith.constant 0 : i32
      %dma_start3A_505 = tpu.memref_slice %arg27[%dma_start3A_503, %dma_start3A_504] : memref<10240x128xf32, #tpu.memory_space<vmem_shared>> -> memref<10240x128xf32, #tpu.memory_space<vmem_shared>>
      tpu.enqueue_indirect_dma source(%arg25 : memref<64x128xf32, #tpu.memory_space<vmem>>) target(%dma_start3A_505 : memref<10240x128xf32, #tpu.memory_space<vmem_shared>>) offsets(%arg17 : memref<64xi32, #tpu.memory_space<vmem>>) semaphore(%arg50 : memref<!tpu.dma_semaphore, #tpu.memory_space<semaphore_mem>>) {add = true}
      %dma_wait3A_506 = arith.constant 0 : i32
      %dma_wait3A_507 = arith.constant 0 : i32
      %dma_wait3A_508 = tpu.memref_slice %arg2[%dma_wait3A_506, %dma_wait3A_507] : memref<10240x128xf32, #tpu.memory_space<hbm>> -> memref<10240x128xf32, #tpu.memory_space<hbm>>
      tpu.wait_indirect_dma semaphore(%arg47 : memref<!tpu.dma_semaphore, #tpu.memory_space<semaphore_mem>>) src(%dma_wait3A_508 : memref<10240x128xf32, #tpu.memory_space<hbm>>) dst(%arg26 : memref<64x128xf32, #tpu.memory_space<vmem>>)
      %dma_start3A_509 = arith.constant 0 : i32
      %dma_start3A_510 = arith.constant 0 : i32
      %dma_start3A_511 = tpu.memref_slice %arg27[%dma_start3A_509, %dma_start3A_510] : memref<10240x128xf32, #tpu.memory_space<vmem_shared>> -> memref<10240x128xf32, #tpu.memory_space<vmem_shared>>
      tpu.enqueue_indirect_dma source(%arg26 : memref<64x128xf32, #tpu.memory_space<vmem>>) target(%dma_start3A_511 : memref<10240x128xf32, #tpu.memory_space<vmem_shared>>) offsets(%arg18 : memref<64xi32, #tpu.memory_space<vmem>>) semaphore(%arg51 : memref<!tpu.dma_semaphore, #tpu.memory_space<semaphore_mem>>) {add = true}
      %add3A_512 = arith.constant 0 : i32
      %add3A_513 = arith.addi %mul3A_487, %add3A_512 : i32
      %add3A_514 = arith.constant 0 : i32
      %add3A_515 = arith.addi %add3A_513, %add3A_514 : i32
      %add3A_516 = arith.constant 4 : i32
      %add3A_517 = arith.addi %add3A_515, %add3A_516 : i32
      %mul3A_518 = arith.constant 64 : i32
      %mul3A_519 = arith.muli %add3A_517, %mul3A_518 : i32
      %add3A_520 = arith.addi %mul3A_2, %mul3A_519 : i32
      %add3A_521 = arith.constant 0 : i32
      %add3A_522 = arith.addi %mul3A_487, %add3A_521 : i32
      %add3A_523 = arith.constant 0 : i32
      %add3A_524 = arith.addi %add3A_522, %add3A_523 : i32
      %add3A_525 = arith.constant 8 : i32
      %add3A_526 = arith.addi %add3A_524, %add3A_525 : i32
      %mul3A_527 = arith.constant 64 : i32
      %mul3A_528 = arith.muli %add3A_526, %mul3A_527 : i32
      %add3A_529 = arith.addi %mul3A_2, %mul3A_528 : i32
      %dma_wait3A_530 = arith.constant 0 : i32
      %dma_wait3A_531 = arith.constant 0 : i32
      %dma_wait3A_532 = tpu.memref_slice %arg27[%dma_wait3A_530, %dma_wait3A_531] : memref<10240x128xf32, #tpu.memory_space<vmem_shared>> -> memref<10240x128xf32, #tpu.memory_space<vmem_shared>>
      tpu.wait_indirect_dma semaphore(%arg48 : memref<!tpu.dma_semaphore, #tpu.memory_space<semaphore_mem>>) src(%arg23 : memref<64x128xf32, #tpu.memory_space<vmem>>) dst(%dma_wait3A_532 : memref<10240x128xf32, #tpu.memory_space<vmem_shared>>)
      %dma_wait3A_533 = tpu.memref_slice %arg3[%add3A_520] : memref<327680xi32, #tpu.memory_space<hbm>> -> memref<64xi32, #tpu.memory_space<hbm>>
      %dma_wait3A_534 = tpu.memref_slice %arg3[%add3A_520] : memref<327680xi32, #tpu.memory_space<hbm>> -> memref<64xi32, #tpu.memory_space<hbm>>
      tpu.wait_dma2 semaphore(%arg32 : memref<!tpu.dma_semaphore, #tpu.memory_space<semaphore_mem>>) src(%dma_wait3A_534 : memref<64xi32, #tpu.memory_space<hbm>>) dst(%arg11 : memref<64xi32, #tpu.memory_space<vmem>>)
      %dma_wait3A_535 = tpu.memref_slice %arg4[%add3A_520] : memref<327680xi32, #tpu.memory_space<hbm>> -> memref<64xi32, #tpu.memory_space<hbm>>
      %dma_wait3A_536 = tpu.memref_slice %arg4[%add3A_520] : memref<327680xi32, #tpu.memory_space<hbm>> -> memref<64xi32, #tpu.memory_space<hbm>>
      tpu.wait_dma2 semaphore(%arg40 : memref<!tpu.dma_semaphore, #tpu.memory_space<semaphore_mem>>) src(%dma_wait3A_536 : memref<64xi32, #tpu.memory_space<hbm>>) dst(%arg19 : memref<64xi32, #tpu.memory_space<vmem>>)
      %dma_start3A_537 = arith.constant 0 : i32
      %dma_start3A_538 = arith.constant 0 : i32
      %dma_start3A_539 = tpu.memref_slice %arg2[%dma_start3A_537, %dma_start3A_538] : memref<10240x128xf32, #tpu.memory_space<hbm>> -> memref<10240x128xf32, #tpu.memory_space<hbm>>
      tpu.enqueue_indirect_dma source(%dma_start3A_539 : memref<10240x128xf32, #tpu.memory_space<hbm>>) target(%arg23 : memref<64x128xf32, #tpu.memory_space<vmem>>) offsets(%arg11 : memref<64xi32, #tpu.memory_space<vmem>>) semaphore(%arg44 : memref<!tpu.dma_semaphore, #tpu.memory_space<semaphore_mem>>)
      %dma_start3A_540 = tpu.memref_slice %arg3[%add3A_529] : memref<327680xi32, #tpu.memory_space<hbm>> -> memref<64xi32, #tpu.memory_space<hbm>>
      %dma_start3A_541 = tpu.memref_slice %arg3[%add3A_529] : memref<327680xi32, #tpu.memory_space<hbm>> -> memref<64xi32, #tpu.memory_space<hbm>>
      tpu.enqueue_dma source(%dma_start3A_541 : memref<64xi32, #tpu.memory_space<hbm>>) target(%arg7 : memref<64xi32, #tpu.memory_space<vmem>>) target_semaphore(%arg28 : memref<!tpu.dma_semaphore, #tpu.memory_space<semaphore_mem>>)
      %dma_start3A_542 = tpu.memref_slice %arg4[%add3A_529] : memref<327680xi32, #tpu.memory_space<hbm>> -> memref<64xi32, #tpu.memory_space<hbm>>
      %dma_start3A_543 = tpu.memref_slice %arg4[%add3A_529] : memref<327680xi32, #tpu.memory_space<hbm>> -> memref<64xi32, #tpu.memory_space<hbm>>
      tpu.enqueue_dma source(%dma_start3A_543 : memref<64xi32, #tpu.memory_space<hbm>>) target(%arg15 : memref<64xi32, #tpu.memory_space<vmem>>) target_semaphore(%arg36 : memref<!tpu.dma_semaphore, #tpu.memory_space<semaphore_mem>>)
      %add3A_544 = arith.constant 0 : i32
      %add3A_545 = arith.addi %mul3A_487, %add3A_544 : i32
      %add3A_546 = arith.constant 1 : i32
      %add3A_547 = arith.addi %add3A_545, %add3A_546 : i32
      %add3A_548 = arith.constant 4 : i32
      %add3A_549 = arith.addi %add3A_547, %add3A_548 : i32
      %mul3A_550 = arith.constant 64 : i32
      %mul3A_551 = arith.muli %add3A_549, %mul3A_550 : i32
      %add3A_552 = arith.addi %mul3A_2, %mul3A_551 : i32
      %add3A_553 = arith.constant 0 : i32
      %add3A_554 = arith.addi %mul3A_487, %add3A_553 : i32
      %add3A_555 = arith.constant 1 : i32
      %add3A_556 = arith.addi %add3A_554, %add3A_555 : i32
      %add3A_557 = arith.constant 8 : i32
      %add3A_558 = arith.addi %add3A_556, %add3A_557 : i32
      %mul3A_559 = arith.constant 64 : i32
      %mul3A_560 = arith.muli %add3A_558, %mul3A_559 : i32
      %add3A_561 = arith.addi %mul3A_2, %mul3A_560 : i32
      %dma_wait3A_562 = arith.constant 0 : i32
      %dma_wait3A_563 = arith.constant 0 : i32
      %dma_wait3A_564 = tpu.memref_slice %arg27[%dma_wait3A_562, %dma_wait3A_563] : memref<10240x128xf32, #tpu.memory_space<vmem_shared>> -> memref<10240x128xf32, #tpu.memory_space<vmem_shared>>
      tpu.wait_indirect_dma semaphore(%arg49 : memref<!tpu.dma_semaphore, #tpu.memory_space<semaphore_mem>>) src(%arg24 : memref<64x128xf32, #tpu.memory_space<vmem>>) dst(%dma_wait3A_564 : memref<10240x128xf32, #tpu.memory_space<vmem_shared>>)
      %dma_wait3A_565 = tpu.memref_slice %arg3[%add3A_552] : memref<327680xi32, #tpu.memory_space<hbm>> -> memref<64xi32, #tpu.memory_space<hbm>>
      %dma_wait3A_566 = tpu.memref_slice %arg3[%add3A_552] : memref<327680xi32, #tpu.memory_space<hbm>> -> memref<64xi32, #tpu.memory_space<hbm>>
      tpu.wait_dma2 semaphore(%arg33 : memref<!tpu.dma_semaphore, #tpu.memory_space<semaphore_mem>>) src(%dma_wait3A_566 : memref<64xi32, #tpu.memory_space<hbm>>) dst(%arg12 : memref<64xi32, #tpu.memory_space<vmem>>)
      %dma_wait3A_567 = tpu.memref_slice %arg4[%add3A_552] : memref<327680xi32, #tpu.memory_space<hbm>> -> memref<64xi32, #tpu.memory_space<hbm>>
      %dma_wait3A_568 = tpu.memref_slice %arg4[%add3A_552] : memref<327680xi32, #tpu.memory_space<hbm>> -> memref<64xi32, #tpu.memory_space<hbm>>
      tpu.wait_dma2 semaphore(%arg41 : memref<!tpu.dma_semaphore, #tpu.memory_space<semaphore_mem>>) src(%dma_wait3A_568 : memref<64xi32, #tpu.memory_space<hbm>>) dst(%arg20 : memref<64xi32, #tpu.memory_space<vmem>>)
      %dma_start3A_569 = arith.constant 0 : i32
      %dma_start3A_570 = arith.constant 0 : i32
      %dma_start3A_571 = tpu.memref_slice %arg2[%dma_start3A_569, %dma_start3A_570] : memref<10240x128xf32, #tpu.memory_space<hbm>> -> memref<10240x128xf32, #tpu.memory_space<hbm>>
      tpu.enqueue_indirect_dma source(%dma_start3A_571 : memref<10240x128xf32, #tpu.memory_space<hbm>>) target(%arg24 : memref<64x128xf32, #tpu.memory_space<vmem>>) offsets(%arg12 : memref<64xi32, #tpu.memory_space<vmem>>) semaphore(%arg45 : memref<!tpu.dma_semaphore, #tpu.memory_space<semaphore_mem>>)
      %dma_start3A_572 = tpu.memref_slice %arg3[%add3A_561] : memref<327680xi32, #tpu.memory_space<hbm>> -> memref<64xi32, #tpu.memory_space<hbm>>
      %dma_start3A_573 = tpu.memref_slice %arg3[%add3A_561] : memref<327680xi32, #tpu.memory_space<hbm>> -> memref<64xi32, #tpu.memory_space<hbm>>
      tpu.enqueue_dma source(%dma_start3A_573 : memref<64xi32, #tpu.memory_space<hbm>>) target(%arg8 : memref<64xi32, #tpu.memory_space<vmem>>) target_semaphore(%arg29 : memref<!tpu.dma_semaphore, #tpu.memory_space<semaphore_mem>>)
      %dma_start3A_574 = tpu.memref_slice %arg4[%add3A_561] : memref<327680xi32, #tpu.memory_space<hbm>> -> memref<64xi32, #tpu.memory_space<hbm>>
      %dma_start3A_575 = tpu.memref_slice %arg4[%add3A_561] : memref<327680xi32, #tpu.memory_space<hbm>> -> memref<64xi32, #tpu.memory_space<hbm>>
      tpu.enqueue_dma source(%dma_start3A_575 : memref<64xi32, #tpu.memory_space<hbm>>) target(%arg16 : memref<64xi32, #tpu.memory_space<vmem>>) target_semaphore(%arg37 : memref<!tpu.dma_semaphore, #tpu.memory_space<semaphore_mem>>)
      %add3A_576 = arith.constant 0 : i32
      %add3A_577 = arith.addi %mul3A_487, %add3A_576 : i32
      %add3A_578 = arith.constant 2 : i32
      %add3A_579 = arith.addi %add3A_577, %add3A_578 : i32
      %add3A_580 = arith.constant 4 : i32
      %add3A_581 = arith.addi %add3A_579, %add3A_580 : i32
      %mul3A_582 = arith.constant 64 : i32
      %mul3A_583 = arith.muli %add3A_581, %mul3A_582 : i32
      %add3A_584 = arith.addi %mul3A_2, %mul3A_583 : i32
      %add3A_585 = arith.constant 0 : i32
      %add3A_586 = arith.addi %mul3A_487, %add3A_585 : i32
      %add3A_587 = arith.constant 2 : i32
      %add3A_588 = arith.addi %add3A_586, %add3A_587 : i32
      %add3A_589 = arith.constant 8 : i32
      %add3A_590 = arith.addi %add3A_588, %add3A_589 : i32
      %mul3A_591 = arith.constant 64 : i32
      %mul3A_592 = arith.muli %add3A_590, %mul3A_591 : i32
      %add3A_593 = arith.addi %mul3A_2, %mul3A_592 : i32
      %dma_wait3A_594 = arith.constant 0 : i32
      %dma_wait3A_595 = arith.constant 0 : i32
      %dma_wait3A_596 = tpu.memref_slice %arg27[%dma_wait3A_594, %dma_wait3A_595] : memref<10240x128xf32, #tpu.memory_space<vmem_shared>> -> memref<10240x128xf32, #tpu.memory_space<vmem_shared>>
      tpu.wait_indirect_dma semaphore(%arg50 : memref<!tpu.dma_semaphore, #tpu.memory_space<semaphore_mem>>) src(%arg25 : memref<64x128xf32, #tpu.memory_space<vmem>>) dst(%dma_wait3A_596 : memref<10240x128xf32, #tpu.memory_space<vmem_shared>>)
      %dma_wait3A_597 = tpu.memref_slice %arg3[%add3A_584] : memref<327680xi32, #tpu.memory_space<hbm>> -> memref<64xi32, #tpu.memory_space<hbm>>
      %dma_wait3A_598 = tpu.memref_slice %arg3[%add3A_584] : memref<327680xi32, #tpu.memory_space<hbm>> -> memref<64xi32, #tpu.memory_space<hbm>>
      tpu.wait_dma2 semaphore(%arg34 : memref<!tpu.dma_semaphore, #tpu.memory_space<semaphore_mem>>) src(%dma_wait3A_598 : memref<64xi32, #tpu.memory_space<hbm>>) dst(%arg13 : memref<64xi32, #tpu.memory_space<vmem>>)
      %dma_wait3A_599 = tpu.memref_slice %arg4[%add3A_584] : memref<327680xi32, #tpu.memory_space<hbm>> -> memref<64xi32, #tpu.memory_space<hbm>>
      %dma_wait3A_600 = tpu.memref_slice %arg4[%add3A_584] : memref<327680xi32, #tpu.memory_space<hbm>> -> memref<64xi32, #tpu.memory_space<hbm>>
      tpu.wait_dma2 semaphore(%arg42 : memref<!tpu.dma_semaphore, #tpu.memory_space<semaphore_mem>>) src(%dma_wait3A_600 : memref<64xi32, #tpu.memory_space<hbm>>) dst(%arg21 : memref<64xi32, #tpu.memory_space<vmem>>)
      %dma_start3A_601 = arith.constant 0 : i32
      %dma_start3A_602 = arith.constant 0 : i32
      %dma_start3A_603 = tpu.memref_slice %arg2[%dma_start3A_601, %dma_start3A_602] : memref<10240x128xf32, #tpu.memory_space<hbm>> -> memref<10240x128xf32, #tpu.memory_space<hbm>>
      tpu.enqueue_indirect_dma source(%dma_start3A_603 : memref<10240x128xf32, #tpu.memory_space<hbm>>) target(%arg25 : memref<64x128xf32, #tpu.memory_space<vmem>>) offsets(%arg13 : memref<64xi32, #tpu.memory_space<vmem>>) semaphore(%arg46 : memref<!tpu.dma_semaphore, #tpu.memory_space<semaphore_mem>>)
      %dma_start3A_604 = tpu.memref_slice %arg3[%add3A_593] : memref<327680xi32, #tpu.memory_space<hbm>> -> memref<64xi32, #tpu.memory_space<hbm>>
      %dma_start3A_605 = tpu.memref_slice %arg3[%add3A_593] : memref<327680xi32, #tpu.memory_space<hbm>> -> memref<64xi32, #tpu.memory_space<hbm>>
      tpu.enqueue_dma source(%dma_start3A_605 : memref<64xi32, #tpu.memory_space<hbm>>) target(%arg9 : memref<64xi32, #tpu.memory_space<vmem>>) target_semaphore(%arg30 : memref<!tpu.dma_semaphore, #tpu.memory_space<semaphore_mem>>)
      %dma_start3A_606 = tpu.memref_slice %arg4[%add3A_593] : memref<327680xi32, #tpu.memory_space<hbm>> -> memref<64xi32, #tpu.memory_space<hbm>>
      %dma_start3A_607 = tpu.memref_slice %arg4[%add3A_593] : memref<327680xi32, #tpu.memory_space<hbm>> -> memref<64xi32, #tpu.memory_space<hbm>>
      tpu.enqueue_dma source(%dma_start3A_607 : memref<64xi32, #tpu.memory_space<hbm>>) target(%arg17 : memref<64xi32, #tpu.memory_space<vmem>>) target_semaphore(%arg38 : memref<!tpu.dma_semaphore, #tpu.memory_space<semaphore_mem>>)
      %add3A_608 = arith.constant 0 : i32
      %add3A_609 = arith.addi %mul3A_487, %add3A_608 : i32
      %add3A_610 = arith.constant 3 : i32
      %add3A_611 = arith.addi %add3A_609, %add3A_610 : i32
      %add3A_612 = arith.constant 4 : i32
      %add3A_613 = arith.addi %add3A_611, %add3A_612 : i32
      %mul3A_614 = arith.constant 64 : i32
      %mul3A_615 = arith.muli %add3A_613, %mul3A_614 : i32
      %add3A_616 = arith.addi %mul3A_2, %mul3A_615 : i32
      %add3A_617 = arith.constant 0 : i32
      %add3A_618 = arith.addi %mul3A_487, %add3A_617 : i32
      %add3A_619 = arith.constant 3 : i32
      %add3A_620 = arith.addi %add3A_618, %add3A_619 : i32
      %add3A_621 = arith.constant 8 : i32
      %add3A_622 = arith.addi %add3A_620, %add3A_621 : i32
      %mul3A_623 = arith.constant 64 : i32
      %mul3A_624 = arith.muli %add3A_622, %mul3A_623 : i32
      %add3A_625 = arith.addi %mul3A_2, %mul3A_624 : i32
      %dma_wait3A_626 = arith.constant 0 : i32
      %dma_wait3A_627 = arith.constant 0 : i32
      %dma_wait3A_628 = tpu.memref_slice %arg27[%dma_wait3A_626, %dma_wait3A_627] : memref<10240x128xf32, #tpu.memory_space<vmem_shared>> -> memref<10240x128xf32, #tpu.memory_space<vmem_shared>>
      tpu.wait_indirect_dma semaphore(%arg51 : memref<!tpu.dma_semaphore, #tpu.memory_space<semaphore_mem>>) src(%arg26 : memref<64x128xf32, #tpu.memory_space<vmem>>) dst(%dma_wait3A_628 : memref<10240x128xf32, #tpu.memory_space<vmem_shared>>)
      %dma_wait3A_629 = tpu.memref_slice %arg3[%add3A_616] : memref<327680xi32, #tpu.memory_space<hbm>> -> memref<64xi32, #tpu.memory_space<hbm>>
      %dma_wait3A_630 = tpu.memref_slice %arg3[%add3A_616] : memref<327680xi32, #tpu.memory_space<hbm>> -> memref<64xi32, #tpu.memory_space<hbm>>
      tpu.wait_dma2 semaphore(%arg35 : memref<!tpu.dma_semaphore, #tpu.memory_space<semaphore_mem>>) src(%dma_wait3A_630 : memref<64xi32, #tpu.memory_space<hbm>>) dst(%arg14 : memref<64xi32, #tpu.memory_space<vmem>>)
      %dma_wait3A_631 = tpu.memref_slice %arg4[%add3A_616] : memref<327680xi32, #tpu.memory_space<hbm>> -> memref<64xi32, #tpu.memory_space<hbm>>
      %dma_wait3A_632 = tpu.memref_slice %arg4[%add3A_616] : memref<327680xi32, #tpu.memory_space<hbm>> -> memref<64xi32, #tpu.memory_space<hbm>>
      tpu.wait_dma2 semaphore(%arg43 : memref<!tpu.dma_semaphore, #tpu.memory_space<semaphore_mem>>) src(%dma_wait3A_632 : memref<64xi32, #tpu.memory_space<hbm>>) dst(%arg22 : memref<64xi32, #tpu.memory_space<vmem>>)
      %dma_start3A_633 = arith.constant 0 : i32
      %dma_start3A_634 = arith.constant 0 : i32
      %dma_start3A_635 = tpu.memref_slice %arg2[%dma_start3A_633, %dma_start3A_634] : memref<10240x128xf32, #tpu.memory_space<hbm>> -> memref<10240x128xf32, #tpu.memory_space<hbm>>
      tpu.enqueue_indirect_dma source(%dma_start3A_635 : memref<10240x128xf32, #tpu.memory_space<hbm>>) target(%arg26 : memref<64x128xf32, #tpu.memory_space<vmem>>) offsets(%arg14 : memref<64xi32, #tpu.memory_space<vmem>>) semaphore(%arg47 : memref<!tpu.dma_semaphore, #tpu.memory_space<semaphore_mem>>)
      %dma_start3A_636 = tpu.memref_slice %arg3[%add3A_625] : memref<327680xi32, #tpu.memory_space<hbm>> -> memref<64xi32, #tpu.memory_space<hbm>>
      %dma_start3A_637 = tpu.memref_slice %arg3[%add3A_625] : memref<327680xi32, #tpu.memory_space<hbm>> -> memref<64xi32, #tpu.memory_space<hbm>>
      tpu.enqueue_dma source(%dma_start3A_637 : memref<64xi32, #tpu.memory_space<hbm>>) target(%arg10 : memref<64xi32, #tpu.memory_space<vmem>>) target_semaphore(%arg31 : memref<!tpu.dma_semaphore, #tpu.memory_space<semaphore_mem>>)
      %dma_start3A_638 = tpu.memref_slice %arg4[%add3A_625] : memref<327680xi32, #tpu.memory_space<hbm>> -> memref<64xi32, #tpu.memory_space<hbm>>
      %dma_start3A_639 = tpu.memref_slice %arg4[%add3A_625] : memref<327680xi32, #tpu.memory_space<hbm>> -> memref<64xi32, #tpu.memory_space<hbm>>
      tpu.enqueue_dma source(%dma_start3A_639 : memref<64xi32, #tpu.memory_space<hbm>>) target(%arg18 : memref<64xi32, #tpu.memory_space<vmem>>) target_semaphore(%arg39 : memref<!tpu.dma_semaphore, #tpu.memory_space<semaphore_mem>>)
      %dma_wait3A_640 = arith.constant 0 : i32
      %dma_wait3A_641 = arith.constant 0 : i32
      %dma_wait3A_642 = tpu.memref_slice %arg2[%dma_wait3A_640, %dma_wait3A_641] : memref<10240x128xf32, #tpu.memory_space<hbm>> -> memref<10240x128xf32, #tpu.memory_space<hbm>>
      tpu.wait_indirect_dma semaphore(%arg44 : memref<!tpu.dma_semaphore, #tpu.memory_space<semaphore_mem>>) src(%dma_wait3A_642 : memref<10240x128xf32, #tpu.memory_space<hbm>>) dst(%arg23 : memref<64x128xf32, #tpu.memory_space<vmem>>)
      %dma_start3A_643 = arith.constant 0 : i32
      %dma_start3A_644 = arith.constant 0 : i32
      %dma_start3A_645 = tpu.memref_slice %arg27[%dma_start3A_643, %dma_start3A_644] : memref<10240x128xf32, #tpu.memory_space<vmem_shared>> -> memref<10240x128xf32, #tpu.memory_space<vmem_shared>>
      tpu.enqueue_indirect_dma source(%arg23 : memref<64x128xf32, #tpu.memory_space<vmem>>) target(%dma_start3A_645 : memref<10240x128xf32, #tpu.memory_space<vmem_shared>>) offsets(%arg19 : memref<64xi32, #tpu.memory_space<vmem>>) semaphore(%arg48 : memref<!tpu.dma_semaphore, #tpu.memory_space<semaphore_mem>>) {add = true}
      %dma_wait3A_646 = arith.constant 0 : i32
      %dma_wait3A_647 = arith.constant 0 : i32
      %dma_wait3A_648 = tpu.memref_slice %arg2[%dma_wait3A_646, %dma_wait3A_647] : memref<10240x128xf32, #tpu.memory_space<hbm>> -> memref<10240x128xf32, #tpu.memory_space<hbm>>
      tpu.wait_indirect_dma semaphore(%arg45 : memref<!tpu.dma_semaphore, #tpu.memory_space<semaphore_mem>>) src(%dma_wait3A_648 : memref<10240x128xf32, #tpu.memory_space<hbm>>) dst(%arg24 : memref<64x128xf32, #tpu.memory_space<vmem>>)
      %dma_start3A_649 = arith.constant 0 : i32
      %dma_start3A_650 = arith.constant 0 : i32
      %dma_start3A_651 = tpu.memref_slice %arg27[%dma_start3A_649, %dma_start3A_650] : memref<10240x128xf32, #tpu.memory_space<vmem_shared>> -> memref<10240x128xf32, #tpu.memory_space<vmem_shared>>
      tpu.enqueue_indirect_dma source(%arg24 : memref<64x128xf32, #tpu.memory_space<vmem>>) target(%dma_start3A_651 : memref<10240x128xf32, #tpu.memory_space<vmem_shared>>) offsets(%arg20 : memref<64xi32, #tpu.memory_space<vmem>>) semaphore(%arg49 : memref<!tpu.dma_semaphore, #tpu.memory_space<semaphore_mem>>) {add = true}
      %dma_wait3A_652 = arith.constant 0 : i32
      %dma_wait3A_653 = arith.constant 0 : i32
      %dma_wait3A_654 = tpu.memref_slice %arg2[%dma_wait3A_652, %dma_wait3A_653] : memref<10240x128xf32, #tpu.memory_space<hbm>> -> memref<10240x128xf32, #tpu.memory_space<hbm>>
      tpu.wait_indirect_dma semaphore(%arg46 : memref<!tpu.dma_semaphore, #tpu.memory_space<semaphore_mem>>) src(%dma_wait3A_654 : memref<10240x128xf32, #tpu.memory_space<hbm>>) dst(%arg25 : memref<64x128xf32, #tpu.memory_space<vmem>>)
      %dma_start3A_655 = arith.constant 0 : i32
      %dma_start3A_656 = arith.constant 0 : i32
      %dma_start3A_657 = tpu.memref_slice %arg27[%dma_start3A_655, %dma_start3A_656] : memref<10240x128xf32, #tpu.memory_space<vmem_shared>> -> memref<10240x128xf32, #tpu.memory_space<vmem_shared>>
      tpu.enqueue_indirect_dma source(%arg25 : memref<64x128xf32, #tpu.memory_space<vmem>>) target(%dma_start3A_657 : memref<10240x128xf32, #tpu.memory_space<vmem_shared>>) offsets(%arg21 : memref<64xi32, #tpu.memory_space<vmem>>) semaphore(%arg50 : memref<!tpu.dma_semaphore, #tpu.memory_space<semaphore_mem>>) {add = true}
      %dma_wait3A_658 = arith.constant 0 : i32
      %dma_wait3A_659 = arith.constant 0 : i32
      %dma_wait3A_660 = tpu.memref_slice %arg2[%dma_wait3A_658, %dma_wait3A_659] : memref<10240x128xf32, #tpu.memory_space<hbm>> -> memref<10240x128xf32, #tpu.memory_space<hbm>>
      tpu.wait_indirect_dma semaphore(%arg47 : memref<!tpu.dma_semaphore, #tpu.memory_space<semaphore_mem>>) src(%dma_wait3A_660 : memref<10240x128xf32, #tpu.memory_space<hbm>>) dst(%arg26 : memref<64x128xf32, #tpu.memory_space<vmem>>)
      %dma_start3A_661 = arith.constant 0 : i32
      %dma_start3A_662 = arith.constant 0 : i32
      %dma_start3A_663 = tpu.memref_slice %arg27[%dma_start3A_661, %dma_start3A_662] : memref<10240x128xf32, #tpu.memory_space<vmem_shared>> -> memref<10240x128xf32, #tpu.memory_space<vmem_shared>>
      tpu.enqueue_indirect_dma source(%arg26 : memref<64x128xf32, #tpu.memory_space<vmem>>) target(%dma_start3A_663 : memref<10240x128xf32, #tpu.memory_space<vmem_shared>>) offsets(%arg22 : memref<64xi32, #tpu.memory_space<vmem>>) semaphore(%arg51 : memref<!tpu.dma_semaphore, #tpu.memory_space<semaphore_mem>>) {add = true}
      %add3A_664 = arith.constant 4 : i32
      %add3A_665 = arith.addi %mul3A_487, %add3A_664 : i32
      %add3A_666 = arith.constant 0 : i32
      %add3A_667 = arith.addi %add3A_665, %add3A_666 : i32
      %add3A_668 = arith.constant 4 : i32
      %add3A_669 = arith.addi %add3A_667, %add3A_668 : i32
      %mul3A_670 = arith.constant 64 : i32
      %mul3A_671 = arith.muli %add3A_669, %mul3A_670 : i32
      %add3A_672 = arith.addi %mul3A_2, %mul3A_671 : i32
      %add3A_673 = arith.constant 4 : i32
      %add3A_674 = arith.addi %mul3A_487, %add3A_673 : i32
      %add3A_675 = arith.constant 0 : i32
      %add3A_676 = arith.addi %add3A_674, %add3A_675 : i32
      %add3A_677 = arith.constant 8 : i32
      %add3A_678 = arith.addi %add3A_676, %add3A_677 : i32
      %mul3A_679 = arith.constant 64 : i32
      %mul3A_680 = arith.muli %add3A_678, %mul3A_679 : i32
      %add3A_681 = arith.addi %mul3A_2, %mul3A_680 : i32
      %dma_wait3A_682 = arith.constant 0 : i32
      %dma_wait3A_683 = arith.constant 0 : i32
      %dma_wait3A_684 = tpu.memref_slice %arg27[%dma_wait3A_682, %dma_wait3A_683] : memref<10240x128xf32, #tpu.memory_space<vmem_shared>> -> memref<10240x128xf32, #tpu.memory_space<vmem_shared>>
      tpu.wait_indirect_dma semaphore(%arg48 : memref<!tpu.dma_semaphore, #tpu.memory_space<semaphore_mem>>) src(%arg23 : memref<64x128xf32, #tpu.memory_space<vmem>>) dst(%dma_wait3A_684 : memref<10240x128xf32, #tpu.memory_space<vmem_shared>>)
      %dma_wait3A_685 = tpu.memref_slice %arg3[%add3A_672] : memref<327680xi32, #tpu.memory_space<hbm>> -> memref<64xi32, #tpu.memory_space<hbm>>
      %dma_wait3A_686 = tpu.memref_slice %arg3[%add3A_672] : memref<327680xi32, #tpu.memory_space<hbm>> -> memref<64xi32, #tpu.memory_space<hbm>>
      tpu.wait_dma2 semaphore(%arg28 : memref<!tpu.dma_semaphore, #tpu.memory_space<semaphore_mem>>) src(%dma_wait3A_686 : memref<64xi32, #tpu.memory_space<hbm>>) dst(%arg7 : memref<64xi32, #tpu.memory_space<vmem>>)
      %dma_wait3A_687 = tpu.memref_slice %arg4[%add3A_672] : memref<327680xi32, #tpu.memory_space<hbm>> -> memref<64xi32, #tpu.memory_space<hbm>>
      %dma_wait3A_688 = tpu.memref_slice %arg4[%add3A_672] : memref<327680xi32, #tpu.memory_space<hbm>> -> memref<64xi32, #tpu.memory_space<hbm>>
      tpu.wait_dma2 semaphore(%arg36 : memref<!tpu.dma_semaphore, #tpu.memory_space<semaphore_mem>>) src(%dma_wait3A_688 : memref<64xi32, #tpu.memory_space<hbm>>) dst(%arg15 : memref<64xi32, #tpu.memory_space<vmem>>)
      %dma_start3A_689 = arith.constant 0 : i32
      %dma_start3A_690 = arith.constant 0 : i32
      %dma_start3A_691 = tpu.memref_slice %arg2[%dma_start3A_689, %dma_start3A_690] : memref<10240x128xf32, #tpu.memory_space<hbm>> -> memref<10240x128xf32, #tpu.memory_space<hbm>>
      tpu.enqueue_indirect_dma source(%dma_start3A_691 : memref<10240x128xf32, #tpu.memory_space<hbm>>) target(%arg23 : memref<64x128xf32, #tpu.memory_space<vmem>>) offsets(%arg7 : memref<64xi32, #tpu.memory_space<vmem>>) semaphore(%arg44 : memref<!tpu.dma_semaphore, #tpu.memory_space<semaphore_mem>>)
      %dma_start3A_692 = tpu.memref_slice %arg3[%add3A_681] : memref<327680xi32, #tpu.memory_space<hbm>> -> memref<64xi32, #tpu.memory_space<hbm>>
      %dma_start3A_693 = tpu.memref_slice %arg3[%add3A_681] : memref<327680xi32, #tpu.memory_space<hbm>> -> memref<64xi32, #tpu.memory_space<hbm>>
      tpu.enqueue_dma source(%dma_start3A_693 : memref<64xi32, #tpu.memory_space<hbm>>) target(%arg11 : memref<64xi32, #tpu.memory_space<vmem>>) target_semaphore(%arg32 : memref<!tpu.dma_semaphore, #tpu.memory_space<semaphore_mem>>)
      %dma_start3A_694 = tpu.memref_slice %arg4[%add3A_681] : memref<327680xi32, #tpu.memory_space<hbm>> -> memref<64xi32, #tpu.memory_space<hbm>>
      %dma_start3A_695 = tpu.memref_slice %arg4[%add3A_681] : memref<327680xi32, #tpu.memory_space<hbm>> -> memref<64xi32, #tpu.memory_space<hbm>>
      tpu.enqueue_dma source(%dma_start3A_695 : memref<64xi32, #tpu.memory_space<hbm>>) target(%arg19 : memref<64xi32, #tpu.memory_space<vmem>>) target_semaphore(%arg40 : memref<!tpu.dma_semaphore, #tpu.memory_space<semaphore_mem>>)
      %add3A_696 = arith.constant 4 : i32
      %add3A_697 = arith.addi %mul3A_487, %add3A_696 : i32
      %add3A_698 = arith.constant 1 : i32
      %add3A_699 = arith.addi %add3A_697, %add3A_698 : i32
      %add3A_700 = arith.constant 4 : i32
      %add3A_701 = arith.addi %add3A_699, %add3A_700 : i32
      %mul3A_702 = arith.constant 64 : i32
      %mul3A_703 = arith.muli %add3A_701, %mul3A_702 : i32
      %add3A_704 = arith.addi %mul3A_2, %mul3A_703 : i32
      %add3A_705 = arith.constant 4 : i32
      %add3A_706 = arith.addi %mul3A_487, %add3A_705 : i32
      %add3A_707 = arith.constant 1 : i32
      %add3A_708 = arith.addi %add3A_706, %add3A_707 : i32
      %add3A_709 = arith.constant 8 : i32
      %add3A_710 = arith.addi %add3A_708, %add3A_709 : i32
      %mul3A_711 = arith.constant 64 : i32
      %mul3A_712 = arith.muli %add3A_710, %mul3A_711 : i32
      %add3A_713 = arith.addi %mul3A_2, %mul3A_712 : i32
      %dma_wait3A_714 = arith.constant 0 : i32
      %dma_wait3A_715 = arith.constant 0 : i32
      %dma_wait3A_716 = tpu.memref_slice %arg27[%dma_wait3A_714, %dma_wait3A_715] : memref<10240x128xf32, #tpu.memory_space<vmem_shared>> -> memref<10240x128xf32, #tpu.memory_space<vmem_shared>>
      tpu.wait_indirect_dma semaphore(%arg49 : memref<!tpu.dma_semaphore, #tpu.memory_space<semaphore_mem>>) src(%arg24 : memref<64x128xf32, #tpu.memory_space<vmem>>) dst(%dma_wait3A_716 : memref<10240x128xf32, #tpu.memory_space<vmem_shared>>)
      %dma_wait3A_717 = tpu.memref_slice %arg3[%add3A_704] : memref<327680xi32, #tpu.memory_space<hbm>> -> memref<64xi32, #tpu.memory_space<hbm>>
      %dma_wait3A_718 = tpu.memref_slice %arg3[%add3A_704] : memref<327680xi32, #tpu.memory_space<hbm>> -> memref<64xi32, #tpu.memory_space<hbm>>
      tpu.wait_dma2 semaphore(%arg29 : memref<!tpu.dma_semaphore, #tpu.memory_space<semaphore_mem>>) src(%dma_wait3A_718 : memref<64xi32, #tpu.memory_space<hbm>>) dst(%arg8 : memref<64xi32, #tpu.memory_space<vmem>>)
      %dma_wait3A_719 = tpu.memref_slice %arg4[%add3A_704] : memref<327680xi32, #tpu.memory_space<hbm>> -> memref<64xi32, #tpu.memory_space<hbm>>
      %dma_wait3A_720 = tpu.memref_slice %arg4[%add3A_704] : memref<327680xi32, #tpu.memory_space<hbm>> -> memref<64xi32, #tpu.memory_space<hbm>>
      tpu.wait_dma2 semaphore(%arg37 : memref<!tpu.dma_semaphore, #tpu.memory_space<semaphore_mem>>) src(%dma_wait3A_720 : memref<64xi32, #tpu.memory_space<hbm>>) dst(%arg16 : memref<64xi32, #tpu.memory_space<vmem>>)
      %dma_start3A_721 = arith.constant 0 : i32
      %dma_start3A_722 = arith.constant 0 : i32
      %dma_start3A_723 = tpu.memref_slice %arg2[%dma_start3A_721, %dma_start3A_722] : memref<10240x128xf32, #tpu.memory_space<hbm>> -> memref<10240x128xf32, #tpu.memory_space<hbm>>
      tpu.enqueue_indirect_dma source(%dma_start3A_723 : memref<10240x128xf32, #tpu.memory_space<hbm>>) target(%arg24 : memref<64x128xf32, #tpu.memory_space<vmem>>) offsets(%arg8 : memref<64xi32, #tpu.memory_space<vmem>>) semaphore(%arg45 : memref<!tpu.dma_semaphore, #tpu.memory_space<semaphore_mem>>)
      %dma_start3A_724 = tpu.memref_slice %arg3[%add3A_713] : memref<327680xi32, #tpu.memory_space<hbm>> -> memref<64xi32, #tpu.memory_space<hbm>>
      %dma_start3A_725 = tpu.memref_slice %arg3[%add3A_713] : memref<327680xi32, #tpu.memory_space<hbm>> -> memref<64xi32, #tpu.memory_space<hbm>>
      tpu.enqueue_dma source(%dma_start3A_725 : memref<64xi32, #tpu.memory_space<hbm>>) target(%arg12 : memref<64xi32, #tpu.memory_space<vmem>>) target_semaphore(%arg33 : memref<!tpu.dma_semaphore, #tpu.memory_space<semaphore_mem>>)
      %dma_start3A_726 = tpu.memref_slice %arg4[%add3A_713] : memref<327680xi32, #tpu.memory_space<hbm>> -> memref<64xi32, #tpu.memory_space<hbm>>
      %dma_start3A_727 = tpu.memref_slice %arg4[%add3A_713] : memref<327680xi32, #tpu.memory_space<hbm>> -> memref<64xi32, #tpu.memory_space<hbm>>
      tpu.enqueue_dma source(%dma_start3A_727 : memref<64xi32, #tpu.memory_space<hbm>>) target(%arg20 : memref<64xi32, #tpu.memory_space<vmem>>) target_semaphore(%arg41 : memref<!tpu.dma_semaphore, #tpu.memory_space<semaphore_mem>>)
      %add3A_728 = arith.constant 4 : i32
      %add3A_729 = arith.addi %mul3A_487, %add3A_728 : i32
      %add3A_730 = arith.constant 2 : i32
      %add3A_731 = arith.addi %add3A_729, %add3A_730 : i32
      %add3A_732 = arith.constant 4 : i32
      %add3A_733 = arith.addi %add3A_731, %add3A_732 : i32
      %mul3A_734 = arith.constant 64 : i32
      %mul3A_735 = arith.muli %add3A_733, %mul3A_734 : i32
      %add3A_736 = arith.addi %mul3A_2, %mul3A_735 : i32
      %add3A_737 = arith.constant 4 : i32
      %add3A_738 = arith.addi %mul3A_487, %add3A_737 : i32
      %add3A_739 = arith.constant 2 : i32
      %add3A_740 = arith.addi %add3A_738, %add3A_739 : i32
      %add3A_741 = arith.constant 8 : i32
      %add3A_742 = arith.addi %add3A_740, %add3A_741 : i32
      %mul3A_743 = arith.constant 64 : i32
      %mul3A_744 = arith.muli %add3A_742, %mul3A_743 : i32
      %add3A_745 = arith.addi %mul3A_2, %mul3A_744 : i32
      %dma_wait3A_746 = arith.constant 0 : i32
      %dma_wait3A_747 = arith.constant 0 : i32
      %dma_wait3A_748 = tpu.memref_slice %arg27[%dma_wait3A_746, %dma_wait3A_747] : memref<10240x128xf32, #tpu.memory_space<vmem_shared>> -> memref<10240x128xf32, #tpu.memory_space<vmem_shared>>
      tpu.wait_indirect_dma semaphore(%arg50 : memref<!tpu.dma_semaphore, #tpu.memory_space<semaphore_mem>>) src(%arg25 : memref<64x128xf32, #tpu.memory_space<vmem>>) dst(%dma_wait3A_748 : memref<10240x128xf32, #tpu.memory_space<vmem_shared>>)
      %dma_wait3A_749 = tpu.memref_slice %arg3[%add3A_736] : memref<327680xi32, #tpu.memory_space<hbm>> -> memref<64xi32, #tpu.memory_space<hbm>>
      %dma_wait3A_750 = tpu.memref_slice %arg3[%add3A_736] : memref<327680xi32, #tpu.memory_space<hbm>> -> memref<64xi32, #tpu.memory_space<hbm>>
      tpu.wait_dma2 semaphore(%arg30 : memref<!tpu.dma_semaphore, #tpu.memory_space<semaphore_mem>>) src(%dma_wait3A_750 : memref<64xi32, #tpu.memory_space<hbm>>) dst(%arg9 : memref<64xi32, #tpu.memory_space<vmem>>)
      %dma_wait3A_751 = tpu.memref_slice %arg4[%add3A_736] : memref<327680xi32, #tpu.memory_space<hbm>> -> memref<64xi32, #tpu.memory_space<hbm>>
      %dma_wait3A_752 = tpu.memref_slice %arg4[%add3A_736] : memref<327680xi32, #tpu.memory_space<hbm>> -> memref<64xi32, #tpu.memory_space<hbm>>
      tpu.wait_dma2 semaphore(%arg38 : memref<!tpu.dma_semaphore, #tpu.memory_space<semaphore_mem>>) src(%dma_wait3A_752 : memref<64xi32, #tpu.memory_space<hbm>>) dst(%arg17 : memref<64xi32, #tpu.memory_space<vmem>>)
      %dma_start3A_753 = arith.constant 0 : i32
      %dma_start3A_754 = arith.constant 0 : i32
      %dma_start3A_755 = tpu.memref_slice %arg2[%dma_start3A_753, %dma_start3A_754] : memref<10240x128xf32, #tpu.memory_space<hbm>> -> memref<10240x128xf32, #tpu.memory_space<hbm>>
      tpu.enqueue_indirect_dma source(%dma_start3A_755 : memref<10240x128xf32, #tpu.memory_space<hbm>>) target(%arg25 : memref<64x128xf32, #tpu.memory_space<vmem>>) offsets(%arg9 : memref<64xi32, #tpu.memory_space<vmem>>) semaphore(%arg46 : memref<!tpu.dma_semaphore, #tpu.memory_space<semaphore_mem>>)
      %dma_start3A_756 = tpu.memref_slice %arg3[%add3A_745] : memref<327680xi32, #tpu.memory_space<hbm>> -> memref<64xi32, #tpu.memory_space<hbm>>
      %dma_start3A_757 = tpu.memref_slice %arg3[%add3A_745] : memref<327680xi32, #tpu.memory_space<hbm>> -> memref<64xi32, #tpu.memory_space<hbm>>
      tpu.enqueue_dma source(%dma_start3A_757 : memref<64xi32, #tpu.memory_space<hbm>>) target(%arg13 : memref<64xi32, #tpu.memory_space<vmem>>) target_semaphore(%arg34 : memref<!tpu.dma_semaphore, #tpu.memory_space<semaphore_mem>>)
      %dma_start3A_758 = tpu.memref_slice %arg4[%add3A_745] : memref<327680xi32, #tpu.memory_space<hbm>> -> memref<64xi32, #tpu.memory_space<hbm>>
      %dma_start3A_759 = tpu.memref_slice %arg4[%add3A_745] : memref<327680xi32, #tpu.memory_space<hbm>> -> memref<64xi32, #tpu.memory_space<hbm>>
      tpu.enqueue_dma source(%dma_start3A_759 : memref<64xi32, #tpu.memory_space<hbm>>) target(%arg21 : memref<64xi32, #tpu.memory_space<vmem>>) target_semaphore(%arg42 : memref<!tpu.dma_semaphore, #tpu.memory_space<semaphore_mem>>)
      %add3A_760 = arith.constant 4 : i32
      %add3A_761 = arith.addi %mul3A_487, %add3A_760 : i32
      %add3A_762 = arith.constant 3 : i32
      %add3A_763 = arith.addi %add3A_761, %add3A_762 : i32
      %add3A_764 = arith.constant 4 : i32
      %add3A_765 = arith.addi %add3A_763, %add3A_764 : i32
      %mul3A_766 = arith.constant 64 : i32
      %mul3A_767 = arith.muli %add3A_765, %mul3A_766 : i32
      %add3A_768 = arith.addi %mul3A_2, %mul3A_767 : i32
      %add3A_769 = arith.constant 4 : i32
      %add3A_770 = arith.addi %mul3A_487, %add3A_769 : i32
      %add3A_771 = arith.constant 3 : i32
      %add3A_772 = arith.addi %add3A_770, %add3A_771 : i32
      %add3A_773 = arith.constant 8 : i32
      %add3A_774 = arith.addi %add3A_772, %add3A_773 : i32
      %mul3A_775 = arith.constant 64 : i32
      %mul3A_776 = arith.muli %add3A_774, %mul3A_775 : i32
      %add3A_777 = arith.addi %mul3A_2, %mul3A_776 : i32
      %dma_wait3A_778 = arith.constant 0 : i32
      %dma_wait3A_779 = arith.constant 0 : i32
      %dma_wait3A_780 = tpu.memref_slice %arg27[%dma_wait3A_778, %dma_wait3A_779] : memref<10240x128xf32, #tpu.memory_space<vmem_shared>> -> memref<10240x128xf32, #tpu.memory_space<vmem_shared>>
      tpu.wait_indirect_dma semaphore(%arg51 : memref<!tpu.dma_semaphore, #tpu.memory_space<semaphore_mem>>) src(%arg26 : memref<64x128xf32, #tpu.memory_space<vmem>>) dst(%dma_wait3A_780 : memref<10240x128xf32, #tpu.memory_space<vmem_shared>>)
      %dma_wait3A_781 = tpu.memref_slice %arg3[%add3A_768] : memref<327680xi32, #tpu.memory_space<hbm>> -> memref<64xi32, #tpu.memory_space<hbm>>
      %dma_wait3A_782 = tpu.memref_slice %arg3[%add3A_768] : memref<327680xi32, #tpu.memory_space<hbm>> -> memref<64xi32, #tpu.memory_space<hbm>>
      tpu.wait_dma2 semaphore(%arg31 : memref<!tpu.dma_semaphore, #tpu.memory_space<semaphore_mem>>) src(%dma_wait3A_782 : memref<64xi32, #tpu.memory_space<hbm>>) dst(%arg10 : memref<64xi32, #tpu.memory_space<vmem>>)
      %dma_wait3A_783 = tpu.memref_slice %arg4[%add3A_768] : memref<327680xi32, #tpu.memory_space<hbm>> -> memref<64xi32, #tpu.memory_space<hbm>>
      %dma_wait3A_784 = tpu.memref_slice %arg4[%add3A_768] : memref<327680xi32, #tpu.memory_space<hbm>> -> memref<64xi32, #tpu.memory_space<hbm>>
      tpu.wait_dma2 semaphore(%arg39 : memref<!tpu.dma_semaphore, #tpu.memory_space<semaphore_mem>>) src(%dma_wait3A_784 : memref<64xi32, #tpu.memory_space<hbm>>) dst(%arg18 : memref<64xi32, #tpu.memory_space<vmem>>)
      %dma_start3A_785 = arith.constant 0 : i32
      %dma_start3A_786 = arith.constant 0 : i32
      %dma_start3A_787 = tpu.memref_slice %arg2[%dma_start3A_785, %dma_start3A_786] : memref<10240x128xf32, #tpu.memory_space<hbm>> -> memref<10240x128xf32, #tpu.memory_space<hbm>>
      tpu.enqueue_indirect_dma source(%dma_start3A_787 : memref<10240x128xf32, #tpu.memory_space<hbm>>) target(%arg26 : memref<64x128xf32, #tpu.memory_space<vmem>>) offsets(%arg10 : memref<64xi32, #tpu.memory_space<vmem>>) semaphore(%arg47 : memref<!tpu.dma_semaphore, #tpu.memory_space<semaphore_mem>>)
      %dma_start3A_788 = tpu.memref_slice %arg3[%add3A_777] : memref<327680xi32, #tpu.memory_space<hbm>> -> memref<64xi32, #tpu.memory_space<hbm>>
      %dma_start3A_789 = tpu.memref_slice %arg3[%add3A_777] : memref<327680xi32, #tpu.memory_space<hbm>> -> memref<64xi32, #tpu.memory_space<hbm>>
      tpu.enqueue_dma source(%dma_start3A_789 : memref<64xi32, #tpu.memory_space<hbm>>) target(%arg14 : memref<64xi32, #tpu.memory_space<vmem>>) target_semaphore(%arg35 : memref<!tpu.dma_semaphore, #tpu.memory_space<semaphore_mem>>)
      %dma_start3A_790 = tpu.memref_slice %arg4[%add3A_777] : memref<327680xi32, #tpu.memory_space<hbm>> -> memref<64xi32, #tpu.memory_space<hbm>>
      %dma_start3A_791 = tpu.memref_slice %arg4[%add3A_777] : memref<327680xi32, #tpu.memory_space<hbm>> -> memref<64xi32, #tpu.memory_space<hbm>>
      tpu.enqueue_dma source(%dma_start3A_791 : memref<64xi32, #tpu.memory_space<hbm>>) target(%arg22 : memref<64xi32, #tpu.memory_space<vmem>>) target_semaphore(%arg43 : memref<!tpu.dma_semaphore, #tpu.memory_space<semaphore_mem>>)
      %scan3A_792 = arith.constant 0 : i32
      scf.yield %scan3A_792 : i32
    }
    %scan3A_154 = arith.constant 19 : i32
    %dma_wait3A_155 = arith.constant 0 : i32
    %dma_wait3A_156 = arith.constant 0 : i32
    %dma_wait3A_157 = tpu.memref_slice %arg2[%dma_wait3A_155, %dma_wait3A_156] : memref<10240x128xf32, #tpu.memory_space<hbm>> -> memref<10240x128xf32, #tpu.memory_space<hbm>>
    tpu.wait_indirect_dma semaphore(%arg44 : memref<!tpu.dma_semaphore, #tpu.memory_space<semaphore_mem>>) src(%dma_wait3A_157 : memref<10240x128xf32, #tpu.memory_space<hbm>>) dst(%arg23 : memref<64x128xf32, #tpu.memory_space<vmem>>)
    %dma_start3A_158 = arith.constant 0 : i32
    %dma_start3A_159 = arith.constant 0 : i32
    %dma_start3A_160 = tpu.memref_slice %arg27[%dma_start3A_158, %dma_start3A_159] : memref<10240x128xf32, #tpu.memory_space<vmem_shared>> -> memref<10240x128xf32, #tpu.memory_space<vmem_shared>>
    tpu.enqueue_indirect_dma source(%arg23 : memref<64x128xf32, #tpu.memory_space<vmem>>) target(%dma_start3A_160 : memref<10240x128xf32, #tpu.memory_space<vmem_shared>>) offsets(%arg15 : memref<64xi32, #tpu.memory_space<vmem>>) semaphore(%arg48 : memref<!tpu.dma_semaphore, #tpu.memory_space<semaphore_mem>>) {add = true}
    %dma_wait3A_161 = arith.constant 0 : i32
    %dma_wait3A_162 = arith.constant 0 : i32
    %dma_wait3A_163 = tpu.memref_slice %arg2[%dma_wait3A_161, %dma_wait3A_162] : memref<10240x128xf32, #tpu.memory_space<hbm>> -> memref<10240x128xf32, #tpu.memory_space<hbm>>
    tpu.wait_indirect_dma semaphore(%arg45 : memref<!tpu.dma_semaphore, #tpu.memory_space<semaphore_mem>>) src(%dma_wait3A_163 : memref<10240x128xf32, #tpu.memory_space<hbm>>) dst(%arg24 : memref<64x128xf32, #tpu.memory_space<vmem>>)
    %dma_start3A_164 = arith.constant 0 : i32
    %dma_start3A_165 = arith.constant 0 : i32
    %dma_start3A_166 = tpu.memref_slice %arg27[%dma_start3A_164, %dma_start3A_165] : memref<10240x128xf32, #tpu.memory_space<vmem_shared>> -> memref<10240x128xf32, #tpu.memory_space<vmem_shared>>
    tpu.enqueue_indirect_dma source(%arg24 : memref<64x128xf32, #tpu.memory_space<vmem>>) target(%dma_start3A_166 : memref<10240x128xf32, #tpu.memory_space<vmem_shared>>) offsets(%arg16 : memref<64xi32, #tpu.memory_space<vmem>>) semaphore(%arg49 : memref<!tpu.dma_semaphore, #tpu.memory_space<semaphore_mem>>) {add = true}
    %dma_wait3A_167 = arith.constant 0 : i32
    %dma_wait3A_168 = arith.constant 0 : i32
    %dma_wait3A_169 = tpu.memref_slice %arg2[%dma_wait3A_167, %dma_wait3A_168] : memref<10240x128xf32, #tpu.memory_space<hbm>> -> memref<10240x128xf32, #tpu.memory_space<hbm>>
    tpu.wait_indirect_dma semaphore(%arg46 : memref<!tpu.dma_semaphore, #tpu.memory_space<semaphore_mem>>) src(%dma_wait3A_169 : memref<10240x128xf32, #tpu.memory_space<hbm>>) dst(%arg25 : memref<64x128xf32, #tpu.memory_space<vmem>>)
    %dma_start3A_170 = arith.constant 0 : i32
    %dma_start3A_171 = arith.constant 0 : i32
    %dma_start3A_172 = tpu.memref_slice %arg27[%dma_start3A_170, %dma_start3A_171] : memref<10240x128xf32, #tpu.memory_space<vmem_shared>> -> memref<10240x128xf32, #tpu.memory_space<vmem_shared>>
    tpu.enqueue_indirect_dma source(%arg25 : memref<64x128xf32, #tpu.memory_space<vmem>>) target(%dma_start3A_172 : memref<10240x128xf32, #tpu.memory_space<vmem_shared>>) offsets(%arg17 : memref<64xi32, #tpu.memory_space<vmem>>) semaphore(%arg50 : memref<!tpu.dma_semaphore, #tpu.memory_space<semaphore_mem>>) {add = true}
    %dma_wait3A_173 = arith.constant 0 : i32
    %dma_wait3A_174 = arith.constant 0 : i32
    %dma_wait3A_175 = tpu.memref_slice %arg2[%dma_wait3A_173, %dma_wait3A_174] : memref<10240x128xf32, #tpu.memory_space<hbm>> -> memref<10240x128xf32, #tpu.memory_space<hbm>>
    tpu.wait_indirect_dma semaphore(%arg47 : memref<!tpu.dma_semaphore, #tpu.memory_space<semaphore_mem>>) src(%dma_wait3A_175 : memref<10240x128xf32, #tpu.memory_space<hbm>>) dst(%arg26 : memref<64x128xf32, #tpu.memory_space<vmem>>)
    %dma_start3A_176 = arith.constant 0 : i32
    %dma_start3A_177 = arith.constant 0 : i32
    %dma_start3A_178 = tpu.memref_slice %arg27[%dma_start3A_176, %dma_start3A_177] : memref<10240x128xf32, #tpu.memory_space<vmem_shared>> -> memref<10240x128xf32, #tpu.memory_space<vmem_shared>>
    tpu.enqueue_indirect_dma source(%arg26 : memref<64x128xf32, #tpu.memory_space<vmem>>) target(%dma_start3A_178 : memref<10240x128xf32, #tpu.memory_space<vmem_shared>>) offsets(%arg18 : memref<64xi32, #tpu.memory_space<vmem>>) semaphore(%arg51 : memref<!tpu.dma_semaphore, #tpu.memory_space<semaphore_mem>>) {add = true}
    %add3A_179 = arith.constant 9984 : i32
    %add3A_180 = arith.addi %mul3A_2, %add3A_179 : i32
    %dma_wait3A_181 = arith.constant 0 : i32
    %dma_wait3A_182 = arith.constant 0 : i32
    %dma_wait3A_183 = tpu.memref_slice %arg27[%dma_wait3A_181, %dma_wait3A_182] : memref<10240x128xf32, #tpu.memory_space<vmem_shared>> -> memref<10240x128xf32, #tpu.memory_space<vmem_shared>>
    tpu.wait_indirect_dma semaphore(%arg48 : memref<!tpu.dma_semaphore, #tpu.memory_space<semaphore_mem>>) src(%arg23 : memref<64x128xf32, #tpu.memory_space<vmem>>) dst(%dma_wait3A_183 : memref<10240x128xf32, #tpu.memory_space<vmem_shared>>)
    %dma_wait3A_184 = tpu.memref_slice %arg3[%add3A_180] : memref<327680xi32, #tpu.memory_space<hbm>> -> memref<64xi32, #tpu.memory_space<hbm>>
    %dma_wait3A_185 = tpu.memref_slice %arg3[%add3A_180] : memref<327680xi32, #tpu.memory_space<hbm>> -> memref<64xi32, #tpu.memory_space<hbm>>
    tpu.wait_dma2 semaphore(%arg32 : memref<!tpu.dma_semaphore, #tpu.memory_space<semaphore_mem>>) src(%dma_wait3A_185 : memref<64xi32, #tpu.memory_space<hbm>>) dst(%arg11 : memref<64xi32, #tpu.memory_space<vmem>>)
    %dma_wait3A_186 = tpu.memref_slice %arg4[%add3A_180] : memref<327680xi32, #tpu.memory_space<hbm>> -> memref<64xi32, #tpu.memory_space<hbm>>
    %dma_wait3A_187 = tpu.memref_slice %arg4[%add3A_180] : memref<327680xi32, #tpu.memory_space<hbm>> -> memref<64xi32, #tpu.memory_space<hbm>>
    tpu.wait_dma2 semaphore(%arg40 : memref<!tpu.dma_semaphore, #tpu.memory_space<semaphore_mem>>) src(%dma_wait3A_187 : memref<64xi32, #tpu.memory_space<hbm>>) dst(%arg19 : memref<64xi32, #tpu.memory_space<vmem>>)
    %dma_start3A_188 = arith.constant 0 : i32
    %dma_start3A_189 = arith.constant 0 : i32
    %dma_start3A_190 = tpu.memref_slice %arg2[%dma_start3A_188, %dma_start3A_189] : memref<10240x128xf32, #tpu.memory_space<hbm>> -> memref<10240x128xf32, #tpu.memory_space<hbm>>
    tpu.enqueue_indirect_dma source(%dma_start3A_190 : memref<10240x128xf32, #tpu.memory_space<hbm>>) target(%arg23 : memref<64x128xf32, #tpu.memory_space<vmem>>) offsets(%arg11 : memref<64xi32, #tpu.memory_space<vmem>>) semaphore(%arg44 : memref<!tpu.dma_semaphore, #tpu.memory_space<semaphore_mem>>)
    %add3A_191 = arith.constant 10048 : i32
    %add3A_192 = arith.addi %mul3A_2, %add3A_191 : i32
    %dma_wait3A_193 = arith.constant 0 : i32
    %dma_wait3A_194 = arith.constant 0 : i32
    %dma_wait3A_195 = tpu.memref_slice %arg27[%dma_wait3A_193, %dma_wait3A_194] : memref<10240x128xf32, #tpu.memory_space<vmem_shared>> -> memref<10240x128xf32, #tpu.memory_space<vmem_shared>>
    tpu.wait_indirect_dma semaphore(%arg49 : memref<!tpu.dma_semaphore, #tpu.memory_space<semaphore_mem>>) src(%arg24 : memref<64x128xf32, #tpu.memory_space<vmem>>) dst(%dma_wait3A_195 : memref<10240x128xf32, #tpu.memory_space<vmem_shared>>)
    %dma_wait3A_196 = tpu.memref_slice %arg3[%add3A_192] : memref<327680xi32, #tpu.memory_space<hbm>> -> memref<64xi32, #tpu.memory_space<hbm>>
    %dma_wait3A_197 = tpu.memref_slice %arg3[%add3A_192] : memref<327680xi32, #tpu.memory_space<hbm>> -> memref<64xi32, #tpu.memory_space<hbm>>
    tpu.wait_dma2 semaphore(%arg33 : memref<!tpu.dma_semaphore, #tpu.memory_space<semaphore_mem>>) src(%dma_wait3A_197 : memref<64xi32, #tpu.memory_space<hbm>>) dst(%arg12 : memref<64xi32, #tpu.memory_space<vmem>>)
    %dma_wait3A_198 = tpu.memref_slice %arg4[%add3A_192] : memref<327680xi32, #tpu.memory_space<hbm>> -> memref<64xi32, #tpu.memory_space<hbm>>
    %dma_wait3A_199 = tpu.memref_slice %arg4[%add3A_192] : memref<327680xi32, #tpu.memory_space<hbm>> -> memref<64xi32, #tpu.memory_space<hbm>>
    tpu.wait_dma2 semaphore(%arg41 : memref<!tpu.dma_semaphore, #tpu.memory_space<semaphore_mem>>) src(%dma_wait3A_199 : memref<64xi32, #tpu.memory_space<hbm>>) dst(%arg20 : memref<64xi32, #tpu.memory_space<vmem>>)
    %dma_start3A_200 = arith.constant 0 : i32
    %dma_start3A_201 = arith.constant 0 : i32
    %dma_start3A_202 = tpu.memref_slice %arg2[%dma_start3A_200, %dma_start3A_201] : memref<10240x128xf32, #tpu.memory_space<hbm>> -> memref<10240x128xf32, #tpu.memory_space<hbm>>
    tpu.enqueue_indirect_dma source(%dma_start3A_202 : memref<10240x128xf32, #tpu.memory_space<hbm>>) target(%arg24 : memref<64x128xf32, #tpu.memory_space<vmem>>) offsets(%arg12 : memref<64xi32, #tpu.memory_space<vmem>>) semaphore(%arg45 : memref<!tpu.dma_semaphore, #tpu.memory_space<semaphore_mem>>)
    %add3A_203 = arith.constant 10112 : i32
    %add3A_204 = arith.addi %mul3A_2, %add3A_203 : i32
    %dma_wait3A_205 = arith.constant 0 : i32
    %dma_wait3A_206 = arith.constant 0 : i32
    %dma_wait3A_207 = tpu.memref_slice %arg27[%dma_wait3A_205, %dma_wait3A_206] : memref<10240x128xf32, #tpu.memory_space<vmem_shared>> -> memref<10240x128xf32, #tpu.memory_space<vmem_shared>>
    tpu.wait_indirect_dma semaphore(%arg50 : memref<!tpu.dma_semaphore, #tpu.memory_space<semaphore_mem>>) src(%arg25 : memref<64x128xf32, #tpu.memory_space<vmem>>) dst(%dma_wait3A_207 : memref<10240x128xf32, #tpu.memory_space<vmem_shared>>)
    %dma_wait3A_208 = tpu.memref_slice %arg3[%add3A_204] : memref<327680xi32, #tpu.memory_space<hbm>> -> memref<64xi32, #tpu.memory_space<hbm>>
    %dma_wait3A_209 = tpu.memref_slice %arg3[%add3A_204] : memref<327680xi32, #tpu.memory_space<hbm>> -> memref<64xi32, #tpu.memory_space<hbm>>
    tpu.wait_dma2 semaphore(%arg34 : memref<!tpu.dma_semaphore, #tpu.memory_space<semaphore_mem>>) src(%dma_wait3A_209 : memref<64xi32, #tpu.memory_space<hbm>>) dst(%arg13 : memref<64xi32, #tpu.memory_space<vmem>>)
    %dma_wait3A_210 = tpu.memref_slice %arg4[%add3A_204] : memref<327680xi32, #tpu.memory_space<hbm>> -> memref<64xi32, #tpu.memory_space<hbm>>
    %dma_wait3A_211 = tpu.memref_slice %arg4[%add3A_204] : memref<327680xi32, #tpu.memory_space<hbm>> -> memref<64xi32, #tpu.memory_space<hbm>>
    tpu.wait_dma2 semaphore(%arg42 : memref<!tpu.dma_semaphore, #tpu.memory_space<semaphore_mem>>) src(%dma_wait3A_211 : memref<64xi32, #tpu.memory_space<hbm>>) dst(%arg21 : memref<64xi32, #tpu.memory_space<vmem>>)
    %dma_start3A_212 = arith.constant 0 : i32
    %dma_start3A_213 = arith.constant 0 : i32
    %dma_start3A_214 = tpu.memref_slice %arg2[%dma_start3A_212, %dma_start3A_213] : memref<10240x128xf32, #tpu.memory_space<hbm>> -> memref<10240x128xf32, #tpu.memory_space<hbm>>
    tpu.enqueue_indirect_dma source(%dma_start3A_214 : memref<10240x128xf32, #tpu.memory_space<hbm>>) target(%arg25 : memref<64x128xf32, #tpu.memory_space<vmem>>) offsets(%arg13 : memref<64xi32, #tpu.memory_space<vmem>>) semaphore(%arg46 : memref<!tpu.dma_semaphore, #tpu.memory_space<semaphore_mem>>)
    %add3A_215 = arith.constant 10176 : i32
    %add3A_216 = arith.addi %mul3A_2, %add3A_215 : i32
    %dma_wait3A_217 = arith.constant 0 : i32
    %dma_wait3A_218 = arith.constant 0 : i32
    %dma_wait3A_219 = tpu.memref_slice %arg27[%dma_wait3A_217, %dma_wait3A_218] : memref<10240x128xf32, #tpu.memory_space<vmem_shared>> -> memref<10240x128xf32, #tpu.memory_space<vmem_shared>>
    tpu.wait_indirect_dma semaphore(%arg51 : memref<!tpu.dma_semaphore, #tpu.memory_space<semaphore_mem>>) src(%arg26 : memref<64x128xf32, #tpu.memory_space<vmem>>) dst(%dma_wait3A_219 : memref<10240x128xf32, #tpu.memory_space<vmem_shared>>)
    %dma_wait3A_220 = tpu.memref_slice %arg3[%add3A_216] : memref<327680xi32, #tpu.memory_space<hbm>> -> memref<64xi32, #tpu.memory_space<hbm>>
    %dma_wait3A_221 = tpu.memref_slice %arg3[%add3A_216] : memref<327680xi32, #tpu.memory_space<hbm>> -> memref<64xi32, #tpu.memory_space<hbm>>
    tpu.wait_dma2 semaphore(%arg35 : memref<!tpu.dma_semaphore, #tpu.memory_space<semaphore_mem>>) src(%dma_wait3A_221 : memref<64xi32, #tpu.memory_space<hbm>>) dst(%arg14 : memref<64xi32, #tpu.memory_space<vmem>>)
    %dma_wait3A_222 = tpu.memref_slice %arg4[%add3A_216] : memref<327680xi32, #tpu.memory_space<hbm>> -> memref<64xi32, #tpu.memory_space<hbm>>
    %dma_wait3A_223 = tpu.memref_slice %arg4[%add3A_216] : memref<327680xi32, #tpu.memory_space<hbm>> -> memref<64xi32, #tpu.memory_space<hbm>>
    tpu.wait_dma2 semaphore(%arg43 : memref<!tpu.dma_semaphore, #tpu.memory_space<semaphore_mem>>) src(%dma_wait3A_223 : memref<64xi32, #tpu.memory_space<hbm>>) dst(%arg22 : memref<64xi32, #tpu.memory_space<vmem>>)
    %dma_start3A_224 = arith.constant 0 : i32
    %dma_start3A_225 = arith.constant 0 : i32
    %dma_start3A_226 = tpu.memref_slice %arg2[%dma_start3A_224, %dma_start3A_225] : memref<10240x128xf32, #tpu.memory_space<hbm>> -> memref<10240x128xf32, #tpu.memory_space<hbm>>
    tpu.enqueue_indirect_dma source(%dma_start3A_226 : memref<10240x128xf32, #tpu.memory_space<hbm>>) target(%arg26 : memref<64x128xf32, #tpu.memory_space<vmem>>) offsets(%arg14 : memref<64xi32, #tpu.memory_space<vmem>>) semaphore(%arg47 : memref<!tpu.dma_semaphore, #tpu.memory_space<semaphore_mem>>)
    %dma_wait3A_227 = arith.constant 0 : i32
    %dma_wait3A_228 = arith.constant 0 : i32
    %dma_wait3A_229 = tpu.memref_slice %arg2[%dma_wait3A_227, %dma_wait3A_228] : memref<10240x128xf32, #tpu.memory_space<hbm>> -> memref<10240x128xf32, #tpu.memory_space<hbm>>
    tpu.wait_indirect_dma semaphore(%arg44 : memref<!tpu.dma_semaphore, #tpu.memory_space<semaphore_mem>>) src(%dma_wait3A_229 : memref<10240x128xf32, #tpu.memory_space<hbm>>) dst(%arg23 : memref<64x128xf32, #tpu.memory_space<vmem>>)
    %dma_start3A_230 = arith.constant 0 : i32
    %dma_start3A_231 = arith.constant 0 : i32
    %dma_start3A_232 = tpu.memref_slice %arg27[%dma_start3A_230, %dma_start3A_231] : memref<10240x128xf32, #tpu.memory_space<vmem_shared>> -> memref<10240x128xf32, #tpu.memory_space<vmem_shared>>
    tpu.enqueue_indirect_dma source(%arg23 : memref<64x128xf32, #tpu.memory_space<vmem>>) target(%dma_start3A_232 : memref<10240x128xf32, #tpu.memory_space<vmem_shared>>) offsets(%arg19 : memref<64xi32, #tpu.memory_space<vmem>>) semaphore(%arg48 : memref<!tpu.dma_semaphore, #tpu.memory_space<semaphore_mem>>) {add = true}
    %dma_wait3A_233 = arith.constant 0 : i32
    %dma_wait3A_234 = arith.constant 0 : i32
    %dma_wait3A_235 = tpu.memref_slice %arg2[%dma_wait3A_233, %dma_wait3A_234] : memref<10240x128xf32, #tpu.memory_space<hbm>> -> memref<10240x128xf32, #tpu.memory_space<hbm>>
    tpu.wait_indirect_dma semaphore(%arg45 : memref<!tpu.dma_semaphore, #tpu.memory_space<semaphore_mem>>) src(%dma_wait3A_235 : memref<10240x128xf32, #tpu.memory_space<hbm>>) dst(%arg24 : memref<64x128xf32, #tpu.memory_space<vmem>>)
    %dma_start3A_236 = arith.constant 0 : i32
    %dma_start3A_237 = arith.constant 0 : i32
    %dma_start3A_238 = tpu.memref_slice %arg27[%dma_start3A_236, %dma_start3A_237] : memref<10240x128xf32, #tpu.memory_space<vmem_shared>> -> memref<10240x128xf32, #tpu.memory_space<vmem_shared>>
    tpu.enqueue_indirect_dma source(%arg24 : memref<64x128xf32, #tpu.memory_space<vmem>>) target(%dma_start3A_238 : memref<10240x128xf32, #tpu.memory_space<vmem_shared>>) offsets(%arg20 : memref<64xi32, #tpu.memory_space<vmem>>) semaphore(%arg49 : memref<!tpu.dma_semaphore, #tpu.memory_space<semaphore_mem>>) {add = true}
    %dma_wait3A_239 = arith.constant 0 : i32
    %dma_wait3A_240 = arith.constant 0 : i32
    %dma_wait3A_241 = tpu.memref_slice %arg2[%dma_wait3A_239, %dma_wait3A_240] : memref<10240x128xf32, #tpu.memory_space<hbm>> -> memref<10240x128xf32, #tpu.memory_space<hbm>>
    tpu.wait_indirect_dma semaphore(%arg46 : memref<!tpu.dma_semaphore, #tpu.memory_space<semaphore_mem>>) src(%dma_wait3A_241 : memref<10240x128xf32, #tpu.memory_space<hbm>>) dst(%arg25 : memref<64x128xf32, #tpu.memory_space<vmem>>)
    %dma_start3A_242 = arith.constant 0 : i32
    %dma_start3A_243 = arith.constant 0 : i32
    %dma_start3A_244 = tpu.memref_slice %arg27[%dma_start3A_242, %dma_start3A_243] : memref<10240x128xf32, #tpu.memory_space<vmem_shared>> -> memref<10240x128xf32, #tpu.memory_space<vmem_shared>>
    tpu.enqueue_indirect_dma source(%arg25 : memref<64x128xf32, #tpu.memory_space<vmem>>) target(%dma_start3A_244 : memref<10240x128xf32, #tpu.memory_space<vmem_shared>>) offsets(%arg21 : memref<64xi32, #tpu.memory_space<vmem>>) semaphore(%arg50 : memref<!tpu.dma_semaphore, #tpu.memory_space<semaphore_mem>>) {add = true}
    %dma_wait3A_245 = arith.constant 0 : i32
    %dma_wait3A_246 = arith.constant 0 : i32
    %dma_wait3A_247 = tpu.memref_slice %arg2[%dma_wait3A_245, %dma_wait3A_246] : memref<10240x128xf32, #tpu.memory_space<hbm>> -> memref<10240x128xf32, #tpu.memory_space<hbm>>
    tpu.wait_indirect_dma semaphore(%arg47 : memref<!tpu.dma_semaphore, #tpu.memory_space<semaphore_mem>>) src(%dma_wait3A_247 : memref<10240x128xf32, #tpu.memory_space<hbm>>) dst(%arg26 : memref<64x128xf32, #tpu.memory_space<vmem>>)
    %dma_start3A_248 = arith.constant 0 : i32
    %dma_start3A_249 = arith.constant 0 : i32
    %dma_start3A_250 = tpu.memref_slice %arg27[%dma_start3A_248, %dma_start3A_249] : memref<10240x128xf32, #tpu.memory_space<vmem_shared>> -> memref<10240x128xf32, #tpu.memory_space<vmem_shared>>
    tpu.enqueue_indirect_dma source(%arg26 : memref<64x128xf32, #tpu.memory_space<vmem>>) target(%dma_start3A_250 : memref<10240x128xf32, #tpu.memory_space<vmem_shared>>) offsets(%arg22 : memref<64xi32, #tpu.memory_space<vmem>>) semaphore(%arg51 : memref<!tpu.dma_semaphore, #tpu.memory_space<semaphore_mem>>) {add = true}
    %dma_wait3A_251 = arith.constant 0 : i32
    %dma_wait3A_252 = arith.constant 0 : i32
    %dma_wait3A_253 = tpu.memref_slice %arg27[%dma_wait3A_251, %dma_wait3A_252] : memref<10240x128xf32, #tpu.memory_space<vmem_shared>> -> memref<10240x128xf32, #tpu.memory_space<vmem_shared>>
    tpu.wait_indirect_dma semaphore(%arg48 : memref<!tpu.dma_semaphore, #tpu.memory_space<semaphore_mem>>) src(%arg23 : memref<64x128xf32, #tpu.memory_space<vmem>>) dst(%dma_wait3A_253 : memref<10240x128xf32, #tpu.memory_space<vmem_shared>>)
    %dma_wait3A_254 = arith.constant 0 : i32
    %dma_wait3A_255 = arith.constant 0 : i32
    %dma_wait3A_256 = tpu.memref_slice %arg27[%dma_wait3A_254, %dma_wait3A_255] : memref<10240x128xf32, #tpu.memory_space<vmem_shared>> -> memref<10240x128xf32, #tpu.memory_space<vmem_shared>>
    tpu.wait_indirect_dma semaphore(%arg49 : memref<!tpu.dma_semaphore, #tpu.memory_space<semaphore_mem>>) src(%arg24 : memref<64x128xf32, #tpu.memory_space<vmem>>) dst(%dma_wait3A_256 : memref<10240x128xf32, #tpu.memory_space<vmem_shared>>)
    %dma_wait3A_257 = arith.constant 0 : i32
    %dma_wait3A_258 = arith.constant 0 : i32
    %dma_wait3A_259 = tpu.memref_slice %arg27[%dma_wait3A_257, %dma_wait3A_258] : memref<10240x128xf32, #tpu.memory_space<vmem_shared>> -> memref<10240x128xf32, #tpu.memory_space<vmem_shared>>
    tpu.wait_indirect_dma semaphore(%arg50 : memref<!tpu.dma_semaphore, #tpu.memory_space<semaphore_mem>>) src(%arg25 : memref<64x128xf32, #tpu.memory_space<vmem>>) dst(%dma_wait3A_259 : memref<10240x128xf32, #tpu.memory_space<vmem_shared>>)
    %dma_wait3A_260 = arith.constant 0 : i32
    %dma_wait3A_261 = arith.constant 0 : i32
    %dma_wait3A_262 = tpu.memref_slice %arg27[%dma_wait3A_260, %dma_wait3A_261] : memref<10240x128xf32, #tpu.memory_space<vmem_shared>> -> memref<10240x128xf32, #tpu.memory_space<vmem_shared>>
    tpu.wait_indirect_dma semaphore(%arg51 : memref<!tpu.dma_semaphore, #tpu.memory_space<semaphore_mem>>) src(%arg26 : memref<64x128xf32, #tpu.memory_space<vmem>>) dst(%dma_wait3A_262 : memref<10240x128xf32, #tpu.memory_space<vmem_shared>>)
    %barrier3A_263 = arith.constant 0 : index
    tpu.barrier barrier_id(%barrier3A_263)
    %mul3A_264 = arith.constant 640 : i32
    %mul3A_265 = arith.muli %arg1, %mul3A_264 : i32
    %add3A_266 = arith.constant 0 : i32
    %add3A_267 = arith.addi %mul3A_265, %add3A_266 : i32
    "tpu.region"() ({
      %run_scoped3A = tpu.sem_alloc : memref<!tpu.dma_semaphore, #tpu.memory_space<semaphore_mem>>
      %dma_start3A_484 = arith.constant 0 : i32
      %dma_start3A_485 = tpu.memref_slice %arg27[%add3A_267, %dma_start3A_484] : memref<10240x128xf32, #tpu.memory_space<vmem_shared>> -> memref<64x128xf32, #tpu.memory_space<vmem_shared>>
      %dma_start3A_486 = arith.constant 0 : i32
      %dma_start3A_487 = tpu.memref_slice %arg27[%add3A_267, %dma_start3A_486] : memref<10240x128xf32, #tpu.memory_space<vmem_shared>> -> memref<64x128xf32, #tpu.memory_space<vmem_shared>>
      tpu.enqueue_dma source(%dma_start3A_487 : memref<64x128xf32, #tpu.memory_space<vmem_shared>>) target(%arg23 : memref<64x128xf32, #tpu.memory_space<vmem>>) target_semaphore(%run_scoped3A : memref<!tpu.dma_semaphore, #tpu.memory_space<semaphore_mem>>)
      %dma_wait3A_488 = arith.constant 0 : i32
      %dma_wait3A_489 = tpu.memref_slice %arg27[%add3A_267, %dma_wait3A_488] : memref<10240x128xf32, #tpu.memory_space<vmem_shared>> -> memref<64x128xf32, #tpu.memory_space<vmem_shared>>
      %dma_wait3A_490 = arith.constant 0 : i32
      %dma_wait3A_491 = tpu.memref_slice %arg27[%add3A_267, %dma_wait3A_490] : memref<10240x128xf32, #tpu.memory_space<vmem_shared>> -> memref<64x128xf32, #tpu.memory_space<vmem_shared>>
      tpu.wait_dma2 semaphore(%run_scoped3A : memref<!tpu.dma_semaphore, #tpu.memory_space<semaphore_mem>>) src(%dma_wait3A_491 : memref<64x128xf32, #tpu.memory_space<vmem_shared>>) dst(%arg23 : memref<64x128xf32, #tpu.memory_space<vmem>>)
      tpu.yield
    }) : () -> ()
    %mul3A_268 = arith.constant 10240 : i32
    %mul3A_269 = arith.muli %arg0, %mul3A_268 : i32
    %add3A_270 = arith.addi %mul3A_269, %add3A_267 : i32
    %dma_start3A_271 = arith.constant 0 : i32
    %dma_start3A_272 = tpu.memref_slice %arg6[%add3A_270, %dma_start3A_271] : memref<20480x128xf32, #tpu.memory_space<hbm>> -> memref<64x128xf32, #tpu.memory_space<hbm>>
    %dma_start3A_273 = arith.constant 0 : i32
    %dma_start3A_274 = tpu.memref_slice %arg6[%add3A_270, %dma_start3A_273] : memref<20480x128xf32, #tpu.memory_space<hbm>> -> memref<64x128xf32, #tpu.memory_space<hbm>>
    tpu.enqueue_dma source(%arg23 : memref<64x128xf32, #tpu.memory_space<vmem>>) target(%dma_start3A_274 : memref<64x128xf32, #tpu.memory_space<hbm>>) target_semaphore(%arg44 : memref<!tpu.dma_semaphore, #tpu.memory_space<semaphore_mem>>)
    %mul3A_275 = arith.constant 640 : i32
    %mul3A_276 = arith.muli %arg1, %mul3A_275 : i32
    %add3A_277 = arith.constant 64 : i32
    %add3A_278 = arith.addi %mul3A_276, %add3A_277 : i32
    "tpu.region"() ({
      %run_scoped3A = tpu.sem_alloc : memref<!tpu.dma_semaphore, #tpu.memory_space<semaphore_mem>>
      %dma_start3A_484 = arith.constant 0 : i32
      %dma_start3A_485 = tpu.memref_slice %arg27[%add3A_278, %dma_start3A_484] : memref<10240x128xf32, #tpu.memory_space<vmem_shared>> -> memref<64x128xf32, #tpu.memory_space<vmem_shared>>
      %dma_start3A_486 = arith.constant 0 : i32
      %dma_start3A_487 = tpu.memref_slice %arg27[%add3A_278, %dma_start3A_486] : memref<10240x128xf32, #tpu.memory_space<vmem_shared>> -> memref<64x128xf32, #tpu.memory_space<vmem_shared>>
      tpu.enqueue_dma source(%dma_start3A_487 : memref<64x128xf32, #tpu.memory_space<vmem_shared>>) target(%arg24 : memref<64x128xf32, #tpu.memory_space<vmem>>) target_semaphore(%run_scoped3A : memref<!tpu.dma_semaphore, #tpu.memory_space<semaphore_mem>>)
      %dma_wait3A_488 = arith.constant 0 : i32
      %dma_wait3A_489 = tpu.memref_slice %arg27[%add3A_278, %dma_wait3A_488] : memref<10240x128xf32, #tpu.memory_space<vmem_shared>> -> memref<64x128xf32, #tpu.memory_space<vmem_shared>>
      %dma_wait3A_490 = arith.constant 0 : i32
      %dma_wait3A_491 = tpu.memref_slice %arg27[%add3A_278, %dma_wait3A_490] : memref<10240x128xf32, #tpu.memory_space<vmem_shared>> -> memref<64x128xf32, #tpu.memory_space<vmem_shared>>
      tpu.wait_dma2 semaphore(%run_scoped3A : memref<!tpu.dma_semaphore, #tpu.memory_space<semaphore_mem>>) src(%dma_wait3A_491 : memref<64x128xf32, #tpu.memory_space<vmem_shared>>) dst(%arg24 : memref<64x128xf32, #tpu.memory_space<vmem>>)
      tpu.yield
    }) : () -> ()
    %mul3A_279 = arith.constant 10240 : i32
    %mul3A_280 = arith.muli %arg0, %mul3A_279 : i32
    %add3A_281 = arith.addi %mul3A_280, %add3A_278 : i32
    %dma_start3A_282 = arith.constant 0 : i32
    %dma_start3A_283 = tpu.memref_slice %arg6[%add3A_281, %dma_start3A_282] : memref<20480x128xf32, #tpu.memory_space<hbm>> -> memref<64x128xf32, #tpu.memory_space<hbm>>
    %dma_start3A_284 = arith.constant 0 : i32
    %dma_start3A_285 = tpu.memref_slice %arg6[%add3A_281, %dma_start3A_284] : memref<20480x128xf32, #tpu.memory_space<hbm>> -> memref<64x128xf32, #tpu.memory_space<hbm>>
    tpu.enqueue_dma source(%arg24 : memref<64x128xf32, #tpu.memory_space<vmem>>) target(%dma_start3A_285 : memref<64x128xf32, #tpu.memory_space<hbm>>) target_semaphore(%arg45 : memref<!tpu.dma_semaphore, #tpu.memory_space<semaphore_mem>>)
    %mul3A_286 = arith.constant 640 : i32
    %mul3A_287 = arith.muli %arg1, %mul3A_286 : i32
    %add3A_288 = arith.constant 128 : i32
    %add3A_289 = arith.addi %mul3A_287, %add3A_288 : i32
    "tpu.region"() ({
      %run_scoped3A = tpu.sem_alloc : memref<!tpu.dma_semaphore, #tpu.memory_space<semaphore_mem>>
      %dma_start3A_484 = arith.constant 0 : i32
      %dma_start3A_485 = tpu.memref_slice %arg27[%add3A_289, %dma_start3A_484] : memref<10240x128xf32, #tpu.memory_space<vmem_shared>> -> memref<64x128xf32, #tpu.memory_space<vmem_shared>>
      %dma_start3A_486 = arith.constant 0 : i32
      %dma_start3A_487 = tpu.memref_slice %arg27[%add3A_289, %dma_start3A_486] : memref<10240x128xf32, #tpu.memory_space<vmem_shared>> -> memref<64x128xf32, #tpu.memory_space<vmem_shared>>
      tpu.enqueue_dma source(%dma_start3A_487 : memref<64x128xf32, #tpu.memory_space<vmem_shared>>) target(%arg25 : memref<64x128xf32, #tpu.memory_space<vmem>>) target_semaphore(%run_scoped3A : memref<!tpu.dma_semaphore, #tpu.memory_space<semaphore_mem>>)
      %dma_wait3A_488 = arith.constant 0 : i32
      %dma_wait3A_489 = tpu.memref_slice %arg27[%add3A_289, %dma_wait3A_488] : memref<10240x128xf32, #tpu.memory_space<vmem_shared>> -> memref<64x128xf32, #tpu.memory_space<vmem_shared>>
      %dma_wait3A_490 = arith.constant 0 : i32
      %dma_wait3A_491 = tpu.memref_slice %arg27[%add3A_289, %dma_wait3A_490] : memref<10240x128xf32, #tpu.memory_space<vmem_shared>> -> memref<64x128xf32, #tpu.memory_space<vmem_shared>>
      tpu.wait_dma2 semaphore(%run_scoped3A : memref<!tpu.dma_semaphore, #tpu.memory_space<semaphore_mem>>) src(%dma_wait3A_491 : memref<64x128xf32, #tpu.memory_space<vmem_shared>>) dst(%arg25 : memref<64x128xf32, #tpu.memory_space<vmem>>)
      tpu.yield
    }) : () -> ()
    %mul3A_290 = arith.constant 10240 : i32
    %mul3A_291 = arith.muli %arg0, %mul3A_290 : i32
    %add3A_292 = arith.addi %mul3A_291, %add3A_289 : i32
    %dma_start3A_293 = arith.constant 0 : i32
    %dma_start3A_294 = tpu.memref_slice %arg6[%add3A_292, %dma_start3A_293] : memref<20480x128xf32, #tpu.memory_space<hbm>> -> memref<64x128xf32, #tpu.memory_space<hbm>>
    %dma_start3A_295 = arith.constant 0 : i32
    %dma_start3A_296 = tpu.memref_slice %arg6[%add3A_292, %dma_start3A_295] : memref<20480x128xf32, #tpu.memory_space<hbm>> -> memref<64x128xf32, #tpu.memory_space<hbm>>
    tpu.enqueue_dma source(%arg25 : memref<64x128xf32, #tpu.memory_space<vmem>>) target(%dma_start3A_296 : memref<64x128xf32, #tpu.memory_space<hbm>>) target_semaphore(%arg46 : memref<!tpu.dma_semaphore, #tpu.memory_space<semaphore_mem>>)
    %mul3A_297 = arith.constant 640 : i32
    %mul3A_298 = arith.muli %arg1, %mul3A_297 : i32
    %add3A_299 = arith.constant 192 : i32
    %add3A_300 = arith.addi %mul3A_298, %add3A_299 : i32
    "tpu.region"() ({
      %run_scoped3A = tpu.sem_alloc : memref<!tpu.dma_semaphore, #tpu.memory_space<semaphore_mem>>
      %dma_start3A_484 = arith.constant 0 : i32
      %dma_start3A_485 = tpu.memref_slice %arg27[%add3A_300, %dma_start3A_484] : memref<10240x128xf32, #tpu.memory_space<vmem_shared>> -> memref<64x128xf32, #tpu.memory_space<vmem_shared>>
      %dma_start3A_486 = arith.constant 0 : i32
      %dma_start3A_487 = tpu.memref_slice %arg27[%add3A_300, %dma_start3A_486] : memref<10240x128xf32, #tpu.memory_space<vmem_shared>> -> memref<64x128xf32, #tpu.memory_space<vmem_shared>>
      tpu.enqueue_dma source(%dma_start3A_487 : memref<64x128xf32, #tpu.memory_space<vmem_shared>>) target(%arg26 : memref<64x128xf32, #tpu.memory_space<vmem>>) target_semaphore(%run_scoped3A : memref<!tpu.dma_semaphore, #tpu.memory_space<semaphore_mem>>)
      %dma_wait3A_488 = arith.constant 0 : i32
      %dma_wait3A_489 = tpu.memref_slice %arg27[%add3A_300, %dma_wait3A_488] : memref<10240x128xf32, #tpu.memory_space<vmem_shared>> -> memref<64x128xf32, #tpu.memory_space<vmem_shared>>
      %dma_wait3A_490 = arith.constant 0 : i32
      %dma_wait3A_491 = tpu.memref_slice %arg27[%add3A_300, %dma_wait3A_490] : memref<10240x128xf32, #tpu.memory_space<vmem_shared>> -> memref<64x128xf32, #tpu.memory_space<vmem_shared>>
      tpu.wait_dma2 semaphore(%run_scoped3A : memref<!tpu.dma_semaphore, #tpu.memory_space<semaphore_mem>>) src(%dma_wait3A_491 : memref<64x128xf32, #tpu.memory_space<vmem_shared>>) dst(%arg26 : memref<64x128xf32, #tpu.memory_space<vmem>>)
      tpu.yield
    }) : () -> ()
    %mul3A_301 = arith.constant 10240 : i32
    %mul3A_302 = arith.muli %arg0, %mul3A_301 : i32
    %add3A_303 = arith.addi %mul3A_302, %add3A_300 : i32
    %dma_start3A_304 = arith.constant 0 : i32
    %dma_start3A_305 = tpu.memref_slice %arg6[%add3A_303, %dma_start3A_304] : memref<20480x128xf32, #tpu.memory_space<hbm>> -> memref<64x128xf32, #tpu.memory_space<hbm>>
    %dma_start3A_306 = arith.constant 0 : i32
    %dma_start3A_307 = tpu.memref_slice %arg6[%add3A_303, %dma_start3A_306] : memref<20480x128xf32, #tpu.memory_space<hbm>> -> memref<64x128xf32, #tpu.memory_space<hbm>>
    tpu.enqueue_dma source(%arg26 : memref<64x128xf32, #tpu.memory_space<vmem>>) target(%dma_start3A_307 : memref<64x128xf32, #tpu.memory_space<hbm>>) target_semaphore(%arg47 : memref<!tpu.dma_semaphore, #tpu.memory_space<semaphore_mem>>)
    %mul3A_308 = arith.constant 640 : i32
    %mul3A_309 = arith.muli %arg1, %mul3A_308 : i32
    %add3A_310 = arith.constant 0 : i32
    %add3A_311 = arith.addi %mul3A_309, %add3A_310 : i32
    %mul3A_312 = arith.constant 10240 : i32
    %mul3A_313 = arith.muli %arg0, %mul3A_312 : i32
    %add3A_314 = arith.addi %mul3A_313, %add3A_311 : i32
    %dma_wait3A_315 = arith.constant 0 : i32
    %dma_wait3A_316 = tpu.memref_slice %arg6[%add3A_314, %dma_wait3A_315] : memref<20480x128xf32, #tpu.memory_space<hbm>> -> memref<64x128xf32, #tpu.memory_space<hbm>>
    %dma_wait3A_317 = arith.constant 0 : i32
    %dma_wait3A_318 = tpu.memref_slice %arg6[%add3A_314, %dma_wait3A_317] : memref<20480x128xf32, #tpu.memory_space<hbm>> -> memref<64x128xf32, #tpu.memory_space<hbm>>
    tpu.wait_dma2 semaphore(%arg44 : memref<!tpu.dma_semaphore, #tpu.memory_space<semaphore_mem>>) src(%arg23 : memref<64x128xf32, #tpu.memory_space<vmem>>) dst(%dma_wait3A_318 : memref<64x128xf32, #tpu.memory_space<hbm>>)
    %mul3A_319 = arith.constant 640 : i32
    %mul3A_320 = arith.muli %arg1, %mul3A_319 : i32
    %add3A_321 = arith.constant 256 : i32
    %add3A_322 = arith.addi %mul3A_320, %add3A_321 : i32
    "tpu.region"() ({
      %run_scoped3A = tpu.sem_alloc : memref<!tpu.dma_semaphore, #tpu.memory_space<semaphore_mem>>
      %dma_start3A_484 = arith.constant 0 : i32
      %dma_start3A_485 = tpu.memref_slice %arg27[%add3A_322, %dma_start3A_484] : memref<10240x128xf32, #tpu.memory_space<vmem_shared>> -> memref<64x128xf32, #tpu.memory_space<vmem_shared>>
      %dma_start3A_486 = arith.constant 0 : i32
      %dma_start3A_487 = tpu.memref_slice %arg27[%add3A_322, %dma_start3A_486] : memref<10240x128xf32, #tpu.memory_space<vmem_shared>> -> memref<64x128xf32, #tpu.memory_space<vmem_shared>>
      tpu.enqueue_dma source(%dma_start3A_487 : memref<64x128xf32, #tpu.memory_space<vmem_shared>>) target(%arg23 : memref<64x128xf32, #tpu.memory_space<vmem>>) target_semaphore(%run_scoped3A : memref<!tpu.dma_semaphore, #tpu.memory_space<semaphore_mem>>)
      %dma_wait3A_488 = arith.constant 0 : i32
      %dma_wait3A_489 = tpu.memref_slice %arg27[%add3A_322, %dma_wait3A_488] : memref<10240x128xf32, #tpu.memory_space<vmem_shared>> -> memref<64x128xf32, #tpu.memory_space<vmem_shared>>
      %dma_wait3A_490 = arith.constant 0 : i32
      %dma_wait3A_491 = tpu.memref_slice %arg27[%add3A_322, %dma_wait3A_490] : memref<10240x128xf32, #tpu.memory_space<vmem_shared>> -> memref<64x128xf32, #tpu.memory_space<vmem_shared>>
      tpu.wait_dma2 semaphore(%run_scoped3A : memref<!tpu.dma_semaphore, #tpu.memory_space<semaphore_mem>>) src(%dma_wait3A_491 : memref<64x128xf32, #tpu.memory_space<vmem_shared>>) dst(%arg23 : memref<64x128xf32, #tpu.memory_space<vmem>>)
      tpu.yield
    }) : () -> ()
    %mul3A_323 = arith.constant 10240 : i32
    %mul3A_324 = arith.muli %arg0, %mul3A_323 : i32
    %add3A_325 = arith.addi %mul3A_324, %add3A_322 : i32
    %dma_start3A_326 = arith.constant 0 : i32
    %dma_start3A_327 = tpu.memref_slice %arg6[%add3A_325, %dma_start3A_326] : memref<20480x128xf32, #tpu.memory_space<hbm>> -> memref<64x128xf32, #tpu.memory_space<hbm>>
    %dma_start3A_328 = arith.constant 0 : i32
    %dma_start3A_329 = tpu.memref_slice %arg6[%add3A_325, %dma_start3A_328] : memref<20480x128xf32, #tpu.memory_space<hbm>> -> memref<64x128xf32, #tpu.memory_space<hbm>>
    tpu.enqueue_dma source(%arg23 : memref<64x128xf32, #tpu.memory_space<vmem>>) target(%dma_start3A_329 : memref<64x128xf32, #tpu.memory_space<hbm>>) target_semaphore(%arg44 : memref<!tpu.dma_semaphore, #tpu.memory_space<semaphore_mem>>)
    %mul3A_330 = arith.constant 640 : i32
    %mul3A_331 = arith.muli %arg1, %mul3A_330 : i32
    %add3A_332 = arith.constant 64 : i32
    %add3A_333 = arith.addi %mul3A_331, %add3A_332 : i32
    %mul3A_334 = arith.constant 10240 : i32
    %mul3A_335 = arith.muli %arg0, %mul3A_334 : i32
    %add3A_336 = arith.addi %mul3A_335, %add3A_333 : i32
    %dma_wait3A_337 = arith.constant 0 : i32
    %dma_wait3A_338 = tpu.memref_slice %arg6[%add3A_336, %dma_wait3A_337] : memref<20480x128xf32, #tpu.memory_space<hbm>> -> memref<64x128xf32, #tpu.memory_space<hbm>>
    %dma_wait3A_339 = arith.constant 0 : i32
    %dma_wait3A_340 = tpu.memref_slice %arg6[%add3A_336, %dma_wait3A_339] : memref<20480x128xf32, #tpu.memory_space<hbm>> -> memref<64x128xf32, #tpu.memory_space<hbm>>
    tpu.wait_dma2 semaphore(%arg45 : memref<!tpu.dma_semaphore, #tpu.memory_space<semaphore_mem>>) src(%arg24 : memref<64x128xf32, #tpu.memory_space<vmem>>) dst(%dma_wait3A_340 : memref<64x128xf32, #tpu.memory_space<hbm>>)
    %mul3A_341 = arith.constant 640 : i32
    %mul3A_342 = arith.muli %arg1, %mul3A_341 : i32
    %add3A_343 = arith.constant 320 : i32
    %add3A_344 = arith.addi %mul3A_342, %add3A_343 : i32
    "tpu.region"() ({
      %run_scoped3A = tpu.sem_alloc : memref<!tpu.dma_semaphore, #tpu.memory_space<semaphore_mem>>
      %dma_start3A_484 = arith.constant 0 : i32
      %dma_start3A_485 = tpu.memref_slice %arg27[%add3A_344, %dma_start3A_484] : memref<10240x128xf32, #tpu.memory_space<vmem_shared>> -> memref<64x128xf32, #tpu.memory_space<vmem_shared>>
      %dma_start3A_486 = arith.constant 0 : i32
      %dma_start3A_487 = tpu.memref_slice %arg27[%add3A_344, %dma_start3A_486] : memref<10240x128xf32, #tpu.memory_space<vmem_shared>> -> memref<64x128xf32, #tpu.memory_space<vmem_shared>>
      tpu.enqueue_dma source(%dma_start3A_487 : memref<64x128xf32, #tpu.memory_space<vmem_shared>>) target(%arg24 : memref<64x128xf32, #tpu.memory_space<vmem>>) target_semaphore(%run_scoped3A : memref<!tpu.dma_semaphore, #tpu.memory_space<semaphore_mem>>)
      %dma_wait3A_488 = arith.constant 0 : i32
      %dma_wait3A_489 = tpu.memref_slice %arg27[%add3A_344, %dma_wait3A_488] : memref<10240x128xf32, #tpu.memory_space<vmem_shared>> -> memref<64x128xf32, #tpu.memory_space<vmem_shared>>
      %dma_wait3A_490 = arith.constant 0 : i32
      %dma_wait3A_491 = tpu.memref_slice %arg27[%add3A_344, %dma_wait3A_490] : memref<10240x128xf32, #tpu.memory_space<vmem_shared>> -> memref<64x128xf32, #tpu.memory_space<vmem_shared>>
      tpu.wait_dma2 semaphore(%run_scoped3A : memref<!tpu.dma_semaphore, #tpu.memory_space<semaphore_mem>>) src(%dma_wait3A_491 : memref<64x128xf32, #tpu.memory_space<vmem_shared>>) dst(%arg24 : memref<64x128xf32, #tpu.memory_space<vmem>>)
      tpu.yield
    }) : () -> ()
    %mul3A_345 = arith.constant 10240 : i32
    %mul3A_346 = arith.muli %arg0, %mul3A_345 : i32
    %add3A_347 = arith.addi %mul3A_346, %add3A_344 : i32
    %dma_start3A_348 = arith.constant 0 : i32
    %dma_start3A_349 = tpu.memref_slice %arg6[%add3A_347, %dma_start3A_348] : memref<20480x128xf32, #tpu.memory_space<hbm>> -> memref<64x128xf32, #tpu.memory_space<hbm>>
    %dma_start3A_350 = arith.constant 0 : i32
    %dma_start3A_351 = tpu.memref_slice %arg6[%add3A_347, %dma_start3A_350] : memref<20480x128xf32, #tpu.memory_space<hbm>> -> memref<64x128xf32, #tpu.memory_space<hbm>>
    tpu.enqueue_dma source(%arg24 : memref<64x128xf32, #tpu.memory_space<vmem>>) target(%dma_start3A_351 : memref<64x128xf32, #tpu.memory_space<hbm>>) target_semaphore(%arg45 : memref<!tpu.dma_semaphore, #tpu.memory_space<semaphore_mem>>)
    %mul3A_352 = arith.constant 640 : i32
    %mul3A_353 = arith.muli %arg1, %mul3A_352 : i32
    %add3A_354 = arith.constant 128 : i32
    %add3A_355 = arith.addi %mul3A_353, %add3A_354 : i32
    %mul3A_356 = arith.constant 10240 : i32
    %mul3A_357 = arith.muli %arg0, %mul3A_356 : i32
    %add3A_358 = arith.addi %mul3A_357, %add3A_355 : i32
    %dma_wait3A_359 = arith.constant 0 : i32
    %dma_wait3A_360 = tpu.memref_slice %arg6[%add3A_358, %dma_wait3A_359] : memref<20480x128xf32, #tpu.memory_space<hbm>> -> memref<64x128xf32, #tpu.memory_space<hbm>>
    %dma_wait3A_361 = arith.constant 0 : i32
    %dma_wait3A_362 = tpu.memref_slice %arg6[%add3A_358, %dma_wait3A_361] : memref<20480x128xf32, #tpu.memory_space<hbm>> -> memref<64x128xf32, #tpu.memory_space<hbm>>
    tpu.wait_dma2 semaphore(%arg46 : memref<!tpu.dma_semaphore, #tpu.memory_space<semaphore_mem>>) src(%arg25 : memref<64x128xf32, #tpu.memory_space<vmem>>) dst(%dma_wait3A_362 : memref<64x128xf32, #tpu.memory_space<hbm>>)
    %mul3A_363 = arith.constant 640 : i32
    %mul3A_364 = arith.muli %arg1, %mul3A_363 : i32
    %add3A_365 = arith.constant 384 : i32
    %add3A_366 = arith.addi %mul3A_364, %add3A_365 : i32
    "tpu.region"() ({
      %run_scoped3A = tpu.sem_alloc : memref<!tpu.dma_semaphore, #tpu.memory_space<semaphore_mem>>
      %dma_start3A_484 = arith.constant 0 : i32
      %dma_start3A_485 = tpu.memref_slice %arg27[%add3A_366, %dma_start3A_484] : memref<10240x128xf32, #tpu.memory_space<vmem_shared>> -> memref<64x128xf32, #tpu.memory_space<vmem_shared>>
      %dma_start3A_486 = arith.constant 0 : i32
      %dma_start3A_487 = tpu.memref_slice %arg27[%add3A_366, %dma_start3A_486] : memref<10240x128xf32, #tpu.memory_space<vmem_shared>> -> memref<64x128xf32, #tpu.memory_space<vmem_shared>>
      tpu.enqueue_dma source(%dma_start3A_487 : memref<64x128xf32, #tpu.memory_space<vmem_shared>>) target(%arg25 : memref<64x128xf32, #tpu.memory_space<vmem>>) target_semaphore(%run_scoped3A : memref<!tpu.dma_semaphore, #tpu.memory_space<semaphore_mem>>)
      %dma_wait3A_488 = arith.constant 0 : i32
      %dma_wait3A_489 = tpu.memref_slice %arg27[%add3A_366, %dma_wait3A_488] : memref<10240x128xf32, #tpu.memory_space<vmem_shared>> -> memref<64x128xf32, #tpu.memory_space<vmem_shared>>
      %dma_wait3A_490 = arith.constant 0 : i32
      %dma_wait3A_491 = tpu.memref_slice %arg27[%add3A_366, %dma_wait3A_490] : memref<10240x128xf32, #tpu.memory_space<vmem_shared>> -> memref<64x128xf32, #tpu.memory_space<vmem_shared>>
      tpu.wait_dma2 semaphore(%run_scoped3A : memref<!tpu.dma_semaphore, #tpu.memory_space<semaphore_mem>>) src(%dma_wait3A_491 : memref<64x128xf32, #tpu.memory_space<vmem_shared>>) dst(%arg25 : memref<64x128xf32, #tpu.memory_space<vmem>>)
      tpu.yield
    }) : () -> ()
    %mul3A_367 = arith.constant 10240 : i32
    %mul3A_368 = arith.muli %arg0, %mul3A_367 : i32
    %add3A_369 = arith.addi %mul3A_368, %add3A_366 : i32
    %dma_start3A_370 = arith.constant 0 : i32
    %dma_start3A_371 = tpu.memref_slice %arg6[%add3A_369, %dma_start3A_370] : memref<20480x128xf32, #tpu.memory_space<hbm>> -> memref<64x128xf32, #tpu.memory_space<hbm>>
    %dma_start3A_372 = arith.constant 0 : i32
    %dma_start3A_373 = tpu.memref_slice %arg6[%add3A_369, %dma_start3A_372] : memref<20480x128xf32, #tpu.memory_space<hbm>> -> memref<64x128xf32, #tpu.memory_space<hbm>>
    tpu.enqueue_dma source(%arg25 : memref<64x128xf32, #tpu.memory_space<vmem>>) target(%dma_start3A_373 : memref<64x128xf32, #tpu.memory_space<hbm>>) target_semaphore(%arg46 : memref<!tpu.dma_semaphore, #tpu.memory_space<semaphore_mem>>)
    %mul3A_374 = arith.constant 640 : i32
    %mul3A_375 = arith.muli %arg1, %mul3A_374 : i32
    %add3A_376 = arith.constant 192 : i32
    %add3A_377 = arith.addi %mul3A_375, %add3A_376 : i32
    %mul3A_378 = arith.constant 10240 : i32
    %mul3A_379 = arith.muli %arg0, %mul3A_378 : i32
    %add3A_380 = arith.addi %mul3A_379, %add3A_377 : i32
    %dma_wait3A_381 = arith.constant 0 : i32
    %dma_wait3A_382 = tpu.memref_slice %arg6[%add3A_380, %dma_wait3A_381] : memref<20480x128xf32, #tpu.memory_space<hbm>> -> memref<64x128xf32, #tpu.memory_space<hbm>>
    %dma_wait3A_383 = arith.constant 0 : i32
    %dma_wait3A_384 = tpu.memref_slice %arg6[%add3A_380, %dma_wait3A_383] : memref<20480x128xf32, #tpu.memory_space<hbm>> -> memref<64x128xf32, #tpu.memory_space<hbm>>
    tpu.wait_dma2 semaphore(%arg47 : memref<!tpu.dma_semaphore, #tpu.memory_space<semaphore_mem>>) src(%arg26 : memref<64x128xf32, #tpu.memory_space<vmem>>) dst(%dma_wait3A_384 : memref<64x128xf32, #tpu.memory_space<hbm>>)
    %mul3A_385 = arith.constant 640 : i32
    %mul3A_386 = arith.muli %arg1, %mul3A_385 : i32
    %add3A_387 = arith.constant 448 : i32
    %add3A_388 = arith.addi %mul3A_386, %add3A_387 : i32
    "tpu.region"() ({
      %run_scoped3A = tpu.sem_alloc : memref<!tpu.dma_semaphore, #tpu.memory_space<semaphore_mem>>
      %dma_start3A_484 = arith.constant 0 : i32
      %dma_start3A_485 = tpu.memref_slice %arg27[%add3A_388, %dma_start3A_484] : memref<10240x128xf32, #tpu.memory_space<vmem_shared>> -> memref<64x128xf32, #tpu.memory_space<vmem_shared>>
      %dma_start3A_486 = arith.constant 0 : i32
      %dma_start3A_487 = tpu.memref_slice %arg27[%add3A_388, %dma_start3A_486] : memref<10240x128xf32, #tpu.memory_space<vmem_shared>> -> memref<64x128xf32, #tpu.memory_space<vmem_shared>>
      tpu.enqueue_dma source(%dma_start3A_487 : memref<64x128xf32, #tpu.memory_space<vmem_shared>>) target(%arg26 : memref<64x128xf32, #tpu.memory_space<vmem>>) target_semaphore(%run_scoped3A : memref<!tpu.dma_semaphore, #tpu.memory_space<semaphore_mem>>)
      %dma_wait3A_488 = arith.constant 0 : i32
      %dma_wait3A_489 = tpu.memref_slice %arg27[%add3A_388, %dma_wait3A_488] : memref<10240x128xf32, #tpu.memory_space<vmem_shared>> -> memref<64x128xf32, #tpu.memory_space<vmem_shared>>
      %dma_wait3A_490 = arith.constant 0 : i32
      %dma_wait3A_491 = tpu.memref_slice %arg27[%add3A_388, %dma_wait3A_490] : memref<10240x128xf32, #tpu.memory_space<vmem_shared>> -> memref<64x128xf32, #tpu.memory_space<vmem_shared>>
      tpu.wait_dma2 semaphore(%run_scoped3A : memref<!tpu.dma_semaphore, #tpu.memory_space<semaphore_mem>>) src(%dma_wait3A_491 : memref<64x128xf32, #tpu.memory_space<vmem_shared>>) dst(%arg26 : memref<64x128xf32, #tpu.memory_space<vmem>>)
      tpu.yield
    }) : () -> ()
    %mul3A_389 = arith.constant 10240 : i32
    %mul3A_390 = arith.muli %arg0, %mul3A_389 : i32
    %add3A_391 = arith.addi %mul3A_390, %add3A_388 : i32
    %dma_start3A_392 = arith.constant 0 : i32
    %dma_start3A_393 = tpu.memref_slice %arg6[%add3A_391, %dma_start3A_392] : memref<20480x128xf32, #tpu.memory_space<hbm>> -> memref<64x128xf32, #tpu.memory_space<hbm>>
    %dma_start3A_394 = arith.constant 0 : i32
    %dma_start3A_395 = tpu.memref_slice %arg6[%add3A_391, %dma_start3A_394] : memref<20480x128xf32, #tpu.memory_space<hbm>> -> memref<64x128xf32, #tpu.memory_space<hbm>>
    tpu.enqueue_dma source(%arg26 : memref<64x128xf32, #tpu.memory_space<vmem>>) target(%dma_start3A_395 : memref<64x128xf32, #tpu.memory_space<hbm>>) target_semaphore(%arg47 : memref<!tpu.dma_semaphore, #tpu.memory_space<semaphore_mem>>)
    %mul3A_396 = arith.constant 640 : i32
    %mul3A_397 = arith.muli %arg1, %mul3A_396 : i32
    %add3A_398 = arith.constant 256 : i32
    %add3A_399 = arith.addi %mul3A_397, %add3A_398 : i32
    %mul3A_400 = arith.constant 10240 : i32
    %mul3A_401 = arith.muli %arg0, %mul3A_400 : i32
    %add3A_402 = arith.addi %mul3A_401, %add3A_399 : i32
    %dma_wait3A_403 = arith.constant 0 : i32
    %dma_wait3A_404 = tpu.memref_slice %arg6[%add3A_402, %dma_wait3A_403] : memref<20480x128xf32, #tpu.memory_space<hbm>> -> memref<64x128xf32, #tpu.memory_space<hbm>>
    %dma_wait3A_405 = arith.constant 0 : i32
    %dma_wait3A_406 = tpu.memref_slice %arg6[%add3A_402, %dma_wait3A_405] : memref<20480x128xf32, #tpu.memory_space<hbm>> -> memref<64x128xf32, #tpu.memory_space<hbm>>
    tpu.wait_dma2 semaphore(%arg44 : memref<!tpu.dma_semaphore, #tpu.memory_space<semaphore_mem>>) src(%arg23 : memref<64x128xf32, #tpu.memory_space<vmem>>) dst(%dma_wait3A_406 : memref<64x128xf32, #tpu.memory_space<hbm>>)
    %mul3A_407 = arith.constant 640 : i32
    %mul3A_408 = arith.muli %arg1, %mul3A_407 : i32
    %add3A_409 = arith.constant 512 : i32
    %add3A_410 = arith.addi %mul3A_408, %add3A_409 : i32
    "tpu.region"() ({
      %run_scoped3A = tpu.sem_alloc : memref<!tpu.dma_semaphore, #tpu.memory_space<semaphore_mem>>
      %dma_start3A_484 = arith.constant 0 : i32
      %dma_start3A_485 = tpu.memref_slice %arg27[%add3A_410, %dma_start3A_484] : memref<10240x128xf32, #tpu.memory_space<vmem_shared>> -> memref<64x128xf32, #tpu.memory_space<vmem_shared>>
      %dma_start3A_486 = arith.constant 0 : i32
      %dma_start3A_487 = tpu.memref_slice %arg27[%add3A_410, %dma_start3A_486] : memref<10240x128xf32, #tpu.memory_space<vmem_shared>> -> memref<64x128xf32, #tpu.memory_space<vmem_shared>>
      tpu.enqueue_dma source(%dma_start3A_487 : memref<64x128xf32, #tpu.memory_space<vmem_shared>>) target(%arg23 : memref<64x128xf32, #tpu.memory_space<vmem>>) target_semaphore(%run_scoped3A : memref<!tpu.dma_semaphore, #tpu.memory_space<semaphore_mem>>)
      %dma_wait3A_488 = arith.constant 0 : i32
      %dma_wait3A_489 = tpu.memref_slice %arg27[%add3A_410, %dma_wait3A_488] : memref<10240x128xf32, #tpu.memory_space<vmem_shared>> -> memref<64x128xf32, #tpu.memory_space<vmem_shared>>
      %dma_wait3A_490 = arith.constant 0 : i32
      %dma_wait3A_491 = tpu.memref_slice %arg27[%add3A_410, %dma_wait3A_490] : memref<10240x128xf32, #tpu.memory_space<vmem_shared>> -> memref<64x128xf32, #tpu.memory_space<vmem_shared>>
      tpu.wait_dma2 semaphore(%run_scoped3A : memref<!tpu.dma_semaphore, #tpu.memory_space<semaphore_mem>>) src(%dma_wait3A_491 : memref<64x128xf32, #tpu.memory_space<vmem_shared>>) dst(%arg23 : memref<64x128xf32, #tpu.memory_space<vmem>>)
      tpu.yield
    }) : () -> ()
    %mul3A_411 = arith.constant 10240 : i32
    %mul3A_412 = arith.muli %arg0, %mul3A_411 : i32
    %add3A_413 = arith.addi %mul3A_412, %add3A_410 : i32
    %dma_start3A_414 = arith.constant 0 : i32
    %dma_start3A_415 = tpu.memref_slice %arg6[%add3A_413, %dma_start3A_414] : memref<20480x128xf32, #tpu.memory_space<hbm>> -> memref<64x128xf32, #tpu.memory_space<hbm>>
    %dma_start3A_416 = arith.constant 0 : i32
    %dma_start3A_417 = tpu.memref_slice %arg6[%add3A_413, %dma_start3A_416] : memref<20480x128xf32, #tpu.memory_space<hbm>> -> memref<64x128xf32, #tpu.memory_space<hbm>>
    tpu.enqueue_dma source(%arg23 : memref<64x128xf32, #tpu.memory_space<vmem>>) target(%dma_start3A_417 : memref<64x128xf32, #tpu.memory_space<hbm>>) target_semaphore(%arg44 : memref<!tpu.dma_semaphore, #tpu.memory_space<semaphore_mem>>)
    %mul3A_418 = arith.constant 640 : i32
    %mul3A_419 = arith.muli %arg1, %mul3A_418 : i32
    %add3A_420 = arith.constant 320 : i32
    %add3A_421 = arith.addi %mul3A_419, %add3A_420 : i32
    %mul3A_422 = arith.constant 10240 : i32
    %mul3A_423 = arith.muli %arg0, %mul3A_422 : i32
    %add3A_424 = arith.addi %mul3A_423, %add3A_421 : i32
    %dma_wait3A_425 = arith.constant 0 : i32
    %dma_wait3A_426 = tpu.memref_slice %arg6[%add3A_424, %dma_wait3A_425] : memref<20480x128xf32, #tpu.memory_space<hbm>> -> memref<64x128xf32, #tpu.memory_space<hbm>>
    %dma_wait3A_427 = arith.constant 0 : i32
    %dma_wait3A_428 = tpu.memref_slice %arg6[%add3A_424, %dma_wait3A_427] : memref<20480x128xf32, #tpu.memory_space<hbm>> -> memref<64x128xf32, #tpu.memory_space<hbm>>
    tpu.wait_dma2 semaphore(%arg45 : memref<!tpu.dma_semaphore, #tpu.memory_space<semaphore_mem>>) src(%arg24 : memref<64x128xf32, #tpu.memory_space<vmem>>) dst(%dma_wait3A_428 : memref<64x128xf32, #tpu.memory_space<hbm>>)
    %mul3A_429 = arith.constant 640 : i32
    %mul3A_430 = arith.muli %arg1, %mul3A_429 : i32
    %add3A_431 = arith.constant 576 : i32
    %add3A_432 = arith.addi %mul3A_430, %add3A_431 : i32
    "tpu.region"() ({
      %run_scoped3A = tpu.sem_alloc : memref<!tpu.dma_semaphore, #tpu.memory_space<semaphore_mem>>
      %dma_start3A_484 = arith.constant 0 : i32
      %dma_start3A_485 = tpu.memref_slice %arg27[%add3A_432, %dma_start3A_484] : memref<10240x128xf32, #tpu.memory_space<vmem_shared>> -> memref<64x128xf32, #tpu.memory_space<vmem_shared>>
      %dma_start3A_486 = arith.constant 0 : i32
      %dma_start3A_487 = tpu.memref_slice %arg27[%add3A_432, %dma_start3A_486] : memref<10240x128xf32, #tpu.memory_space<vmem_shared>> -> memref<64x128xf32, #tpu.memory_space<vmem_shared>>
      tpu.enqueue_dma source(%dma_start3A_487 : memref<64x128xf32, #tpu.memory_space<vmem_shared>>) target(%arg24 : memref<64x128xf32, #tpu.memory_space<vmem>>) target_semaphore(%run_scoped3A : memref<!tpu.dma_semaphore, #tpu.memory_space<semaphore_mem>>)
      %dma_wait3A_488 = arith.constant 0 : i32
      %dma_wait3A_489 = tpu.memref_slice %arg27[%add3A_432, %dma_wait3A_488] : memref<10240x128xf32, #tpu.memory_space<vmem_shared>> -> memref<64x128xf32, #tpu.memory_space<vmem_shared>>
      %dma_wait3A_490 = arith.constant 0 : i32
      %dma_wait3A_491 = tpu.memref_slice %arg27[%add3A_432, %dma_wait3A_490] : memref<10240x128xf32, #tpu.memory_space<vmem_shared>> -> memref<64x128xf32, #tpu.memory_space<vmem_shared>>
      tpu.wait_dma2 semaphore(%run_scoped3A : memref<!tpu.dma_semaphore, #tpu.memory_space<semaphore_mem>>) src(%dma_wait3A_491 : memref<64x128xf32, #tpu.memory_space<vmem_shared>>) dst(%arg24 : memref<64x128xf32, #tpu.memory_space<vmem>>)
      tpu.yield
    }) : () -> ()
    %mul3A_433 = arith.constant 10240 : i32
    %mul3A_434 = arith.muli %arg0, %mul3A_433 : i32
    %add3A_435 = arith.addi %mul3A_434, %add3A_432 : i32
    %dma_start3A_436 = arith.constant 0 : i32
    %dma_start3A_437 = tpu.memref_slice %arg6[%add3A_435, %dma_start3A_436] : memref<20480x128xf32, #tpu.memory_space<hbm>> -> memref<64x128xf32, #tpu.memory_space<hbm>>
    %dma_start3A_438 = arith.constant 0 : i32
    %dma_start3A_439 = tpu.memref_slice %arg6[%add3A_435, %dma_start3A_438] : memref<20480x128xf32, #tpu.memory_space<hbm>> -> memref<64x128xf32, #tpu.memory_space<hbm>>
    tpu.enqueue_dma source(%arg24 : memref<64x128xf32, #tpu.memory_space<vmem>>) target(%dma_start3A_439 : memref<64x128xf32, #tpu.memory_space<hbm>>) target_semaphore(%arg45 : memref<!tpu.dma_semaphore, #tpu.memory_space<semaphore_mem>>)
    %mul3A_440 = arith.constant 640 : i32
    %mul3A_441 = arith.muli %arg1, %mul3A_440 : i32
    %add3A_442 = arith.constant 384 : i32
    %add3A_443 = arith.addi %mul3A_441, %add3A_442 : i32
    %mul3A_444 = arith.constant 10240 : i32
    %mul3A_445 = arith.muli %arg0, %mul3A_444 : i32
    %add3A_446 = arith.addi %mul3A_445, %add3A_443 : i32
    %dma_wait3A_447 = arith.constant 0 : i32
    %dma_wait3A_448 = tpu.memref_slice %arg6[%add3A_446, %dma_wait3A_447] : memref<20480x128xf32, #tpu.memory_space<hbm>> -> memref<64x128xf32, #tpu.memory_space<hbm>>
    %dma_wait3A_449 = arith.constant 0 : i32
    %dma_wait3A_450 = tpu.memref_slice %arg6[%add3A_446, %dma_wait3A_449] : memref<20480x128xf32, #tpu.memory_space<hbm>> -> memref<64x128xf32, #tpu.memory_space<hbm>>
    tpu.wait_dma2 semaphore(%arg46 : memref<!tpu.dma_semaphore, #tpu.memory_space<semaphore_mem>>) src(%arg25 : memref<64x128xf32, #tpu.memory_space<vmem>>) dst(%dma_wait3A_450 : memref<64x128xf32, #tpu.memory_space<hbm>>)
    %mul3A_451 = arith.constant 640 : i32
    %mul3A_452 = arith.muli %arg1, %mul3A_451 : i32
    %add3A_453 = arith.constant 448 : i32
    %add3A_454 = arith.addi %mul3A_452, %add3A_453 : i32
    %mul3A_455 = arith.constant 10240 : i32
    %mul3A_456 = arith.muli %arg0, %mul3A_455 : i32
    %add3A_457 = arith.addi %mul3A_456, %add3A_454 : i32
    %dma_wait3A_458 = arith.constant 0 : i32
    %dma_wait3A_459 = tpu.memref_slice %arg6[%add3A_457, %dma_wait3A_458] : memref<20480x128xf32, #tpu.memory_space<hbm>> -> memref<64x128xf32, #tpu.memory_space<hbm>>
    %dma_wait3A_460 = arith.constant 0 : i32
    %dma_wait3A_461 = tpu.memref_slice %arg6[%add3A_457, %dma_wait3A_460] : memref<20480x128xf32, #tpu.memory_space<hbm>> -> memref<64x128xf32, #tpu.memory_space<hbm>>
    tpu.wait_dma2 semaphore(%arg47 : memref<!tpu.dma_semaphore, #tpu.memory_space<semaphore_mem>>) src(%arg26 : memref<64x128xf32, #tpu.memory_space<vmem>>) dst(%dma_wait3A_461 : memref<64x128xf32, #tpu.memory_space<hbm>>)
    %mul3A_462 = arith.constant 640 : i32
    %mul3A_463 = arith.muli %arg1, %mul3A_462 : i32
    %add3A_464 = arith.constant 512 : i32
    %add3A_465 = arith.addi %mul3A_463, %add3A_464 : i32
    %mul3A_466 = arith.constant 10240 : i32
    %mul3A_467 = arith.muli %arg0, %mul3A_466 : i32
    %add3A_468 = arith.addi %mul3A_467, %add3A_465 : i32
    %dma_wait3A_469 = arith.constant 0 : i32
    %dma_wait3A_470 = tpu.memref_slice %arg6[%add3A_468, %dma_wait3A_469] : memref<20480x128xf32, #tpu.memory_space<hbm>> -> memref<64x128xf32, #tpu.memory_space<hbm>>
    %dma_wait3A_471 = arith.constant 0 : i32
    %dma_wait3A_472 = tpu.memref_slice %arg6[%add3A_468, %dma_wait3A_471] : memref<20480x128xf32, #tpu.memory_space<hbm>> -> memref<64x128xf32, #tpu.memory_space<hbm>>
    tpu.wait_dma2 semaphore(%arg44 : memref<!tpu.dma_semaphore, #tpu.memory_space<semaphore_mem>>) src(%arg23 : memref<64x128xf32, #tpu.memory_space<vmem>>) dst(%dma_wait3A_472 : memref<64x128xf32, #tpu.memory_space<hbm>>)
    %mul3A_473 = arith.constant 640 : i32
    %mul3A_474 = arith.muli %arg1, %mul3A_473 : i32
    %add3A_475 = arith.constant 576 : i32
    %add3A_476 = arith.addi %mul3A_474, %add3A_475 : i32
    %mul3A_477 = arith.constant 10240 : i32
    %mul3A_478 = arith.muli %arg0, %mul3A_477 : i32
    %add3A_479 = arith.addi %mul3A_478, %add3A_476 : i32
    %dma_wait3A_480 = arith.constant 0 : i32
    %dma_wait3A_481 = tpu.memref_slice %arg6[%add3A_479, %dma_wait3A_480] : memref<20480x128xf32, #tpu.memory_space<hbm>> -> memref<64x128xf32, #tpu.memory_space<hbm>>
    %dma_wait3A_482 = arith.constant 0 : i32
    %dma_wait3A_483 = tpu.memref_slice %arg6[%add3A_479, %dma_wait3A_482] : memref<20480x128xf32, #tpu.memory_space<hbm>> -> memref<64x128xf32, #tpu.memory_space<hbm>>
    tpu.wait_dma2 semaphore(%arg45 : memref<!tpu.dma_semaphore, #tpu.memory_space<semaphore_mem>>) src(%arg24 : memref<64x128xf32, #tpu.memory_space<vmem>>) dst(%dma_wait3A_483 : memref<64x128xf32, #tpu.memory_space<hbm>>)
    return
  }
}

#map = affine_map<(d0, d1) -> (0)>
#map1 = affine_map<(d0, d1) -> (0, 0)>
module attributes {stable_mosaic.version = 14 : i64} {
  func.func @k(%arg0: i32, %arg1: i32, %arg2: memref<327680xi32, #tpu.memory_space<hbm>>, %arg3: memref<128x128xf32, #tpu.memory_space<hbm>>, %arg4: memref<128x128xf32, #tpu.memory_space<hbm>>, %arg5: memref<20480x128xf32, #tpu.memory_space<hbm>>, %arg6: memref<128xi32, #tpu.memory_space<vmem>>, %arg7: memref<128xi32, #tpu.memory_space<vmem>>, %arg8: memref<128xi32, #tpu.memory_space<vmem>>, %arg9: memref<128xi32, #tpu.memory_space<vmem>>, %arg10: memref<128x128xf32, #tpu.memory_space<vmem>>, %arg11: memref<128x128xf32, #tpu.memory_space<vmem>>, %arg12: memref<10240x128xf32, #tpu.memory_space<vmem_shared>>, %arg13: memref<!tpu.dma_semaphore, #tpu.memory_space<semaphore_mem>>, %arg14: memref<!tpu.dma_semaphore, #tpu.memory_space<semaphore_mem>>, %arg15: memref<!tpu.dma_semaphore, #tpu.memory_space<semaphore_mem>>, %arg16: memref<!tpu.dma_semaphore, #tpu.memory_space<semaphore_mem>>, %arg17: memref<!tpu.dma_semaphore, #tpu.memory_space<semaphore_mem>>, %arg18: memref<!tpu.dma_semaphore, #tpu.memory_space<semaphore_mem>>, %arg19: memref<!tpu.dma_semaphore, #tpu.memory_space<semaphore_mem>>, %arg20: memref<!tpu.dma_semaphore, #tpu.memory_space<semaphore_mem>>) attributes {dimension_semantics = [#tpu.dimension_semantics<core_parallel>, #tpu.dimension_semantics<subcore_parallel>], iteration_bounds = array<i64: 2, 16>, scalar_prefetch = 0 : i64, scratch_operands = 15 : i64, tpu.core_type = #tpu.core_type<sc_vector_subcore>, window_params = [{transform_indices = #map}, {transform_indices = #map1}, {transform_indices = #map1}, {transform_indices = #map1}]} {
    %mul3A = arith.constant 16 : i32
    %mul3A_0 = arith.muli %arg0, %mul3A : i32
    %add3A = arith.addi %mul3A_0, %arg1 : i32
    %mul3A_1 = arith.constant 10240 : i32
    %mul3A_2 = arith.muli %add3A, %mul3A_1 : i32
    %add3A_3 = arith.constant 0 : i32
    %add3A_4 = arith.addi %mul3A_2, %add3A_3 : i32
    %dma_start3A = tpu.memref_slice %arg2[%add3A_4] : memref<327680xi32, #tpu.memory_space<hbm>> -> memref<128xi32, #tpu.memory_space<hbm>>
    %dma_start3A_5 = tpu.memref_slice %arg2[%add3A_4] : memref<327680xi32, #tpu.memory_space<hbm>> -> memref<128xi32, #tpu.memory_space<hbm>>
    tpu.enqueue_dma source(%dma_start3A_5 : memref<128xi32, #tpu.memory_space<hbm>>) target(%arg6 : memref<128xi32, #tpu.memory_space<vmem>>) target_semaphore(%arg13 : memref<!tpu.dma_semaphore, #tpu.memory_space<semaphore_mem>>)
    %add3A_6 = arith.constant 128 : i32
    %add3A_7 = arith.addi %mul3A_2, %add3A_6 : i32
    %dma_start3A_8 = tpu.memref_slice %arg2[%add3A_7] : memref<327680xi32, #tpu.memory_space<hbm>> -> memref<128xi32, #tpu.memory_space<hbm>>
    %dma_start3A_9 = tpu.memref_slice %arg2[%add3A_7] : memref<327680xi32, #tpu.memory_space<hbm>> -> memref<128xi32, #tpu.memory_space<hbm>>
    tpu.enqueue_dma source(%dma_start3A_9 : memref<128xi32, #tpu.memory_space<hbm>>) target(%arg7 : memref<128xi32, #tpu.memory_space<vmem>>) target_semaphore(%arg14 : memref<!tpu.dma_semaphore, #tpu.memory_space<semaphore_mem>>)
    %add3A_10 = arith.constant 256 : i32
    %add3A_11 = arith.addi %mul3A_2, %add3A_10 : i32
    %dma_start3A_12 = tpu.memref_slice %arg2[%add3A_11] : memref<327680xi32, #tpu.memory_space<hbm>> -> memref<128xi32, #tpu.memory_space<hbm>>
    %dma_start3A_13 = tpu.memref_slice %arg2[%add3A_11] : memref<327680xi32, #tpu.memory_space<hbm>> -> memref<128xi32, #tpu.memory_space<hbm>>
    tpu.enqueue_dma source(%dma_start3A_13 : memref<128xi32, #tpu.memory_space<hbm>>) target(%arg8 : memref<128xi32, #tpu.memory_space<vmem>>) target_semaphore(%arg15 : memref<!tpu.dma_semaphore, #tpu.memory_space<semaphore_mem>>)
    %add3A_14 = arith.constant 384 : i32
    %add3A_15 = arith.addi %mul3A_2, %add3A_14 : i32
    %dma_start3A_16 = tpu.memref_slice %arg2[%add3A_15] : memref<327680xi32, #tpu.memory_space<hbm>> -> memref<128xi32, #tpu.memory_space<hbm>>
    %dma_start3A_17 = tpu.memref_slice %arg2[%add3A_15] : memref<327680xi32, #tpu.memory_space<hbm>> -> memref<128xi32, #tpu.memory_space<hbm>>
    tpu.enqueue_dma source(%dma_start3A_17 : memref<128xi32, #tpu.memory_space<hbm>>) target(%arg9 : memref<128xi32, #tpu.memory_space<vmem>>) target_semaphore(%arg16 : memref<!tpu.dma_semaphore, #tpu.memory_space<semaphore_mem>>)
    "tpu.region"() ({
      %run_scoped3A = tpu.sem_alloc : memref<!tpu.dma_semaphore, #tpu.memory_space<semaphore_mem>>
      tpu.enqueue_dma source(%arg3 : memref<128x128xf32, #tpu.memory_space<hbm>>) target(%arg11 : memref<128x128xf32, #tpu.memory_space<vmem>>) target_semaphore(%run_scoped3A : memref<!tpu.dma_semaphore, #tpu.memory_space<semaphore_mem>>)
      tpu.wait_dma2 semaphore(%run_scoped3A : memref<!tpu.dma_semaphore, #tpu.memory_space<semaphore_mem>>) src(%arg3 : memref<128x128xf32, #tpu.memory_space<hbm>>) dst(%arg11 : memref<128x128xf32, #tpu.memory_space<vmem>>)
      tpu.yield
    }) : () -> ()
    %mul3A_18 = arith.constant 640 : i32
    %mul3A_19 = arith.muli %arg1, %mul3A_18 : i32
    %add3A_20 = arith.constant 0 : i32
    %add3A_21 = arith.addi %mul3A_19, %add3A_20 : i32
    "tpu.region"() ({
      %run_scoped3A = tpu.sem_alloc : memref<!tpu.dma_semaphore, #tpu.memory_space<semaphore_mem>>
      %dma_start3A_194 = arith.constant 0 : i32
      %dma_start3A_195 = tpu.memref_slice %arg12[%add3A_21, %dma_start3A_194] : memref<10240x128xf32, #tpu.memory_space<vmem_shared>> -> memref<128x128xf32, #tpu.memory_space<vmem_shared>>
      %dma_start3A_196 = arith.constant 0 : i32
      %dma_start3A_197 = tpu.memref_slice %arg12[%add3A_21, %dma_start3A_196] : memref<10240x128xf32, #tpu.memory_space<vmem_shared>> -> memref<128x128xf32, #tpu.memory_space<vmem_shared>>
      tpu.enqueue_dma source(%arg11 : memref<128x128xf32, #tpu.memory_space<vmem>>) target(%dma_start3A_197 : memref<128x128xf32, #tpu.memory_space<vmem_shared>>) target_semaphore(%run_scoped3A : memref<!tpu.dma_semaphore, #tpu.memory_space<semaphore_mem>>)
      %dma_wait3A_198 = arith.constant 0 : i32
      %dma_wait3A_199 = tpu.memref_slice %arg12[%add3A_21, %dma_wait3A_198] : memref<10240x128xf32, #tpu.memory_space<vmem_shared>> -> memref<128x128xf32, #tpu.memory_space<vmem_shared>>
      %dma_wait3A_200 = arith.constant 0 : i32
      %dma_wait3A_201 = tpu.memref_slice %arg12[%add3A_21, %dma_wait3A_200] : memref<10240x128xf32, #tpu.memory_space<vmem_shared>> -> memref<128x128xf32, #tpu.memory_space<vmem_shared>>
      tpu.wait_dma2 semaphore(%run_scoped3A : memref<!tpu.dma_semaphore, #tpu.memory_space<semaphore_mem>>) src(%arg11 : memref<128x128xf32, #tpu.memory_space<vmem>>) dst(%dma_wait3A_201 : memref<128x128xf32, #tpu.memory_space<vmem_shared>>)
      tpu.yield
    }) : () -> ()
    %mul3A_22 = arith.constant 640 : i32
    %mul3A_23 = arith.muli %arg1, %mul3A_22 : i32
    %add3A_24 = arith.constant 128 : i32
    %add3A_25 = arith.addi %mul3A_23, %add3A_24 : i32
    "tpu.region"() ({
      %run_scoped3A = tpu.sem_alloc : memref<!tpu.dma_semaphore, #tpu.memory_space<semaphore_mem>>
      %dma_start3A_194 = arith.constant 0 : i32
      %dma_start3A_195 = tpu.memref_slice %arg12[%add3A_25, %dma_start3A_194] : memref<10240x128xf32, #tpu.memory_space<vmem_shared>> -> memref<128x128xf32, #tpu.memory_space<vmem_shared>>
      %dma_start3A_196 = arith.constant 0 : i32
      %dma_start3A_197 = tpu.memref_slice %arg12[%add3A_25, %dma_start3A_196] : memref<10240x128xf32, #tpu.memory_space<vmem_shared>> -> memref<128x128xf32, #tpu.memory_space<vmem_shared>>
      tpu.enqueue_dma source(%arg11 : memref<128x128xf32, #tpu.memory_space<vmem>>) target(%dma_start3A_197 : memref<128x128xf32, #tpu.memory_space<vmem_shared>>) target_semaphore(%run_scoped3A : memref<!tpu.dma_semaphore, #tpu.memory_space<semaphore_mem>>)
      %dma_wait3A_198 = arith.constant 0 : i32
      %dma_wait3A_199 = tpu.memref_slice %arg12[%add3A_25, %dma_wait3A_198] : memref<10240x128xf32, #tpu.memory_space<vmem_shared>> -> memref<128x128xf32, #tpu.memory_space<vmem_shared>>
      %dma_wait3A_200 = arith.constant 0 : i32
      %dma_wait3A_201 = tpu.memref_slice %arg12[%add3A_25, %dma_wait3A_200] : memref<10240x128xf32, #tpu.memory_space<vmem_shared>> -> memref<128x128xf32, #tpu.memory_space<vmem_shared>>
      tpu.wait_dma2 semaphore(%run_scoped3A : memref<!tpu.dma_semaphore, #tpu.memory_space<semaphore_mem>>) src(%arg11 : memref<128x128xf32, #tpu.memory_space<vmem>>) dst(%dma_wait3A_201 : memref<128x128xf32, #tpu.memory_space<vmem_shared>>)
      tpu.yield
    }) : () -> ()
    %mul3A_26 = arith.constant 640 : i32
    %mul3A_27 = arith.muli %arg1, %mul3A_26 : i32
    %add3A_28 = arith.constant 256 : i32
    %add3A_29 = arith.addi %mul3A_27, %add3A_28 : i32
    "tpu.region"() ({
      %run_scoped3A = tpu.sem_alloc : memref<!tpu.dma_semaphore, #tpu.memory_space<semaphore_mem>>
      %dma_start3A_194 = arith.constant 0 : i32
      %dma_start3A_195 = tpu.memref_slice %arg12[%add3A_29, %dma_start3A_194] : memref<10240x128xf32, #tpu.memory_space<vmem_shared>> -> memref<128x128xf32, #tpu.memory_space<vmem_shared>>
      %dma_start3A_196 = arith.constant 0 : i32
      %dma_start3A_197 = tpu.memref_slice %arg12[%add3A_29, %dma_start3A_196] : memref<10240x128xf32, #tpu.memory_space<vmem_shared>> -> memref<128x128xf32, #tpu.memory_space<vmem_shared>>
      tpu.enqueue_dma source(%arg11 : memref<128x128xf32, #tpu.memory_space<vmem>>) target(%dma_start3A_197 : memref<128x128xf32, #tpu.memory_space<vmem_shared>>) target_semaphore(%run_scoped3A : memref<!tpu.dma_semaphore, #tpu.memory_space<semaphore_mem>>)
      %dma_wait3A_198 = arith.constant 0 : i32
      %dma_wait3A_199 = tpu.memref_slice %arg12[%add3A_29, %dma_wait3A_198] : memref<10240x128xf32, #tpu.memory_space<vmem_shared>> -> memref<128x128xf32, #tpu.memory_space<vmem_shared>>
      %dma_wait3A_200 = arith.constant 0 : i32
      %dma_wait3A_201 = tpu.memref_slice %arg12[%add3A_29, %dma_wait3A_200] : memref<10240x128xf32, #tpu.memory_space<vmem_shared>> -> memref<128x128xf32, #tpu.memory_space<vmem_shared>>
      tpu.wait_dma2 semaphore(%run_scoped3A : memref<!tpu.dma_semaphore, #tpu.memory_space<semaphore_mem>>) src(%arg11 : memref<128x128xf32, #tpu.memory_space<vmem>>) dst(%dma_wait3A_201 : memref<128x128xf32, #tpu.memory_space<vmem_shared>>)
      tpu.yield
    }) : () -> ()
    %mul3A_30 = arith.constant 640 : i32
    %mul3A_31 = arith.muli %arg1, %mul3A_30 : i32
    %add3A_32 = arith.constant 384 : i32
    %add3A_33 = arith.addi %mul3A_31, %add3A_32 : i32
    "tpu.region"() ({
      %run_scoped3A = tpu.sem_alloc : memref<!tpu.dma_semaphore, #tpu.memory_space<semaphore_mem>>
      %dma_start3A_194 = arith.constant 0 : i32
      %dma_start3A_195 = tpu.memref_slice %arg12[%add3A_33, %dma_start3A_194] : memref<10240x128xf32, #tpu.memory_space<vmem_shared>> -> memref<128x128xf32, #tpu.memory_space<vmem_shared>>
      %dma_start3A_196 = arith.constant 0 : i32
      %dma_start3A_197 = tpu.memref_slice %arg12[%add3A_33, %dma_start3A_196] : memref<10240x128xf32, #tpu.memory_space<vmem_shared>> -> memref<128x128xf32, #tpu.memory_space<vmem_shared>>
      tpu.enqueue_dma source(%arg11 : memref<128x128xf32, #tpu.memory_space<vmem>>) target(%dma_start3A_197 : memref<128x128xf32, #tpu.memory_space<vmem_shared>>) target_semaphore(%run_scoped3A : memref<!tpu.dma_semaphore, #tpu.memory_space<semaphore_mem>>)
      %dma_wait3A_198 = arith.constant 0 : i32
      %dma_wait3A_199 = tpu.memref_slice %arg12[%add3A_33, %dma_wait3A_198] : memref<10240x128xf32, #tpu.memory_space<vmem_shared>> -> memref<128x128xf32, #tpu.memory_space<vmem_shared>>
      %dma_wait3A_200 = arith.constant 0 : i32
      %dma_wait3A_201 = tpu.memref_slice %arg12[%add3A_33, %dma_wait3A_200] : memref<10240x128xf32, #tpu.memory_space<vmem_shared>> -> memref<128x128xf32, #tpu.memory_space<vmem_shared>>
      tpu.wait_dma2 semaphore(%run_scoped3A : memref<!tpu.dma_semaphore, #tpu.memory_space<semaphore_mem>>) src(%arg11 : memref<128x128xf32, #tpu.memory_space<vmem>>) dst(%dma_wait3A_201 : memref<128x128xf32, #tpu.memory_space<vmem_shared>>)
      tpu.yield
    }) : () -> ()
    %mul3A_34 = arith.constant 640 : i32
    %mul3A_35 = arith.muli %arg1, %mul3A_34 : i32
    %add3A_36 = arith.constant 512 : i32
    %add3A_37 = arith.addi %mul3A_35, %add3A_36 : i32
    "tpu.region"() ({
      %run_scoped3A = tpu.sem_alloc : memref<!tpu.dma_semaphore, #tpu.memory_space<semaphore_mem>>
      %dma_start3A_194 = arith.constant 0 : i32
      %dma_start3A_195 = tpu.memref_slice %arg12[%add3A_37, %dma_start3A_194] : memref<10240x128xf32, #tpu.memory_space<vmem_shared>> -> memref<128x128xf32, #tpu.memory_space<vmem_shared>>
      %dma_start3A_196 = arith.constant 0 : i32
      %dma_start3A_197 = tpu.memref_slice %arg12[%add3A_37, %dma_start3A_196] : memref<10240x128xf32, #tpu.memory_space<vmem_shared>> -> memref<128x128xf32, #tpu.memory_space<vmem_shared>>
      tpu.enqueue_dma source(%arg11 : memref<128x128xf32, #tpu.memory_space<vmem>>) target(%dma_start3A_197 : memref<128x128xf32, #tpu.memory_space<vmem_shared>>) target_semaphore(%run_scoped3A : memref<!tpu.dma_semaphore, #tpu.memory_space<semaphore_mem>>)
      %dma_wait3A_198 = arith.constant 0 : i32
      %dma_wait3A_199 = tpu.memref_slice %arg12[%add3A_37, %dma_wait3A_198] : memref<10240x128xf32, #tpu.memory_space<vmem_shared>> -> memref<128x128xf32, #tpu.memory_space<vmem_shared>>
      %dma_wait3A_200 = arith.constant 0 : i32
      %dma_wait3A_201 = tpu.memref_slice %arg12[%add3A_37, %dma_wait3A_200] : memref<10240x128xf32, #tpu.memory_space<vmem_shared>> -> memref<128x128xf32, #tpu.memory_space<vmem_shared>>
      tpu.wait_dma2 semaphore(%run_scoped3A : memref<!tpu.dma_semaphore, #tpu.memory_space<semaphore_mem>>) src(%arg11 : memref<128x128xf32, #tpu.memory_space<vmem>>) dst(%dma_wait3A_201 : memref<128x128xf32, #tpu.memory_space<vmem_shared>>)
      tpu.yield
    }) : () -> ()
    "tpu.region"() ({
      %run_scoped3A = tpu.sem_alloc : memref<!tpu.dma_semaphore, #tpu.memory_space<semaphore_mem>>
      tpu.enqueue_dma source(%arg4 : memref<128x128xf32, #tpu.memory_space<hbm>>) target(%arg10 : memref<128x128xf32, #tpu.memory_space<vmem>>) target_semaphore(%run_scoped3A : memref<!tpu.dma_semaphore, #tpu.memory_space<semaphore_mem>>)
      tpu.wait_dma2 semaphore(%run_scoped3A : memref<!tpu.dma_semaphore, #tpu.memory_space<semaphore_mem>>) src(%arg4 : memref<128x128xf32, #tpu.memory_space<hbm>>) dst(%arg10 : memref<128x128xf32, #tpu.memory_space<vmem>>)
      tpu.yield
    }) : () -> ()
    %barrier3A = arith.constant 0 : index
    tpu.barrier barrier_id(%barrier3A)
    %add3A_38 = arith.constant 0 : i32
    %add3A_39 = arith.addi %mul3A_2, %add3A_38 : i32
    %dma_wait3A = tpu.memref_slice %arg2[%add3A_39] : memref<327680xi32, #tpu.memory_space<hbm>> -> memref<128xi32, #tpu.memory_space<hbm>>
    %dma_wait3A_40 = tpu.memref_slice %arg2[%add3A_39] : memref<327680xi32, #tpu.memory_space<hbm>> -> memref<128xi32, #tpu.memory_space<hbm>>
    tpu.wait_dma2 semaphore(%arg13 : memref<!tpu.dma_semaphore, #tpu.memory_space<semaphore_mem>>) src(%dma_wait3A_40 : memref<128xi32, #tpu.memory_space<hbm>>) dst(%arg6 : memref<128xi32, #tpu.memory_space<vmem>>)
    %dma_start3A_41 = arith.constant 0 : i32
    %dma_start3A_42 = arith.constant 0 : i32
    %dma_start3A_43 = tpu.memref_slice %arg12[%dma_start3A_41, %dma_start3A_42] : memref<10240x128xf32, #tpu.memory_space<vmem_shared>> -> memref<10240x128xf32, #tpu.memory_space<vmem_shared>>
    tpu.enqueue_indirect_dma source(%arg10 : memref<128x128xf32, #tpu.memory_space<vmem>>) target(%dma_start3A_43 : memref<10240x128xf32, #tpu.memory_space<vmem_shared>>) offsets(%arg6 : memref<128xi32, #tpu.memory_space<vmem>>) semaphore(%arg17 : memref<!tpu.dma_semaphore, #tpu.memory_space<semaphore_mem>>) {add = true}
    %add3A_44 = arith.constant 128 : i32
    %add3A_45 = arith.addi %mul3A_2, %add3A_44 : i32
    %dma_wait3A_46 = tpu.memref_slice %arg2[%add3A_45] : memref<327680xi32, #tpu.memory_space<hbm>> -> memref<128xi32, #tpu.memory_space<hbm>>
    %dma_wait3A_47 = tpu.memref_slice %arg2[%add3A_45] : memref<327680xi32, #tpu.memory_space<hbm>> -> memref<128xi32, #tpu.memory_space<hbm>>
    tpu.wait_dma2 semaphore(%arg14 : memref<!tpu.dma_semaphore, #tpu.memory_space<semaphore_mem>>) src(%dma_wait3A_47 : memref<128xi32, #tpu.memory_space<hbm>>) dst(%arg7 : memref<128xi32, #tpu.memory_space<vmem>>)
    %dma_start3A_48 = arith.constant 0 : i32
    %dma_start3A_49 = arith.constant 0 : i32
    %dma_start3A_50 = tpu.memref_slice %arg12[%dma_start3A_48, %dma_start3A_49] : memref<10240x128xf32, #tpu.memory_space<vmem_shared>> -> memref<10240x128xf32, #tpu.memory_space<vmem_shared>>
    tpu.enqueue_indirect_dma source(%arg10 : memref<128x128xf32, #tpu.memory_space<vmem>>) target(%dma_start3A_50 : memref<10240x128xf32, #tpu.memory_space<vmem_shared>>) offsets(%arg7 : memref<128xi32, #tpu.memory_space<vmem>>) semaphore(%arg18 : memref<!tpu.dma_semaphore, #tpu.memory_space<semaphore_mem>>) {add = true}
    %scan3A = arith.constant 0 : i32
    %scan3A_51 = arith.constant 0 : i32
    %scan3A_52 = arith.constant 19 : i32
    %scan3A_53 = arith.addi %scan3A_51, %scan3A_52 : i32
    %scan3A_54 = arith.constant 1 : i32
    %scan3A_55 = scf.for %scan3A_194 = %scan3A_51 to %scan3A_53 step %scan3A_54 iter_args(%scan3A_195 = %scan3A) -> (i32)  : i32 {
      %mul3A_196 = arith.constant 4 : i32
      %mul3A_197 = arith.muli %mul3A_196, %scan3A_194 : i32
      %add3A_198 = arith.constant 2 : i32
      %add3A_199 = arith.addi %mul3A_197, %add3A_198 : i32
      %dma_wait3A_200 = arith.constant 0 : i32
      %dma_wait3A_201 = arith.constant 0 : i32
      %dma_wait3A_202 = tpu.memref_slice %arg12[%dma_wait3A_200, %dma_wait3A_201] : memref<10240x128xf32, #tpu.memory_space<vmem_shared>> -> memref<10240x128xf32, #tpu.memory_space<vmem_shared>>
      tpu.wait_indirect_dma semaphore(%arg17 : memref<!tpu.dma_semaphore, #tpu.memory_space<semaphore_mem>>) src(%arg10 : memref<128x128xf32, #tpu.memory_space<vmem>>) dst(%dma_wait3A_202 : memref<10240x128xf32, #tpu.memory_space<vmem_shared>>)
      %add3A_203 = arith.constant 0 : i32
      %add3A_204 = arith.addi %add3A_199, %add3A_203 : i32
      %add3A_205 = arith.constant 2 : i32
      %add3A_206 = arith.addi %add3A_204, %add3A_205 : i32
      %mul3A_207 = arith.constant 128 : i32
      %mul3A_208 = arith.muli %add3A_206, %mul3A_207 : i32
      %add3A_209 = arith.addi %mul3A_2, %mul3A_208 : i32
      %dma_start3A_210 = tpu.memref_slice %arg2[%add3A_209] : memref<327680xi32, #tpu.memory_space<hbm>> -> memref<128xi32, #tpu.memory_space<hbm>>
      %dma_start3A_211 = tpu.memref_slice %arg2[%add3A_209] : memref<327680xi32, #tpu.memory_space<hbm>> -> memref<128xi32, #tpu.memory_space<hbm>>
      tpu.enqueue_dma source(%dma_start3A_211 : memref<128xi32, #tpu.memory_space<hbm>>) target(%arg6 : memref<128xi32, #tpu.memory_space<vmem>>) target_semaphore(%arg13 : memref<!tpu.dma_semaphore, #tpu.memory_space<semaphore_mem>>)
      %add3A_212 = arith.constant 0 : i32
      %add3A_213 = arith.addi %add3A_199, %add3A_212 : i32
      %mul3A_214 = arith.constant 128 : i32
      %mul3A_215 = arith.muli %add3A_213, %mul3A_214 : i32
      %add3A_216 = arith.addi %mul3A_2, %mul3A_215 : i32
      %dma_wait3A_217 = tpu.memref_slice %arg2[%add3A_216] : memref<327680xi32, #tpu.memory_space<hbm>> -> memref<128xi32, #tpu.memory_space<hbm>>
      %dma_wait3A_218 = tpu.memref_slice %arg2[%add3A_216] : memref<327680xi32, #tpu.memory_space<hbm>> -> memref<128xi32, #tpu.memory_space<hbm>>
      tpu.wait_dma2 semaphore(%arg15 : memref<!tpu.dma_semaphore, #tpu.memory_space<semaphore_mem>>) src(%dma_wait3A_218 : memref<128xi32, #tpu.memory_space<hbm>>) dst(%arg8 : memref<128xi32, #tpu.memory_space<vmem>>)
      %dma_start3A_219 = arith.constant 0 : i32
      %dma_start3A_220 = arith.constant 0 : i32
      %dma_start3A_221 = tpu.memref_slice %arg12[%dma_start3A_219, %dma_start3A_220] : memref<10240x128xf32, #tpu.memory_space<vmem_shared>> -> memref<10240x128xf32, #tpu.memory_space<vmem_shared>>
      tpu.enqueue_indirect_dma source(%arg10 : memref<128x128xf32, #tpu.memory_space<vmem>>) target(%dma_start3A_221 : memref<10240x128xf32, #tpu.memory_space<vmem_shared>>) offsets(%arg8 : memref<128xi32, #tpu.memory_space<vmem>>) semaphore(%arg17 : memref<!tpu.dma_semaphore, #tpu.memory_space<semaphore_mem>>) {add = true}
      %dma_wait3A_222 = arith.constant 0 : i32
      %dma_wait3A_223 = arith.constant 0 : i32
      %dma_wait3A_224 = tpu.memref_slice %arg12[%dma_wait3A_222, %dma_wait3A_223] : memref<10240x128xf32, #tpu.memory_space<vmem_shared>> -> memref<10240x128xf32, #tpu.memory_space<vmem_shared>>
      tpu.wait_indirect_dma semaphore(%arg18 : memref<!tpu.dma_semaphore, #tpu.memory_space<semaphore_mem>>) src(%arg10 : memref<128x128xf32, #tpu.memory_space<vmem>>) dst(%dma_wait3A_224 : memref<10240x128xf32, #tpu.memory_space<vmem_shared>>)
      %add3A_225 = arith.constant 1 : i32
      %add3A_226 = arith.addi %add3A_199, %add3A_225 : i32
      %add3A_227 = arith.constant 2 : i32
      %add3A_228 = arith.addi %add3A_226, %add3A_227 : i32
      %mul3A_229 = arith.constant 128 : i32
      %mul3A_230 = arith.muli %add3A_228, %mul3A_229 : i32
      %add3A_231 = arith.addi %mul3A_2, %mul3A_230 : i32
      %dma_start3A_232 = tpu.memref_slice %arg2[%add3A_231] : memref<327680xi32, #tpu.memory_space<hbm>> -> memref<128xi32, #tpu.memory_space<hbm>>
      %dma_start3A_233 = tpu.memref_slice %arg2[%add3A_231] : memref<327680xi32, #tpu.memory_space<hbm>> -> memref<128xi32, #tpu.memory_space<hbm>>
      tpu.enqueue_dma source(%dma_start3A_233 : memref<128xi32, #tpu.memory_space<hbm>>) target(%arg7 : memref<128xi32, #tpu.memory_space<vmem>>) target_semaphore(%arg14 : memref<!tpu.dma_semaphore, #tpu.memory_space<semaphore_mem>>)
      %add3A_234 = arith.constant 1 : i32
      %add3A_235 = arith.addi %add3A_199, %add3A_234 : i32
      %mul3A_236 = arith.constant 128 : i32
      %mul3A_237 = arith.muli %add3A_235, %mul3A_236 : i32
      %add3A_238 = arith.addi %mul3A_2, %mul3A_237 : i32
      %dma_wait3A_239 = tpu.memref_slice %arg2[%add3A_238] : memref<327680xi32, #tpu.memory_space<hbm>> -> memref<128xi32, #tpu.memory_space<hbm>>
      %dma_wait3A_240 = tpu.memref_slice %arg2[%add3A_238] : memref<327680xi32, #tpu.memory_space<hbm>> -> memref<128xi32, #tpu.memory_space<hbm>>
      tpu.wait_dma2 semaphore(%arg16 : memref<!tpu.dma_semaphore, #tpu.memory_space<semaphore_mem>>) src(%dma_wait3A_240 : memref<128xi32, #tpu.memory_space<hbm>>) dst(%arg9 : memref<128xi32, #tpu.memory_space<vmem>>)
      %dma_start3A_241 = arith.constant 0 : i32
      %dma_start3A_242 = arith.constant 0 : i32
      %dma_start3A_243 = tpu.memref_slice %arg12[%dma_start3A_241, %dma_start3A_242] : memref<10240x128xf32, #tpu.memory_space<vmem_shared>> -> memref<10240x128xf32, #tpu.memory_space<vmem_shared>>
      tpu.enqueue_indirect_dma source(%arg10 : memref<128x128xf32, #tpu.memory_space<vmem>>) target(%dma_start3A_243 : memref<10240x128xf32, #tpu.memory_space<vmem_shared>>) offsets(%arg9 : memref<128xi32, #tpu.memory_space<vmem>>) semaphore(%arg18 : memref<!tpu.dma_semaphore, #tpu.memory_space<semaphore_mem>>) {add = true}
      %dma_wait3A_244 = arith.constant 0 : i32
      %dma_wait3A_245 = arith.constant 0 : i32
      %dma_wait3A_246 = tpu.memref_slice %arg12[%dma_wait3A_244, %dma_wait3A_245] : memref<10240x128xf32, #tpu.memory_space<vmem_shared>> -> memref<10240x128xf32, #tpu.memory_space<vmem_shared>>
      tpu.wait_indirect_dma semaphore(%arg17 : memref<!tpu.dma_semaphore, #tpu.memory_space<semaphore_mem>>) src(%arg10 : memref<128x128xf32, #tpu.memory_space<vmem>>) dst(%dma_wait3A_246 : memref<10240x128xf32, #tpu.memory_space<vmem_shared>>)
      %add3A_247 = arith.constant 2 : i32
      %add3A_248 = arith.addi %add3A_199, %add3A_247 : i32
      %add3A_249 = arith.constant 2 : i32
      %add3A_250 = arith.addi %add3A_248, %add3A_249 : i32
      %mul3A_251 = arith.constant 128 : i32
      %mul3A_252 = arith.muli %add3A_250, %mul3A_251 : i32
      %add3A_253 = arith.addi %mul3A_2, %mul3A_252 : i32
      %dma_start3A_254 = tpu.memref_slice %arg2[%add3A_253] : memref<327680xi32, #tpu.memory_space<hbm>> -> memref<128xi32, #tpu.memory_space<hbm>>
      %dma_start3A_255 = tpu.memref_slice %arg2[%add3A_253] : memref<327680xi32, #tpu.memory_space<hbm>> -> memref<128xi32, #tpu.memory_space<hbm>>
      tpu.enqueue_dma source(%dma_start3A_255 : memref<128xi32, #tpu.memory_space<hbm>>) target(%arg8 : memref<128xi32, #tpu.memory_space<vmem>>) target_semaphore(%arg15 : memref<!tpu.dma_semaphore, #tpu.memory_space<semaphore_mem>>)
      %add3A_256 = arith.constant 2 : i32
      %add3A_257 = arith.addi %add3A_199, %add3A_256 : i32
      %mul3A_258 = arith.constant 128 : i32
      %mul3A_259 = arith.muli %add3A_257, %mul3A_258 : i32
      %add3A_260 = arith.addi %mul3A_2, %mul3A_259 : i32
      %dma_wait3A_261 = tpu.memref_slice %arg2[%add3A_260] : memref<327680xi32, #tpu.memory_space<hbm>> -> memref<128xi32, #tpu.memory_space<hbm>>
      %dma_wait3A_262 = tpu.memref_slice %arg2[%add3A_260] : memref<327680xi32, #tpu.memory_space<hbm>> -> memref<128xi32, #tpu.memory_space<hbm>>
      tpu.wait_dma2 semaphore(%arg13 : memref<!tpu.dma_semaphore, #tpu.memory_space<semaphore_mem>>) src(%dma_wait3A_262 : memref<128xi32, #tpu.memory_space<hbm>>) dst(%arg6 : memref<128xi32, #tpu.memory_space<vmem>>)
      %dma_start3A_263 = arith.constant 0 : i32
      %dma_start3A_264 = arith.constant 0 : i32
      %dma_start3A_265 = tpu.memref_slice %arg12[%dma_start3A_263, %dma_start3A_264] : memref<10240x128xf32, #tpu.memory_space<vmem_shared>> -> memref<10240x128xf32, #tpu.memory_space<vmem_shared>>
      tpu.enqueue_indirect_dma source(%arg10 : memref<128x128xf32, #tpu.memory_space<vmem>>) target(%dma_start3A_265 : memref<10240x128xf32, #tpu.memory_space<vmem_shared>>) offsets(%arg6 : memref<128xi32, #tpu.memory_space<vmem>>) semaphore(%arg17 : memref<!tpu.dma_semaphore, #tpu.memory_space<semaphore_mem>>) {add = true}
      %dma_wait3A_266 = arith.constant 0 : i32
      %dma_wait3A_267 = arith.constant 0 : i32
      %dma_wait3A_268 = tpu.memref_slice %arg12[%dma_wait3A_266, %dma_wait3A_267] : memref<10240x128xf32, #tpu.memory_space<vmem_shared>> -> memref<10240x128xf32, #tpu.memory_space<vmem_shared>>
      tpu.wait_indirect_dma semaphore(%arg18 : memref<!tpu.dma_semaphore, #tpu.memory_space<semaphore_mem>>) src(%arg10 : memref<128x128xf32, #tpu.memory_space<vmem>>) dst(%dma_wait3A_268 : memref<10240x128xf32, #tpu.memory_space<vmem_shared>>)
      %add3A_269 = arith.constant 3 : i32
      %add3A_270 = arith.addi %add3A_199, %add3A_269 : i32
      %add3A_271 = arith.constant 2 : i32
      %add3A_272 = arith.addi %add3A_270, %add3A_271 : i32
      %mul3A_273 = arith.constant 128 : i32
      %mul3A_274 = arith.muli %add3A_272, %mul3A_273 : i32
      %add3A_275 = arith.addi %mul3A_2, %mul3A_274 : i32
      %dma_start3A_276 = tpu.memref_slice %arg2[%add3A_275] : memref<327680xi32, #tpu.memory_space<hbm>> -> memref<128xi32, #tpu.memory_space<hbm>>
      %dma_start3A_277 = tpu.memref_slice %arg2[%add3A_275] : memref<327680xi32, #tpu.memory_space<hbm>> -> memref<128xi32, #tpu.memory_space<hbm>>
      tpu.enqueue_dma source(%dma_start3A_277 : memref<128xi32, #tpu.memory_space<hbm>>) target(%arg9 : memref<128xi32, #tpu.memory_space<vmem>>) target_semaphore(%arg16 : memref<!tpu.dma_semaphore, #tpu.memory_space<semaphore_mem>>)
      %add3A_278 = arith.constant 3 : i32
      %add3A_279 = arith.addi %add3A_199, %add3A_278 : i32
      %mul3A_280 = arith.constant 128 : i32
      %mul3A_281 = arith.muli %add3A_279, %mul3A_280 : i32
      %add3A_282 = arith.addi %mul3A_2, %mul3A_281 : i32
      %dma_wait3A_283 = tpu.memref_slice %arg2[%add3A_282] : memref<327680xi32, #tpu.memory_space<hbm>> -> memref<128xi32, #tpu.memory_space<hbm>>
      %dma_wait3A_284 = tpu.memref_slice %arg2[%add3A_282] : memref<327680xi32, #tpu.memory_space<hbm>> -> memref<128xi32, #tpu.memory_space<hbm>>
      tpu.wait_dma2 semaphore(%arg14 : memref<!tpu.dma_semaphore, #tpu.memory_space<semaphore_mem>>) src(%dma_wait3A_284 : memref<128xi32, #tpu.memory_space<hbm>>) dst(%arg7 : memref<128xi32, #tpu.memory_space<vmem>>)
      %dma_start3A_285 = arith.constant 0 : i32
      %dma_start3A_286 = arith.constant 0 : i32
      %dma_start3A_287 = tpu.memref_slice %arg12[%dma_start3A_285, %dma_start3A_286] : memref<10240x128xf32, #tpu.memory_space<vmem_shared>> -> memref<10240x128xf32, #tpu.memory_space<vmem_shared>>
      tpu.enqueue_indirect_dma source(%arg10 : memref<128x128xf32, #tpu.memory_space<vmem>>) target(%dma_start3A_287 : memref<10240x128xf32, #tpu.memory_space<vmem_shared>>) offsets(%arg7 : memref<128xi32, #tpu.memory_space<vmem>>) semaphore(%arg18 : memref<!tpu.dma_semaphore, #tpu.memory_space<semaphore_mem>>) {add = true}
      %scan3A_288 = arith.constant 0 : i32
      scf.yield %scan3A_288 : i32
    }
    %scan3A_56 = arith.constant 19 : i32
    %dma_wait3A_57 = arith.constant 0 : i32
    %dma_wait3A_58 = arith.constant 0 : i32
    %dma_wait3A_59 = tpu.memref_slice %arg12[%dma_wait3A_57, %dma_wait3A_58] : memref<10240x128xf32, #tpu.memory_space<vmem_shared>> -> memref<10240x128xf32, #tpu.memory_space<vmem_shared>>
    tpu.wait_indirect_dma semaphore(%arg17 : memref<!tpu.dma_semaphore, #tpu.memory_space<semaphore_mem>>) src(%arg10 : memref<128x128xf32, #tpu.memory_space<vmem>>) dst(%dma_wait3A_59 : memref<10240x128xf32, #tpu.memory_space<vmem_shared>>)
    %add3A_60 = arith.constant 9984 : i32
    %add3A_61 = arith.addi %mul3A_2, %add3A_60 : i32
    %dma_wait3A_62 = tpu.memref_slice %arg2[%add3A_61] : memref<327680xi32, #tpu.memory_space<hbm>> -> memref<128xi32, #tpu.memory_space<hbm>>
    %dma_wait3A_63 = tpu.memref_slice %arg2[%add3A_61] : memref<327680xi32, #tpu.memory_space<hbm>> -> memref<128xi32, #tpu.memory_space<hbm>>
    tpu.wait_dma2 semaphore(%arg15 : memref<!tpu.dma_semaphore, #tpu.memory_space<semaphore_mem>>) src(%dma_wait3A_63 : memref<128xi32, #tpu.memory_space<hbm>>) dst(%arg8 : memref<128xi32, #tpu.memory_space<vmem>>)
    %dma_start3A_64 = arith.constant 0 : i32
    %dma_start3A_65 = arith.constant 0 : i32
    %dma_start3A_66 = tpu.memref_slice %arg12[%dma_start3A_64, %dma_start3A_65] : memref<10240x128xf32, #tpu.memory_space<vmem_shared>> -> memref<10240x128xf32, #tpu.memory_space<vmem_shared>>
    tpu.enqueue_indirect_dma source(%arg10 : memref<128x128xf32, #tpu.memory_space<vmem>>) target(%dma_start3A_66 : memref<10240x128xf32, #tpu.memory_space<vmem_shared>>) offsets(%arg8 : memref<128xi32, #tpu.memory_space<vmem>>) semaphore(%arg17 : memref<!tpu.dma_semaphore, #tpu.memory_space<semaphore_mem>>) {add = true}
    %dma_wait3A_67 = arith.constant 0 : i32
    %dma_wait3A_68 = arith.constant 0 : i32
    %dma_wait3A_69 = tpu.memref_slice %arg12[%dma_wait3A_67, %dma_wait3A_68] : memref<10240x128xf32, #tpu.memory_space<vmem_shared>> -> memref<10240x128xf32, #tpu.memory_space<vmem_shared>>
    tpu.wait_indirect_dma semaphore(%arg18 : memref<!tpu.dma_semaphore, #tpu.memory_space<semaphore_mem>>) src(%arg10 : memref<128x128xf32, #tpu.memory_space<vmem>>) dst(%dma_wait3A_69 : memref<10240x128xf32, #tpu.memory_space<vmem_shared>>)
    %add3A_70 = arith.constant 10112 : i32
    %add3A_71 = arith.addi %mul3A_2, %add3A_70 : i32
    %dma_wait3A_72 = tpu.memref_slice %arg2[%add3A_71] : memref<327680xi32, #tpu.memory_space<hbm>> -> memref<128xi32, #tpu.memory_space<hbm>>
    %dma_wait3A_73 = tpu.memref_slice %arg2[%add3A_71] : memref<327680xi32, #tpu.memory_space<hbm>> -> memref<128xi32, #tpu.memory_space<hbm>>
    tpu.wait_dma2 semaphore(%arg16 : memref<!tpu.dma_semaphore, #tpu.memory_space<semaphore_mem>>) src(%dma_wait3A_73 : memref<128xi32, #tpu.memory_space<hbm>>) dst(%arg9 : memref<128xi32, #tpu.memory_space<vmem>>)
    %dma_start3A_74 = arith.constant 0 : i32
    %dma_start3A_75 = arith.constant 0 : i32
    %dma_start3A_76 = tpu.memref_slice %arg12[%dma_start3A_74, %dma_start3A_75] : memref<10240x128xf32, #tpu.memory_space<vmem_shared>> -> memref<10240x128xf32, #tpu.memory_space<vmem_shared>>
    tpu.enqueue_indirect_dma source(%arg10 : memref<128x128xf32, #tpu.memory_space<vmem>>) target(%dma_start3A_76 : memref<10240x128xf32, #tpu.memory_space<vmem_shared>>) offsets(%arg9 : memref<128xi32, #tpu.memory_space<vmem>>) semaphore(%arg18 : memref<!tpu.dma_semaphore, #tpu.memory_space<semaphore_mem>>) {add = true}
    %dma_wait3A_77 = arith.constant 0 : i32
    %dma_wait3A_78 = arith.constant 0 : i32
    %dma_wait3A_79 = tpu.memref_slice %arg12[%dma_wait3A_77, %dma_wait3A_78] : memref<10240x128xf32, #tpu.memory_space<vmem_shared>> -> memref<10240x128xf32, #tpu.memory_space<vmem_shared>>
    tpu.wait_indirect_dma semaphore(%arg17 : memref<!tpu.dma_semaphore, #tpu.memory_space<semaphore_mem>>) src(%arg10 : memref<128x128xf32, #tpu.memory_space<vmem>>) dst(%dma_wait3A_79 : memref<10240x128xf32, #tpu.memory_space<vmem_shared>>)
    %dma_wait3A_80 = arith.constant 0 : i32
    %dma_wait3A_81 = arith.constant 0 : i32
    %dma_wait3A_82 = tpu.memref_slice %arg12[%dma_wait3A_80, %dma_wait3A_81] : memref<10240x128xf32, #tpu.memory_space<vmem_shared>> -> memref<10240x128xf32, #tpu.memory_space<vmem_shared>>
    tpu.wait_indirect_dma semaphore(%arg18 : memref<!tpu.dma_semaphore, #tpu.memory_space<semaphore_mem>>) src(%arg10 : memref<128x128xf32, #tpu.memory_space<vmem>>) dst(%dma_wait3A_82 : memref<10240x128xf32, #tpu.memory_space<vmem_shared>>)
    %barrier3A_83 = arith.constant 0 : index
    tpu.barrier barrier_id(%barrier3A_83)
    %mul3A_84 = arith.constant 640 : i32
    %mul3A_85 = arith.muli %arg1, %mul3A_84 : i32
    %add3A_86 = arith.constant 0 : i32
    %add3A_87 = arith.addi %mul3A_85, %add3A_86 : i32
    "tpu.region"() ({
      %run_scoped3A = tpu.sem_alloc : memref<!tpu.dma_semaphore, #tpu.memory_space<semaphore_mem>>
      %dma_start3A_194 = arith.constant 0 : i32
      %dma_start3A_195 = tpu.memref_slice %arg12[%add3A_87, %dma_start3A_194] : memref<10240x128xf32, #tpu.memory_space<vmem_shared>> -> memref<128x128xf32, #tpu.memory_space<vmem_shared>>
      %dma_start3A_196 = arith.constant 0 : i32
      %dma_start3A_197 = tpu.memref_slice %arg12[%add3A_87, %dma_start3A_196] : memref<10240x128xf32, #tpu.memory_space<vmem_shared>> -> memref<128x128xf32, #tpu.memory_space<vmem_shared>>
      tpu.enqueue_dma source(%dma_start3A_197 : memref<128x128xf32, #tpu.memory_space<vmem_shared>>) target(%arg10 : memref<128x128xf32, #tpu.memory_space<vmem>>) target_semaphore(%run_scoped3A : memref<!tpu.dma_semaphore, #tpu.memory_space<semaphore_mem>>)
      %dma_wait3A_198 = arith.constant 0 : i32
      %dma_wait3A_199 = tpu.memref_slice %arg12[%add3A_87, %dma_wait3A_198] : memref<10240x128xf32, #tpu.memory_space<vmem_shared>> -> memref<128x128xf32, #tpu.memory_space<vmem_shared>>
      %dma_wait3A_200 = arith.constant 0 : i32
      %dma_wait3A_201 = tpu.memref_slice %arg12[%add3A_87, %dma_wait3A_200] : memref<10240x128xf32, #tpu.memory_space<vmem_shared>> -> memref<128x128xf32, #tpu.memory_space<vmem_shared>>
      tpu.wait_dma2 semaphore(%run_scoped3A : memref<!tpu.dma_semaphore, #tpu.memory_space<semaphore_mem>>) src(%dma_wait3A_201 : memref<128x128xf32, #tpu.memory_space<vmem_shared>>) dst(%arg10 : memref<128x128xf32, #tpu.memory_space<vmem>>)
      tpu.yield
    }) : () -> ()
    %mul3A_88 = arith.constant 10240 : i32
    %mul3A_89 = arith.muli %arg0, %mul3A_88 : i32
    %add3A_90 = arith.addi %mul3A_89, %add3A_87 : i32
    %dma_start3A_91 = arith.constant 0 : i32
    %dma_start3A_92 = tpu.memref_slice %arg5[%add3A_90, %dma_start3A_91] : memref<20480x128xf32, #tpu.memory_space<hbm>> -> memref<128x128xf32, #tpu.memory_space<hbm>>
    %dma_start3A_93 = arith.constant 0 : i32
    %dma_start3A_94 = tpu.memref_slice %arg5[%add3A_90, %dma_start3A_93] : memref<20480x128xf32, #tpu.memory_space<hbm>> -> memref<128x128xf32, #tpu.memory_space<hbm>>
    tpu.enqueue_dma source(%arg10 : memref<128x128xf32, #tpu.memory_space<vmem>>) target(%dma_start3A_94 : memref<128x128xf32, #tpu.memory_space<hbm>>) target_semaphore(%arg19 : memref<!tpu.dma_semaphore, #tpu.memory_space<semaphore_mem>>)
    %mul3A_95 = arith.constant 640 : i32
    %mul3A_96 = arith.muli %arg1, %mul3A_95 : i32
    %add3A_97 = arith.constant 128 : i32
    %add3A_98 = arith.addi %mul3A_96, %add3A_97 : i32
    "tpu.region"() ({
      %run_scoped3A = tpu.sem_alloc : memref<!tpu.dma_semaphore, #tpu.memory_space<semaphore_mem>>
      %dma_start3A_194 = arith.constant 0 : i32
      %dma_start3A_195 = tpu.memref_slice %arg12[%add3A_98, %dma_start3A_194] : memref<10240x128xf32, #tpu.memory_space<vmem_shared>> -> memref<128x128xf32, #tpu.memory_space<vmem_shared>>
      %dma_start3A_196 = arith.constant 0 : i32
      %dma_start3A_197 = tpu.memref_slice %arg12[%add3A_98, %dma_start3A_196] : memref<10240x128xf32, #tpu.memory_space<vmem_shared>> -> memref<128x128xf32, #tpu.memory_space<vmem_shared>>
      tpu.enqueue_dma source(%dma_start3A_197 : memref<128x128xf32, #tpu.memory_space<vmem_shared>>) target(%arg11 : memref<128x128xf32, #tpu.memory_space<vmem>>) target_semaphore(%run_scoped3A : memref<!tpu.dma_semaphore, #tpu.memory_space<semaphore_mem>>)
      %dma_wait3A_198 = arith.constant 0 : i32
      %dma_wait3A_199 = tpu.memref_slice %arg12[%add3A_98, %dma_wait3A_198] : memref<10240x128xf32, #tpu.memory_space<vmem_shared>> -> memref<128x128xf32, #tpu.memory_space<vmem_shared>>
      %dma_wait3A_200 = arith.constant 0 : i32
      %dma_wait3A_201 = tpu.memref_slice %arg12[%add3A_98, %dma_wait3A_200] : memref<10240x128xf32, #tpu.memory_space<vmem_shared>> -> memref<128x128xf32, #tpu.memory_space<vmem_shared>>
      tpu.wait_dma2 semaphore(%run_scoped3A : memref<!tpu.dma_semaphore, #tpu.memory_space<semaphore_mem>>) src(%dma_wait3A_201 : memref<128x128xf32, #tpu.memory_space<vmem_shared>>) dst(%arg11 : memref<128x128xf32, #tpu.memory_space<vmem>>)
      tpu.yield
    }) : () -> ()
    %mul3A_99 = arith.constant 10240 : i32
    %mul3A_100 = arith.muli %arg0, %mul3A_99 : i32
    %add3A_101 = arith.addi %mul3A_100, %add3A_98 : i32
    %dma_start3A_102 = arith.constant 0 : i32
    %dma_start3A_103 = tpu.memref_slice %arg5[%add3A_101, %dma_start3A_102] : memref<20480x128xf32, #tpu.memory_space<hbm>> -> memref<128x128xf32, #tpu.memory_space<hbm>>
    %dma_start3A_104 = arith.constant 0 : i32
    %dma_start3A_105 = tpu.memref_slice %arg5[%add3A_101, %dma_start3A_104] : memref<20480x128xf32, #tpu.memory_space<hbm>> -> memref<128x128xf32, #tpu.memory_space<hbm>>
    tpu.enqueue_dma source(%arg11 : memref<128x128xf32, #tpu.memory_space<vmem>>) target(%dma_start3A_105 : memref<128x128xf32, #tpu.memory_space<hbm>>) target_semaphore(%arg20 : memref<!tpu.dma_semaphore, #tpu.memory_space<semaphore_mem>>)
    %mul3A_106 = arith.constant 640 : i32
    %mul3A_107 = arith.muli %arg1, %mul3A_106 : i32
    %add3A_108 = arith.constant 0 : i32
    %add3A_109 = arith.addi %mul3A_107, %add3A_108 : i32
    %mul3A_110 = arith.constant 10240 : i32
    %mul3A_111 = arith.muli %arg0, %mul3A_110 : i32
    %add3A_112 = arith.addi %mul3A_111, %add3A_109 : i32
    %dma_wait3A_113 = arith.constant 0 : i32
    %dma_wait3A_114 = tpu.memref_slice %arg5[%add3A_112, %dma_wait3A_113] : memref<20480x128xf32, #tpu.memory_space<hbm>> -> memref<128x128xf32, #tpu.memory_space<hbm>>
    %dma_wait3A_115 = arith.constant 0 : i32
    %dma_wait3A_116 = tpu.memref_slice %arg5[%add3A_112, %dma_wait3A_115] : memref<20480x128xf32, #tpu.memory_space<hbm>> -> memref<128x128xf32, #tpu.memory_space<hbm>>
    tpu.wait_dma2 semaphore(%arg19 : memref<!tpu.dma_semaphore, #tpu.memory_space<semaphore_mem>>) src(%arg10 : memref<128x128xf32, #tpu.memory_space<vmem>>) dst(%dma_wait3A_116 : memref<128x128xf32, #tpu.memory_space<hbm>>)
    %mul3A_117 = arith.constant 640 : i32
    %mul3A_118 = arith.muli %arg1, %mul3A_117 : i32
    %add3A_119 = arith.constant 256 : i32
    %add3A_120 = arith.addi %mul3A_118, %add3A_119 : i32
    "tpu.region"() ({
      %run_scoped3A = tpu.sem_alloc : memref<!tpu.dma_semaphore, #tpu.memory_space<semaphore_mem>>
      %dma_start3A_194 = arith.constant 0 : i32
      %dma_start3A_195 = tpu.memref_slice %arg12[%add3A_120, %dma_start3A_194] : memref<10240x128xf32, #tpu.memory_space<vmem_shared>> -> memref<128x128xf32, #tpu.memory_space<vmem_shared>>
      %dma_start3A_196 = arith.constant 0 : i32
      %dma_start3A_197 = tpu.memref_slice %arg12[%add3A_120, %dma_start3A_196] : memref<10240x128xf32, #tpu.memory_space<vmem_shared>> -> memref<128x128xf32, #tpu.memory_space<vmem_shared>>
      tpu.enqueue_dma source(%dma_start3A_197 : memref<128x128xf32, #tpu.memory_space<vmem_shared>>) target(%arg10 : memref<128x128xf32, #tpu.memory_space<vmem>>) target_semaphore(%run_scoped3A : memref<!tpu.dma_semaphore, #tpu.memory_space<semaphore_mem>>)
      %dma_wait3A_198 = arith.constant 0 : i32
      %dma_wait3A_199 = tpu.memref_slice %arg12[%add3A_120, %dma_wait3A_198] : memref<10240x128xf32, #tpu.memory_space<vmem_shared>> -> memref<128x128xf32, #tpu.memory_space<vmem_shared>>
      %dma_wait3A_200 = arith.constant 0 : i32
      %dma_wait3A_201 = tpu.memref_slice %arg12[%add3A_120, %dma_wait3A_200] : memref<10240x128xf32, #tpu.memory_space<vmem_shared>> -> memref<128x128xf32, #tpu.memory_space<vmem_shared>>
      tpu.wait_dma2 semaphore(%run_scoped3A : memref<!tpu.dma_semaphore, #tpu.memory_space<semaphore_mem>>) src(%dma_wait3A_201 : memref<128x128xf32, #tpu.memory_space<vmem_shared>>) dst(%arg10 : memref<128x128xf32, #tpu.memory_space<vmem>>)
      tpu.yield
    }) : () -> ()
    %mul3A_121 = arith.constant 10240 : i32
    %mul3A_122 = arith.muli %arg0, %mul3A_121 : i32
    %add3A_123 = arith.addi %mul3A_122, %add3A_120 : i32
    %dma_start3A_124 = arith.constant 0 : i32
    %dma_start3A_125 = tpu.memref_slice %arg5[%add3A_123, %dma_start3A_124] : memref<20480x128xf32, #tpu.memory_space<hbm>> -> memref<128x128xf32, #tpu.memory_space<hbm>>
    %dma_start3A_126 = arith.constant 0 : i32
    %dma_start3A_127 = tpu.memref_slice %arg5[%add3A_123, %dma_start3A_126] : memref<20480x128xf32, #tpu.memory_space<hbm>> -> memref<128x128xf32, #tpu.memory_space<hbm>>
    tpu.enqueue_dma source(%arg10 : memref<128x128xf32, #tpu.memory_space<vmem>>) target(%dma_start3A_127 : memref<128x128xf32, #tpu.memory_space<hbm>>) target_semaphore(%arg19 : memref<!tpu.dma_semaphore, #tpu.memory_space<semaphore_mem>>)
    %mul3A_128 = arith.constant 640 : i32
    %mul3A_129 = arith.muli %arg1, %mul3A_128 : i32
    %add3A_130 = arith.constant 128 : i32
    %add3A_131 = arith.addi %mul3A_129, %add3A_130 : i32
    %mul3A_132 = arith.constant 10240 : i32
    %mul3A_133 = arith.muli %arg0, %mul3A_132 : i32
    %add3A_134 = arith.addi %mul3A_133, %add3A_131 : i32
    %dma_wait3A_135 = arith.constant 0 : i32
    %dma_wait3A_136 = tpu.memref_slice %arg5[%add3A_134, %dma_wait3A_135] : memref<20480x128xf32, #tpu.memory_space<hbm>> -> memref<128x128xf32, #tpu.memory_space<hbm>>
    %dma_wait3A_137 = arith.constant 0 : i32
    %dma_wait3A_138 = tpu.memref_slice %arg5[%add3A_134, %dma_wait3A_137] : memref<20480x128xf32, #tpu.memory_space<hbm>> -> memref<128x128xf32, #tpu.memory_space<hbm>>
    tpu.wait_dma2 semaphore(%arg20 : memref<!tpu.dma_semaphore, #tpu.memory_space<semaphore_mem>>) src(%arg11 : memref<128x128xf32, #tpu.memory_space<vmem>>) dst(%dma_wait3A_138 : memref<128x128xf32, #tpu.memory_space<hbm>>)
    %mul3A_139 = arith.constant 640 : i32
    %mul3A_140 = arith.muli %arg1, %mul3A_139 : i32
    %add3A_141 = arith.constant 384 : i32
    %add3A_142 = arith.addi %mul3A_140, %add3A_141 : i32
    "tpu.region"() ({
      %run_scoped3A = tpu.sem_alloc : memref<!tpu.dma_semaphore, #tpu.memory_space<semaphore_mem>>
      %dma_start3A_194 = arith.constant 0 : i32
      %dma_start3A_195 = tpu.memref_slice %arg12[%add3A_142, %dma_start3A_194] : memref<10240x128xf32, #tpu.memory_space<vmem_shared>> -> memref<128x128xf32, #tpu.memory_space<vmem_shared>>
      %dma_start3A_196 = arith.constant 0 : i32
      %dma_start3A_197 = tpu.memref_slice %arg12[%add3A_142, %dma_start3A_196] : memref<10240x128xf32, #tpu.memory_space<vmem_shared>> -> memref<128x128xf32, #tpu.memory_space<vmem_shared>>
      tpu.enqueue_dma source(%dma_start3A_197 : memref<128x128xf32, #tpu.memory_space<vmem_shared>>) target(%arg11 : memref<128x128xf32, #tpu.memory_space<vmem>>) target_semaphore(%run_scoped3A : memref<!tpu.dma_semaphore, #tpu.memory_space<semaphore_mem>>)
      %dma_wait3A_198 = arith.constant 0 : i32
      %dma_wait3A_199 = tpu.memref_slice %arg12[%add3A_142, %dma_wait3A_198] : memref<10240x128xf32, #tpu.memory_space<vmem_shared>> -> memref<128x128xf32, #tpu.memory_space<vmem_shared>>
      %dma_wait3A_200 = arith.constant 0 : i32
      %dma_wait3A_201 = tpu.memref_slice %arg12[%add3A_142, %dma_wait3A_200] : memref<10240x128xf32, #tpu.memory_space<vmem_shared>> -> memref<128x128xf32, #tpu.memory_space<vmem_shared>>
      tpu.wait_dma2 semaphore(%run_scoped3A : memref<!tpu.dma_semaphore, #tpu.memory_space<semaphore_mem>>) src(%dma_wait3A_201 : memref<128x128xf32, #tpu.memory_space<vmem_shared>>) dst(%arg11 : memref<128x128xf32, #tpu.memory_space<vmem>>)
      tpu.yield
    }) : () -> ()
    %mul3A_143 = arith.constant 10240 : i32
    %mul3A_144 = arith.muli %arg0, %mul3A_143 : i32
    %add3A_145 = arith.addi %mul3A_144, %add3A_142 : i32
    %dma_start3A_146 = arith.constant 0 : i32
    %dma_start3A_147 = tpu.memref_slice %arg5[%add3A_145, %dma_start3A_146] : memref<20480x128xf32, #tpu.memory_space<hbm>> -> memref<128x128xf32, #tpu.memory_space<hbm>>
    %dma_start3A_148 = arith.constant 0 : i32
    %dma_start3A_149 = tpu.memref_slice %arg5[%add3A_145, %dma_start3A_148] : memref<20480x128xf32, #tpu.memory_space<hbm>> -> memref<128x128xf32, #tpu.memory_space<hbm>>
    tpu.enqueue_dma source(%arg11 : memref<128x128xf32, #tpu.memory_space<vmem>>) target(%dma_start3A_149 : memref<128x128xf32, #tpu.memory_space<hbm>>) target_semaphore(%arg20 : memref<!tpu.dma_semaphore, #tpu.memory_space<semaphore_mem>>)
    %mul3A_150 = arith.constant 640 : i32
    %mul3A_151 = arith.muli %arg1, %mul3A_150 : i32
    %add3A_152 = arith.constant 256 : i32
    %add3A_153 = arith.addi %mul3A_151, %add3A_152 : i32
    %mul3A_154 = arith.constant 10240 : i32
    %mul3A_155 = arith.muli %arg0, %mul3A_154 : i32
    %add3A_156 = arith.addi %mul3A_155, %add3A_153 : i32
    %dma_wait3A_157 = arith.constant 0 : i32
    %dma_wait3A_158 = tpu.memref_slice %arg5[%add3A_156, %dma_wait3A_157] : memref<20480x128xf32, #tpu.memory_space<hbm>> -> memref<128x128xf32, #tpu.memory_space<hbm>>
    %dma_wait3A_159 = arith.constant 0 : i32
    %dma_wait3A_160 = tpu.memref_slice %arg5[%add3A_156, %dma_wait3A_159] : memref<20480x128xf32, #tpu.memory_space<hbm>> -> memref<128x128xf32, #tpu.memory_space<hbm>>
    tpu.wait_dma2 semaphore(%arg19 : memref<!tpu.dma_semaphore, #tpu.memory_space<semaphore_mem>>) src(%arg10 : memref<128x128xf32, #tpu.memory_space<vmem>>) dst(%dma_wait3A_160 : memref<128x128xf32, #tpu.memory_space<hbm>>)
    %mul3A_161 = arith.constant 640 : i32
    %mul3A_162 = arith.muli %arg1, %mul3A_161 : i32
    %add3A_163 = arith.constant 512 : i32
    %add3A_164 = arith.addi %mul3A_162, %add3A_163 : i32
    "tpu.region"() ({
      %run_scoped3A = tpu.sem_alloc : memref<!tpu.dma_semaphore, #tpu.memory_space<semaphore_mem>>
      %dma_start3A_194 = arith.constant 0 : i32
      %dma_start3A_195 = tpu.memref_slice %arg12[%add3A_164, %dma_start3A_194] : memref<10240x128xf32, #tpu.memory_space<vmem_shared>> -> memref<128x128xf32, #tpu.memory_space<vmem_shared>>
      %dma_start3A_196 = arith.constant 0 : i32
      %dma_start3A_197 = tpu.memref_slice %arg12[%add3A_164, %dma_start3A_196] : memref<10240x128xf32, #tpu.memory_space<vmem_shared>> -> memref<128x128xf32, #tpu.memory_space<vmem_shared>>
      tpu.enqueue_dma source(%dma_start3A_197 : memref<128x128xf32, #tpu.memory_space<vmem_shared>>) target(%arg10 : memref<128x128xf32, #tpu.memory_space<vmem>>) target_semaphore(%run_scoped3A : memref<!tpu.dma_semaphore, #tpu.memory_space<semaphore_mem>>)
      %dma_wait3A_198 = arith.constant 0 : i32
      %dma_wait3A_199 = tpu.memref_slice %arg12[%add3A_164, %dma_wait3A_198] : memref<10240x128xf32, #tpu.memory_space<vmem_shared>> -> memref<128x128xf32, #tpu.memory_space<vmem_shared>>
      %dma_wait3A_200 = arith.constant 0 : i32
      %dma_wait3A_201 = tpu.memref_slice %arg12[%add3A_164, %dma_wait3A_200] : memref<10240x128xf32, #tpu.memory_space<vmem_shared>> -> memref<128x128xf32, #tpu.memory_space<vmem_shared>>
      tpu.wait_dma2 semaphore(%run_scoped3A : memref<!tpu.dma_semaphore, #tpu.memory_space<semaphore_mem>>) src(%dma_wait3A_201 : memref<128x128xf32, #tpu.memory_space<vmem_shared>>) dst(%arg10 : memref<128x128xf32, #tpu.memory_space<vmem>>)
      tpu.yield
    }) : () -> ()
    %mul3A_165 = arith.constant 10240 : i32
    %mul3A_166 = arith.muli %arg0, %mul3A_165 : i32
    %add3A_167 = arith.addi %mul3A_166, %add3A_164 : i32
    %dma_start3A_168 = arith.constant 0 : i32
    %dma_start3A_169 = tpu.memref_slice %arg5[%add3A_167, %dma_start3A_168] : memref<20480x128xf32, #tpu.memory_space<hbm>> -> memref<128x128xf32, #tpu.memory_space<hbm>>
    %dma_start3A_170 = arith.constant 0 : i32
    %dma_start3A_171 = tpu.memref_slice %arg5[%add3A_167, %dma_start3A_170] : memref<20480x128xf32, #tpu.memory_space<hbm>> -> memref<128x128xf32, #tpu.memory_space<hbm>>
    tpu.enqueue_dma source(%arg10 : memref<128x128xf32, #tpu.memory_space<vmem>>) target(%dma_start3A_171 : memref<128x128xf32, #tpu.memory_space<hbm>>) target_semaphore(%arg19 : memref<!tpu.dma_semaphore, #tpu.memory_space<semaphore_mem>>)
    %mul3A_172 = arith.constant 640 : i32
    %mul3A_173 = arith.muli %arg1, %mul3A_172 : i32
    %add3A_174 = arith.constant 384 : i32
    %add3A_175 = arith.addi %mul3A_173, %add3A_174 : i32
    %mul3A_176 = arith.constant 10240 : i32
    %mul3A_177 = arith.muli %arg0, %mul3A_176 : i32
    %add3A_178 = arith.addi %mul3A_177, %add3A_175 : i32
    %dma_wait3A_179 = arith.constant 0 : i32
    %dma_wait3A_180 = tpu.memref_slice %arg5[%add3A_178, %dma_wait3A_179] : memref<20480x128xf32, #tpu.memory_space<hbm>> -> memref<128x128xf32, #tpu.memory_space<hbm>>
    %dma_wait3A_181 = arith.constant 0 : i32
    %dma_wait3A_182 = tpu.memref_slice %arg5[%add3A_178, %dma_wait3A_181] : memref<20480x128xf32, #tpu.memory_space<hbm>> -> memref<128x128xf32, #tpu.memory_space<hbm>>
    tpu.wait_dma2 semaphore(%arg20 : memref<!tpu.dma_semaphore, #tpu.memory_space<semaphore_mem>>) src(%arg11 : memref<128x128xf32, #tpu.memory_space<vmem>>) dst(%dma_wait3A_182 : memref<128x128xf32, #tpu.memory_space<hbm>>)
    %mul3A_183 = arith.constant 640 : i32
    %mul3A_184 = arith.muli %arg1, %mul3A_183 : i32
    %add3A_185 = arith.constant 512 : i32
    %add3A_186 = arith.addi %mul3A_184, %add3A_185 : i32
    %mul3A_187 = arith.constant 10240 : i32
    %mul3A_188 = arith.muli %arg0, %mul3A_187 : i32
    %add3A_189 = arith.addi %mul3A_188, %add3A_186 : i32
    %dma_wait3A_190 = arith.constant 0 : i32
    %dma_wait3A_191 = tpu.memref_slice %arg5[%add3A_189, %dma_wait3A_190] : memref<20480x128xf32, #tpu.memory_space<hbm>> -> memref<128x128xf32, #tpu.memory_space<hbm>>
    %dma_wait3A_192 = arith.constant 0 : i32
    %dma_wait3A_193 = tpu.memref_slice %arg5[%add3A_189, %dma_wait3A_192] : memref<20480x128xf32, #tpu.memory_space<hbm>> -> memref<128x128xf32, #tpu.memory_space<hbm>>
    tpu.wait_dma2 semaphore(%arg19 : memref<!tpu.dma_semaphore, #tpu.memory_space<semaphore_mem>>) src(%arg10 : memref<128x128xf32, #tpu.memory_space<vmem>>) dst(%dma_wait3A_193 : memref<128x128xf32, #tpu.memory_space<hbm>>)
    return
  }
}

#map = affine_map<(d0, d1) -> (0, 0)>
#map1 = affine_map<(d0, d1) -> (0)>
module attributes {stable_mosaic.version = 14 : i64} {
  func.func @k(%arg0: i32, %arg1: i32, %arg2: memref<10240x128xf32, #tpu.memory_space<hbm>>, %arg3: memref<327680xi32, #tpu.memory_space<hbm>>, %arg4: memref<327680xi32, #tpu.memory_space<hbm>>, %arg5: memref<64x128xf32, #tpu.memory_space<hbm>>, %arg6: memref<20480x128xf32, #tpu.memory_space<hbm>>, %arg7: memref<64xi32, #tpu.memory_space<vmem>>, %arg8: memref<64xi32, #tpu.memory_space<vmem>>, %arg9: memref<64xi32, #tpu.memory_space<vmem>>, %arg10: memref<64xi32, #tpu.memory_space<vmem>>, %arg11: memref<64xi32, #tpu.memory_space<vmem>>, %arg12: memref<64xi32, #tpu.memory_space<vmem>>, %arg13: memref<64xi32, #tpu.memory_space<vmem>>, %arg14: memref<64xi32, #tpu.memory_space<vmem>>, %arg15: memref<64xi32, #tpu.memory_space<vmem>>, %arg16: memref<64xi32, #tpu.memory_space<vmem>>, %arg17: memref<64xi32, #tpu.memory_space<vmem>>, %arg18: memref<64xi32, #tpu.memory_space<vmem>>, %arg19: memref<64xi32, #tpu.memory_space<vmem>>, %arg20: memref<64xi32, #tpu.memory_space<vmem>>, %arg21: memref<64xi32, #tpu.memory_space<vmem>>, %arg22: memref<64xi32, #tpu.memory_space<vmem>>, %arg23: memref<64x128xf32, #tpu.memory_space<vmem>>, %arg24: memref<64x128xf32, #tpu.memory_space<vmem>>, %arg25: memref<64x128xf32, #tpu.memory_space<vmem>>, %arg26: memref<64x128xf32, #tpu.memory_space<vmem>>, %arg27: memref<10240x128xf32, #tpu.memory_space<vmem_shared>>, %arg28: memref<!tpu.dma_semaphore, #tpu.memory_space<semaphore_mem>>, %arg29: memref<!tpu.dma_semaphore, #tpu.memory_space<semaphore_mem>>, %arg30: memref<!tpu.dma_semaphore, #tpu.memory_space<semaphore_mem>>, %arg31: memref<!tpu.dma_semaphore, #tpu.memory_space<semaphore_mem>>, %arg32: memref<!tpu.dma_semaphore, #tpu.memory_space<semaphore_mem>>, %arg33: memref<!tpu.dma_semaphore, #tpu.memory_space<semaphore_mem>>, %arg34: memref<!tpu.dma_semaphore, #tpu.memory_space<semaphore_mem>>, %arg35: memref<!tpu.dma_semaphore, #tpu.memory_space<semaphore_mem>>, %arg36: memref<!tpu.dma_semaphore, #tpu.memory_space<semaphore_mem>>, %arg37: memref<!tpu.dma_semaphore, #tpu.memory_space<semaphore_mem>>, %arg38: memref<!tpu.dma_semaphore, #tpu.memory_space<semaphore_mem>>, %arg39: memref<!tpu.dma_semaphore, #tpu.memory_space<semaphore_mem>>, %arg40: memref<!tpu.dma_semaphore, #tpu.memory_space<semaphore_mem>>, %arg41: memref<!tpu.dma_semaphore, #tpu.memory_space<semaphore_mem>>, %arg42: memref<!tpu.dma_semaphore, #tpu.memory_space<semaphore_mem>>, %arg43: memref<!tpu.dma_semaphore, #tpu.memory_space<semaphore_mem>>, %arg44: memref<!tpu.dma_semaphore, #tpu.memory_space<semaphore_mem>>, %arg45: memref<!tpu.dma_semaphore, #tpu.memory_space<semaphore_mem>>, %arg46: memref<!tpu.dma_semaphore, #tpu.memory_space<semaphore_mem>>, %arg47: memref<!tpu.dma_semaphore, #tpu.memory_space<semaphore_mem>>, %arg48: memref<!tpu.dma_semaphore, #tpu.memory_space<semaphore_mem>>, %arg49: memref<!tpu.dma_semaphore, #tpu.memory_space<semaphore_mem>>, %arg50: memref<!tpu.dma_semaphore, #tpu.memory_space<semaphore_mem>>, %arg51: memref<!tpu.dma_semaphore, #tpu.memory_space<semaphore_mem>>) attributes {dimension_semantics = [#tpu.dimension_semantics<core_parallel>, #tpu.dimension_semantics<subcore_parallel>], iteration_bounds = array<i64: 2, 16>, scalar_prefetch = 0 : i64, scratch_operands = 45 : i64, tpu.core_type = #tpu.core_type<sc_vector_subcore>, window_params = [{transform_indices = #map}, {transform_indices = #map1}, {transform_indices = #map1}, {transform_indices = #map}, {transform_indices = #map}]} {
    %mul3A = arith.constant 16 : i32
    %mul3A_0 = arith.muli %arg0, %mul3A : i32
    %add3A = arith.addi %mul3A_0, %arg1 : i32
    %mul3A_1 = arith.constant 10240 : i32
    %mul3A_2 = arith.muli %add3A, %mul3A_1 : i32
    %add3A_3 = arith.constant 0 : i32
    %add3A_4 = arith.addi %mul3A_2, %add3A_3 : i32
    %dma_start3A = tpu.memref_slice %arg3[%add3A_4] : memref<327680xi32, #tpu.memory_space<hbm>> -> memref<64xi32, #tpu.memory_space<hbm>>
    %dma_start3A_5 = tpu.memref_slice %arg3[%add3A_4] : memref<327680xi32, #tpu.memory_space<hbm>> -> memref<64xi32, #tpu.memory_space<hbm>>
    tpu.enqueue_dma source(%dma_start3A_5 : memref<64xi32, #tpu.memory_space<hbm>>) target(%arg7 : memref<64xi32, #tpu.memory_space<vmem>>) target_semaphore(%arg28 : memref<!tpu.dma_semaphore, #tpu.memory_space<semaphore_mem>>)
    %add3A_6 = arith.constant 0 : i32
    %add3A_7 = arith.addi %mul3A_2, %add3A_6 : i32
    %dma_start3A_8 = tpu.memref_slice %arg4[%add3A_7] : memref<327680xi32, #tpu.memory_space<hbm>> -> memref<64xi32, #tpu.memory_space<hbm>>
    %dma_start3A_9 = tpu.memref_slice %arg4[%add3A_7] : memref<327680xi32, #tpu.memory_space<hbm>> -> memref<64xi32, #tpu.memory_space<hbm>>
    tpu.enqueue_dma source(%dma_start3A_9 : memref<64xi32, #tpu.memory_space<hbm>>) target(%arg15 : memref<64xi32, #tpu.memory_space<vmem>>) target_semaphore(%arg36 : memref<!tpu.dma_semaphore, #tpu.memory_space<semaphore_mem>>)
    %add3A_10 = arith.constant 64 : i32
    %add3A_11 = arith.addi %mul3A_2, %add3A_10 : i32
    %dma_start3A_12 = tpu.memref_slice %arg3[%add3A_11] : memref<327680xi32, #tpu.memory_space<hbm>> -> memref<64xi32, #tpu.memory_space<hbm>>
    %dma_start3A_13 = tpu.memref_slice %arg3[%add3A_11] : memref<327680xi32, #tpu.memory_space<hbm>> -> memref<64xi32, #tpu.memory_space<hbm>>
    tpu.enqueue_dma source(%dma_start3A_13 : memref<64xi32, #tpu.memory_space<hbm>>) target(%arg8 : memref<64xi32, #tpu.memory_space<vmem>>) target_semaphore(%arg29 : memref<!tpu.dma_semaphore, #tpu.memory_space<semaphore_mem>>)
    %add3A_14 = arith.constant 64 : i32
    %add3A_15 = arith.addi %mul3A_2, %add3A_14 : i32
    %dma_start3A_16 = tpu.memref_slice %arg4[%add3A_15] : memref<327680xi32, #tpu.memory_space<hbm>> -> memref<64xi32, #tpu.memory_space<hbm>>
    %dma_start3A_17 = tpu.memref_slice %arg4[%add3A_15] : memref<327680xi32, #tpu.memory_space<hbm>> -> memref<64xi32, #tpu.memory_space<hbm>>
    tpu.enqueue_dma source(%dma_start3A_17 : memref<64xi32, #tpu.memory_space<hbm>>) target(%arg16 : memref<64xi32, #tpu.memory_space<vmem>>) target_semaphore(%arg37 : memref<!tpu.dma_semaphore, #tpu.memory_space<semaphore_mem>>)
    %add3A_18 = arith.constant 128 : i32
    %add3A_19 = arith.addi %mul3A_2, %add3A_18 : i32
    %dma_start3A_20 = tpu.memref_slice %arg3[%add3A_19] : memref<327680xi32, #tpu.memory_space<hbm>> -> memref<64xi32, #tpu.memory_space<hbm>>
    %dma_start3A_21 = tpu.memref_slice %arg3[%add3A_19] : memref<327680xi32, #tpu.memory_space<hbm>> -> memref<64xi32, #tpu.memory_space<hbm>>
    tpu.enqueue_dma source(%dma_start3A_21 : memref<64xi32, #tpu.memory_space<hbm>>) target(%arg9 : memref<64xi32, #tpu.memory_space<vmem>>) target_semaphore(%arg30 : memref<!tpu.dma_semaphore, #tpu.memory_space<semaphore_mem>>)
    %add3A_22 = arith.constant 128 : i32
    %add3A_23 = arith.addi %mul3A_2, %add3A_22 : i32
    %dma_start3A_24 = tpu.memref_slice %arg4[%add3A_23] : memref<327680xi32, #tpu.memory_space<hbm>> -> memref<64xi32, #tpu.memory_space<hbm>>
    %dma_start3A_25 = tpu.memref_slice %arg4[%add3A_23] : memref<327680xi32, #tpu.memory_space<hbm>> -> memref<64xi32, #tpu.memory_space<hbm>>
    tpu.enqueue_dma source(%dma_start3A_25 : memref<64xi32, #tpu.memory_space<hbm>>) target(%arg17 : memref<64xi32, #tpu.memory_space<vmem>>) target_semaphore(%arg38 : memref<!tpu.dma_semaphore, #tpu.memory_space<semaphore_mem>>)
    %add3A_26 = arith.constant 192 : i32
    %add3A_27 = arith.addi %mul3A_2, %add3A_26 : i32
    %dma_start3A_28 = tpu.memref_slice %arg3[%add3A_27] : memref<327680xi32, #tpu.memory_space<hbm>> -> memref<64xi32, #tpu.memory_space<hbm>>
    %dma_start3A_29 = tpu.memref_slice %arg3[%add3A_27] : memref<327680xi32, #tpu.memory_space<hbm>> -> memref<64xi32, #tpu.memory_space<hbm>>
    tpu.enqueue_dma source(%dma_start3A_29 : memref<64xi32, #tpu.memory_space<hbm>>) target(%arg10 : memref<64xi32, #tpu.memory_space<vmem>>) target_semaphore(%arg31 : memref<!tpu.dma_semaphore, #tpu.memory_space<semaphore_mem>>)
    %add3A_30 = arith.constant 192 : i32
    %add3A_31 = arith.addi %mul3A_2, %add3A_30 : i32
    %dma_start3A_32 = tpu.memref_slice %arg4[%add3A_31] : memref<327680xi32, #tpu.memory_space<hbm>> -> memref<64xi32, #tpu.memory_space<hbm>>
    %dma_start3A_33 = tpu.memref_slice %arg4[%add3A_31] : memref<327680xi32, #tpu.memory_space<hbm>> -> memref<64xi32, #tpu.memory_space<hbm>>
    tpu.enqueue_dma source(%dma_start3A_33 : memref<64xi32, #tpu.memory_space<hbm>>) target(%arg18 : memref<64xi32, #tpu.memory_space<vmem>>) target_semaphore(%arg39 : memref<!tpu.dma_semaphore, #tpu.memory_space<semaphore_mem>>)
    %add3A_34 = arith.constant 256 : i32
    %add3A_35 = arith.addi %mul3A_2, %add3A_34 : i32
    %dma_start3A_36 = tpu.memref_slice %arg3[%add3A_35] : memref<327680xi32, #tpu.memory_space<hbm>> -> memref<64xi32, #tpu.memory_space<hbm>>
    %dma_start3A_37 = tpu.memref_slice %arg3[%add3A_35] : memref<327680xi32, #tpu.memory_space<hbm>> -> memref<64xi32, #tpu.memory_space<hbm>>
    tpu.enqueue_dma source(%dma_start3A_37 : memref<64xi32, #tpu.memory_space<hbm>>) target(%arg11 : memref<64xi32, #tpu.memory_space<vmem>>) target_semaphore(%arg32 : memref<!tpu.dma_semaphore, #tpu.memory_space<semaphore_mem>>)
    %add3A_38 = arith.constant 256 : i32
    %add3A_39 = arith.addi %mul3A_2, %add3A_38 : i32
    %dma_start3A_40 = tpu.memref_slice %arg4[%add3A_39] : memref<327680xi32, #tpu.memory_space<hbm>> -> memref<64xi32, #tpu.memory_space<hbm>>
    %dma_start3A_41 = tpu.memref_slice %arg4[%add3A_39] : memref<327680xi32, #tpu.memory_space<hbm>> -> memref<64xi32, #tpu.memory_space<hbm>>
    tpu.enqueue_dma source(%dma_start3A_41 : memref<64xi32, #tpu.memory_space<hbm>>) target(%arg19 : memref<64xi32, #tpu.memory_space<vmem>>) target_semaphore(%arg40 : memref<!tpu.dma_semaphore, #tpu.memory_space<semaphore_mem>>)
    %add3A_42 = arith.constant 320 : i32
    %add3A_43 = arith.addi %mul3A_2, %add3A_42 : i32
    %dma_start3A_44 = tpu.memref_slice %arg3[%add3A_43] : memref<327680xi32, #tpu.memory_space<hbm>> -> memref<64xi32, #tpu.memory_space<hbm>>
    %dma_start3A_45 = tpu.memref_slice %arg3[%add3A_43] : memref<327680xi32, #tpu.memory_space<hbm>> -> memref<64xi32, #tpu.memory_space<hbm>>
    tpu.enqueue_dma source(%dma_start3A_45 : memref<64xi32, #tpu.memory_space<hbm>>) target(%arg12 : memref<64xi32, #tpu.memory_space<vmem>>) target_semaphore(%arg33 : memref<!tpu.dma_semaphore, #tpu.memory_space<semaphore_mem>>)
    %add3A_46 = arith.constant 320 : i32
    %add3A_47 = arith.addi %mul3A_2, %add3A_46 : i32
    %dma_start3A_48 = tpu.memref_slice %arg4[%add3A_47] : memref<327680xi32, #tpu.memory_space<hbm>> -> memref<64xi32, #tpu.memory_space<hbm>>
    %dma_start3A_49 = tpu.memref_slice %arg4[%add3A_47] : memref<327680xi32, #tpu.memory_space<hbm>> -> memref<64xi32, #tpu.memory_space<hbm>>
    tpu.enqueue_dma source(%dma_start3A_49 : memref<64xi32, #tpu.memory_space<hbm>>) target(%arg20 : memref<64xi32, #tpu.memory_space<vmem>>) target_semaphore(%arg41 : memref<!tpu.dma_semaphore, #tpu.memory_space<semaphore_mem>>)
    %add3A_50 = arith.constant 384 : i32
    %add3A_51 = arith.addi %mul3A_2, %add3A_50 : i32
    %dma_start3A_52 = tpu.memref_slice %arg3[%add3A_51] : memref<327680xi32, #tpu.memory_space<hbm>> -> memref<64xi32, #tpu.memory_space<hbm>>
    %dma_start3A_53 = tpu.memref_slice %arg3[%add3A_51] : memref<327680xi32, #tpu.memory_space<hbm>> -> memref<64xi32, #tpu.memory_space<hbm>>
    tpu.enqueue_dma source(%dma_start3A_53 : memref<64xi32, #tpu.memory_space<hbm>>) target(%arg13 : memref<64xi32, #tpu.memory_space<vmem>>) target_semaphore(%arg34 : memref<!tpu.dma_semaphore, #tpu.memory_space<semaphore_mem>>)
    %add3A_54 = arith.constant 384 : i32
    %add3A_55 = arith.addi %mul3A_2, %add3A_54 : i32
    %dma_start3A_56 = tpu.memref_slice %arg4[%add3A_55] : memref<327680xi32, #tpu.memory_space<hbm>> -> memref<64xi32, #tpu.memory_space<hbm>>
    %dma_start3A_57 = tpu.memref_slice %arg4[%add3A_55] : memref<327680xi32, #tpu.memory_space<hbm>> -> memref<64xi32, #tpu.memory_space<hbm>>
    tpu.enqueue_dma source(%dma_start3A_57 : memref<64xi32, #tpu.memory_space<hbm>>) target(%arg21 : memref<64xi32, #tpu.memory_space<vmem>>) target_semaphore(%arg42 : memref<!tpu.dma_semaphore, #tpu.memory_space<semaphore_mem>>)
    %add3A_58 = arith.constant 448 : i32
    %add3A_59 = arith.addi %mul3A_2, %add3A_58 : i32
    %dma_start3A_60 = tpu.memref_slice %arg3[%add3A_59] : memref<327680xi32, #tpu.memory_space<hbm>> -> memref<64xi32, #tpu.memory_space<hbm>>
    %dma_start3A_61 = tpu.memref_slice %arg3[%add3A_59] : memref<327680xi32, #tpu.memory_space<hbm>> -> memref<64xi32, #tpu.memory_space<hbm>>
    tpu.enqueue_dma source(%dma_start3A_61 : memref<64xi32, #tpu.memory_space<hbm>>) target(%arg14 : memref<64xi32, #tpu.memory_space<vmem>>) target_semaphore(%arg35 : memref<!tpu.dma_semaphore, #tpu.memory_space<semaphore_mem>>)
    %add3A_62 = arith.constant 448 : i32
    %add3A_63 = arith.addi %mul3A_2, %add3A_62 : i32
    %dma_start3A_64 = tpu.memref_slice %arg4[%add3A_63] : memref<327680xi32, #tpu.memory_space<hbm>> -> memref<64xi32, #tpu.memory_space<hbm>>
    %dma_start3A_65 = tpu.memref_slice %arg4[%add3A_63] : memref<327680xi32, #tpu.memory_space<hbm>> -> memref<64xi32, #tpu.memory_space<hbm>>
    tpu.enqueue_dma source(%dma_start3A_65 : memref<64xi32, #tpu.memory_space<hbm>>) target(%arg22 : memref<64xi32, #tpu.memory_space<vmem>>) target_semaphore(%arg43 : memref<!tpu.dma_semaphore, #tpu.memory_space<semaphore_mem>>)
    "tpu.region"() ({
      %run_scoped3A = tpu.sem_alloc : memref<!tpu.dma_semaphore, #tpu.memory_space<semaphore_mem>>
      tpu.enqueue_dma source(%arg5 : memref<64x128xf32, #tpu.memory_space<hbm>>) target(%arg23 : memref<64x128xf32, #tpu.memory_space<vmem>>) target_semaphore(%run_scoped3A : memref<!tpu.dma_semaphore, #tpu.memory_space<semaphore_mem>>)
      tpu.wait_dma2 semaphore(%run_scoped3A : memref<!tpu.dma_semaphore, #tpu.memory_space<semaphore_mem>>) src(%arg5 : memref<64x128xf32, #tpu.memory_space<hbm>>) dst(%arg23 : memref<64x128xf32, #tpu.memory_space<vmem>>)
      tpu.yield
    }) : () -> ()
    %mul3A_66 = arith.constant 640 : i32
    %mul3A_67 = arith.muli %arg1, %mul3A_66 : i32
    %add3A_68 = arith.constant 0 : i32
    %add3A_69 = arith.addi %mul3A_67, %add3A_68 : i32
    "tpu.region"() ({
      %run_scoped3A = tpu.sem_alloc : memref<!tpu.dma_semaphore, #tpu.memory_space<semaphore_mem>>
      %dma_start3A_484 = arith.constant 0 : i32
      %dma_start3A_485 = tpu.memref_slice %arg27[%add3A_69, %dma_start3A_484] : memref<10240x128xf32, #tpu.memory_space<vmem_shared>> -> memref<64x128xf32, #tpu.memory_space<vmem_shared>>
      %dma_start3A_486 = arith.constant 0 : i32
      %dma_start3A_487 = tpu.memref_slice %arg27[%add3A_69, %dma_start3A_486] : memref<10240x128xf32, #tpu.memory_space<vmem_shared>> -> memref<64x128xf32, #tpu.memory_space<vmem_shared>>
      tpu.enqueue_dma source(%arg23 : memref<64x128xf32, #tpu.memory_space<vmem>>) target(%dma_start3A_487 : memref<64x128xf32, #tpu.memory_space<vmem_shared>>) target_semaphore(%run_scoped3A : memref<!tpu.dma_semaphore, #tpu.memory_space<semaphore_mem>>)
      %dma_wait3A_488 = arith.constant 0 : i32
      %dma_wait3A_489 = tpu.memref_slice %arg27[%add3A_69, %dma_wait3A_488] : memref<10240x128xf32, #tpu.memory_space<vmem_shared>> -> memref<64x128xf32, #tpu.memory_space<vmem_shared>>
      %dma_wait3A_490 = arith.constant 0 : i32
      %dma_wait3A_491 = tpu.memref_slice %arg27[%add3A_69, %dma_wait3A_490] : memref<10240x128xf32, #tpu.memory_space<vmem_shared>> -> memref<64x128xf32, #tpu.memory_space<vmem_shared>>
      tpu.wait_dma2 semaphore(%run_scoped3A : memref<!tpu.dma_semaphore, #tpu.memory_space<semaphore_mem>>) src(%arg23 : memref<64x128xf32, #tpu.memory_space<vmem>>) dst(%dma_wait3A_491 : memref<64x128xf32, #tpu.memory_space<vmem_shared>>)
      tpu.yield
    }) : () -> ()
    %mul3A_70 = arith.constant 640 : i32
    %mul3A_71 = arith.muli %arg1, %mul3A_70 : i32
    %add3A_72 = arith.constant 64 : i32
    %add3A_73 = arith.addi %mul3A_71, %add3A_72 : i32
    "tpu.region"() ({
      %run_scoped3A = tpu.sem_alloc : memref<!tpu.dma_semaphore, #tpu.memory_space<semaphore_mem>>
      %dma_start3A_484 = arith.constant 0 : i32
      %dma_start3A_485 = tpu.memref_slice %arg27[%add3A_73, %dma_start3A_484] : memref<10240x128xf32, #tpu.memory_space<vmem_shared>> -> memref<64x128xf32, #tpu.memory_space<vmem_shared>>
      %dma_start3A_486 = arith.constant 0 : i32
      %dma_start3A_487 = tpu.memref_slice %arg27[%add3A_73, %dma_start3A_486] : memref<10240x128xf32, #tpu.memory_space<vmem_shared>> -> memref<64x128xf32, #tpu.memory_space<vmem_shared>>
      tpu.enqueue_dma source(%arg23 : memref<64x128xf32, #tpu.memory_space<vmem>>) target(%dma_start3A_487 : memref<64x128xf32, #tpu.memory_space<vmem_shared>>) target_semaphore(%run_scoped3A : memref<!tpu.dma_semaphore, #tpu.memory_space<semaphore_mem>>)
      %dma_wait3A_488 = arith.constant 0 : i32
      %dma_wait3A_489 = tpu.memref_slice %arg27[%add3A_73, %dma_wait3A_488] : memref<10240x128xf32, #tpu.memory_space<vmem_shared>> -> memref<64x128xf32, #tpu.memory_space<vmem_shared>>
      %dma_wait3A_490 = arith.constant 0 : i32
      %dma_wait3A_491 = tpu.memref_slice %arg27[%add3A_73, %dma_wait3A_490] : memref<10240x128xf32, #tpu.memory_space<vmem_shared>> -> memref<64x128xf32, #tpu.memory_space<vmem_shared>>
      tpu.wait_dma2 semaphore(%run_scoped3A : memref<!tpu.dma_semaphore, #tpu.memory_space<semaphore_mem>>) src(%arg23 : memref<64x128xf32, #tpu.memory_space<vmem>>) dst(%dma_wait3A_491 : memref<64x128xf32, #tpu.memory_space<vmem_shared>>)
      tpu.yield
    }) : () -> ()
    %mul3A_74 = arith.constant 640 : i32
    %mul3A_75 = arith.muli %arg1, %mul3A_74 : i32
    %add3A_76 = arith.constant 128 : i32
    %add3A_77 = arith.addi %mul3A_75, %add3A_76 : i32
    "tpu.region"() ({
      %run_scoped3A = tpu.sem_alloc : memref<!tpu.dma_semaphore, #tpu.memory_space<semaphore_mem>>
      %dma_start3A_484 = arith.constant 0 : i32
      %dma_start3A_485 = tpu.memref_slice %arg27[%add3A_77, %dma_start3A_484] : memref<10240x128xf32, #tpu.memory_space<vmem_shared>> -> memref<64x128xf32, #tpu.memory_space<vmem_shared>>
      %dma_start3A_486 = arith.constant 0 : i32
      %dma_start3A_487 = tpu.memref_slice %arg27[%add3A_77, %dma_start3A_486] : memref<10240x128xf32, #tpu.memory_space<vmem_shared>> -> memref<64x128xf32, #tpu.memory_space<vmem_shared>>
      tpu.enqueue_dma source(%arg23 : memref<64x128xf32, #tpu.memory_space<vmem>>) target(%dma_start3A_487 : memref<64x128xf32, #tpu.memory_space<vmem_shared>>) target_semaphore(%run_scoped3A : memref<!tpu.dma_semaphore, #tpu.memory_space<semaphore_mem>>)
      %dma_wait3A_488 = arith.constant 0 : i32
      %dma_wait3A_489 = tpu.memref_slice %arg27[%add3A_77, %dma_wait3A_488] : memref<10240x128xf32, #tpu.memory_space<vmem_shared>> -> memref<64x128xf32, #tpu.memory_space<vmem_shared>>
      %dma_wait3A_490 = arith.constant 0 : i32
      %dma_wait3A_491 = tpu.memref_slice %arg27[%add3A_77, %dma_wait3A_490] : memref<10240x128xf32, #tpu.memory_space<vmem_shared>> -> memref<64x128xf32, #tpu.memory_space<vmem_shared>>
      tpu.wait_dma2 semaphore(%run_scoped3A : memref<!tpu.dma_semaphore, #tpu.memory_space<semaphore_mem>>) src(%arg23 : memref<64x128xf32, #tpu.memory_space<vmem>>) dst(%dma_wait3A_491 : memref<64x128xf32, #tpu.memory_space<vmem_shared>>)
      tpu.yield
    }) : () -> ()
    %mul3A_78 = arith.constant 640 : i32
    %mul3A_79 = arith.muli %arg1, %mul3A_78 : i32
    %add3A_80 = arith.constant 192 : i32
    %add3A_81 = arith.addi %mul3A_79, %add3A_80 : i32
    "tpu.region"() ({
      %run_scoped3A = tpu.sem_alloc : memref<!tpu.dma_semaphore, #tpu.memory_space<semaphore_mem>>
      %dma_start3A_484 = arith.constant 0 : i32
      %dma_start3A_485 = tpu.memref_slice %arg27[%add3A_81, %dma_start3A_484] : memref<10240x128xf32, #tpu.memory_space<vmem_shared>> -> memref<64x128xf32, #tpu.memory_space<vmem_shared>>
      %dma_start3A_486 = arith.constant 0 : i32
      %dma_start3A_487 = tpu.memref_slice %arg27[%add3A_81, %dma_start3A_486] : memref<10240x128xf32, #tpu.memory_space<vmem_shared>> -> memref<64x128xf32, #tpu.memory_space<vmem_shared>>
      tpu.enqueue_dma source(%arg23 : memref<64x128xf32, #tpu.memory_space<vmem>>) target(%dma_start3A_487 : memref<64x128xf32, #tpu.memory_space<vmem_shared>>) target_semaphore(%run_scoped3A : memref<!tpu.dma_semaphore, #tpu.memory_space<semaphore_mem>>)
      %dma_wait3A_488 = arith.constant 0 : i32
      %dma_wait3A_489 = tpu.memref_slice %arg27[%add3A_81, %dma_wait3A_488] : memref<10240x128xf32, #tpu.memory_space<vmem_shared>> -> memref<64x128xf32, #tpu.memory_space<vmem_shared>>
      %dma_wait3A_490 = arith.constant 0 : i32
      %dma_wait3A_491 = tpu.memref_slice %arg27[%add3A_81, %dma_wait3A_490] : memref<10240x128xf32, #tpu.memory_space<vmem_shared>> -> memref<64x128xf32, #tpu.memory_space<vmem_shared>>
      tpu.wait_dma2 semaphore(%run_scoped3A : memref<!tpu.dma_semaphore, #tpu.memory_space<semaphore_mem>>) src(%arg23 : memref<64x128xf32, #tpu.memory_space<vmem>>) dst(%dma_wait3A_491 : memref<64x128xf32, #tpu.memory_space<vmem_shared>>)
      tpu.yield
    }) : () -> ()
    %mul3A_82 = arith.constant 640 : i32
    %mul3A_83 = arith.muli %arg1, %mul3A_82 : i32
    %add3A_84 = arith.constant 256 : i32
    %add3A_85 = arith.addi %mul3A_83, %add3A_84 : i32
    "tpu.region"() ({
      %run_scoped3A = tpu.sem_alloc : memref<!tpu.dma_semaphore, #tpu.memory_space<semaphore_mem>>
      %dma_start3A_484 = arith.constant 0 : i32
      %dma_start3A_485 = tpu.memref_slice %arg27[%add3A_85, %dma_start3A_484] : memref<10240x128xf32, #tpu.memory_space<vmem_shared>> -> memref<64x128xf32, #tpu.memory_space<vmem_shared>>
      %dma_start3A_486 = arith.constant 0 : i32
      %dma_start3A_487 = tpu.memref_slice %arg27[%add3A_85, %dma_start3A_486] : memref<10240x128xf32, #tpu.memory_space<vmem_shared>> -> memref<64x128xf32, #tpu.memory_space<vmem_shared>>
      tpu.enqueue_dma source(%arg23 : memref<64x128xf32, #tpu.memory_space<vmem>>) target(%dma_start3A_487 : memref<64x128xf32, #tpu.memory_space<vmem_shared>>) target_semaphore(%run_scoped3A : memref<!tpu.dma_semaphore, #tpu.memory_space<semaphore_mem>>)
      %dma_wait3A_488 = arith.constant 0 : i32
      %dma_wait3A_489 = tpu.memref_slice %arg27[%add3A_85, %dma_wait3A_488] : memref<10240x128xf32, #tpu.memory_space<vmem_shared>> -> memref<64x128xf32, #tpu.memory_space<vmem_shared>>
      %dma_wait3A_490 = arith.constant 0 : i32
      %dma_wait3A_491 = tpu.memref_slice %arg27[%add3A_85, %dma_wait3A_490] : memref<10240x128xf32, #tpu.memory_space<vmem_shared>> -> memref<64x128xf32, #tpu.memory_space<vmem_shared>>
      tpu.wait_dma2 semaphore(%run_scoped3A : memref<!tpu.dma_semaphore, #tpu.memory_space<semaphore_mem>>) src(%arg23 : memref<64x128xf32, #tpu.memory_space<vmem>>) dst(%dma_wait3A_491 : memref<64x128xf32, #tpu.memory_space<vmem_shared>>)
      tpu.yield
    }) : () -> ()
    %mul3A_86 = arith.constant 640 : i32
    %mul3A_87 = arith.muli %arg1, %mul3A_86 : i32
    %add3A_88 = arith.constant 320 : i32
    %add3A_89 = arith.addi %mul3A_87, %add3A_88 : i32
    "tpu.region"() ({
      %run_scoped3A = tpu.sem_alloc : memref<!tpu.dma_semaphore, #tpu.memory_space<semaphore_mem>>
      %dma_start3A_484 = arith.constant 0 : i32
      %dma_start3A_485 = tpu.memref_slice %arg27[%add3A_89, %dma_start3A_484] : memref<10240x128xf32, #tpu.memory_space<vmem_shared>> -> memref<64x128xf32, #tpu.memory_space<vmem_shared>>
      %dma_start3A_486 = arith.constant 0 : i32
      %dma_start3A_487 = tpu.memref_slice %arg27[%add3A_89, %dma_start3A_486] : memref<10240x128xf32, #tpu.memory_space<vmem_shared>> -> memref<64x128xf32, #tpu.memory_space<vmem_shared>>
      tpu.enqueue_dma source(%arg23 : memref<64x128xf32, #tpu.memory_space<vmem>>) target(%dma_start3A_487 : memref<64x128xf32, #tpu.memory_space<vmem_shared>>) target_semaphore(%run_scoped3A : memref<!tpu.dma_semaphore, #tpu.memory_space<semaphore_mem>>)
      %dma_wait3A_488 = arith.constant 0 : i32
      %dma_wait3A_489 = tpu.memref_slice %arg27[%add3A_89, %dma_wait3A_488] : memref<10240x128xf32, #tpu.memory_space<vmem_shared>> -> memref<64x128xf32, #tpu.memory_space<vmem_shared>>
      %dma_wait3A_490 = arith.constant 0 : i32
      %dma_wait3A_491 = tpu.memref_slice %arg27[%add3A_89, %dma_wait3A_490] : memref<10240x128xf32, #tpu.memory_space<vmem_shared>> -> memref<64x128xf32, #tpu.memory_space<vmem_shared>>
      tpu.wait_dma2 semaphore(%run_scoped3A : memref<!tpu.dma_semaphore, #tpu.memory_space<semaphore_mem>>) src(%arg23 : memref<64x128xf32, #tpu.memory_space<vmem>>) dst(%dma_wait3A_491 : memref<64x128xf32, #tpu.memory_space<vmem_shared>>)
      tpu.yield
    }) : () -> ()
    %mul3A_90 = arith.constant 640 : i32
    %mul3A_91 = arith.muli %arg1, %mul3A_90 : i32
    %add3A_92 = arith.constant 384 : i32
    %add3A_93 = arith.addi %mul3A_91, %add3A_92 : i32
    "tpu.region"() ({
      %run_scoped3A = tpu.sem_alloc : memref<!tpu.dma_semaphore, #tpu.memory_space<semaphore_mem>>
      %dma_start3A_484 = arith.constant 0 : i32
      %dma_start3A_485 = tpu.memref_slice %arg27[%add3A_93, %dma_start3A_484] : memref<10240x128xf32, #tpu.memory_space<vmem_shared>> -> memref<64x128xf32, #tpu.memory_space<vmem_shared>>
      %dma_start3A_486 = arith.constant 0 : i32
      %dma_start3A_487 = tpu.memref_slice %arg27[%add3A_93, %dma_start3A_486] : memref<10240x128xf32, #tpu.memory_space<vmem_shared>> -> memref<64x128xf32, #tpu.memory_space<vmem_shared>>
      tpu.enqueue_dma source(%arg23 : memref<64x128xf32, #tpu.memory_space<vmem>>) target(%dma_start3A_487 : memref<64x128xf32, #tpu.memory_space<vmem_shared>>) target_semaphore(%run_scoped3A : memref<!tpu.dma_semaphore, #tpu.memory_space<semaphore_mem>>)
      %dma_wait3A_488 = arith.constant 0 : i32
      %dma_wait3A_489 = tpu.memref_slice %arg27[%add3A_93, %dma_wait3A_488] : memref<10240x128xf32, #tpu.memory_space<vmem_shared>> -> memref<64x128xf32, #tpu.memory_space<vmem_shared>>
      %dma_wait3A_490 = arith.constant 0 : i32
      %dma_wait3A_491 = tpu.memref_slice %arg27[%add3A_93, %dma_wait3A_490] : memref<10240x128xf32, #tpu.memory_space<vmem_shared>> -> memref<64x128xf32, #tpu.memory_space<vmem_shared>>
      tpu.wait_dma2 semaphore(%run_scoped3A : memref<!tpu.dma_semaphore, #tpu.memory_space<semaphore_mem>>) src(%arg23 : memref<64x128xf32, #tpu.memory_space<vmem>>) dst(%dma_wait3A_491 : memref<64x128xf32, #tpu.memory_space<vmem_shared>>)
      tpu.yield
    }) : () -> ()
    %mul3A_94 = arith.constant 640 : i32
    %mul3A_95 = arith.muli %arg1, %mul3A_94 : i32
    %add3A_96 = arith.constant 448 : i32
    %add3A_97 = arith.addi %mul3A_95, %add3A_96 : i32
    "tpu.region"() ({
      %run_scoped3A = tpu.sem_alloc : memref<!tpu.dma_semaphore, #tpu.memory_space<semaphore_mem>>
      %dma_start3A_484 = arith.constant 0 : i32
      %dma_start3A_485 = tpu.memref_slice %arg27[%add3A_97, %dma_start3A_484] : memref<10240x128xf32, #tpu.memory_space<vmem_shared>> -> memref<64x128xf32, #tpu.memory_space<vmem_shared>>
      %dma_start3A_486 = arith.constant 0 : i32
      %dma_start3A_487 = tpu.memref_slice %arg27[%add3A_97, %dma_start3A_486] : memref<10240x128xf32, #tpu.memory_space<vmem_shared>> -> memref<64x128xf32, #tpu.memory_space<vmem_shared>>
      tpu.enqueue_dma source(%arg23 : memref<64x128xf32, #tpu.memory_space<vmem>>) target(%dma_start3A_487 : memref<64x128xf32, #tpu.memory_space<vmem_shared>>) target_semaphore(%run_scoped3A : memref<!tpu.dma_semaphore, #tpu.memory_space<semaphore_mem>>)
      %dma_wait3A_488 = arith.constant 0 : i32
      %dma_wait3A_489 = tpu.memref_slice %arg27[%add3A_97, %dma_wait3A_488] : memref<10240x128xf32, #tpu.memory_space<vmem_shared>> -> memref<64x128xf32, #tpu.memory_space<vmem_shared>>
      %dma_wait3A_490 = arith.constant 0 : i32
      %dma_wait3A_491 = tpu.memref_slice %arg27[%add3A_97, %dma_wait3A_490] : memref<10240x128xf32, #tpu.memory_space<vmem_shared>> -> memref<64x128xf32, #tpu.memory_space<vmem_shared>>
      tpu.wait_dma2 semaphore(%run_scoped3A : memref<!tpu.dma_semaphore, #tpu.memory_space<semaphore_mem>>) src(%arg23 : memref<64x128xf32, #tpu.memory_space<vmem>>) dst(%dma_wait3A_491 : memref<64x128xf32, #tpu.memory_space<vmem_shared>>)
      tpu.yield
    }) : () -> ()
    %mul3A_98 = arith.constant 640 : i32
    %mul3A_99 = arith.muli %arg1, %mul3A_98 : i32
    %add3A_100 = arith.constant 512 : i32
    %add3A_101 = arith.addi %mul3A_99, %add3A_100 : i32
    "tpu.region"() ({
      %run_scoped3A = tpu.sem_alloc : memref<!tpu.dma_semaphore, #tpu.memory_space<semaphore_mem>>
      %dma_start3A_484 = arith.constant 0 : i32
      %dma_start3A_485 = tpu.memref_slice %arg27[%add3A_101, %dma_start3A_484] : memref<10240x128xf32, #tpu.memory_space<vmem_shared>> -> memref<64x128xf32, #tpu.memory_space<vmem_shared>>
      %dma_start3A_486 = arith.constant 0 : i32
      %dma_start3A_487 = tpu.memref_slice %arg27[%add3A_101, %dma_start3A_486] : memref<10240x128xf32, #tpu.memory_space<vmem_shared>> -> memref<64x128xf32, #tpu.memory_space<vmem_shared>>
      tpu.enqueue_dma source(%arg23 : memref<64x128xf32, #tpu.memory_space<vmem>>) target(%dma_start3A_487 : memref<64x128xf32, #tpu.memory_space<vmem_shared>>) target_semaphore(%run_scoped3A : memref<!tpu.dma_semaphore, #tpu.memory_space<semaphore_mem>>)
      %dma_wait3A_488 = arith.constant 0 : i32
      %dma_wait3A_489 = tpu.memref_slice %arg27[%add3A_101, %dma_wait3A_488] : memref<10240x128xf32, #tpu.memory_space<vmem_shared>> -> memref<64x128xf32, #tpu.memory_space<vmem_shared>>
      %dma_wait3A_490 = arith.constant 0 : i32
      %dma_wait3A_491 = tpu.memref_slice %arg27[%add3A_101, %dma_wait3A_490] : memref<10240x128xf32, #tpu.memory_space<vmem_shared>> -> memref<64x128xf32, #tpu.memory_space<vmem_shared>>
      tpu.wait_dma2 semaphore(%run_scoped3A : memref<!tpu.dma_semaphore, #tpu.memory_space<semaphore_mem>>) src(%arg23 : memref<64x128xf32, #tpu.memory_space<vmem>>) dst(%dma_wait3A_491 : memref<64x128xf32, #tpu.memory_space<vmem_shared>>)
      tpu.yield
    }) : () -> ()
    %mul3A_102 = arith.constant 640 : i32
    %mul3A_103 = arith.muli %arg1, %mul3A_102 : i32
    %add3A_104 = arith.constant 576 : i32
    %add3A_105 = arith.addi %mul3A_103, %add3A_104 : i32
    "tpu.region"() ({
      %run_scoped3A = tpu.sem_alloc : memref<!tpu.dma_semaphore, #tpu.memory_space<semaphore_mem>>
      %dma_start3A_484 = arith.constant 0 : i32
      %dma_start3A_485 = tpu.memref_slice %arg27[%add3A_105, %dma_start3A_484] : memref<10240x128xf32, #tpu.memory_space<vmem_shared>> -> memref<64x128xf32, #tpu.memory_space<vmem_shared>>
      %dma_start3A_486 = arith.constant 0 : i32
      %dma_start3A_487 = tpu.memref_slice %arg27[%add3A_105, %dma_start3A_486] : memref<10240x128xf32, #tpu.memory_space<vmem_shared>> -> memref<64x128xf32, #tpu.memory_space<vmem_shared>>
      tpu.enqueue_dma source(%arg23 : memref<64x128xf32, #tpu.memory_space<vmem>>) target(%dma_start3A_487 : memref<64x128xf32, #tpu.memory_space<vmem_shared>>) target_semaphore(%run_scoped3A : memref<!tpu.dma_semaphore, #tpu.memory_space<semaphore_mem>>)
      %dma_wait3A_488 = arith.constant 0 : i32
      %dma_wait3A_489 = tpu.memref_slice %arg27[%add3A_105, %dma_wait3A_488] : memref<10240x128xf32, #tpu.memory_space<vmem_shared>> -> memref<64x128xf32, #tpu.memory_space<vmem_shared>>
      %dma_wait3A_490 = arith.constant 0 : i32
      %dma_wait3A_491 = tpu.memref_slice %arg27[%add3A_105, %dma_wait3A_490] : memref<10240x128xf32, #tpu.memory_space<vmem_shared>> -> memref<64x128xf32, #tpu.memory_space<vmem_shared>>
      tpu.wait_dma2 semaphore(%run_scoped3A : memref<!tpu.dma_semaphore, #tpu.memory_space<semaphore_mem>>) src(%arg23 : memref<64x128xf32, #tpu.memory_space<vmem>>) dst(%dma_wait3A_491 : memref<64x128xf32, #tpu.memory_space<vmem_shared>>)
      tpu.yield
    }) : () -> ()
    %add3A_106 = arith.constant 0 : i32
    %add3A_107 = arith.addi %mul3A_2, %add3A_106 : i32
    %dma_wait3A = tpu.memref_slice %arg3[%add3A_107] : memref<327680xi32, #tpu.memory_space<hbm>> -> memref<64xi32, #tpu.memory_space<hbm>>
    %dma_wait3A_108 = tpu.memref_slice %arg3[%add3A_107] : memref<327680xi32, #tpu.memory_space<hbm>> -> memref<64xi32, #tpu.memory_space<hbm>>
    tpu.wait_dma2 semaphore(%arg28 : memref<!tpu.dma_semaphore, #tpu.memory_space<semaphore_mem>>) src(%dma_wait3A_108 : memref<64xi32, #tpu.memory_space<hbm>>) dst(%arg7 : memref<64xi32, #tpu.memory_space<vmem>>)
    %add3A_109 = arith.constant 0 : i32
    %add3A_110 = arith.addi %mul3A_2, %add3A_109 : i32
    %dma_wait3A_111 = tpu.memref_slice %arg4[%add3A_110] : memref<327680xi32, #tpu.memory_space<hbm>> -> memref<64xi32, #tpu.memory_space<hbm>>
    %dma_wait3A_112 = tpu.memref_slice %arg4[%add3A_110] : memref<327680xi32, #tpu.memory_space<hbm>> -> memref<64xi32, #tpu.memory_space<hbm>>
    tpu.wait_dma2 semaphore(%arg36 : memref<!tpu.dma_semaphore, #tpu.memory_space<semaphore_mem>>) src(%dma_wait3A_112 : memref<64xi32, #tpu.memory_space<hbm>>) dst(%arg15 : memref<64xi32, #tpu.memory_space<vmem>>)
    %dma_start3A_113 = arith.constant 0 : i32
    %dma_start3A_114 = arith.constant 0 : i32
    %dma_start3A_115 = tpu.memref_slice %arg2[%dma_start3A_113, %dma_start3A_114] : memref<10240x128xf32, #tpu.memory_space<hbm>> -> memref<10240x128xf32, #tpu.memory_space<hbm>>
    tpu.enqueue_indirect_dma source(%dma_start3A_115 : memref<10240x128xf32, #tpu.memory_space<hbm>>) target(%arg23 : memref<64x128xf32, #tpu.memory_space<vmem>>) offsets(%arg7 : memref<64xi32, #tpu.memory_space<vmem>>) semaphore(%arg44 : memref<!tpu.dma_semaphore, #tpu.memory_space<semaphore_mem>>)
    %add3A_116 = arith.constant 64 : i32
    %add3A_117 = arith.addi %mul3A_2, %add3A_116 : i32
    %dma_wait3A_118 = tpu.memref_slice %arg3[%add3A_117] : memref<327680xi32, #tpu.memory_space<hbm>> -> memref<64xi32, #tpu.memory_space<hbm>>
    %dma_wait3A_119 = tpu.memref_slice %arg3[%add3A_117] : memref<327680xi32, #tpu.memory_space<hbm>> -> memref<64xi32, #tpu.memory_space<hbm>>
    tpu.wait_dma2 semaphore(%arg29 : memref<!tpu.dma_semaphore, #tpu.memory_space<semaphore_mem>>) src(%dma_wait3A_119 : memref<64xi32, #tpu.memory_space<hbm>>) dst(%arg8 : memref<64xi32, #tpu.memory_space<vmem>>)
    %add3A_120 = arith.constant 64 : i32
    %add3A_121 = arith.addi %mul3A_2, %add3A_120 : i32
    %dma_wait3A_122 = tpu.memref_slice %arg4[%add3A_121] : memref<327680xi32, #tpu.memory_space<hbm>> -> memref<64xi32, #tpu.memory_space<hbm>>
    %dma_wait3A_123 = tpu.memref_slice %arg4[%add3A_121] : memref<327680xi32, #tpu.memory_space<hbm>> -> memref<64xi32, #tpu.memory_space<hbm>>
    tpu.wait_dma2 semaphore(%arg37 : memref<!tpu.dma_semaphore, #tpu.memory_space<semaphore_mem>>) src(%dma_wait3A_123 : memref<64xi32, #tpu.memory_space<hbm>>) dst(%arg16 : memref<64xi32, #tpu.memory_space<vmem>>)
    %dma_start3A_124 = arith.constant 0 : i32
    %dma_start3A_125 = arith.constant 0 : i32
    %dma_start3A_126 = tpu.memref_slice %arg2[%dma_start3A_124, %dma_start3A_125] : memref<10240x128xf32, #tpu.memory_space<hbm>> -> memref<10240x128xf32, #tpu.memory_space<hbm>>
    tpu.enqueue_indirect_dma source(%dma_start3A_126 : memref<10240x128xf32, #tpu.memory_space<hbm>>) target(%arg24 : memref<64x128xf32, #tpu.memory_space<vmem>>) offsets(%arg8 : memref<64xi32, #tpu.memory_space<vmem>>) semaphore(%arg45 : memref<!tpu.dma_semaphore, #tpu.memory_space<semaphore_mem>>)
    %add3A_127 = arith.constant 128 : i32
    %add3A_128 = arith.addi %mul3A_2, %add3A_127 : i32
    %dma_wait3A_129 = tpu.memref_slice %arg3[%add3A_128] : memref<327680xi32, #tpu.memory_space<hbm>> -> memref<64xi32, #tpu.memory_space<hbm>>
    %dma_wait3A_130 = tpu.memref_slice %arg3[%add3A_128] : memref<327680xi32, #tpu.memory_space<hbm>> -> memref<64xi32, #tpu.memory_space<hbm>>
    tpu.wait_dma2 semaphore(%arg30 : memref<!tpu.dma_semaphore, #tpu.memory_space<semaphore_mem>>) src(%dma_wait3A_130 : memref<64xi32, #tpu.memory_space<hbm>>) dst(%arg9 : memref<64xi32, #tpu.memory_space<vmem>>)
    %add3A_131 = arith.constant 128 : i32
    %add3A_132 = arith.addi %mul3A_2, %add3A_131 : i32
    %dma_wait3A_133 = tpu.memref_slice %arg4[%add3A_132] : memref<327680xi32, #tpu.memory_space<hbm>> -> memref<64xi32, #tpu.memory_space<hbm>>
    %dma_wait3A_134 = tpu.memref_slice %arg4[%add3A_132] : memref<327680xi32, #tpu.memory_space<hbm>> -> memref<64xi32, #tpu.memory_space<hbm>>
    tpu.wait_dma2 semaphore(%arg38 : memref<!tpu.dma_semaphore, #tpu.memory_space<semaphore_mem>>) src(%dma_wait3A_134 : memref<64xi32, #tpu.memory_space<hbm>>) dst(%arg17 : memref<64xi32, #tpu.memory_space<vmem>>)
    %dma_start3A_135 = arith.constant 0 : i32
    %dma_start3A_136 = arith.constant 0 : i32
    %dma_start3A_137 = tpu.memref_slice %arg2[%dma_start3A_135, %dma_start3A_136] : memref<10240x128xf32, #tpu.memory_space<hbm>> -> memref<10240x128xf32, #tpu.memory_space<hbm>>
    tpu.enqueue_indirect_dma source(%dma_start3A_137 : memref<10240x128xf32, #tpu.memory_space<hbm>>) target(%arg25 : memref<64x128xf32, #tpu.memory_space<vmem>>) offsets(%arg9 : memref<64xi32, #tpu.memory_space<vmem>>) semaphore(%arg46 : memref<!tpu.dma_semaphore, #tpu.memory_space<semaphore_mem>>)
    %add3A_138 = arith.constant 192 : i32
    %add3A_139 = arith.addi %mul3A_2, %add3A_138 : i32
    %dma_wait3A_140 = tpu.memref_slice %arg3[%add3A_139] : memref<327680xi32, #tpu.memory_space<hbm>> -> memref<64xi32, #tpu.memory_space<hbm>>
    %dma_wait3A_141 = tpu.memref_slice %arg3[%add3A_139] : memref<327680xi32, #tpu.memory_space<hbm>> -> memref<64xi32, #tpu.memory_space<hbm>>
    tpu.wait_dma2 semaphore(%arg31 : memref<!tpu.dma_semaphore, #tpu.memory_space<semaphore_mem>>) src(%dma_wait3A_141 : memref<64xi32, #tpu.memory_space<hbm>>) dst(%arg10 : memref<64xi32, #tpu.memory_space<vmem>>)
    %add3A_142 = arith.constant 192 : i32
    %add3A_143 = arith.addi %mul3A_2, %add3A_142 : i32
    %dma_wait3A_144 = tpu.memref_slice %arg4[%add3A_143] : memref<327680xi32, #tpu.memory_space<hbm>> -> memref<64xi32, #tpu.memory_space<hbm>>
    %dma_wait3A_145 = tpu.memref_slice %arg4[%add3A_143] : memref<327680xi32, #tpu.memory_space<hbm>> -> memref<64xi32, #tpu.memory_space<hbm>>
    tpu.wait_dma2 semaphore(%arg39 : memref<!tpu.dma_semaphore, #tpu.memory_space<semaphore_mem>>) src(%dma_wait3A_145 : memref<64xi32, #tpu.memory_space<hbm>>) dst(%arg18 : memref<64xi32, #tpu.memory_space<vmem>>)
    %dma_start3A_146 = arith.constant 0 : i32
    %dma_start3A_147 = arith.constant 0 : i32
    %dma_start3A_148 = tpu.memref_slice %arg2[%dma_start3A_146, %dma_start3A_147] : memref<10240x128xf32, #tpu.memory_space<hbm>> -> memref<10240x128xf32, #tpu.memory_space<hbm>>
    tpu.enqueue_indirect_dma source(%dma_start3A_148 : memref<10240x128xf32, #tpu.memory_space<hbm>>) target(%arg26 : memref<64x128xf32, #tpu.memory_space<vmem>>) offsets(%arg10 : memref<64xi32, #tpu.memory_space<vmem>>) semaphore(%arg47 : memref<!tpu.dma_semaphore, #tpu.memory_space<semaphore_mem>>)
    %barrier3A = arith.constant 0 : index
    tpu.barrier barrier_id(%barrier3A)
    %scan3A = arith.constant 0 : i32
    %scan3A_149 = arith.constant 0 : i32
    %scan3A_150 = arith.constant 19 : i32
    %scan3A_151 = arith.addi %scan3A_149, %scan3A_150 : i32
    %scan3A_152 = arith.constant 1 : i32
    %scan3A_153 = scf.for %scan3A_484 = %scan3A_149 to %scan3A_151 step %scan3A_152 iter_args(%scan3A_485 = %scan3A) -> (i32)  : i32 {
      %mul3A_486 = arith.constant 8 : i32
      %mul3A_487 = arith.muli %mul3A_486, %scan3A_484 : i32
      %dma_wait3A_488 = arith.constant 0 : i32
      %dma_wait3A_489 = arith.constant 0 : i32
      %dma_wait3A_490 = tpu.memref_slice %arg2[%dma_wait3A_488, %dma_wait3A_489] : memref<10240x128xf32, #tpu.memory_space<hbm>> -> memref<10240x128xf32, #tpu.memory_space<hbm>>
      tpu.wait_indirect_dma semaphore(%arg44 : memref<!tpu.dma_semaphore, #tpu.memory_space<semaphore_mem>>) src(%dma_wait3A_490 : memref<10240x128xf32, #tpu.memory_space<hbm>>) dst(%arg23 : memref<64x128xf32, #tpu.memory_space<vmem>>)
      %dma_start3A_491 = arith.constant 0 : i32
      %dma_start3A_492 = arith.constant 0 : i32
      %dma_start3A_493 = tpu.memref_slice %arg27[%dma_start3A_491, %dma_start3A_492] : memref<10240x128xf32, #tpu.memory_space<vmem_shared>> -> memref<10240x128xf32, #tpu.memory_space<vmem_shared>>
      tpu.enqueue_indirect_dma source(%arg23 : memref<64x128xf32, #tpu.memory_space<vmem>>) target(%dma_start3A_493 : memref<10240x128xf32, #tpu.memory_space<vmem_shared>>) offsets(%arg15 : memref<64xi32, #tpu.memory_space<vmem>>) semaphore(%arg48 : memref<!tpu.dma_semaphore, #tpu.memory_space<semaphore_mem>>) {add = true}
      %dma_wait3A_494 = arith.constant 0 : i32
      %dma_wait3A_495 = arith.constant 0 : i32
      %dma_wait3A_496 = tpu.memref_slice %arg2[%dma_wait3A_494, %dma_wait3A_495] : memref<10240x128xf32, #tpu.memory_space<hbm>> -> memref<10240x128xf32, #tpu.memory_space<hbm>>
      tpu.wait_indirect_dma semaphore(%arg45 : memref<!tpu.dma_semaphore, #tpu.memory_space<semaphore_mem>>) src(%dma_wait3A_496 : memref<10240x128xf32, #tpu.memory_space<hbm>>) dst(%arg24 : memref<64x128xf32, #tpu.memory_space<vmem>>)
      %dma_start3A_497 = arith.constant 0 : i32
      %dma_start3A_498 = arith.constant 0 : i32
      %dma_start3A_499 = tpu.memref_slice %arg27[%dma_start3A_497, %dma_start3A_498] : memref<10240x128xf32, #tpu.memory_space<vmem_shared>> -> memref<10240x128xf32, #tpu.memory_space<vmem_shared>>
      tpu.enqueue_indirect_dma source(%arg24 : memref<64x128xf32, #tpu.memory_space<vmem>>) target(%dma_start3A_499 : memref<10240x128xf32, #tpu.memory_space<vmem_shared>>) offsets(%arg16 : memref<64xi32, #tpu.memory_space<vmem>>) semaphore(%arg49 : memref<!tpu.dma_semaphore, #tpu.memory_space<semaphore_mem>>) {add = true}
      %dma_wait3A_500 = arith.constant 0 : i32
      %dma_wait3A_501 = arith.constant 0 : i32
      %dma_wait3A_502 = tpu.memref_slice %arg2[%dma_wait3A_500, %dma_wait3A_501] : memref<10240x128xf32, #tpu.memory_space<hbm>> -> memref<10240x128xf32, #tpu.memory_space<hbm>>
      tpu.wait_indirect_dma semaphore(%arg46 : memref<!tpu.dma_semaphore, #tpu.memory_space<semaphore_mem>>) src(%dma_wait3A_502 : memref<10240x128xf32, #tpu.memory_space<hbm>>) dst(%arg25 : memref<64x128xf32, #tpu.memory_space<vmem>>)
      %dma_start3A_503 = arith.constant 0 : i32
      %dma_start3A_504 = arith.constant 0 : i32
      %dma_start3A_505 = tpu.memref_slice %arg27[%dma_start3A_503, %dma_start3A_504] : memref<10240x128xf32, #tpu.memory_space<vmem_shared>> -> memref<10240x128xf32, #tpu.memory_space<vmem_shared>>
      tpu.enqueue_indirect_dma source(%arg25 : memref<64x128xf32, #tpu.memory_space<vmem>>) target(%dma_start3A_505 : memref<10240x128xf32, #tpu.memory_space<vmem_shared>>) offsets(%arg17 : memref<64xi32, #tpu.memory_space<vmem>>) semaphore(%arg50 : memref<!tpu.dma_semaphore, #tpu.memory_space<semaphore_mem>>) {add = true}
      %dma_wait3A_506 = arith.constant 0 : i32
      %dma_wait3A_507 = arith.constant 0 : i32
      %dma_wait3A_508 = tpu.memref_slice %arg2[%dma_wait3A_506, %dma_wait3A_507] : memref<10240x128xf32, #tpu.memory_space<hbm>> -> memref<10240x128xf32, #tpu.memory_space<hbm>>
      tpu.wait_indirect_dma semaphore(%arg47 : memref<!tpu.dma_semaphore, #tpu.memory_space<semaphore_mem>>) src(%dma_wait3A_508 : memref<10240x128xf32, #tpu.memory_space<hbm>>) dst(%arg26 : memref<64x128xf32, #tpu.memory_space<vmem>>)
      %dma_start3A_509 = arith.constant 0 : i32
      %dma_start3A_510 = arith.constant 0 : i32
      %dma_start3A_511 = tpu.memref_slice %arg27[%dma_start3A_509, %dma_start3A_510] : memref<10240x128xf32, #tpu.memory_space<vmem_shared>> -> memref<10240x128xf32, #tpu.memory_space<vmem_shared>>
      tpu.enqueue_indirect_dma source(%arg26 : memref<64x128xf32, #tpu.memory_space<vmem>>) target(%dma_start3A_511 : memref<10240x128xf32, #tpu.memory_space<vmem_shared>>) offsets(%arg18 : memref<64xi32, #tpu.memory_space<vmem>>) semaphore(%arg51 : memref<!tpu.dma_semaphore, #tpu.memory_space<semaphore_mem>>) {add = true}
      %add3A_512 = arith.constant 0 : i32
      %add3A_513 = arith.addi %mul3A_487, %add3A_512 : i32
      %add3A_514 = arith.constant 0 : i32
      %add3A_515 = arith.addi %add3A_513, %add3A_514 : i32
      %add3A_516 = arith.constant 4 : i32
      %add3A_517 = arith.addi %add3A_515, %add3A_516 : i32
      %mul3A_518 = arith.constant 64 : i32
      %mul3A_519 = arith.muli %add3A_517, %mul3A_518 : i32
      %add3A_520 = arith.addi %mul3A_2, %mul3A_519 : i32
      %add3A_521 = arith.constant 0 : i32
      %add3A_522 = arith.addi %mul3A_487, %add3A_521 : i32
      %add3A_523 = arith.constant 0 : i32
      %add3A_524 = arith.addi %add3A_522, %add3A_523 : i32
      %add3A_525 = arith.constant 8 : i32
      %add3A_526 = arith.addi %add3A_524, %add3A_525 : i32
      %mul3A_527 = arith.constant 64 : i32
      %mul3A_528 = arith.muli %add3A_526, %mul3A_527 : i32
      %add3A_529 = arith.addi %mul3A_2, %mul3A_528 : i32
      %dma_wait3A_530 = arith.constant 0 : i32
      %dma_wait3A_531 = arith.constant 0 : i32
      %dma_wait3A_532 = tpu.memref_slice %arg27[%dma_wait3A_530, %dma_wait3A_531] : memref<10240x128xf32, #tpu.memory_space<vmem_shared>> -> memref<10240x128xf32, #tpu.memory_space<vmem_shared>>
      tpu.wait_indirect_dma semaphore(%arg48 : memref<!tpu.dma_semaphore, #tpu.memory_space<semaphore_mem>>) src(%arg23 : memref<64x128xf32, #tpu.memory_space<vmem>>) dst(%dma_wait3A_532 : memref<10240x128xf32, #tpu.memory_space<vmem_shared>>)
      %dma_wait3A_533 = tpu.memref_slice %arg3[%add3A_520] : memref<327680xi32, #tpu.memory_space<hbm>> -> memref<64xi32, #tpu.memory_space<hbm>>
      %dma_wait3A_534 = tpu.memref_slice %arg3[%add3A_520] : memref<327680xi32, #tpu.memory_space<hbm>> -> memref<64xi32, #tpu.memory_space<hbm>>
      tpu.wait_dma2 semaphore(%arg32 : memref<!tpu.dma_semaphore, #tpu.memory_space<semaphore_mem>>) src(%dma_wait3A_534 : memref<64xi32, #tpu.memory_space<hbm>>) dst(%arg11 : memref<64xi32, #tpu.memory_space<vmem>>)
      %dma_wait3A_535 = tpu.memref_slice %arg4[%add3A_520] : memref<327680xi32, #tpu.memory_space<hbm>> -> memref<64xi32, #tpu.memory_space<hbm>>
      %dma_wait3A_536 = tpu.memref_slice %arg4[%add3A_520] : memref<327680xi32, #tpu.memory_space<hbm>> -> memref<64xi32, #tpu.memory_space<hbm>>
      tpu.wait_dma2 semaphore(%arg40 : memref<!tpu.dma_semaphore, #tpu.memory_space<semaphore_mem>>) src(%dma_wait3A_536 : memref<64xi32, #tpu.memory_space<hbm>>) dst(%arg19 : memref<64xi32, #tpu.memory_space<vmem>>)
      %dma_start3A_537 = arith.constant 0 : i32
      %dma_start3A_538 = arith.constant 0 : i32
      %dma_start3A_539 = tpu.memref_slice %arg2[%dma_start3A_537, %dma_start3A_538] : memref<10240x128xf32, #tpu.memory_space<hbm>> -> memref<10240x128xf32, #tpu.memory_space<hbm>>
      tpu.enqueue_indirect_dma source(%dma_start3A_539 : memref<10240x128xf32, #tpu.memory_space<hbm>>) target(%arg23 : memref<64x128xf32, #tpu.memory_space<vmem>>) offsets(%arg11 : memref<64xi32, #tpu.memory_space<vmem>>) semaphore(%arg44 : memref<!tpu.dma_semaphore, #tpu.memory_space<semaphore_mem>>)
      %dma_start3A_540 = tpu.memref_slice %arg3[%add3A_529] : memref<327680xi32, #tpu.memory_space<hbm>> -> memref<64xi32, #tpu.memory_space<hbm>>
      %dma_start3A_541 = tpu.memref_slice %arg3[%add3A_529] : memref<327680xi32, #tpu.memory_space<hbm>> -> memref<64xi32, #tpu.memory_space<hbm>>
      tpu.enqueue_dma source(%dma_start3A_541 : memref<64xi32, #tpu.memory_space<hbm>>) target(%arg7 : memref<64xi32, #tpu.memory_space<vmem>>) target_semaphore(%arg28 : memref<!tpu.dma_semaphore, #tpu.memory_space<semaphore_mem>>)
      %dma_start3A_542 = tpu.memref_slice %arg4[%add3A_529] : memref<327680xi32, #tpu.memory_space<hbm>> -> memref<64xi32, #tpu.memory_space<hbm>>
      %dma_start3A_543 = tpu.memref_slice %arg4[%add3A_529] : memref<327680xi32, #tpu.memory_space<hbm>> -> memref<64xi32, #tpu.memory_space<hbm>>
      tpu.enqueue_dma source(%dma_start3A_543 : memref<64xi32, #tpu.memory_space<hbm>>) target(%arg15 : memref<64xi32, #tpu.memory_space<vmem>>) target_semaphore(%arg36 : memref<!tpu.dma_semaphore, #tpu.memory_space<semaphore_mem>>)
      %add3A_544 = arith.constant 0 : i32
      %add3A_545 = arith.addi %mul3A_487, %add3A_544 : i32
      %add3A_546 = arith.constant 1 : i32
      %add3A_547 = arith.addi %add3A_545, %add3A_546 : i32
      %add3A_548 = arith.constant 4 : i32
      %add3A_549 = arith.addi %add3A_547, %add3A_548 : i32
      %mul3A_550 = arith.constant 64 : i32
      %mul3A_551 = arith.muli %add3A_549, %mul3A_550 : i32
      %add3A_552 = arith.addi %mul3A_2, %mul3A_551 : i32
      %add3A_553 = arith.constant 0 : i32
      %add3A_554 = arith.addi %mul3A_487, %add3A_553 : i32
      %add3A_555 = arith.constant 1 : i32
      %add3A_556 = arith.addi %add3A_554, %add3A_555 : i32
      %add3A_557 = arith.constant 8 : i32
      %add3A_558 = arith.addi %add3A_556, %add3A_557 : i32
      %mul3A_559 = arith.constant 64 : i32
      %mul3A_560 = arith.muli %add3A_558, %mul3A_559 : i32
      %add3A_561 = arith.addi %mul3A_2, %mul3A_560 : i32
      %dma_wait3A_562 = arith.constant 0 : i32
      %dma_wait3A_563 = arith.constant 0 : i32
      %dma_wait3A_564 = tpu.memref_slice %arg27[%dma_wait3A_562, %dma_wait3A_563] : memref<10240x128xf32, #tpu.memory_space<vmem_shared>> -> memref<10240x128xf32, #tpu.memory_space<vmem_shared>>
      tpu.wait_indirect_dma semaphore(%arg49 : memref<!tpu.dma_semaphore, #tpu.memory_space<semaphore_mem>>) src(%arg24 : memref<64x128xf32, #tpu.memory_space<vmem>>) dst(%dma_wait3A_564 : memref<10240x128xf32, #tpu.memory_space<vmem_shared>>)
      %dma_wait3A_565 = tpu.memref_slice %arg3[%add3A_552] : memref<327680xi32, #tpu.memory_space<hbm>> -> memref<64xi32, #tpu.memory_space<hbm>>
      %dma_wait3A_566 = tpu.memref_slice %arg3[%add3A_552] : memref<327680xi32, #tpu.memory_space<hbm>> -> memref<64xi32, #tpu.memory_space<hbm>>
      tpu.wait_dma2 semaphore(%arg33 : memref<!tpu.dma_semaphore, #tpu.memory_space<semaphore_mem>>) src(%dma_wait3A_566 : memref<64xi32, #tpu.memory_space<hbm>>) dst(%arg12 : memref<64xi32, #tpu.memory_space<vmem>>)
      %dma_wait3A_567 = tpu.memref_slice %arg4[%add3A_552] : memref<327680xi32, #tpu.memory_space<hbm>> -> memref<64xi32, #tpu.memory_space<hbm>>
      %dma_wait3A_568 = tpu.memref_slice %arg4[%add3A_552] : memref<327680xi32, #tpu.memory_space<hbm>> -> memref<64xi32, #tpu.memory_space<hbm>>
      tpu.wait_dma2 semaphore(%arg41 : memref<!tpu.dma_semaphore, #tpu.memory_space<semaphore_mem>>) src(%dma_wait3A_568 : memref<64xi32, #tpu.memory_space<hbm>>) dst(%arg20 : memref<64xi32, #tpu.memory_space<vmem>>)
      %dma_start3A_569 = arith.constant 0 : i32
      %dma_start3A_570 = arith.constant 0 : i32
      %dma_start3A_571 = tpu.memref_slice %arg2[%dma_start3A_569, %dma_start3A_570] : memref<10240x128xf32, #tpu.memory_space<hbm>> -> memref<10240x128xf32, #tpu.memory_space<hbm>>
      tpu.enqueue_indirect_dma source(%dma_start3A_571 : memref<10240x128xf32, #tpu.memory_space<hbm>>) target(%arg24 : memref<64x128xf32, #tpu.memory_space<vmem>>) offsets(%arg12 : memref<64xi32, #tpu.memory_space<vmem>>) semaphore(%arg45 : memref<!tpu.dma_semaphore, #tpu.memory_space<semaphore_mem>>)
      %dma_start3A_572 = tpu.memref_slice %arg3[%add3A_561] : memref<327680xi32, #tpu.memory_space<hbm>> -> memref<64xi32, #tpu.memory_space<hbm>>
      %dma_start3A_573 = tpu.memref_slice %arg3[%add3A_561] : memref<327680xi32, #tpu.memory_space<hbm>> -> memref<64xi32, #tpu.memory_space<hbm>>
      tpu.enqueue_dma source(%dma_start3A_573 : memref<64xi32, #tpu.memory_space<hbm>>) target(%arg8 : memref<64xi32, #tpu.memory_space<vmem>>) target_semaphore(%arg29 : memref<!tpu.dma_semaphore, #tpu.memory_space<semaphore_mem>>)
      %dma_start3A_574 = tpu.memref_slice %arg4[%add3A_561] : memref<327680xi32, #tpu.memory_space<hbm>> -> memref<64xi32, #tpu.memory_space<hbm>>
      %dma_start3A_575 = tpu.memref_slice %arg4[%add3A_561] : memref<327680xi32, #tpu.memory_space<hbm>> -> memref<64xi32, #tpu.memory_space<hbm>>
      tpu.enqueue_dma source(%dma_start3A_575 : memref<64xi32, #tpu.memory_space<hbm>>) target(%arg16 : memref<64xi32, #tpu.memory_space<vmem>>) target_semaphore(%arg37 : memref<!tpu.dma_semaphore, #tpu.memory_space<semaphore_mem>>)
      %add3A_576 = arith.constant 0 : i32
      %add3A_577 = arith.addi %mul3A_487, %add3A_576 : i32
      %add3A_578 = arith.constant 2 : i32
      %add3A_579 = arith.addi %add3A_577, %add3A_578 : i32
      %add3A_580 = arith.constant 4 : i32
      %add3A_581 = arith.addi %add3A_579, %add3A_580 : i32
      %mul3A_582 = arith.constant 64 : i32
      %mul3A_583 = arith.muli %add3A_581, %mul3A_582 : i32
      %add3A_584 = arith.addi %mul3A_2, %mul3A_583 : i32
      %add3A_585 = arith.constant 0 : i32
      %add3A_586 = arith.addi %mul3A_487, %add3A_585 : i32
      %add3A_587 = arith.constant 2 : i32
      %add3A_588 = arith.addi %add3A_586, %add3A_587 : i32
      %add3A_589 = arith.constant 8 : i32
      %add3A_590 = arith.addi %add3A_588, %add3A_589 : i32
      %mul3A_591 = arith.constant 64 : i32
      %mul3A_592 = arith.muli %add3A_590, %mul3A_591 : i32
      %add3A_593 = arith.addi %mul3A_2, %mul3A_592 : i32
      %dma_wait3A_594 = arith.constant 0 : i32
      %dma_wait3A_595 = arith.constant 0 : i32
      %dma_wait3A_596 = tpu.memref_slice %arg27[%dma_wait3A_594, %dma_wait3A_595] : memref<10240x128xf32, #tpu.memory_space<vmem_shared>> -> memref<10240x128xf32, #tpu.memory_space<vmem_shared>>
      tpu.wait_indirect_dma semaphore(%arg50 : memref<!tpu.dma_semaphore, #tpu.memory_space<semaphore_mem>>) src(%arg25 : memref<64x128xf32, #tpu.memory_space<vmem>>) dst(%dma_wait3A_596 : memref<10240x128xf32, #tpu.memory_space<vmem_shared>>)
      %dma_wait3A_597 = tpu.memref_slice %arg3[%add3A_584] : memref<327680xi32, #tpu.memory_space<hbm>> -> memref<64xi32, #tpu.memory_space<hbm>>
      %dma_wait3A_598 = tpu.memref_slice %arg3[%add3A_584] : memref<327680xi32, #tpu.memory_space<hbm>> -> memref<64xi32, #tpu.memory_space<hbm>>
      tpu.wait_dma2 semaphore(%arg34 : memref<!tpu.dma_semaphore, #tpu.memory_space<semaphore_mem>>) src(%dma_wait3A_598 : memref<64xi32, #tpu.memory_space<hbm>>) dst(%arg13 : memref<64xi32, #tpu.memory_space<vmem>>)
      %dma_wait3A_599 = tpu.memref_slice %arg4[%add3A_584] : memref<327680xi32, #tpu.memory_space<hbm>> -> memref<64xi32, #tpu.memory_space<hbm>>
      %dma_wait3A_600 = tpu.memref_slice %arg4[%add3A_584] : memref<327680xi32, #tpu.memory_space<hbm>> -> memref<64xi32, #tpu.memory_space<hbm>>
      tpu.wait_dma2 semaphore(%arg42 : memref<!tpu.dma_semaphore, #tpu.memory_space<semaphore_mem>>) src(%dma_wait3A_600 : memref<64xi32, #tpu.memory_space<hbm>>) dst(%arg21 : memref<64xi32, #tpu.memory_space<vmem>>)
      %dma_start3A_601 = arith.constant 0 : i32
      %dma_start3A_602 = arith.constant 0 : i32
      %dma_start3A_603 = tpu.memref_slice %arg2[%dma_start3A_601, %dma_start3A_602] : memref<10240x128xf32, #tpu.memory_space<hbm>> -> memref<10240x128xf32, #tpu.memory_space<hbm>>
      tpu.enqueue_indirect_dma source(%dma_start3A_603 : memref<10240x128xf32, #tpu.memory_space<hbm>>) target(%arg25 : memref<64x128xf32, #tpu.memory_space<vmem>>) offsets(%arg13 : memref<64xi32, #tpu.memory_space<vmem>>) semaphore(%arg46 : memref<!tpu.dma_semaphore, #tpu.memory_space<semaphore_mem>>)
      %dma_start3A_604 = tpu.memref_slice %arg3[%add3A_593] : memref<327680xi32, #tpu.memory_space<hbm>> -> memref<64xi32, #tpu.memory_space<hbm>>
      %dma_start3A_605 = tpu.memref_slice %arg3[%add3A_593] : memref<327680xi32, #tpu.memory_space<hbm>> -> memref<64xi32, #tpu.memory_space<hbm>>
      tpu.enqueue_dma source(%dma_start3A_605 : memref<64xi32, #tpu.memory_space<hbm>>) target(%arg9 : memref<64xi32, #tpu.memory_space<vmem>>) target_semaphore(%arg30 : memref<!tpu.dma_semaphore, #tpu.memory_space<semaphore_mem>>)
      %dma_start3A_606 = tpu.memref_slice %arg4[%add3A_593] : memref<327680xi32, #tpu.memory_space<hbm>> -> memref<64xi32, #tpu.memory_space<hbm>>
      %dma_start3A_607 = tpu.memref_slice %arg4[%add3A_593] : memref<327680xi32, #tpu.memory_space<hbm>> -> memref<64xi32, #tpu.memory_space<hbm>>
      tpu.enqueue_dma source(%dma_start3A_607 : memref<64xi32, #tpu.memory_space<hbm>>) target(%arg17 : memref<64xi32, #tpu.memory_space<vmem>>) target_semaphore(%arg38 : memref<!tpu.dma_semaphore, #tpu.memory_space<semaphore_mem>>)
      %add3A_608 = arith.constant 0 : i32
      %add3A_609 = arith.addi %mul3A_487, %add3A_608 : i32
      %add3A_610 = arith.constant 3 : i32
      %add3A_611 = arith.addi %add3A_609, %add3A_610 : i32
      %add3A_612 = arith.constant 4 : i32
      %add3A_613 = arith.addi %add3A_611, %add3A_612 : i32
      %mul3A_614 = arith.constant 64 : i32
      %mul3A_615 = arith.muli %add3A_613, %mul3A_614 : i32
      %add3A_616 = arith.addi %mul3A_2, %mul3A_615 : i32
      %add3A_617 = arith.constant 0 : i32
      %add3A_618 = arith.addi %mul3A_487, %add3A_617 : i32
      %add3A_619 = arith.constant 3 : i32
      %add3A_620 = arith.addi %add3A_618, %add3A_619 : i32
      %add3A_621 = arith.constant 8 : i32
      %add3A_622 = arith.addi %add3A_620, %add3A_621 : i32
      %mul3A_623 = arith.constant 64 : i32
      %mul3A_624 = arith.muli %add3A_622, %mul3A_623 : i32
      %add3A_625 = arith.addi %mul3A_2, %mul3A_624 : i32
      %dma_wait3A_626 = arith.constant 0 : i32
      %dma_wait3A_627 = arith.constant 0 : i32
      %dma_wait3A_628 = tpu.memref_slice %arg27[%dma_wait3A_626, %dma_wait3A_627] : memref<10240x128xf32, #tpu.memory_space<vmem_shared>> -> memref<10240x128xf32, #tpu.memory_space<vmem_shared>>
      tpu.wait_indirect_dma semaphore(%arg51 : memref<!tpu.dma_semaphore, #tpu.memory_space<semaphore_mem>>) src(%arg26 : memref<64x128xf32, #tpu.memory_space<vmem>>) dst(%dma_wait3A_628 : memref<10240x128xf32, #tpu.memory_space<vmem_shared>>)
      %dma_wait3A_629 = tpu.memref_slice %arg3[%add3A_616] : memref<327680xi32, #tpu.memory_space<hbm>> -> memref<64xi32, #tpu.memory_space<hbm>>
      %dma_wait3A_630 = tpu.memref_slice %arg3[%add3A_616] : memref<327680xi32, #tpu.memory_space<hbm>> -> memref<64xi32, #tpu.memory_space<hbm>>
      tpu.wait_dma2 semaphore(%arg35 : memref<!tpu.dma_semaphore, #tpu.memory_space<semaphore_mem>>) src(%dma_wait3A_630 : memref<64xi32, #tpu.memory_space<hbm>>) dst(%arg14 : memref<64xi32, #tpu.memory_space<vmem>>)
      %dma_wait3A_631 = tpu.memref_slice %arg4[%add3A_616] : memref<327680xi32, #tpu.memory_space<hbm>> -> memref<64xi32, #tpu.memory_space<hbm>>
      %dma_wait3A_632 = tpu.memref_slice %arg4[%add3A_616] : memref<327680xi32, #tpu.memory_space<hbm>> -> memref<64xi32, #tpu.memory_space<hbm>>
      tpu.wait_dma2 semaphore(%arg43 : memref<!tpu.dma_semaphore, #tpu.memory_space<semaphore_mem>>) src(%dma_wait3A_632 : memref<64xi32, #tpu.memory_space<hbm>>) dst(%arg22 : memref<64xi32, #tpu.memory_space<vmem>>)
      %dma_start3A_633 = arith.constant 0 : i32
      %dma_start3A_634 = arith.constant 0 : i32
      %dma_start3A_635 = tpu.memref_slice %arg2[%dma_start3A_633, %dma_start3A_634] : memref<10240x128xf32, #tpu.memory_space<hbm>> -> memref<10240x128xf32, #tpu.memory_space<hbm>>
      tpu.enqueue_indirect_dma source(%dma_start3A_635 : memref<10240x128xf32, #tpu.memory_space<hbm>>) target(%arg26 : memref<64x128xf32, #tpu.memory_space<vmem>>) offsets(%arg14 : memref<64xi32, #tpu.memory_space<vmem>>) semaphore(%arg47 : memref<!tpu.dma_semaphore, #tpu.memory_space<semaphore_mem>>)
      %dma_start3A_636 = tpu.memref_slice %arg3[%add3A_625] : memref<327680xi32, #tpu.memory_space<hbm>> -> memref<64xi32, #tpu.memory_space<hbm>>
      %dma_start3A_637 = tpu.memref_slice %arg3[%add3A_625] : memref<327680xi32, #tpu.memory_space<hbm>> -> memref<64xi32, #tpu.memory_space<hbm>>
      tpu.enqueue_dma source(%dma_start3A_637 : memref<64xi32, #tpu.memory_space<hbm>>) target(%arg10 : memref<64xi32, #tpu.memory_space<vmem>>) target_semaphore(%arg31 : memref<!tpu.dma_semaphore, #tpu.memory_space<semaphore_mem>>)
      %dma_start3A_638 = tpu.memref_slice %arg4[%add3A_625] : memref<327680xi32, #tpu.memory_space<hbm>> -> memref<64xi32, #tpu.memory_space<hbm>>
      %dma_start3A_639 = tpu.memref_slice %arg4[%add3A_625] : memref<327680xi32, #tpu.memory_space<hbm>> -> memref<64xi32, #tpu.memory_space<hbm>>
      tpu.enqueue_dma source(%dma_start3A_639 : memref<64xi32, #tpu.memory_space<hbm>>) target(%arg18 : memref<64xi32, #tpu.memory_space<vmem>>) target_semaphore(%arg39 : memref<!tpu.dma_semaphore, #tpu.memory_space<semaphore_mem>>)
      %dma_wait3A_640 = arith.constant 0 : i32
      %dma_wait3A_641 = arith.constant 0 : i32
      %dma_wait3A_642 = tpu.memref_slice %arg2[%dma_wait3A_640, %dma_wait3A_641] : memref<10240x128xf32, #tpu.memory_space<hbm>> -> memref<10240x128xf32, #tpu.memory_space<hbm>>
      tpu.wait_indirect_dma semaphore(%arg44 : memref<!tpu.dma_semaphore, #tpu.memory_space<semaphore_mem>>) src(%dma_wait3A_642 : memref<10240x128xf32, #tpu.memory_space<hbm>>) dst(%arg23 : memref<64x128xf32, #tpu.memory_space<vmem>>)
      %dma_start3A_643 = arith.constant 0 : i32
      %dma_start3A_644 = arith.constant 0 : i32
      %dma_start3A_645 = tpu.memref_slice %arg27[%dma_start3A_643, %dma_start3A_644] : memref<10240x128xf32, #tpu.memory_space<vmem_shared>> -> memref<10240x128xf32, #tpu.memory_space<vmem_shared>>
      tpu.enqueue_indirect_dma source(%arg23 : memref<64x128xf32, #tpu.memory_space<vmem>>) target(%dma_start3A_645 : memref<10240x128xf32, #tpu.memory_space<vmem_shared>>) offsets(%arg19 : memref<64xi32, #tpu.memory_space<vmem>>) semaphore(%arg48 : memref<!tpu.dma_semaphore, #tpu.memory_space<semaphore_mem>>) {add = true}
      %dma_wait3A_646 = arith.constant 0 : i32
      %dma_wait3A_647 = arith.constant 0 : i32
      %dma_wait3A_648 = tpu.memref_slice %arg2[%dma_wait3A_646, %dma_wait3A_647] : memref<10240x128xf32, #tpu.memory_space<hbm>> -> memref<10240x128xf32, #tpu.memory_space<hbm>>
      tpu.wait_indirect_dma semaphore(%arg45 : memref<!tpu.dma_semaphore, #tpu.memory_space<semaphore_mem>>) src(%dma_wait3A_648 : memref<10240x128xf32, #tpu.memory_space<hbm>>) dst(%arg24 : memref<64x128xf32, #tpu.memory_space<vmem>>)
      %dma_start3A_649 = arith.constant 0 : i32
      %dma_start3A_650 = arith.constant 0 : i32
      %dma_start3A_651 = tpu.memref_slice %arg27[%dma_start3A_649, %dma_start3A_650] : memref<10240x128xf32, #tpu.memory_space<vmem_shared>> -> memref<10240x128xf32, #tpu.memory_space<vmem_shared>>
      tpu.enqueue_indirect_dma source(%arg24 : memref<64x128xf32, #tpu.memory_space<vmem>>) target(%dma_start3A_651 : memref<10240x128xf32, #tpu.memory_space<vmem_shared>>) offsets(%arg20 : memref<64xi32, #tpu.memory_space<vmem>>) semaphore(%arg49 : memref<!tpu.dma_semaphore, #tpu.memory_space<semaphore_mem>>) {add = true}
      %dma_wait3A_652 = arith.constant 0 : i32
      %dma_wait3A_653 = arith.constant 0 : i32
      %dma_wait3A_654 = tpu.memref_slice %arg2[%dma_wait3A_652, %dma_wait3A_653] : memref<10240x128xf32, #tpu.memory_space<hbm>> -> memref<10240x128xf32, #tpu.memory_space<hbm>>
      tpu.wait_indirect_dma semaphore(%arg46 : memref<!tpu.dma_semaphore, #tpu.memory_space<semaphore_mem>>) src(%dma_wait3A_654 : memref<10240x128xf32, #tpu.memory_space<hbm>>) dst(%arg25 : memref<64x128xf32, #tpu.memory_space<vmem>>)
      %dma_start3A_655 = arith.constant 0 : i32
      %dma_start3A_656 = arith.constant 0 : i32
      %dma_start3A_657 = tpu.memref_slice %arg27[%dma_start3A_655, %dma_start3A_656] : memref<10240x128xf32, #tpu.memory_space<vmem_shared>> -> memref<10240x128xf32, #tpu.memory_space<vmem_shared>>
      tpu.enqueue_indirect_dma source(%arg25 : memref<64x128xf32, #tpu.memory_space<vmem>>) target(%dma_start3A_657 : memref<10240x128xf32, #tpu.memory_space<vmem_shared>>) offsets(%arg21 : memref<64xi32, #tpu.memory_space<vmem>>) semaphore(%arg50 : memref<!tpu.dma_semaphore, #tpu.memory_space<semaphore_mem>>) {add = true}
      %dma_wait3A_658 = arith.constant 0 : i32
      %dma_wait3A_659 = arith.constant 0 : i32
      %dma_wait3A_660 = tpu.memref_slice %arg2[%dma_wait3A_658, %dma_wait3A_659] : memref<10240x128xf32, #tpu.memory_space<hbm>> -> memref<10240x128xf32, #tpu.memory_space<hbm>>
      tpu.wait_indirect_dma semaphore(%arg47 : memref<!tpu.dma_semaphore, #tpu.memory_space<semaphore_mem>>) src(%dma_wait3A_660 : memref<10240x128xf32, #tpu.memory_space<hbm>>) dst(%arg26 : memref<64x128xf32, #tpu.memory_space<vmem>>)
      %dma_start3A_661 = arith.constant 0 : i32
      %dma_start3A_662 = arith.constant 0 : i32
      %dma_start3A_663 = tpu.memref_slice %arg27[%dma_start3A_661, %dma_start3A_662] : memref<10240x128xf32, #tpu.memory_space<vmem_shared>> -> memref<10240x128xf32, #tpu.memory_space<vmem_shared>>
      tpu.enqueue_indirect_dma source(%arg26 : memref<64x128xf32, #tpu.memory_space<vmem>>) target(%dma_start3A_663 : memref<10240x128xf32, #tpu.memory_space<vmem_shared>>) offsets(%arg22 : memref<64xi32, #tpu.memory_space<vmem>>) semaphore(%arg51 : memref<!tpu.dma_semaphore, #tpu.memory_space<semaphore_mem>>) {add = true}
      %add3A_664 = arith.constant 4 : i32
      %add3A_665 = arith.addi %mul3A_487, %add3A_664 : i32
      %add3A_666 = arith.constant 0 : i32
      %add3A_667 = arith.addi %add3A_665, %add3A_666 : i32
      %add3A_668 = arith.constant 4 : i32
      %add3A_669 = arith.addi %add3A_667, %add3A_668 : i32
      %mul3A_670 = arith.constant 64 : i32
      %mul3A_671 = arith.muli %add3A_669, %mul3A_670 : i32
      %add3A_672 = arith.addi %mul3A_2, %mul3A_671 : i32
      %add3A_673 = arith.constant 4 : i32
      %add3A_674 = arith.addi %mul3A_487, %add3A_673 : i32
      %add3A_675 = arith.constant 0 : i32
      %add3A_676 = arith.addi %add3A_674, %add3A_675 : i32
      %add3A_677 = arith.constant 8 : i32
      %add3A_678 = arith.addi %add3A_676, %add3A_677 : i32
      %mul3A_679 = arith.constant 64 : i32
      %mul3A_680 = arith.muli %add3A_678, %mul3A_679 : i32
      %add3A_681 = arith.addi %mul3A_2, %mul3A_680 : i32
      %dma_wait3A_682 = arith.constant 0 : i32
      %dma_wait3A_683 = arith.constant 0 : i32
      %dma_wait3A_684 = tpu.memref_slice %arg27[%dma_wait3A_682, %dma_wait3A_683] : memref<10240x128xf32, #tpu.memory_space<vmem_shared>> -> memref<10240x128xf32, #tpu.memory_space<vmem_shared>>
      tpu.wait_indirect_dma semaphore(%arg48 : memref<!tpu.dma_semaphore, #tpu.memory_space<semaphore_mem>>) src(%arg23 : memref<64x128xf32, #tpu.memory_space<vmem>>) dst(%dma_wait3A_684 : memref<10240x128xf32, #tpu.memory_space<vmem_shared>>)
      %dma_wait3A_685 = tpu.memref_slice %arg3[%add3A_672] : memref<327680xi32, #tpu.memory_space<hbm>> -> memref<64xi32, #tpu.memory_space<hbm>>
      %dma_wait3A_686 = tpu.memref_slice %arg3[%add3A_672] : memref<327680xi32, #tpu.memory_space<hbm>> -> memref<64xi32, #tpu.memory_space<hbm>>
      tpu.wait_dma2 semaphore(%arg28 : memref<!tpu.dma_semaphore, #tpu.memory_space<semaphore_mem>>) src(%dma_wait3A_686 : memref<64xi32, #tpu.memory_space<hbm>>) dst(%arg7 : memref<64xi32, #tpu.memory_space<vmem>>)
      %dma_wait3A_687 = tpu.memref_slice %arg4[%add3A_672] : memref<327680xi32, #tpu.memory_space<hbm>> -> memref<64xi32, #tpu.memory_space<hbm>>
      %dma_wait3A_688 = tpu.memref_slice %arg4[%add3A_672] : memref<327680xi32, #tpu.memory_space<hbm>> -> memref<64xi32, #tpu.memory_space<hbm>>
      tpu.wait_dma2 semaphore(%arg36 : memref<!tpu.dma_semaphore, #tpu.memory_space<semaphore_mem>>) src(%dma_wait3A_688 : memref<64xi32, #tpu.memory_space<hbm>>) dst(%arg15 : memref<64xi32, #tpu.memory_space<vmem>>)
      %dma_start3A_689 = arith.constant 0 : i32
      %dma_start3A_690 = arith.constant 0 : i32
      %dma_start3A_691 = tpu.memref_slice %arg2[%dma_start3A_689, %dma_start3A_690] : memref<10240x128xf32, #tpu.memory_space<hbm>> -> memref<10240x128xf32, #tpu.memory_space<hbm>>
      tpu.enqueue_indirect_dma source(%dma_start3A_691 : memref<10240x128xf32, #tpu.memory_space<hbm>>) target(%arg23 : memref<64x128xf32, #tpu.memory_space<vmem>>) offsets(%arg7 : memref<64xi32, #tpu.memory_space<vmem>>) semaphore(%arg44 : memref<!tpu.dma_semaphore, #tpu.memory_space<semaphore_mem>>)
      %dma_start3A_692 = tpu.memref_slice %arg3[%add3A_681] : memref<327680xi32, #tpu.memory_space<hbm>> -> memref<64xi32, #tpu.memory_space<hbm>>
      %dma_start3A_693 = tpu.memref_slice %arg3[%add3A_681] : memref<327680xi32, #tpu.memory_space<hbm>> -> memref<64xi32, #tpu.memory_space<hbm>>
      tpu.enqueue_dma source(%dma_start3A_693 : memref<64xi32, #tpu.memory_space<hbm>>) target(%arg11 : memref<64xi32, #tpu.memory_space<vmem>>) target_semaphore(%arg32 : memref<!tpu.dma_semaphore, #tpu.memory_space<semaphore_mem>>)
      %dma_start3A_694 = tpu.memref_slice %arg4[%add3A_681] : memref<327680xi32, #tpu.memory_space<hbm>> -> memref<64xi32, #tpu.memory_space<hbm>>
      %dma_start3A_695 = tpu.memref_slice %arg4[%add3A_681] : memref<327680xi32, #tpu.memory_space<hbm>> -> memref<64xi32, #tpu.memory_space<hbm>>
      tpu.enqueue_dma source(%dma_start3A_695 : memref<64xi32, #tpu.memory_space<hbm>>) target(%arg19 : memref<64xi32, #tpu.memory_space<vmem>>) target_semaphore(%arg40 : memref<!tpu.dma_semaphore, #tpu.memory_space<semaphore_mem>>)
      %add3A_696 = arith.constant 4 : i32
      %add3A_697 = arith.addi %mul3A_487, %add3A_696 : i32
      %add3A_698 = arith.constant 1 : i32
      %add3A_699 = arith.addi %add3A_697, %add3A_698 : i32
      %add3A_700 = arith.constant 4 : i32
      %add3A_701 = arith.addi %add3A_699, %add3A_700 : i32
      %mul3A_702 = arith.constant 64 : i32
      %mul3A_703 = arith.muli %add3A_701, %mul3A_702 : i32
      %add3A_704 = arith.addi %mul3A_2, %mul3A_703 : i32
      %add3A_705 = arith.constant 4 : i32
      %add3A_706 = arith.addi %mul3A_487, %add3A_705 : i32
      %add3A_707 = arith.constant 1 : i32
      %add3A_708 = arith.addi %add3A_706, %add3A_707 : i32
      %add3A_709 = arith.constant 8 : i32
      %add3A_710 = arith.addi %add3A_708, %add3A_709 : i32
      %mul3A_711 = arith.constant 64 : i32
      %mul3A_712 = arith.muli %add3A_710, %mul3A_711 : i32
      %add3A_713 = arith.addi %mul3A_2, %mul3A_712 : i32
      %dma_wait3A_714 = arith.constant 0 : i32
      %dma_wait3A_715 = arith.constant 0 : i32
      %dma_wait3A_716 = tpu.memref_slice %arg27[%dma_wait3A_714, %dma_wait3A_715] : memref<10240x128xf32, #tpu.memory_space<vmem_shared>> -> memref<10240x128xf32, #tpu.memory_space<vmem_shared>>
      tpu.wait_indirect_dma semaphore(%arg49 : memref<!tpu.dma_semaphore, #tpu.memory_space<semaphore_mem>>) src(%arg24 : memref<64x128xf32, #tpu.memory_space<vmem>>) dst(%dma_wait3A_716 : memref<10240x128xf32, #tpu.memory_space<vmem_shared>>)
      %dma_wait3A_717 = tpu.memref_slice %arg3[%add3A_704] : memref<327680xi32, #tpu.memory_space<hbm>> -> memref<64xi32, #tpu.memory_space<hbm>>
      %dma_wait3A_718 = tpu.memref_slice %arg3[%add3A_704] : memref<327680xi32, #tpu.memory_space<hbm>> -> memref<64xi32, #tpu.memory_space<hbm>>
      tpu.wait_dma2 semaphore(%arg29 : memref<!tpu.dma_semaphore, #tpu.memory_space<semaphore_mem>>) src(%dma_wait3A_718 : memref<64xi32, #tpu.memory_space<hbm>>) dst(%arg8 : memref<64xi32, #tpu.memory_space<vmem>>)
      %dma_wait3A_719 = tpu.memref_slice %arg4[%add3A_704] : memref<327680xi32, #tpu.memory_space<hbm>> -> memref<64xi32, #tpu.memory_space<hbm>>
      %dma_wait3A_720 = tpu.memref_slice %arg4[%add3A_704] : memref<327680xi32, #tpu.memory_space<hbm>> -> memref<64xi32, #tpu.memory_space<hbm>>
      tpu.wait_dma2 semaphore(%arg37 : memref<!tpu.dma_semaphore, #tpu.memory_space<semaphore_mem>>) src(%dma_wait3A_720 : memref<64xi32, #tpu.memory_space<hbm>>) dst(%arg16 : memref<64xi32, #tpu.memory_space<vmem>>)
      %dma_start3A_721 = arith.constant 0 : i32
      %dma_start3A_722 = arith.constant 0 : i32
      %dma_start3A_723 = tpu.memref_slice %arg2[%dma_start3A_721, %dma_start3A_722] : memref<10240x128xf32, #tpu.memory_space<hbm>> -> memref<10240x128xf32, #tpu.memory_space<hbm>>
      tpu.enqueue_indirect_dma source(%dma_start3A_723 : memref<10240x128xf32, #tpu.memory_space<hbm>>) target(%arg24 : memref<64x128xf32, #tpu.memory_space<vmem>>) offsets(%arg8 : memref<64xi32, #tpu.memory_space<vmem>>) semaphore(%arg45 : memref<!tpu.dma_semaphore, #tpu.memory_space<semaphore_mem>>)
      %dma_start3A_724 = tpu.memref_slice %arg3[%add3A_713] : memref<327680xi32, #tpu.memory_space<hbm>> -> memref<64xi32, #tpu.memory_space<hbm>>
      %dma_start3A_725 = tpu.memref_slice %arg3[%add3A_713] : memref<327680xi32, #tpu.memory_space<hbm>> -> memref<64xi32, #tpu.memory_space<hbm>>
      tpu.enqueue_dma source(%dma_start3A_725 : memref<64xi32, #tpu.memory_space<hbm>>) target(%arg12 : memref<64xi32, #tpu.memory_space<vmem>>) target_semaphore(%arg33 : memref<!tpu.dma_semaphore, #tpu.memory_space<semaphore_mem>>)
      %dma_start3A_726 = tpu.memref_slice %arg4[%add3A_713] : memref<327680xi32, #tpu.memory_space<hbm>> -> memref<64xi32, #tpu.memory_space<hbm>>
      %dma_start3A_727 = tpu.memref_slice %arg4[%add3A_713] : memref<327680xi32, #tpu.memory_space<hbm>> -> memref<64xi32, #tpu.memory_space<hbm>>
      tpu.enqueue_dma source(%dma_start3A_727 : memref<64xi32, #tpu.memory_space<hbm>>) target(%arg20 : memref<64xi32, #tpu.memory_space<vmem>>) target_semaphore(%arg41 : memref<!tpu.dma_semaphore, #tpu.memory_space<semaphore_mem>>)
      %add3A_728 = arith.constant 4 : i32
      %add3A_729 = arith.addi %mul3A_487, %add3A_728 : i32
      %add3A_730 = arith.constant 2 : i32
      %add3A_731 = arith.addi %add3A_729, %add3A_730 : i32
      %add3A_732 = arith.constant 4 : i32
      %add3A_733 = arith.addi %add3A_731, %add3A_732 : i32
      %mul3A_734 = arith.constant 64 : i32
      %mul3A_735 = arith.muli %add3A_733, %mul3A_734 : i32
      %add3A_736 = arith.addi %mul3A_2, %mul3A_735 : i32
      %add3A_737 = arith.constant 4 : i32
      %add3A_738 = arith.addi %mul3A_487, %add3A_737 : i32
      %add3A_739 = arith.constant 2 : i32
      %add3A_740 = arith.addi %add3A_738, %add3A_739 : i32
      %add3A_741 = arith.constant 8 : i32
      %add3A_742 = arith.addi %add3A_740, %add3A_741 : i32
      %mul3A_743 = arith.constant 64 : i32
      %mul3A_744 = arith.muli %add3A_742, %mul3A_743 : i32
      %add3A_745 = arith.addi %mul3A_2, %mul3A_744 : i32
      %dma_wait3A_746 = arith.constant 0 : i32
      %dma_wait3A_747 = arith.constant 0 : i32
      %dma_wait3A_748 = tpu.memref_slice %arg27[%dma_wait3A_746, %dma_wait3A_747] : memref<10240x128xf32, #tpu.memory_space<vmem_shared>> -> memref<10240x128xf32, #tpu.memory_space<vmem_shared>>
      tpu.wait_indirect_dma semaphore(%arg50 : memref<!tpu.dma_semaphore, #tpu.memory_space<semaphore_mem>>) src(%arg25 : memref<64x128xf32, #tpu.memory_space<vmem>>) dst(%dma_wait3A_748 : memref<10240x128xf32, #tpu.memory_space<vmem_shared>>)
      %dma_wait3A_749 = tpu.memref_slice %arg3[%add3A_736] : memref<327680xi32, #tpu.memory_space<hbm>> -> memref<64xi32, #tpu.memory_space<hbm>>
      %dma_wait3A_750 = tpu.memref_slice %arg3[%add3A_736] : memref<327680xi32, #tpu.memory_space<hbm>> -> memref<64xi32, #tpu.memory_space<hbm>>
      tpu.wait_dma2 semaphore(%arg30 : memref<!tpu.dma_semaphore, #tpu.memory_space<semaphore_mem>>) src(%dma_wait3A_750 : memref<64xi32, #tpu.memory_space<hbm>>) dst(%arg9 : memref<64xi32, #tpu.memory_space<vmem>>)
      %dma_wait3A_751 = tpu.memref_slice %arg4[%add3A_736] : memref<327680xi32, #tpu.memory_space<hbm>> -> memref<64xi32, #tpu.memory_space<hbm>>
      %dma_wait3A_752 = tpu.memref_slice %arg4[%add3A_736] : memref<327680xi32, #tpu.memory_space<hbm>> -> memref<64xi32, #tpu.memory_space<hbm>>
      tpu.wait_dma2 semaphore(%arg38 : memref<!tpu.dma_semaphore, #tpu.memory_space<semaphore_mem>>) src(%dma_wait3A_752 : memref<64xi32, #tpu.memory_space<hbm>>) dst(%arg17 : memref<64xi32, #tpu.memory_space<vmem>>)
      %dma_start3A_753 = arith.constant 0 : i32
      %dma_start3A_754 = arith.constant 0 : i32
      %dma_start3A_755 = tpu.memref_slice %arg2[%dma_start3A_753, %dma_start3A_754] : memref<10240x128xf32, #tpu.memory_space<hbm>> -> memref<10240x128xf32, #tpu.memory_space<hbm>>
      tpu.enqueue_indirect_dma source(%dma_start3A_755 : memref<10240x128xf32, #tpu.memory_space<hbm>>) target(%arg25 : memref<64x128xf32, #tpu.memory_space<vmem>>) offsets(%arg9 : memref<64xi32, #tpu.memory_space<vmem>>) semaphore(%arg46 : memref<!tpu.dma_semaphore, #tpu.memory_space<semaphore_mem>>)
      %dma_start3A_756 = tpu.memref_slice %arg3[%add3A_745] : memref<327680xi32, #tpu.memory_space<hbm>> -> memref<64xi32, #tpu.memory_space<hbm>>
      %dma_start3A_757 = tpu.memref_slice %arg3[%add3A_745] : memref<327680xi32, #tpu.memory_space<hbm>> -> memref<64xi32, #tpu.memory_space<hbm>>
      tpu.enqueue_dma source(%dma_start3A_757 : memref<64xi32, #tpu.memory_space<hbm>>) target(%arg13 : memref<64xi32, #tpu.memory_space<vmem>>) target_semaphore(%arg34 : memref<!tpu.dma_semaphore, #tpu.memory_space<semaphore_mem>>)
      %dma_start3A_758 = tpu.memref_slice %arg4[%add3A_745] : memref<327680xi32, #tpu.memory_space<hbm>> -> memref<64xi32, #tpu.memory_space<hbm>>
      %dma_start3A_759 = tpu.memref_slice %arg4[%add3A_745] : memref<327680xi32, #tpu.memory_space<hbm>> -> memref<64xi32, #tpu.memory_space<hbm>>
      tpu.enqueue_dma source(%dma_start3A_759 : memref<64xi32, #tpu.memory_space<hbm>>) target(%arg21 : memref<64xi32, #tpu.memory_space<vmem>>) target_semaphore(%arg42 : memref<!tpu.dma_semaphore, #tpu.memory_space<semaphore_mem>>)
      %add3A_760 = arith.constant 4 : i32
      %add3A_761 = arith.addi %mul3A_487, %add3A_760 : i32
      %add3A_762 = arith.constant 3 : i32
      %add3A_763 = arith.addi %add3A_761, %add3A_762 : i32
      %add3A_764 = arith.constant 4 : i32
      %add3A_765 = arith.addi %add3A_763, %add3A_764 : i32
      %mul3A_766 = arith.constant 64 : i32
      %mul3A_767 = arith.muli %add3A_765, %mul3A_766 : i32
      %add3A_768 = arith.addi %mul3A_2, %mul3A_767 : i32
      %add3A_769 = arith.constant 4 : i32
      %add3A_770 = arith.addi %mul3A_487, %add3A_769 : i32
      %add3A_771 = arith.constant 3 : i32
      %add3A_772 = arith.addi %add3A_770, %add3A_771 : i32
      %add3A_773 = arith.constant 8 : i32
      %add3A_774 = arith.addi %add3A_772, %add3A_773 : i32
      %mul3A_775 = arith.constant 64 : i32
      %mul3A_776 = arith.muli %add3A_774, %mul3A_775 : i32
      %add3A_777 = arith.addi %mul3A_2, %mul3A_776 : i32
      %dma_wait3A_778 = arith.constant 0 : i32
      %dma_wait3A_779 = arith.constant 0 : i32
      %dma_wait3A_780 = tpu.memref_slice %arg27[%dma_wait3A_778, %dma_wait3A_779] : memref<10240x128xf32, #tpu.memory_space<vmem_shared>> -> memref<10240x128xf32, #tpu.memory_space<vmem_shared>>
      tpu.wait_indirect_dma semaphore(%arg51 : memref<!tpu.dma_semaphore, #tpu.memory_space<semaphore_mem>>) src(%arg26 : memref<64x128xf32, #tpu.memory_space<vmem>>) dst(%dma_wait3A_780 : memref<10240x128xf32, #tpu.memory_space<vmem_shared>>)
      %dma_wait3A_781 = tpu.memref_slice %arg3[%add3A_768] : memref<327680xi32, #tpu.memory_space<hbm>> -> memref<64xi32, #tpu.memory_space<hbm>>
      %dma_wait3A_782 = tpu.memref_slice %arg3[%add3A_768] : memref<327680xi32, #tpu.memory_space<hbm>> -> memref<64xi32, #tpu.memory_space<hbm>>
      tpu.wait_dma2 semaphore(%arg31 : memref<!tpu.dma_semaphore, #tpu.memory_space<semaphore_mem>>) src(%dma_wait3A_782 : memref<64xi32, #tpu.memory_space<hbm>>) dst(%arg10 : memref<64xi32, #tpu.memory_space<vmem>>)
      %dma_wait3A_783 = tpu.memref_slice %arg4[%add3A_768] : memref<327680xi32, #tpu.memory_space<hbm>> -> memref<64xi32, #tpu.memory_space<hbm>>
      %dma_wait3A_784 = tpu.memref_slice %arg4[%add3A_768] : memref<327680xi32, #tpu.memory_space<hbm>> -> memref<64xi32, #tpu.memory_space<hbm>>
      tpu.wait_dma2 semaphore(%arg39 : memref<!tpu.dma_semaphore, #tpu.memory_space<semaphore_mem>>) src(%dma_wait3A_784 : memref<64xi32, #tpu.memory_space<hbm>>) dst(%arg18 : memref<64xi32, #tpu.memory_space<vmem>>)
      %dma_start3A_785 = arith.constant 0 : i32
      %dma_start3A_786 = arith.constant 0 : i32
      %dma_start3A_787 = tpu.memref_slice %arg2[%dma_start3A_785, %dma_start3A_786] : memref<10240x128xf32, #tpu.memory_space<hbm>> -> memref<10240x128xf32, #tpu.memory_space<hbm>>
      tpu.enqueue_indirect_dma source(%dma_start3A_787 : memref<10240x128xf32, #tpu.memory_space<hbm>>) target(%arg26 : memref<64x128xf32, #tpu.memory_space<vmem>>) offsets(%arg10 : memref<64xi32, #tpu.memory_space<vmem>>) semaphore(%arg47 : memref<!tpu.dma_semaphore, #tpu.memory_space<semaphore_mem>>)
      %dma_start3A_788 = tpu.memref_slice %arg3[%add3A_777] : memref<327680xi32, #tpu.memory_space<hbm>> -> memref<64xi32, #tpu.memory_space<hbm>>
      %dma_start3A_789 = tpu.memref_slice %arg3[%add3A_777] : memref<327680xi32, #tpu.memory_space<hbm>> -> memref<64xi32, #tpu.memory_space<hbm>>
      tpu.enqueue_dma source(%dma_start3A_789 : memref<64xi32, #tpu.memory_space<hbm>>) target(%arg14 : memref<64xi32, #tpu.memory_space<vmem>>) target_semaphore(%arg35 : memref<!tpu.dma_semaphore, #tpu.memory_space<semaphore_mem>>)
      %dma_start3A_790 = tpu.memref_slice %arg4[%add3A_777] : memref<327680xi32, #tpu.memory_space<hbm>> -> memref<64xi32, #tpu.memory_space<hbm>>
      %dma_start3A_791 = tpu.memref_slice %arg4[%add3A_777] : memref<327680xi32, #tpu.memory_space<hbm>> -> memref<64xi32, #tpu.memory_space<hbm>>
      tpu.enqueue_dma source(%dma_start3A_791 : memref<64xi32, #tpu.memory_space<hbm>>) target(%arg22 : memref<64xi32, #tpu.memory_space<vmem>>) target_semaphore(%arg43 : memref<!tpu.dma_semaphore, #tpu.memory_space<semaphore_mem>>)
      %scan3A_792 = arith.constant 0 : i32
      scf.yield %scan3A_792 : i32
    }
    %scan3A_154 = arith.constant 19 : i32
    %dma_wait3A_155 = arith.constant 0 : i32
    %dma_wait3A_156 = arith.constant 0 : i32
    %dma_wait3A_157 = tpu.memref_slice %arg2[%dma_wait3A_155, %dma_wait3A_156] : memref<10240x128xf32, #tpu.memory_space<hbm>> -> memref<10240x128xf32, #tpu.memory_space<hbm>>
    tpu.wait_indirect_dma semaphore(%arg44 : memref<!tpu.dma_semaphore, #tpu.memory_space<semaphore_mem>>) src(%dma_wait3A_157 : memref<10240x128xf32, #tpu.memory_space<hbm>>) dst(%arg23 : memref<64x128xf32, #tpu.memory_space<vmem>>)
    %dma_start3A_158 = arith.constant 0 : i32
    %dma_start3A_159 = arith.constant 0 : i32
    %dma_start3A_160 = tpu.memref_slice %arg27[%dma_start3A_158, %dma_start3A_159] : memref<10240x128xf32, #tpu.memory_space<vmem_shared>> -> memref<10240x128xf32, #tpu.memory_space<vmem_shared>>
    tpu.enqueue_indirect_dma source(%arg23 : memref<64x128xf32, #tpu.memory_space<vmem>>) target(%dma_start3A_160 : memref<10240x128xf32, #tpu.memory_space<vmem_shared>>) offsets(%arg15 : memref<64xi32, #tpu.memory_space<vmem>>) semaphore(%arg48 : memref<!tpu.dma_semaphore, #tpu.memory_space<semaphore_mem>>) {add = true}
    %dma_wait3A_161 = arith.constant 0 : i32
    %dma_wait3A_162 = arith.constant 0 : i32
    %dma_wait3A_163 = tpu.memref_slice %arg2[%dma_wait3A_161, %dma_wait3A_162] : memref<10240x128xf32, #tpu.memory_space<hbm>> -> memref<10240x128xf32, #tpu.memory_space<hbm>>
    tpu.wait_indirect_dma semaphore(%arg45 : memref<!tpu.dma_semaphore, #tpu.memory_space<semaphore_mem>>) src(%dma_wait3A_163 : memref<10240x128xf32, #tpu.memory_space<hbm>>) dst(%arg24 : memref<64x128xf32, #tpu.memory_space<vmem>>)
    %dma_start3A_164 = arith.constant 0 : i32
    %dma_start3A_165 = arith.constant 0 : i32
    %dma_start3A_166 = tpu.memref_slice %arg27[%dma_start3A_164, %dma_start3A_165] : memref<10240x128xf32, #tpu.memory_space<vmem_shared>> -> memref<10240x128xf32, #tpu.memory_space<vmem_shared>>
    tpu.enqueue_indirect_dma source(%arg24 : memref<64x128xf32, #tpu.memory_space<vmem>>) target(%dma_start3A_166 : memref<10240x128xf32, #tpu.memory_space<vmem_shared>>) offsets(%arg16 : memref<64xi32, #tpu.memory_space<vmem>>) semaphore(%arg49 : memref<!tpu.dma_semaphore, #tpu.memory_space<semaphore_mem>>) {add = true}
    %dma_wait3A_167 = arith.constant 0 : i32
    %dma_wait3A_168 = arith.constant 0 : i32
    %dma_wait3A_169 = tpu.memref_slice %arg2[%dma_wait3A_167, %dma_wait3A_168] : memref<10240x128xf32, #tpu.memory_space<hbm>> -> memref<10240x128xf32, #tpu.memory_space<hbm>>
    tpu.wait_indirect_dma semaphore(%arg46 : memref<!tpu.dma_semaphore, #tpu.memory_space<semaphore_mem>>) src(%dma_wait3A_169 : memref<10240x128xf32, #tpu.memory_space<hbm>>) dst(%arg25 : memref<64x128xf32, #tpu.memory_space<vmem>>)
    %dma_start3A_170 = arith.constant 0 : i32
    %dma_start3A_171 = arith.constant 0 : i32
    %dma_start3A_172 = tpu.memref_slice %arg27[%dma_start3A_170, %dma_start3A_171] : memref<10240x128xf32, #tpu.memory_space<vmem_shared>> -> memref<10240x128xf32, #tpu.memory_space<vmem_shared>>
    tpu.enqueue_indirect_dma source(%arg25 : memref<64x128xf32, #tpu.memory_space<vmem>>) target(%dma_start3A_172 : memref<10240x128xf32, #tpu.memory_space<vmem_shared>>) offsets(%arg17 : memref<64xi32, #tpu.memory_space<vmem>>) semaphore(%arg50 : memref<!tpu.dma_semaphore, #tpu.memory_space<semaphore_mem>>) {add = true}
    %dma_wait3A_173 = arith.constant 0 : i32
    %dma_wait3A_174 = arith.constant 0 : i32
    %dma_wait3A_175 = tpu.memref_slice %arg2[%dma_wait3A_173, %dma_wait3A_174] : memref<10240x128xf32, #tpu.memory_space<hbm>> -> memref<10240x128xf32, #tpu.memory_space<hbm>>
    tpu.wait_indirect_dma semaphore(%arg47 : memref<!tpu.dma_semaphore, #tpu.memory_space<semaphore_mem>>) src(%dma_wait3A_175 : memref<10240x128xf32, #tpu.memory_space<hbm>>) dst(%arg26 : memref<64x128xf32, #tpu.memory_space<vmem>>)
    %dma_start3A_176 = arith.constant 0 : i32
    %dma_start3A_177 = arith.constant 0 : i32
    %dma_start3A_178 = tpu.memref_slice %arg27[%dma_start3A_176, %dma_start3A_177] : memref<10240x128xf32, #tpu.memory_space<vmem_shared>> -> memref<10240x128xf32, #tpu.memory_space<vmem_shared>>
    tpu.enqueue_indirect_dma source(%arg26 : memref<64x128xf32, #tpu.memory_space<vmem>>) target(%dma_start3A_178 : memref<10240x128xf32, #tpu.memory_space<vmem_shared>>) offsets(%arg18 : memref<64xi32, #tpu.memory_space<vmem>>) semaphore(%arg51 : memref<!tpu.dma_semaphore, #tpu.memory_space<semaphore_mem>>) {add = true}
    %add3A_179 = arith.constant 9984 : i32
    %add3A_180 = arith.addi %mul3A_2, %add3A_179 : i32
    %dma_wait3A_181 = arith.constant 0 : i32
    %dma_wait3A_182 = arith.constant 0 : i32
    %dma_wait3A_183 = tpu.memref_slice %arg27[%dma_wait3A_181, %dma_wait3A_182] : memref<10240x128xf32, #tpu.memory_space<vmem_shared>> -> memref<10240x128xf32, #tpu.memory_space<vmem_shared>>
    tpu.wait_indirect_dma semaphore(%arg48 : memref<!tpu.dma_semaphore, #tpu.memory_space<semaphore_mem>>) src(%arg23 : memref<64x128xf32, #tpu.memory_space<vmem>>) dst(%dma_wait3A_183 : memref<10240x128xf32, #tpu.memory_space<vmem_shared>>)
    %dma_wait3A_184 = tpu.memref_slice %arg3[%add3A_180] : memref<327680xi32, #tpu.memory_space<hbm>> -> memref<64xi32, #tpu.memory_space<hbm>>
    %dma_wait3A_185 = tpu.memref_slice %arg3[%add3A_180] : memref<327680xi32, #tpu.memory_space<hbm>> -> memref<64xi32, #tpu.memory_space<hbm>>
    tpu.wait_dma2 semaphore(%arg32 : memref<!tpu.dma_semaphore, #tpu.memory_space<semaphore_mem>>) src(%dma_wait3A_185 : memref<64xi32, #tpu.memory_space<hbm>>) dst(%arg11 : memref<64xi32, #tpu.memory_space<vmem>>)
    %dma_wait3A_186 = tpu.memref_slice %arg4[%add3A_180] : memref<327680xi32, #tpu.memory_space<hbm>> -> memref<64xi32, #tpu.memory_space<hbm>>
    %dma_wait3A_187 = tpu.memref_slice %arg4[%add3A_180] : memref<327680xi32, #tpu.memory_space<hbm>> -> memref<64xi32, #tpu.memory_space<hbm>>
    tpu.wait_dma2 semaphore(%arg40 : memref<!tpu.dma_semaphore, #tpu.memory_space<semaphore_mem>>) src(%dma_wait3A_187 : memref<64xi32, #tpu.memory_space<hbm>>) dst(%arg19 : memref<64xi32, #tpu.memory_space<vmem>>)
    %dma_start3A_188 = arith.constant 0 : i32
    %dma_start3A_189 = arith.constant 0 : i32
    %dma_start3A_190 = tpu.memref_slice %arg2[%dma_start3A_188, %dma_start3A_189] : memref<10240x128xf32, #tpu.memory_space<hbm>> -> memref<10240x128xf32, #tpu.memory_space<hbm>>
    tpu.enqueue_indirect_dma source(%dma_start3A_190 : memref<10240x128xf32, #tpu.memory_space<hbm>>) target(%arg23 : memref<64x128xf32, #tpu.memory_space<vmem>>) offsets(%arg11 : memref<64xi32, #tpu.memory_space<vmem>>) semaphore(%arg44 : memref<!tpu.dma_semaphore, #tpu.memory_space<semaphore_mem>>)
    %add3A_191 = arith.constant 10048 : i32
    %add3A_192 = arith.addi %mul3A_2, %add3A_191 : i32
    %dma_wait3A_193 = arith.constant 0 : i32
    %dma_wait3A_194 = arith.constant 0 : i32
    %dma_wait3A_195 = tpu.memref_slice %arg27[%dma_wait3A_193, %dma_wait3A_194] : memref<10240x128xf32, #tpu.memory_space<vmem_shared>> -> memref<10240x128xf32, #tpu.memory_space<vmem_shared>>
    tpu.wait_indirect_dma semaphore(%arg49 : memref<!tpu.dma_semaphore, #tpu.memory_space<semaphore_mem>>) src(%arg24 : memref<64x128xf32, #tpu.memory_space<vmem>>) dst(%dma_wait3A_195 : memref<10240x128xf32, #tpu.memory_space<vmem_shared>>)
    %dma_wait3A_196 = tpu.memref_slice %arg3[%add3A_192] : memref<327680xi32, #tpu.memory_space<hbm>> -> memref<64xi32, #tpu.memory_space<hbm>>
    %dma_wait3A_197 = tpu.memref_slice %arg3[%add3A_192] : memref<327680xi32, #tpu.memory_space<hbm>> -> memref<64xi32, #tpu.memory_space<hbm>>
    tpu.wait_dma2 semaphore(%arg33 : memref<!tpu.dma_semaphore, #tpu.memory_space<semaphore_mem>>) src(%dma_wait3A_197 : memref<64xi32, #tpu.memory_space<hbm>>) dst(%arg12 : memref<64xi32, #tpu.memory_space<vmem>>)
    %dma_wait3A_198 = tpu.memref_slice %arg4[%add3A_192] : memref<327680xi32, #tpu.memory_space<hbm>> -> memref<64xi32, #tpu.memory_space<hbm>>
    %dma_wait3A_199 = tpu.memref_slice %arg4[%add3A_192] : memref<327680xi32, #tpu.memory_space<hbm>> -> memref<64xi32, #tpu.memory_space<hbm>>
    tpu.wait_dma2 semaphore(%arg41 : memref<!tpu.dma_semaphore, #tpu.memory_space<semaphore_mem>>) src(%dma_wait3A_199 : memref<64xi32, #tpu.memory_space<hbm>>) dst(%arg20 : memref<64xi32, #tpu.memory_space<vmem>>)
    %dma_start3A_200 = arith.constant 0 : i32
    %dma_start3A_201 = arith.constant 0 : i32
    %dma_start3A_202 = tpu.memref_slice %arg2[%dma_start3A_200, %dma_start3A_201] : memref<10240x128xf32, #tpu.memory_space<hbm>> -> memref<10240x128xf32, #tpu.memory_space<hbm>>
    tpu.enqueue_indirect_dma source(%dma_start3A_202 : memref<10240x128xf32, #tpu.memory_space<hbm>>) target(%arg24 : memref<64x128xf32, #tpu.memory_space<vmem>>) offsets(%arg12 : memref<64xi32, #tpu.memory_space<vmem>>) semaphore(%arg45 : memref<!tpu.dma_semaphore, #tpu.memory_space<semaphore_mem>>)
    %add3A_203 = arith.constant 10112 : i32
    %add3A_204 = arith.addi %mul3A_2, %add3A_203 : i32
    %dma_wait3A_205 = arith.constant 0 : i32
    %dma_wait3A_206 = arith.constant 0 : i32
    %dma_wait3A_207 = tpu.memref_slice %arg27[%dma_wait3A_205, %dma_wait3A_206] : memref<10240x128xf32, #tpu.memory_space<vmem_shared>> -> memref<10240x128xf32, #tpu.memory_space<vmem_shared>>
    tpu.wait_indirect_dma semaphore(%arg50 : memref<!tpu.dma_semaphore, #tpu.memory_space<semaphore_mem>>) src(%arg25 : memref<64x128xf32, #tpu.memory_space<vmem>>) dst(%dma_wait3A_207 : memref<10240x128xf32, #tpu.memory_space<vmem_shared>>)
    %dma_wait3A_208 = tpu.memref_slice %arg3[%add3A_204] : memref<327680xi32, #tpu.memory_space<hbm>> -> memref<64xi32, #tpu.memory_space<hbm>>
    %dma_wait3A_209 = tpu.memref_slice %arg3[%add3A_204] : memref<327680xi32, #tpu.memory_space<hbm>> -> memref<64xi32, #tpu.memory_space<hbm>>
    tpu.wait_dma2 semaphore(%arg34 : memref<!tpu.dma_semaphore, #tpu.memory_space<semaphore_mem>>) src(%dma_wait3A_209 : memref<64xi32, #tpu.memory_space<hbm>>) dst(%arg13 : memref<64xi32, #tpu.memory_space<vmem>>)
    %dma_wait3A_210 = tpu.memref_slice %arg4[%add3A_204] : memref<327680xi32, #tpu.memory_space<hbm>> -> memref<64xi32, #tpu.memory_space<hbm>>
    %dma_wait3A_211 = tpu.memref_slice %arg4[%add3A_204] : memref<327680xi32, #tpu.memory_space<hbm>> -> memref<64xi32, #tpu.memory_space<hbm>>
    tpu.wait_dma2 semaphore(%arg42 : memref<!tpu.dma_semaphore, #tpu.memory_space<semaphore_mem>>) src(%dma_wait3A_211 : memref<64xi32, #tpu.memory_space<hbm>>) dst(%arg21 : memref<64xi32, #tpu.memory_space<vmem>>)
    %dma_start3A_212 = arith.constant 0 : i32
    %dma_start3A_213 = arith.constant 0 : i32
    %dma_start3A_214 = tpu.memref_slice %arg2[%dma_start3A_212, %dma_start3A_213] : memref<10240x128xf32, #tpu.memory_space<hbm>> -> memref<10240x128xf32, #tpu.memory_space<hbm>>
    tpu.enqueue_indirect_dma source(%dma_start3A_214 : memref<10240x128xf32, #tpu.memory_space<hbm>>) target(%arg25 : memref<64x128xf32, #tpu.memory_space<vmem>>) offsets(%arg13 : memref<64xi32, #tpu.memory_space<vmem>>) semaphore(%arg46 : memref<!tpu.dma_semaphore, #tpu.memory_space<semaphore_mem>>)
    %add3A_215 = arith.constant 10176 : i32
    %add3A_216 = arith.addi %mul3A_2, %add3A_215 : i32
    %dma_wait3A_217 = arith.constant 0 : i32
    %dma_wait3A_218 = arith.constant 0 : i32
    %dma_wait3A_219 = tpu.memref_slice %arg27[%dma_wait3A_217, %dma_wait3A_218] : memref<10240x128xf32, #tpu.memory_space<vmem_shared>> -> memref<10240x128xf32, #tpu.memory_space<vmem_shared>>
    tpu.wait_indirect_dma semaphore(%arg51 : memref<!tpu.dma_semaphore, #tpu.memory_space<semaphore_mem>>) src(%arg26 : memref<64x128xf32, #tpu.memory_space<vmem>>) dst(%dma_wait3A_219 : memref<10240x128xf32, #tpu.memory_space<vmem_shared>>)
    %dma_wait3A_220 = tpu.memref_slice %arg3[%add3A_216] : memref<327680xi32, #tpu.memory_space<hbm>> -> memref<64xi32, #tpu.memory_space<hbm>>
    %dma_wait3A_221 = tpu.memref_slice %arg3[%add3A_216] : memref<327680xi32, #tpu.memory_space<hbm>> -> memref<64xi32, #tpu.memory_space<hbm>>
    tpu.wait_dma2 semaphore(%arg35 : memref<!tpu.dma_semaphore, #tpu.memory_space<semaphore_mem>>) src(%dma_wait3A_221 : memref<64xi32, #tpu.memory_space<hbm>>) dst(%arg14 : memref<64xi32, #tpu.memory_space<vmem>>)
    %dma_wait3A_222 = tpu.memref_slice %arg4[%add3A_216] : memref<327680xi32, #tpu.memory_space<hbm>> -> memref<64xi32, #tpu.memory_space<hbm>>
    %dma_wait3A_223 = tpu.memref_slice %arg4[%add3A_216] : memref<327680xi32, #tpu.memory_space<hbm>> -> memref<64xi32, #tpu.memory_space<hbm>>
    tpu.wait_dma2 semaphore(%arg43 : memref<!tpu.dma_semaphore, #tpu.memory_space<semaphore_mem>>) src(%dma_wait3A_223 : memref<64xi32, #tpu.memory_space<hbm>>) dst(%arg22 : memref<64xi32, #tpu.memory_space<vmem>>)
    %dma_start3A_224 = arith.constant 0 : i32
    %dma_start3A_225 = arith.constant 0 : i32
    %dma_start3A_226 = tpu.memref_slice %arg2[%dma_start3A_224, %dma_start3A_225] : memref<10240x128xf32, #tpu.memory_space<hbm>> -> memref<10240x128xf32, #tpu.memory_space<hbm>>
    tpu.enqueue_indirect_dma source(%dma_start3A_226 : memref<10240x128xf32, #tpu.memory_space<hbm>>) target(%arg26 : memref<64x128xf32, #tpu.memory_space<vmem>>) offsets(%arg14 : memref<64xi32, #tpu.memory_space<vmem>>) semaphore(%arg47 : memref<!tpu.dma_semaphore, #tpu.memory_space<semaphore_mem>>)
    %dma_wait3A_227 = arith.constant 0 : i32
    %dma_wait3A_228 = arith.constant 0 : i32
    %dma_wait3A_229 = tpu.memref_slice %arg2[%dma_wait3A_227, %dma_wait3A_228] : memref<10240x128xf32, #tpu.memory_space<hbm>> -> memref<10240x128xf32, #tpu.memory_space<hbm>>
    tpu.wait_indirect_dma semaphore(%arg44 : memref<!tpu.dma_semaphore, #tpu.memory_space<semaphore_mem>>) src(%dma_wait3A_229 : memref<10240x128xf32, #tpu.memory_space<hbm>>) dst(%arg23 : memref<64x128xf32, #tpu.memory_space<vmem>>)
    %dma_start3A_230 = arith.constant 0 : i32
    %dma_start3A_231 = arith.constant 0 : i32
    %dma_start3A_232 = tpu.memref_slice %arg27[%dma_start3A_230, %dma_start3A_231] : memref<10240x128xf32, #tpu.memory_space<vmem_shared>> -> memref<10240x128xf32, #tpu.memory_space<vmem_shared>>
    tpu.enqueue_indirect_dma source(%arg23 : memref<64x128xf32, #tpu.memory_space<vmem>>) target(%dma_start3A_232 : memref<10240x128xf32, #tpu.memory_space<vmem_shared>>) offsets(%arg19 : memref<64xi32, #tpu.memory_space<vmem>>) semaphore(%arg48 : memref<!tpu.dma_semaphore, #tpu.memory_space<semaphore_mem>>) {add = true}
    %dma_wait3A_233 = arith.constant 0 : i32
    %dma_wait3A_234 = arith.constant 0 : i32
    %dma_wait3A_235 = tpu.memref_slice %arg2[%dma_wait3A_233, %dma_wait3A_234] : memref<10240x128xf32, #tpu.memory_space<hbm>> -> memref<10240x128xf32, #tpu.memory_space<hbm>>
    tpu.wait_indirect_dma semaphore(%arg45 : memref<!tpu.dma_semaphore, #tpu.memory_space<semaphore_mem>>) src(%dma_wait3A_235 : memref<10240x128xf32, #tpu.memory_space<hbm>>) dst(%arg24 : memref<64x128xf32, #tpu.memory_space<vmem>>)
    %dma_start3A_236 = arith.constant 0 : i32
    %dma_start3A_237 = arith.constant 0 : i32
    %dma_start3A_238 = tpu.memref_slice %arg27[%dma_start3A_236, %dma_start3A_237] : memref<10240x128xf32, #tpu.memory_space<vmem_shared>> -> memref<10240x128xf32, #tpu.memory_space<vmem_shared>>
    tpu.enqueue_indirect_dma source(%arg24 : memref<64x128xf32, #tpu.memory_space<vmem>>) target(%dma_start3A_238 : memref<10240x128xf32, #tpu.memory_space<vmem_shared>>) offsets(%arg20 : memref<64xi32, #tpu.memory_space<vmem>>) semaphore(%arg49 : memref<!tpu.dma_semaphore, #tpu.memory_space<semaphore_mem>>) {add = true}
    %dma_wait3A_239 = arith.constant 0 : i32
    %dma_wait3A_240 = arith.constant 0 : i32
    %dma_wait3A_241 = tpu.memref_slice %arg2[%dma_wait3A_239, %dma_wait3A_240] : memref<10240x128xf32, #tpu.memory_space<hbm>> -> memref<10240x128xf32, #tpu.memory_space<hbm>>
    tpu.wait_indirect_dma semaphore(%arg46 : memref<!tpu.dma_semaphore, #tpu.memory_space<semaphore_mem>>) src(%dma_wait3A_241 : memref<10240x128xf32, #tpu.memory_space<hbm>>) dst(%arg25 : memref<64x128xf32, #tpu.memory_space<vmem>>)
    %dma_start3A_242 = arith.constant 0 : i32
    %dma_start3A_243 = arith.constant 0 : i32
    %dma_start3A_244 = tpu.memref_slice %arg27[%dma_start3A_242, %dma_start3A_243] : memref<10240x128xf32, #tpu.memory_space<vmem_shared>> -> memref<10240x128xf32, #tpu.memory_space<vmem_shared>>
    tpu.enqueue_indirect_dma source(%arg25 : memref<64x128xf32, #tpu.memory_space<vmem>>) target(%dma_start3A_244 : memref<10240x128xf32, #tpu.memory_space<vmem_shared>>) offsets(%arg21 : memref<64xi32, #tpu.memory_space<vmem>>) semaphore(%arg50 : memref<!tpu.dma_semaphore, #tpu.memory_space<semaphore_mem>>) {add = true}
    %dma_wait3A_245 = arith.constant 0 : i32
    %dma_wait3A_246 = arith.constant 0 : i32
    %dma_wait3A_247 = tpu.memref_slice %arg2[%dma_wait3A_245, %dma_wait3A_246] : memref<10240x128xf32, #tpu.memory_space<hbm>> -> memref<10240x128xf32, #tpu.memory_space<hbm>>
    tpu.wait_indirect_dma semaphore(%arg47 : memref<!tpu.dma_semaphore, #tpu.memory_space<semaphore_mem>>) src(%dma_wait3A_247 : memref<10240x128xf32, #tpu.memory_space<hbm>>) dst(%arg26 : memref<64x128xf32, #tpu.memory_space<vmem>>)
    %dma_start3A_248 = arith.constant 0 : i32
    %dma_start3A_249 = arith.constant 0 : i32
    %dma_start3A_250 = tpu.memref_slice %arg27[%dma_start3A_248, %dma_start3A_249] : memref<10240x128xf32, #tpu.memory_space<vmem_shared>> -> memref<10240x128xf32, #tpu.memory_space<vmem_shared>>
    tpu.enqueue_indirect_dma source(%arg26 : memref<64x128xf32, #tpu.memory_space<vmem>>) target(%dma_start3A_250 : memref<10240x128xf32, #tpu.memory_space<vmem_shared>>) offsets(%arg22 : memref<64xi32, #tpu.memory_space<vmem>>) semaphore(%arg51 : memref<!tpu.dma_semaphore, #tpu.memory_space<semaphore_mem>>) {add = true}
    %dma_wait3A_251 = arith.constant 0 : i32
    %dma_wait3A_252 = arith.constant 0 : i32
    %dma_wait3A_253 = tpu.memref_slice %arg27[%dma_wait3A_251, %dma_wait3A_252] : memref<10240x128xf32, #tpu.memory_space<vmem_shared>> -> memref<10240x128xf32, #tpu.memory_space<vmem_shared>>
    tpu.wait_indirect_dma semaphore(%arg48 : memref<!tpu.dma_semaphore, #tpu.memory_space<semaphore_mem>>) src(%arg23 : memref<64x128xf32, #tpu.memory_space<vmem>>) dst(%dma_wait3A_253 : memref<10240x128xf32, #tpu.memory_space<vmem_shared>>)
    %dma_wait3A_254 = arith.constant 0 : i32
    %dma_wait3A_255 = arith.constant 0 : i32
    %dma_wait3A_256 = tpu.memref_slice %arg27[%dma_wait3A_254, %dma_wait3A_255] : memref<10240x128xf32, #tpu.memory_space<vmem_shared>> -> memref<10240x128xf32, #tpu.memory_space<vmem_shared>>
    tpu.wait_indirect_dma semaphore(%arg49 : memref<!tpu.dma_semaphore, #tpu.memory_space<semaphore_mem>>) src(%arg24 : memref<64x128xf32, #tpu.memory_space<vmem>>) dst(%dma_wait3A_256 : memref<10240x128xf32, #tpu.memory_space<vmem_shared>>)
    %dma_wait3A_257 = arith.constant 0 : i32
    %dma_wait3A_258 = arith.constant 0 : i32
    %dma_wait3A_259 = tpu.memref_slice %arg27[%dma_wait3A_257, %dma_wait3A_258] : memref<10240x128xf32, #tpu.memory_space<vmem_shared>> -> memref<10240x128xf32, #tpu.memory_space<vmem_shared>>
    tpu.wait_indirect_dma semaphore(%arg50 : memref<!tpu.dma_semaphore, #tpu.memory_space<semaphore_mem>>) src(%arg25 : memref<64x128xf32, #tpu.memory_space<vmem>>) dst(%dma_wait3A_259 : memref<10240x128xf32, #tpu.memory_space<vmem_shared>>)
    %dma_wait3A_260 = arith.constant 0 : i32
    %dma_wait3A_261 = arith.constant 0 : i32
    %dma_wait3A_262 = tpu.memref_slice %arg27[%dma_wait3A_260, %dma_wait3A_261] : memref<10240x128xf32, #tpu.memory_space<vmem_shared>> -> memref<10240x128xf32, #tpu.memory_space<vmem_shared>>
    tpu.wait_indirect_dma semaphore(%arg51 : memref<!tpu.dma_semaphore, #tpu.memory_space<semaphore_mem>>) src(%arg26 : memref<64x128xf32, #tpu.memory_space<vmem>>) dst(%dma_wait3A_262 : memref<10240x128xf32, #tpu.memory_space<vmem_shared>>)
    %barrier3A_263 = arith.constant 0 : index
    tpu.barrier barrier_id(%barrier3A_263)
    %mul3A_264 = arith.constant 640 : i32
    %mul3A_265 = arith.muli %arg1, %mul3A_264 : i32
    %add3A_266 = arith.constant 0 : i32
    %add3A_267 = arith.addi %mul3A_265, %add3A_266 : i32
    "tpu.region"() ({
      %run_scoped3A = tpu.sem_alloc : memref<!tpu.dma_semaphore, #tpu.memory_space<semaphore_mem>>
      %dma_start3A_484 = arith.constant 0 : i32
      %dma_start3A_485 = tpu.memref_slice %arg27[%add3A_267, %dma_start3A_484] : memref<10240x128xf32, #tpu.memory_space<vmem_shared>> -> memref<64x128xf32, #tpu.memory_space<vmem_shared>>
      %dma_start3A_486 = arith.constant 0 : i32
      %dma_start3A_487 = tpu.memref_slice %arg27[%add3A_267, %dma_start3A_486] : memref<10240x128xf32, #tpu.memory_space<vmem_shared>> -> memref<64x128xf32, #tpu.memory_space<vmem_shared>>
      tpu.enqueue_dma source(%dma_start3A_487 : memref<64x128xf32, #tpu.memory_space<vmem_shared>>) target(%arg23 : memref<64x128xf32, #tpu.memory_space<vmem>>) target_semaphore(%run_scoped3A : memref<!tpu.dma_semaphore, #tpu.memory_space<semaphore_mem>>)
      %dma_wait3A_488 = arith.constant 0 : i32
      %dma_wait3A_489 = tpu.memref_slice %arg27[%add3A_267, %dma_wait3A_488] : memref<10240x128xf32, #tpu.memory_space<vmem_shared>> -> memref<64x128xf32, #tpu.memory_space<vmem_shared>>
      %dma_wait3A_490 = arith.constant 0 : i32
      %dma_wait3A_491 = tpu.memref_slice %arg27[%add3A_267, %dma_wait3A_490] : memref<10240x128xf32, #tpu.memory_space<vmem_shared>> -> memref<64x128xf32, #tpu.memory_space<vmem_shared>>
      tpu.wait_dma2 semaphore(%run_scoped3A : memref<!tpu.dma_semaphore, #tpu.memory_space<semaphore_mem>>) src(%dma_wait3A_491 : memref<64x128xf32, #tpu.memory_space<vmem_shared>>) dst(%arg23 : memref<64x128xf32, #tpu.memory_space<vmem>>)
      tpu.yield
    }) : () -> ()
    %mul3A_268 = arith.constant 10240 : i32
    %mul3A_269 = arith.muli %arg0, %mul3A_268 : i32
    %add3A_270 = arith.addi %mul3A_269, %add3A_267 : i32
    %dma_start3A_271 = arith.constant 0 : i32
    %dma_start3A_272 = tpu.memref_slice %arg6[%add3A_270, %dma_start3A_271] : memref<20480x128xf32, #tpu.memory_space<hbm>> -> memref<64x128xf32, #tpu.memory_space<hbm>>
    %dma_start3A_273 = arith.constant 0 : i32
    %dma_start3A_274 = tpu.memref_slice %arg6[%add3A_270, %dma_start3A_273] : memref<20480x128xf32, #tpu.memory_space<hbm>> -> memref<64x128xf32, #tpu.memory_space<hbm>>
    tpu.enqueue_dma source(%arg23 : memref<64x128xf32, #tpu.memory_space<vmem>>) target(%dma_start3A_274 : memref<64x128xf32, #tpu.memory_space<hbm>>) target_semaphore(%arg44 : memref<!tpu.dma_semaphore, #tpu.memory_space<semaphore_mem>>)
    %mul3A_275 = arith.constant 640 : i32
    %mul3A_276 = arith.muli %arg1, %mul3A_275 : i32
    %add3A_277 = arith.constant 64 : i32
    %add3A_278 = arith.addi %mul3A_276, %add3A_277 : i32
    "tpu.region"() ({
      %run_scoped3A = tpu.sem_alloc : memref<!tpu.dma_semaphore, #tpu.memory_space<semaphore_mem>>
      %dma_start3A_484 = arith.constant 0 : i32
      %dma_start3A_485 = tpu.memref_slice %arg27[%add3A_278, %dma_start3A_484] : memref<10240x128xf32, #tpu.memory_space<vmem_shared>> -> memref<64x128xf32, #tpu.memory_space<vmem_shared>>
      %dma_start3A_486 = arith.constant 0 : i32
      %dma_start3A_487 = tpu.memref_slice %arg27[%add3A_278, %dma_start3A_486] : memref<10240x128xf32, #tpu.memory_space<vmem_shared>> -> memref<64x128xf32, #tpu.memory_space<vmem_shared>>
      tpu.enqueue_dma source(%dma_start3A_487 : memref<64x128xf32, #tpu.memory_space<vmem_shared>>) target(%arg24 : memref<64x128xf32, #tpu.memory_space<vmem>>) target_semaphore(%run_scoped3A : memref<!tpu.dma_semaphore, #tpu.memory_space<semaphore_mem>>)
      %dma_wait3A_488 = arith.constant 0 : i32
      %dma_wait3A_489 = tpu.memref_slice %arg27[%add3A_278, %dma_wait3A_488] : memref<10240x128xf32, #tpu.memory_space<vmem_shared>> -> memref<64x128xf32, #tpu.memory_space<vmem_shared>>
      %dma_wait3A_490 = arith.constant 0 : i32
      %dma_wait3A_491 = tpu.memref_slice %arg27[%add3A_278, %dma_wait3A_490] : memref<10240x128xf32, #tpu.memory_space<vmem_shared>> -> memref<64x128xf32, #tpu.memory_space<vmem_shared>>
      tpu.wait_dma2 semaphore(%run_scoped3A : memref<!tpu.dma_semaphore, #tpu.memory_space<semaphore_mem>>) src(%dma_wait3A_491 : memref<64x128xf32, #tpu.memory_space<vmem_shared>>) dst(%arg24 : memref<64x128xf32, #tpu.memory_space<vmem>>)
      tpu.yield
    }) : () -> ()
    %mul3A_279 = arith.constant 10240 : i32
    %mul3A_280 = arith.muli %arg0, %mul3A_279 : i32
    %add3A_281 = arith.addi %mul3A_280, %add3A_278 : i32
    %dma_start3A_282 = arith.constant 0 : i32
    %dma_start3A_283 = tpu.memref_slice %arg6[%add3A_281, %dma_start3A_282] : memref<20480x128xf32, #tpu.memory_space<hbm>> -> memref<64x128xf32, #tpu.memory_space<hbm>>
    %dma_start3A_284 = arith.constant 0 : i32
    %dma_start3A_285 = tpu.memref_slice %arg6[%add3A_281, %dma_start3A_284] : memref<20480x128xf32, #tpu.memory_space<hbm>> -> memref<64x128xf32, #tpu.memory_space<hbm>>
    tpu.enqueue_dma source(%arg24 : memref<64x128xf32, #tpu.memory_space<vmem>>) target(%dma_start3A_285 : memref<64x128xf32, #tpu.memory_space<hbm>>) target_semaphore(%arg45 : memref<!tpu.dma_semaphore, #tpu.memory_space<semaphore_mem>>)
    %mul3A_286 = arith.constant 640 : i32
    %mul3A_287 = arith.muli %arg1, %mul3A_286 : i32
    %add3A_288 = arith.constant 128 : i32
    %add3A_289 = arith.addi %mul3A_287, %add3A_288 : i32
    "tpu.region"() ({
      %run_scoped3A = tpu.sem_alloc : memref<!tpu.dma_semaphore, #tpu.memory_space<semaphore_mem>>
      %dma_start3A_484 = arith.constant 0 : i32
      %dma_start3A_485 = tpu.memref_slice %arg27[%add3A_289, %dma_start3A_484] : memref<10240x128xf32, #tpu.memory_space<vmem_shared>> -> memref<64x128xf32, #tpu.memory_space<vmem_shared>>
      %dma_start3A_486 = arith.constant 0 : i32
      %dma_start3A_487 = tpu.memref_slice %arg27[%add3A_289, %dma_start3A_486] : memref<10240x128xf32, #tpu.memory_space<vmem_shared>> -> memref<64x128xf32, #tpu.memory_space<vmem_shared>>
      tpu.enqueue_dma source(%dma_start3A_487 : memref<64x128xf32, #tpu.memory_space<vmem_shared>>) target(%arg25 : memref<64x128xf32, #tpu.memory_space<vmem>>) target_semaphore(%run_scoped3A : memref<!tpu.dma_semaphore, #tpu.memory_space<semaphore_mem>>)
      %dma_wait3A_488 = arith.constant 0 : i32
      %dma_wait3A_489 = tpu.memref_slice %arg27[%add3A_289, %dma_wait3A_488] : memref<10240x128xf32, #tpu.memory_space<vmem_shared>> -> memref<64x128xf32, #tpu.memory_space<vmem_shared>>
      %dma_wait3A_490 = arith.constant 0 : i32
      %dma_wait3A_491 = tpu.memref_slice %arg27[%add3A_289, %dma_wait3A_490] : memref<10240x128xf32, #tpu.memory_space<vmem_shared>> -> memref<64x128xf32, #tpu.memory_space<vmem_shared>>
      tpu.wait_dma2 semaphore(%run_scoped3A : memref<!tpu.dma_semaphore, #tpu.memory_space<semaphore_mem>>) src(%dma_wait3A_491 : memref<64x128xf32, #tpu.memory_space<vmem_shared>>) dst(%arg25 : memref<64x128xf32, #tpu.memory_space<vmem>>)
      tpu.yield
    }) : () -> ()
    %mul3A_290 = arith.constant 10240 : i32
    %mul3A_291 = arith.muli %arg0, %mul3A_290 : i32
    %add3A_292 = arith.addi %mul3A_291, %add3A_289 : i32
    %dma_start3A_293 = arith.constant 0 : i32
    %dma_start3A_294 = tpu.memref_slice %arg6[%add3A_292, %dma_start3A_293] : memref<20480x128xf32, #tpu.memory_space<hbm>> -> memref<64x128xf32, #tpu.memory_space<hbm>>
    %dma_start3A_295 = arith.constant 0 : i32
    %dma_start3A_296 = tpu.memref_slice %arg6[%add3A_292, %dma_start3A_295] : memref<20480x128xf32, #tpu.memory_space<hbm>> -> memref<64x128xf32, #tpu.memory_space<hbm>>
    tpu.enqueue_dma source(%arg25 : memref<64x128xf32, #tpu.memory_space<vmem>>) target(%dma_start3A_296 : memref<64x128xf32, #tpu.memory_space<hbm>>) target_semaphore(%arg46 : memref<!tpu.dma_semaphore, #tpu.memory_space<semaphore_mem>>)
    %mul3A_297 = arith.constant 640 : i32
    %mul3A_298 = arith.muli %arg1, %mul3A_297 : i32
    %add3A_299 = arith.constant 192 : i32
    %add3A_300 = arith.addi %mul3A_298, %add3A_299 : i32
    "tpu.region"() ({
      %run_scoped3A = tpu.sem_alloc : memref<!tpu.dma_semaphore, #tpu.memory_space<semaphore_mem>>
      %dma_start3A_484 = arith.constant 0 : i32
      %dma_start3A_485 = tpu.memref_slice %arg27[%add3A_300, %dma_start3A_484] : memref<10240x128xf32, #tpu.memory_space<vmem_shared>> -> memref<64x128xf32, #tpu.memory_space<vmem_shared>>
      %dma_start3A_486 = arith.constant 0 : i32
      %dma_start3A_487 = tpu.memref_slice %arg27[%add3A_300, %dma_start3A_486] : memref<10240x128xf32, #tpu.memory_space<vmem_shared>> -> memref<64x128xf32, #tpu.memory_space<vmem_shared>>
      tpu.enqueue_dma source(%dma_start3A_487 : memref<64x128xf32, #tpu.memory_space<vmem_shared>>) target(%arg26 : memref<64x128xf32, #tpu.memory_space<vmem>>) target_semaphore(%run_scoped3A : memref<!tpu.dma_semaphore, #tpu.memory_space<semaphore_mem>>)
      %dma_wait3A_488 = arith.constant 0 : i32
      %dma_wait3A_489 = tpu.memref_slice %arg27[%add3A_300, %dma_wait3A_488] : memref<10240x128xf32, #tpu.memory_space<vmem_shared>> -> memref<64x128xf32, #tpu.memory_space<vmem_shared>>
      %dma_wait3A_490 = arith.constant 0 : i32
      %dma_wait3A_491 = tpu.memref_slice %arg27[%add3A_300, %dma_wait3A_490] : memref<10240x128xf32, #tpu.memory_space<vmem_shared>> -> memref<64x128xf32, #tpu.memory_space<vmem_shared>>
      tpu.wait_dma2 semaphore(%run_scoped3A : memref<!tpu.dma_semaphore, #tpu.memory_space<semaphore_mem>>) src(%dma_wait3A_491 : memref<64x128xf32, #tpu.memory_space<vmem_shared>>) dst(%arg26 : memref<64x128xf32, #tpu.memory_space<vmem>>)
      tpu.yield
    }) : () -> ()
    %mul3A_301 = arith.constant 10240 : i32
    %mul3A_302 = arith.muli %arg0, %mul3A_301 : i32
    %add3A_303 = arith.addi %mul3A_302, %add3A_300 : i32
    %dma_start3A_304 = arith.constant 0 : i32
    %dma_start3A_305 = tpu.memref_slice %arg6[%add3A_303, %dma_start3A_304] : memref<20480x128xf32, #tpu.memory_space<hbm>> -> memref<64x128xf32, #tpu.memory_space<hbm>>
    %dma_start3A_306 = arith.constant 0 : i32
    %dma_start3A_307 = tpu.memref_slice %arg6[%add3A_303, %dma_start3A_306] : memref<20480x128xf32, #tpu.memory_space<hbm>> -> memref<64x128xf32, #tpu.memory_space<hbm>>
    tpu.enqueue_dma source(%arg26 : memref<64x128xf32, #tpu.memory_space<vmem>>) target(%dma_start3A_307 : memref<64x128xf32, #tpu.memory_space<hbm>>) target_semaphore(%arg47 : memref<!tpu.dma_semaphore, #tpu.memory_space<semaphore_mem>>)
    %mul3A_308 = arith.constant 640 : i32
    %mul3A_309 = arith.muli %arg1, %mul3A_308 : i32
    %add3A_310 = arith.constant 0 : i32
    %add3A_311 = arith.addi %mul3A_309, %add3A_310 : i32
    %mul3A_312 = arith.constant 10240 : i32
    %mul3A_313 = arith.muli %arg0, %mul3A_312 : i32
    %add3A_314 = arith.addi %mul3A_313, %add3A_311 : i32
    %dma_wait3A_315 = arith.constant 0 : i32
    %dma_wait3A_316 = tpu.memref_slice %arg6[%add3A_314, %dma_wait3A_315] : memref<20480x128xf32, #tpu.memory_space<hbm>> -> memref<64x128xf32, #tpu.memory_space<hbm>>
    %dma_wait3A_317 = arith.constant 0 : i32
    %dma_wait3A_318 = tpu.memref_slice %arg6[%add3A_314, %dma_wait3A_317] : memref<20480x128xf32, #tpu.memory_space<hbm>> -> memref<64x128xf32, #tpu.memory_space<hbm>>
    tpu.wait_dma2 semaphore(%arg44 : memref<!tpu.dma_semaphore, #tpu.memory_space<semaphore_mem>>) src(%arg23 : memref<64x128xf32, #tpu.memory_space<vmem>>) dst(%dma_wait3A_318 : memref<64x128xf32, #tpu.memory_space<hbm>>)
    %mul3A_319 = arith.constant 640 : i32
    %mul3A_320 = arith.muli %arg1, %mul3A_319 : i32
    %add3A_321 = arith.constant 256 : i32
    %add3A_322 = arith.addi %mul3A_320, %add3A_321 : i32
    "tpu.region"() ({
      %run_scoped3A = tpu.sem_alloc : memref<!tpu.dma_semaphore, #tpu.memory_space<semaphore_mem>>
      %dma_start3A_484 = arith.constant 0 : i32
      %dma_start3A_485 = tpu.memref_slice %arg27[%add3A_322, %dma_start3A_484] : memref<10240x128xf32, #tpu.memory_space<vmem_shared>> -> memref<64x128xf32, #tpu.memory_space<vmem_shared>>
      %dma_start3A_486 = arith.constant 0 : i32
      %dma_start3A_487 = tpu.memref_slice %arg27[%add3A_322, %dma_start3A_486] : memref<10240x128xf32, #tpu.memory_space<vmem_shared>> -> memref<64x128xf32, #tpu.memory_space<vmem_shared>>
      tpu.enqueue_dma source(%dma_start3A_487 : memref<64x128xf32, #tpu.memory_space<vmem_shared>>) target(%arg23 : memref<64x128xf32, #tpu.memory_space<vmem>>) target_semaphore(%run_scoped3A : memref<!tpu.dma_semaphore, #tpu.memory_space<semaphore_mem>>)
      %dma_wait3A_488 = arith.constant 0 : i32
      %dma_wait3A_489 = tpu.memref_slice %arg27[%add3A_322, %dma_wait3A_488] : memref<10240x128xf32, #tpu.memory_space<vmem_shared>> -> memref<64x128xf32, #tpu.memory_space<vmem_shared>>
      %dma_wait3A_490 = arith.constant 0 : i32
      %dma_wait3A_491 = tpu.memref_slice %arg27[%add3A_322, %dma_wait3A_490] : memref<10240x128xf32, #tpu.memory_space<vmem_shared>> -> memref<64x128xf32, #tpu.memory_space<vmem_shared>>
      tpu.wait_dma2 semaphore(%run_scoped3A : memref<!tpu.dma_semaphore, #tpu.memory_space<semaphore_mem>>) src(%dma_wait3A_491 : memref<64x128xf32, #tpu.memory_space<vmem_shared>>) dst(%arg23 : memref<64x128xf32, #tpu.memory_space<vmem>>)
      tpu.yield
    }) : () -> ()
    %mul3A_323 = arith.constant 10240 : i32
    %mul3A_324 = arith.muli %arg0, %mul3A_323 : i32
    %add3A_325 = arith.addi %mul3A_324, %add3A_322 : i32
    %dma_start3A_326 = arith.constant 0 : i32
    %dma_start3A_327 = tpu.memref_slice %arg6[%add3A_325, %dma_start3A_326] : memref<20480x128xf32, #tpu.memory_space<hbm>> -> memref<64x128xf32, #tpu.memory_space<hbm>>
    %dma_start3A_328 = arith.constant 0 : i32
    %dma_start3A_329 = tpu.memref_slice %arg6[%add3A_325, %dma_start3A_328] : memref<20480x128xf32, #tpu.memory_space<hbm>> -> memref<64x128xf32, #tpu.memory_space<hbm>>
    tpu.enqueue_dma source(%arg23 : memref<64x128xf32, #tpu.memory_space<vmem>>) target(%dma_start3A_329 : memref<64x128xf32, #tpu.memory_space<hbm>>) target_semaphore(%arg44 : memref<!tpu.dma_semaphore, #tpu.memory_space<semaphore_mem>>)
    %mul3A_330 = arith.constant 640 : i32
    %mul3A_331 = arith.muli %arg1, %mul3A_330 : i32
    %add3A_332 = arith.constant 64 : i32
    %add3A_333 = arith.addi %mul3A_331, %add3A_332 : i32
    %mul3A_334 = arith.constant 10240 : i32
    %mul3A_335 = arith.muli %arg0, %mul3A_334 : i32
    %add3A_336 = arith.addi %mul3A_335, %add3A_333 : i32
    %dma_wait3A_337 = arith.constant 0 : i32
    %dma_wait3A_338 = tpu.memref_slice %arg6[%add3A_336, %dma_wait3A_337] : memref<20480x128xf32, #tpu.memory_space<hbm>> -> memref<64x128xf32, #tpu.memory_space<hbm>>
    %dma_wait3A_339 = arith.constant 0 : i32
    %dma_wait3A_340 = tpu.memref_slice %arg6[%add3A_336, %dma_wait3A_339] : memref<20480x128xf32, #tpu.memory_space<hbm>> -> memref<64x128xf32, #tpu.memory_space<hbm>>
    tpu.wait_dma2 semaphore(%arg45 : memref<!tpu.dma_semaphore, #tpu.memory_space<semaphore_mem>>) src(%arg24 : memref<64x128xf32, #tpu.memory_space<vmem>>) dst(%dma_wait3A_340 : memref<64x128xf32, #tpu.memory_space<hbm>>)
    %mul3A_341 = arith.constant 640 : i32
    %mul3A_342 = arith.muli %arg1, %mul3A_341 : i32
    %add3A_343 = arith.constant 320 : i32
    %add3A_344 = arith.addi %mul3A_342, %add3A_343 : i32
    "tpu.region"() ({
      %run_scoped3A = tpu.sem_alloc : memref<!tpu.dma_semaphore, #tpu.memory_space<semaphore_mem>>
      %dma_start3A_484 = arith.constant 0 : i32
      %dma_start3A_485 = tpu.memref_slice %arg27[%add3A_344, %dma_start3A_484] : memref<10240x128xf32, #tpu.memory_space<vmem_shared>> -> memref<64x128xf32, #tpu.memory_space<vmem_shared>>
      %dma_start3A_486 = arith.constant 0 : i32
      %dma_start3A_487 = tpu.memref_slice %arg27[%add3A_344, %dma_start3A_486] : memref<10240x128xf32, #tpu.memory_space<vmem_shared>> -> memref<64x128xf32, #tpu.memory_space<vmem_shared>>
      tpu.enqueue_dma source(%dma_start3A_487 : memref<64x128xf32, #tpu.memory_space<vmem_shared>>) target(%arg24 : memref<64x128xf32, #tpu.memory_space<vmem>>) target_semaphore(%run_scoped3A : memref<!tpu.dma_semaphore, #tpu.memory_space<semaphore_mem>>)
      %dma_wait3A_488 = arith.constant 0 : i32
      %dma_wait3A_489 = tpu.memref_slice %arg27[%add3A_344, %dma_wait3A_488] : memref<10240x128xf32, #tpu.memory_space<vmem_shared>> -> memref<64x128xf32, #tpu.memory_space<vmem_shared>>
      %dma_wait3A_490 = arith.constant 0 : i32
      %dma_wait3A_491 = tpu.memref_slice %arg27[%add3A_344, %dma_wait3A_490] : memref<10240x128xf32, #tpu.memory_space<vmem_shared>> -> memref<64x128xf32, #tpu.memory_space<vmem_shared>>
      tpu.wait_dma2 semaphore(%run_scoped3A : memref<!tpu.dma_semaphore, #tpu.memory_space<semaphore_mem>>) src(%dma_wait3A_491 : memref<64x128xf32, #tpu.memory_space<vmem_shared>>) dst(%arg24 : memref<64x128xf32, #tpu.memory_space<vmem>>)
      tpu.yield
    }) : () -> ()
    %mul3A_345 = arith.constant 10240 : i32
    %mul3A_346 = arith.muli %arg0, %mul3A_345 : i32
    %add3A_347 = arith.addi %mul3A_346, %add3A_344 : i32
    %dma_start3A_348 = arith.constant 0 : i32
    %dma_start3A_349 = tpu.memref_slice %arg6[%add3A_347, %dma_start3A_348] : memref<20480x128xf32, #tpu.memory_space<hbm>> -> memref<64x128xf32, #tpu.memory_space<hbm>>
    %dma_start3A_350 = arith.constant 0 : i32
    %dma_start3A_351 = tpu.memref_slice %arg6[%add3A_347, %dma_start3A_350] : memref<20480x128xf32, #tpu.memory_space<hbm>> -> memref<64x128xf32, #tpu.memory_space<hbm>>
    tpu.enqueue_dma source(%arg24 : memref<64x128xf32, #tpu.memory_space<vmem>>) target(%dma_start3A_351 : memref<64x128xf32, #tpu.memory_space<hbm>>) target_semaphore(%arg45 : memref<!tpu.dma_semaphore, #tpu.memory_space<semaphore_mem>>)
    %mul3A_352 = arith.constant 640 : i32
    %mul3A_353 = arith.muli %arg1, %mul3A_352 : i32
    %add3A_354 = arith.constant 128 : i32
    %add3A_355 = arith.addi %mul3A_353, %add3A_354 : i32
    %mul3A_356 = arith.constant 10240 : i32
    %mul3A_357 = arith.muli %arg0, %mul3A_356 : i32
    %add3A_358 = arith.addi %mul3A_357, %add3A_355 : i32
    %dma_wait3A_359 = arith.constant 0 : i32
    %dma_wait3A_360 = tpu.memref_slice %arg6[%add3A_358, %dma_wait3A_359] : memref<20480x128xf32, #tpu.memory_space<hbm>> -> memref<64x128xf32, #tpu.memory_space<hbm>>
    %dma_wait3A_361 = arith.constant 0 : i32
    %dma_wait3A_362 = tpu.memref_slice %arg6[%add3A_358, %dma_wait3A_361] : memref<20480x128xf32, #tpu.memory_space<hbm>> -> memref<64x128xf32, #tpu.memory_space<hbm>>
    tpu.wait_dma2 semaphore(%arg46 : memref<!tpu.dma_semaphore, #tpu.memory_space<semaphore_mem>>) src(%arg25 : memref<64x128xf32, #tpu.memory_space<vmem>>) dst(%dma_wait3A_362 : memref<64x128xf32, #tpu.memory_space<hbm>>)
    %mul3A_363 = arith.constant 640 : i32
    %mul3A_364 = arith.muli %arg1, %mul3A_363 : i32
    %add3A_365 = arith.constant 384 : i32
    %add3A_366 = arith.addi %mul3A_364, %add3A_365 : i32
    "tpu.region"() ({
      %run_scoped3A = tpu.sem_alloc : memref<!tpu.dma_semaphore, #tpu.memory_space<semaphore_mem>>
      %dma_start3A_484 = arith.constant 0 : i32
      %dma_start3A_485 = tpu.memref_slice %arg27[%add3A_366, %dma_start3A_484] : memref<10240x128xf32, #tpu.memory_space<vmem_shared>> -> memref<64x128xf32, #tpu.memory_space<vmem_shared>>
      %dma_start3A_486 = arith.constant 0 : i32
      %dma_start3A_487 = tpu.memref_slice %arg27[%add3A_366, %dma_start3A_486] : memref<10240x128xf32, #tpu.memory_space<vmem_shared>> -> memref<64x128xf32, #tpu.memory_space<vmem_shared>>
      tpu.enqueue_dma source(%dma_start3A_487 : memref<64x128xf32, #tpu.memory_space<vmem_shared>>) target(%arg25 : memref<64x128xf32, #tpu.memory_space<vmem>>) target_semaphore(%run_scoped3A : memref<!tpu.dma_semaphore, #tpu.memory_space<semaphore_mem>>)
      %dma_wait3A_488 = arith.constant 0 : i32
      %dma_wait3A_489 = tpu.memref_slice %arg27[%add3A_366, %dma_wait3A_488] : memref<10240x128xf32, #tpu.memory_space<vmem_shared>> -> memref<64x128xf32, #tpu.memory_space<vmem_shared>>
      %dma_wait3A_490 = arith.constant 0 : i32
      %dma_wait3A_491 = tpu.memref_slice %arg27[%add3A_366, %dma_wait3A_490] : memref<10240x128xf32, #tpu.memory_space<vmem_shared>> -> memref<64x128xf32, #tpu.memory_space<vmem_shared>>
      tpu.wait_dma2 semaphore(%run_scoped3A : memref<!tpu.dma_semaphore, #tpu.memory_space<semaphore_mem>>) src(%dma_wait3A_491 : memref<64x128xf32, #tpu.memory_space<vmem_shared>>) dst(%arg25 : memref<64x128xf32, #tpu.memory_space<vmem>>)
      tpu.yield
    }) : () -> ()
    %mul3A_367 = arith.constant 10240 : i32
    %mul3A_368 = arith.muli %arg0, %mul3A_367 : i32
    %add3A_369 = arith.addi %mul3A_368, %add3A_366 : i32
    %dma_start3A_370 = arith.constant 0 : i32
    %dma_start3A_371 = tpu.memref_slice %arg6[%add3A_369, %dma_start3A_370] : memref<20480x128xf32, #tpu.memory_space<hbm>> -> memref<64x128xf32, #tpu.memory_space<hbm>>
    %dma_start3A_372 = arith.constant 0 : i32
    %dma_start3A_373 = tpu.memref_slice %arg6[%add3A_369, %dma_start3A_372] : memref<20480x128xf32, #tpu.memory_space<hbm>> -> memref<64x128xf32, #tpu.memory_space<hbm>>
    tpu.enqueue_dma source(%arg25 : memref<64x128xf32, #tpu.memory_space<vmem>>) target(%dma_start3A_373 : memref<64x128xf32, #tpu.memory_space<hbm>>) target_semaphore(%arg46 : memref<!tpu.dma_semaphore, #tpu.memory_space<semaphore_mem>>)
    %mul3A_374 = arith.constant 640 : i32
    %mul3A_375 = arith.muli %arg1, %mul3A_374 : i32
    %add3A_376 = arith.constant 192 : i32
    %add3A_377 = arith.addi %mul3A_375, %add3A_376 : i32
    %mul3A_378 = arith.constant 10240 : i32
    %mul3A_379 = arith.muli %arg0, %mul3A_378 : i32
    %add3A_380 = arith.addi %mul3A_379, %add3A_377 : i32
    %dma_wait3A_381 = arith.constant 0 : i32
    %dma_wait3A_382 = tpu.memref_slice %arg6[%add3A_380, %dma_wait3A_381] : memref<20480x128xf32, #tpu.memory_space<hbm>> -> memref<64x128xf32, #tpu.memory_space<hbm>>
    %dma_wait3A_383 = arith.constant 0 : i32
    %dma_wait3A_384 = tpu.memref_slice %arg6[%add3A_380, %dma_wait3A_383] : memref<20480x128xf32, #tpu.memory_space<hbm>> -> memref<64x128xf32, #tpu.memory_space<hbm>>
    tpu.wait_dma2 semaphore(%arg47 : memref<!tpu.dma_semaphore, #tpu.memory_space<semaphore_mem>>) src(%arg26 : memref<64x128xf32, #tpu.memory_space<vmem>>) dst(%dma_wait3A_384 : memref<64x128xf32, #tpu.memory_space<hbm>>)
    %mul3A_385 = arith.constant 640 : i32
    %mul3A_386 = arith.muli %arg1, %mul3A_385 : i32
    %add3A_387 = arith.constant 448 : i32
    %add3A_388 = arith.addi %mul3A_386, %add3A_387 : i32
    "tpu.region"() ({
      %run_scoped3A = tpu.sem_alloc : memref<!tpu.dma_semaphore, #tpu.memory_space<semaphore_mem>>
      %dma_start3A_484 = arith.constant 0 : i32
      %dma_start3A_485 = tpu.memref_slice %arg27[%add3A_388, %dma_start3A_484] : memref<10240x128xf32, #tpu.memory_space<vmem_shared>> -> memref<64x128xf32, #tpu.memory_space<vmem_shared>>
      %dma_start3A_486 = arith.constant 0 : i32
      %dma_start3A_487 = tpu.memref_slice %arg27[%add3A_388, %dma_start3A_486] : memref<10240x128xf32, #tpu.memory_space<vmem_shared>> -> memref<64x128xf32, #tpu.memory_space<vmem_shared>>
      tpu.enqueue_dma source(%dma_start3A_487 : memref<64x128xf32, #tpu.memory_space<vmem_shared>>) target(%arg26 : memref<64x128xf32, #tpu.memory_space<vmem>>) target_semaphore(%run_scoped3A : memref<!tpu.dma_semaphore, #tpu.memory_space<semaphore_mem>>)
      %dma_wait3A_488 = arith.constant 0 : i32
      %dma_wait3A_489 = tpu.memref_slice %arg27[%add3A_388, %dma_wait3A_488] : memref<10240x128xf32, #tpu.memory_space<vmem_shared>> -> memref<64x128xf32, #tpu.memory_space<vmem_shared>>
      %dma_wait3A_490 = arith.constant 0 : i32
      %dma_wait3A_491 = tpu.memref_slice %arg27[%add3A_388, %dma_wait3A_490] : memref<10240x128xf32, #tpu.memory_space<vmem_shared>> -> memref<64x128xf32, #tpu.memory_space<vmem_shared>>
      tpu.wait_dma2 semaphore(%run_scoped3A : memref<!tpu.dma_semaphore, #tpu.memory_space<semaphore_mem>>) src(%dma_wait3A_491 : memref<64x128xf32, #tpu.memory_space<vmem_shared>>) dst(%arg26 : memref<64x128xf32, #tpu.memory_space<vmem>>)
      tpu.yield
    }) : () -> ()
    %mul3A_389 = arith.constant 10240 : i32
    %mul3A_390 = arith.muli %arg0, %mul3A_389 : i32
    %add3A_391 = arith.addi %mul3A_390, %add3A_388 : i32
    %dma_start3A_392 = arith.constant 0 : i32
    %dma_start3A_393 = tpu.memref_slice %arg6[%add3A_391, %dma_start3A_392] : memref<20480x128xf32, #tpu.memory_space<hbm>> -> memref<64x128xf32, #tpu.memory_space<hbm>>
    %dma_start3A_394 = arith.constant 0 : i32
    %dma_start3A_395 = tpu.memref_slice %arg6[%add3A_391, %dma_start3A_394] : memref<20480x128xf32, #tpu.memory_space<hbm>> -> memref<64x128xf32, #tpu.memory_space<hbm>>
    tpu.enqueue_dma source(%arg26 : memref<64x128xf32, #tpu.memory_space<vmem>>) target(%dma_start3A_395 : memref<64x128xf32, #tpu.memory_space<hbm>>) target_semaphore(%arg47 : memref<!tpu.dma_semaphore, #tpu.memory_space<semaphore_mem>>)
    %mul3A_396 = arith.constant 640 : i32
    %mul3A_397 = arith.muli %arg1, %mul3A_396 : i32
    %add3A_398 = arith.constant 256 : i32
    %add3A_399 = arith.addi %mul3A_397, %add3A_398 : i32
    %mul3A_400 = arith.constant 10240 : i32
    %mul3A_401 = arith.muli %arg0, %mul3A_400 : i32
    %add3A_402 = arith.addi %mul3A_401, %add3A_399 : i32
    %dma_wait3A_403 = arith.constant 0 : i32
    %dma_wait3A_404 = tpu.memref_slice %arg6[%add3A_402, %dma_wait3A_403] : memref<20480x128xf32, #tpu.memory_space<hbm>> -> memref<64x128xf32, #tpu.memory_space<hbm>>
    %dma_wait3A_405 = arith.constant 0 : i32
    %dma_wait3A_406 = tpu.memref_slice %arg6[%add3A_402, %dma_wait3A_405] : memref<20480x128xf32, #tpu.memory_space<hbm>> -> memref<64x128xf32, #tpu.memory_space<hbm>>
    tpu.wait_dma2 semaphore(%arg44 : memref<!tpu.dma_semaphore, #tpu.memory_space<semaphore_mem>>) src(%arg23 : memref<64x128xf32, #tpu.memory_space<vmem>>) dst(%dma_wait3A_406 : memref<64x128xf32, #tpu.memory_space<hbm>>)
    %mul3A_407 = arith.constant 640 : i32
    %mul3A_408 = arith.muli %arg1, %mul3A_407 : i32
    %add3A_409 = arith.constant 512 : i32
    %add3A_410 = arith.addi %mul3A_408, %add3A_409 : i32
    "tpu.region"() ({
      %run_scoped3A = tpu.sem_alloc : memref<!tpu.dma_semaphore, #tpu.memory_space<semaphore_mem>>
      %dma_start3A_484 = arith.constant 0 : i32
      %dma_start3A_485 = tpu.memref_slice %arg27[%add3A_410, %dma_start3A_484] : memref<10240x128xf32, #tpu.memory_space<vmem_shared>> -> memref<64x128xf32, #tpu.memory_space<vmem_shared>>
      %dma_start3A_486 = arith.constant 0 : i32
      %dma_start3A_487 = tpu.memref_slice %arg27[%add3A_410, %dma_start3A_486] : memref<10240x128xf32, #tpu.memory_space<vmem_shared>> -> memref<64x128xf32, #tpu.memory_space<vmem_shared>>
      tpu.enqueue_dma source(%dma_start3A_487 : memref<64x128xf32, #tpu.memory_space<vmem_shared>>) target(%arg23 : memref<64x128xf32, #tpu.memory_space<vmem>>) target_semaphore(%run_scoped3A : memref<!tpu.dma_semaphore, #tpu.memory_space<semaphore_mem>>)
      %dma_wait3A_488 = arith.constant 0 : i32
      %dma_wait3A_489 = tpu.memref_slice %arg27[%add3A_410, %dma_wait3A_488] : memref<10240x128xf32, #tpu.memory_space<vmem_shared>> -> memref<64x128xf32, #tpu.memory_space<vmem_shared>>
      %dma_wait3A_490 = arith.constant 0 : i32
      %dma_wait3A_491 = tpu.memref_slice %arg27[%add3A_410, %dma_wait3A_490] : memref<10240x128xf32, #tpu.memory_space<vmem_shared>> -> memref<64x128xf32, #tpu.memory_space<vmem_shared>>
      tpu.wait_dma2 semaphore(%run_scoped3A : memref<!tpu.dma_semaphore, #tpu.memory_space<semaphore_mem>>) src(%dma_wait3A_491 : memref<64x128xf32, #tpu.memory_space<vmem_shared>>) dst(%arg23 : memref<64x128xf32, #tpu.memory_space<vmem>>)
      tpu.yield
    }) : () -> ()
    %mul3A_411 = arith.constant 10240 : i32
    %mul3A_412 = arith.muli %arg0, %mul3A_411 : i32
    %add3A_413 = arith.addi %mul3A_412, %add3A_410 : i32
    %dma_start3A_414 = arith.constant 0 : i32
    %dma_start3A_415 = tpu.memref_slice %arg6[%add3A_413, %dma_start3A_414] : memref<20480x128xf32, #tpu.memory_space<hbm>> -> memref<64x128xf32, #tpu.memory_space<hbm>>
    %dma_start3A_416 = arith.constant 0 : i32
    %dma_start3A_417 = tpu.memref_slice %arg6[%add3A_413, %dma_start3A_416] : memref<20480x128xf32, #tpu.memory_space<hbm>> -> memref<64x128xf32, #tpu.memory_space<hbm>>
    tpu.enqueue_dma source(%arg23 : memref<64x128xf32, #tpu.memory_space<vmem>>) target(%dma_start3A_417 : memref<64x128xf32, #tpu.memory_space<hbm>>) target_semaphore(%arg44 : memref<!tpu.dma_semaphore, #tpu.memory_space<semaphore_mem>>)
    %mul3A_418 = arith.constant 640 : i32
    %mul3A_419 = arith.muli %arg1, %mul3A_418 : i32
    %add3A_420 = arith.constant 320 : i32
    %add3A_421 = arith.addi %mul3A_419, %add3A_420 : i32
    %mul3A_422 = arith.constant 10240 : i32
    %mul3A_423 = arith.muli %arg0, %mul3A_422 : i32
    %add3A_424 = arith.addi %mul3A_423, %add3A_421 : i32
    %dma_wait3A_425 = arith.constant 0 : i32
    %dma_wait3A_426 = tpu.memref_slice %arg6[%add3A_424, %dma_wait3A_425] : memref<20480x128xf32, #tpu.memory_space<hbm>> -> memref<64x128xf32, #tpu.memory_space<hbm>>
    %dma_wait3A_427 = arith.constant 0 : i32
    %dma_wait3A_428 = tpu.memref_slice %arg6[%add3A_424, %dma_wait3A_427] : memref<20480x128xf32, #tpu.memory_space<hbm>> -> memref<64x128xf32, #tpu.memory_space<hbm>>
    tpu.wait_dma2 semaphore(%arg45 : memref<!tpu.dma_semaphore, #tpu.memory_space<semaphore_mem>>) src(%arg24 : memref<64x128xf32, #tpu.memory_space<vmem>>) dst(%dma_wait3A_428 : memref<64x128xf32, #tpu.memory_space<hbm>>)
    %mul3A_429 = arith.constant 640 : i32
    %mul3A_430 = arith.muli %arg1, %mul3A_429 : i32
    %add3A_431 = arith.constant 576 : i32
    %add3A_432 = arith.addi %mul3A_430, %add3A_431 : i32
    "tpu.region"() ({
      %run_scoped3A = tpu.sem_alloc : memref<!tpu.dma_semaphore, #tpu.memory_space<semaphore_mem>>
      %dma_start3A_484 = arith.constant 0 : i32
      %dma_start3A_485 = tpu.memref_slice %arg27[%add3A_432, %dma_start3A_484] : memref<10240x128xf32, #tpu.memory_space<vmem_shared>> -> memref<64x128xf32, #tpu.memory_space<vmem_shared>>
      %dma_start3A_486 = arith.constant 0 : i32
      %dma_start3A_487 = tpu.memref_slice %arg27[%add3A_432, %dma_start3A_486] : memref<10240x128xf32, #tpu.memory_space<vmem_shared>> -> memref<64x128xf32, #tpu.memory_space<vmem_shared>>
      tpu.enqueue_dma source(%dma_start3A_487 : memref<64x128xf32, #tpu.memory_space<vmem_shared>>) target(%arg24 : memref<64x128xf32, #tpu.memory_space<vmem>>) target_semaphore(%run_scoped3A : memref<!tpu.dma_semaphore, #tpu.memory_space<semaphore_mem>>)
      %dma_wait3A_488 = arith.constant 0 : i32
      %dma_wait3A_489 = tpu.memref_slice %arg27[%add3A_432, %dma_wait3A_488] : memref<10240x128xf32, #tpu.memory_space<vmem_shared>> -> memref<64x128xf32, #tpu.memory_space<vmem_shared>>
      %dma_wait3A_490 = arith.constant 0 : i32
      %dma_wait3A_491 = tpu.memref_slice %arg27[%add3A_432, %dma_wait3A_490] : memref<10240x128xf32, #tpu.memory_space<vmem_shared>> -> memref<64x128xf32, #tpu.memory_space<vmem_shared>>
      tpu.wait_dma2 semaphore(%run_scoped3A : memref<!tpu.dma_semaphore, #tpu.memory_space<semaphore_mem>>) src(%dma_wait3A_491 : memref<64x128xf32, #tpu.memory_space<vmem_shared>>) dst(%arg24 : memref<64x128xf32, #tpu.memory_space<vmem>>)
      tpu.yield
    }) : () -> ()
    %mul3A_433 = arith.constant 10240 : i32
    %mul3A_434 = arith.muli %arg0, %mul3A_433 : i32
    %add3A_435 = arith.addi %mul3A_434, %add3A_432 : i32
    %dma_start3A_436 = arith.constant 0 : i32
    %dma_start3A_437 = tpu.memref_slice %arg6[%add3A_435, %dma_start3A_436] : memref<20480x128xf32, #tpu.memory_space<hbm>> -> memref<64x128xf32, #tpu.memory_space<hbm>>
    %dma_start3A_438 = arith.constant 0 : i32
    %dma_start3A_439 = tpu.memref_slice %arg6[%add3A_435, %dma_start3A_438] : memref<20480x128xf32, #tpu.memory_space<hbm>> -> memref<64x128xf32, #tpu.memory_space<hbm>>
    tpu.enqueue_dma source(%arg24 : memref<64x128xf32, #tpu.memory_space<vmem>>) target(%dma_start3A_439 : memref<64x128xf32, #tpu.memory_space<hbm>>) target_semaphore(%arg45 : memref<!tpu.dma_semaphore, #tpu.memory_space<semaphore_mem>>)
    %mul3A_440 = arith.constant 640 : i32
    %mul3A_441 = arith.muli %arg1, %mul3A_440 : i32
    %add3A_442 = arith.constant 384 : i32
    %add3A_443 = arith.addi %mul3A_441, %add3A_442 : i32
    %mul3A_444 = arith.constant 10240 : i32
    %mul3A_445 = arith.muli %arg0, %mul3A_444 : i32
    %add3A_446 = arith.addi %mul3A_445, %add3A_443 : i32
    %dma_wait3A_447 = arith.constant 0 : i32
    %dma_wait3A_448 = tpu.memref_slice %arg6[%add3A_446, %dma_wait3A_447] : memref<20480x128xf32, #tpu.memory_space<hbm>> -> memref<64x128xf32, #tpu.memory_space<hbm>>
    %dma_wait3A_449 = arith.constant 0 : i32
    %dma_wait3A_450 = tpu.memref_slice %arg6[%add3A_446, %dma_wait3A_449] : memref<20480x128xf32, #tpu.memory_space<hbm>> -> memref<64x128xf32, #tpu.memory_space<hbm>>
    tpu.wait_dma2 semaphore(%arg46 : memref<!tpu.dma_semaphore, #tpu.memory_space<semaphore_mem>>) src(%arg25 : memref<64x128xf32, #tpu.memory_space<vmem>>) dst(%dma_wait3A_450 : memref<64x128xf32, #tpu.memory_space<hbm>>)
    %mul3A_451 = arith.constant 640 : i32
    %mul3A_452 = arith.muli %arg1, %mul3A_451 : i32
    %add3A_453 = arith.constant 448 : i32
    %add3A_454 = arith.addi %mul3A_452, %add3A_453 : i32
    %mul3A_455 = arith.constant 10240 : i32
    %mul3A_456 = arith.muli %arg0, %mul3A_455 : i32
    %add3A_457 = arith.addi %mul3A_456, %add3A_454 : i32
    %dma_wait3A_458 = arith.constant 0 : i32
    %dma_wait3A_459 = tpu.memref_slice %arg6[%add3A_457, %dma_wait3A_458] : memref<20480x128xf32, #tpu.memory_space<hbm>> -> memref<64x128xf32, #tpu.memory_space<hbm>>
    %dma_wait3A_460 = arith.constant 0 : i32
    %dma_wait3A_461 = tpu.memref_slice %arg6[%add3A_457, %dma_wait3A_460] : memref<20480x128xf32, #tpu.memory_space<hbm>> -> memref<64x128xf32, #tpu.memory_space<hbm>>
    tpu.wait_dma2 semaphore(%arg47 : memref<!tpu.dma_semaphore, #tpu.memory_space<semaphore_mem>>) src(%arg26 : memref<64x128xf32, #tpu.memory_space<vmem>>) dst(%dma_wait3A_461 : memref<64x128xf32, #tpu.memory_space<hbm>>)
    %mul3A_462 = arith.constant 640 : i32
    %mul3A_463 = arith.muli %arg1, %mul3A_462 : i32
    %add3A_464 = arith.constant 512 : i32
    %add3A_465 = arith.addi %mul3A_463, %add3A_464 : i32
    %mul3A_466 = arith.constant 10240 : i32
    %mul3A_467 = arith.muli %arg0, %mul3A_466 : i32
    %add3A_468 = arith.addi %mul3A_467, %add3A_465 : i32
    %dma_wait3A_469 = arith.constant 0 : i32
    %dma_wait3A_470 = tpu.memref_slice %arg6[%add3A_468, %dma_wait3A_469] : memref<20480x128xf32, #tpu.memory_space<hbm>> -> memref<64x128xf32, #tpu.memory_space<hbm>>
    %dma_wait3A_471 = arith.constant 0 : i32
    %dma_wait3A_472 = tpu.memref_slice %arg6[%add3A_468, %dma_wait3A_471] : memref<20480x128xf32, #tpu.memory_space<hbm>> -> memref<64x128xf32, #tpu.memory_space<hbm>>
    tpu.wait_dma2 semaphore(%arg44 : memref<!tpu.dma_semaphore, #tpu.memory_space<semaphore_mem>>) src(%arg23 : memref<64x128xf32, #tpu.memory_space<vmem>>) dst(%dma_wait3A_472 : memref<64x128xf32, #tpu.memory_space<hbm>>)
    %mul3A_473 = arith.constant 640 : i32
    %mul3A_474 = arith.muli %arg1, %mul3A_473 : i32
    %add3A_475 = arith.constant 576 : i32
    %add3A_476 = arith.addi %mul3A_474, %add3A_475 : i32
    %mul3A_477 = arith.constant 10240 : i32
    %mul3A_478 = arith.muli %arg0, %mul3A_477 : i32
    %add3A_479 = arith.addi %mul3A_478, %add3A_476 : i32
    %dma_wait3A_480 = arith.constant 0 : i32
    %dma_wait3A_481 = tpu.memref_slice %arg6[%add3A_479, %dma_wait3A_480] : memref<20480x128xf32, #tpu.memory_space<hbm>> -> memref<64x128xf32, #tpu.memory_space<hbm>>
    %dma_wait3A_482 = arith.constant 0 : i32
    %dma_wait3A_483 = tpu.memref_slice %arg6[%add3A_479, %dma_wait3A_482] : memref<20480x128xf32, #tpu.memory_space<hbm>> -> memref<64x128xf32, #tpu.memory_space<hbm>>
    tpu.wait_dma2 semaphore(%arg45 : memref<!tpu.dma_semaphore, #tpu.memory_space<semaphore_mem>>) src(%arg24 : memref<64x128xf32, #tpu.memory_space<vmem>>) dst(%dma_wait3A_483 : memref<64x128xf32, #tpu.memory_space<hbm>>)
    return
  }
}

module attributes {stable_mosaic.version = 14 : i64} {
  func.func @body(%arg0: i32, %arg1: memref<128x128xf32, #tpu.memory_space<vmem>>, %arg2: memref<2x128x128xf32, #tpu.memory_space<vmem>>, %arg3: memref<128x128xf32, #tpu.memory_space<vmem>>, %arg4: memref<128x128xf32, #tpu.memory_space<vmem>>, %arg5: memref<128x1xf32, #tpu.memory_space<vmem>>) attributes {dimension_semantics = [#tpu.dimension_semantics<arbitrary>], iteration_bounds = array<i64: 80>, scalar_prefetch = 0 : i64, scratch_operands = 0 : i64, tpu.core_type = #tpu.core_type<tc>, window_params = [{transform_indices = @transform_0, window_bounds = array<i64: 128, 128>}, {transform_indices = @transform_1, window_bounds = array<i64: 2, 128, 128>}, {pipeline_mode = #tpu.pipeline_mode<synchronous>, transform_indices = @transform_2, window_bounds = array<i64: 128, 128>}, {transform_indices = @transform_3, window_bounds = array<i64: 128, 128>}, {transform_indices = @transform_4, window_bounds = array<i64: 128, 1>}]} {
    %get3A = arith.constant 0 : index
    %get3A_0 = arith.constant 0 : index
    %get3A_1 = arith.constant 0 : index
    %get3A_2 = vector.load %arg2[%get3A, %get3A_0, %get3A_1] : memref<2x128x128xf32, #tpu.memory_space<vmem>>, vector<1x128x1xf32>
    %get3A_3 = vector.shape_cast %get3A_2 : vector<1x128x1xf32> to vector<128xf32>
    %get3A_4 = arith.constant 1 : index
    %get3A_5 = arith.constant 0 : index
    %get3A_6 = arith.constant 0 : index
    %get3A_7 = vector.load %arg2[%get3A_4, %get3A_5, %get3A_6] : memref<2x128x128xf32, #tpu.memory_space<vmem>>, vector<1x128x1xf32>
    %get3A_8 = vector.shape_cast %get3A_7 : vector<1x128x1xf32> to vector<128xf32>
    %add3A = arith.addf %get3A_3, %get3A_8 : vector<128xf32>
    %add3A_9 = arith.constant 1.000000e+00 : f32
    %add3A_10 = vector.broadcast %add3A_9 : f32 to vector<128xf32>
    %add3A_11 = arith.addf %add3A, %add3A_10 : vector<128xf32>
    %rsqrt3A = math.rsqrt %add3A_11 : vector<128xf32>
    %get3A_12 = arith.constant 0 : index
    %get3A_13 = arith.constant 0 : index
    %get3A_14 = vector.load %arg1[%get3A_12, %get3A_13] : memref<128x128xf32, #tpu.memory_space<vmem>>, vector<128x128xf32>
    %get3A_15 = arith.constant 0 : index
    %get3A_16 = arith.constant 0 : index
    %get3A_17 = vector.load %arg3[%get3A_15, %get3A_16] : memref<128x128xf32, #tpu.memory_space<vmem>>, vector<128x128xf32>
    %dot_general3A = arith.constant dense<0.000000e+00> : vector<128x128xf32>
    %dot_general3A_18 = tpu.matmul %get3A_14, %get3A_17, %dot_general3A {dimension_numbers = #tpu.dot_dimension_numbers<[1], [0], [0], [1], [0, 0, 1, 1], [], []>, transpose_lhs_hint = false} : vector<128x128xf32>, vector<128x128xf32>, vector<128x128xf32> -> vector<128x128xf32>
    %broadcast_in_dim3A = vector.shape_cast %rsqrt3A : vector<128xf32> to vector<128x1xf32>
    %mul3A = vector.broadcast %broadcast_in_dim3A : vector<128x1xf32> to vector<128x128xf32>
    %mul3A_19 = arith.mulf %dot_general3A_18, %mul3A : vector<128x128xf32>
    %swap3A = arith.constant 0 : index
    %swap3A_20 = arith.constant 0 : index
    %swap3A_21 = vector.load %arg4[%swap3A, %swap3A_20] : memref<128x128xf32, #tpu.memory_space<vmem>>, vector<128x128xf32>
    tpu.vector_store %arg4[%swap3A, %swap3A_20], %mul3A_19 {strides = array<i32>} : memref<128x128xf32, #tpu.memory_space<vmem>>, vector<128x128xf32>,
    %broadcast_in_dim3A_22 = vector.shape_cast %rsqrt3A : vector<128xf32> to vector<128x1xf32>
    %swap3A_23 = arith.constant 0 : index
    %swap3A_24 = arith.constant 0 : index
    %swap3A_25 = vector.load %arg5[%swap3A_23, %swap3A_24] : memref<128x1xf32, #tpu.memory_space<vmem>>, vector<128x1xf32>
    tpu.vector_store %arg5[%swap3A_23, %swap3A_24], %broadcast_in_dim3A_22 {strides = array<i32>} : memref<128x1xf32, #tpu.memory_space<vmem>>, vector<128x1xf32>,
    return
  }
  func.func @transform_0(%arg0: i32) -> (i32, i32) {
    %c0_i32 = arith.constant 0 : i32
    %c0_i32_0 = arith.constant 0 : i32
    return %arg0, %c0_i32 : i32, i32
  }
  func.func @transform_1(%arg0: i32) -> (i32, i32, i32) {
    %c0_i32 = arith.constant 0 : i32
    %c0_i32_0 = arith.constant 0 : i32
    %c0_i32_1 = arith.constant 0 : i32
    return %c0_i32, %arg0, %c0_i32_0 : i32, i32, i32
  }
  func.func @transform_2(%arg0: i32) -> (i32, i32) {
    %c0_i32 = arith.constant 0 : i32
    %c0_i32_0 = arith.constant 0 : i32
    %c0_i32_1 = arith.constant 0 : i32
    return %c0_i32, %c0_i32_0 : i32, i32
  }
  func.func @transform_3(%arg0: i32) -> (i32, i32) {
    %c0_i32 = arith.constant 0 : i32
    %c0_i32_0 = arith.constant 0 : i32
    return %arg0, %c0_i32 : i32, i32
  }
  func.func @transform_4(%arg0: i32) -> (i32, i32) {
    %c0_i32 = arith.constant 0 : i32
    %c0_i32_0 = arith.constant 0 : i32
    return %arg0, %c0_i32 : i32, i32
  }
}

module attributes {stable_mosaic.version = 14 : i64} {
  func.func @body(%arg0: i32, %arg1: memref<2x128x128xf32, #tpu.memory_space<vmem>>, %arg2: memref<128x128xf32, #tpu.memory_space<vmem>>, %arg3: memref<128x1xf32, #tpu.memory_space<vmem>>, %arg4: memref<1x128xf32, #tpu.memory_space<vmem>>, %arg5: memref<128x128xf32, #tpu.memory_space<vmem>>, %arg6: memref<128x128xf32, #tpu.memory_space<vmem>>) attributes {dimension_semantics = [#tpu.dimension_semantics<arbitrary>], iteration_bounds = array<i64: 80>, scalar_prefetch = 0 : i64, scratch_operands = 0 : i64, tpu.core_type = #tpu.core_type<tc>, window_params = [{transform_indices = @transform_0, window_bounds = array<i64: 2, 128, 128>}, {transform_indices = @transform_1, window_bounds = array<i64: 128, 128>}, {transform_indices = @transform_2, window_bounds = array<i64: 128, 1>}, {pipeline_mode = #tpu.pipeline_mode<synchronous>, transform_indices = @transform_3, window_bounds = array<i64: 1, 128>}, {pipeline_mode = #tpu.pipeline_mode<synchronous>, transform_indices = @transform_4, window_bounds = array<i64: 128, 128>}, {transform_indices = @transform_5, window_bounds = array<i64: 128, 128>}]} {
    %get3A = arith.constant 0 : index
    %get3A_0 = arith.constant 0 : index
    %get3A_1 = arith.constant 0 : index
    %get3A_2 = vector.load %arg1[%get3A, %get3A_0, %get3A_1] : memref<2x128x128xf32, #tpu.memory_space<vmem>>, vector<1x128x128xf32>
    %get3A_3 = vector.shape_cast %get3A_2 : vector<1x128x128xf32> to vector<128x128xf32>
    %get3A_4 = arith.constant 1 : index
    %get3A_5 = arith.constant 0 : index
    %get3A_6 = arith.constant 0 : index
    %get3A_7 = vector.load %arg1[%get3A_4, %get3A_5, %get3A_6] : memref<2x128x128xf32, #tpu.memory_space<vmem>>, vector<1x128x128xf32>
    %get3A_8 = vector.shape_cast %get3A_7 : vector<1x128x128xf32> to vector<128x128xf32>
    %add3A = arith.addf %get3A_3, %get3A_8 : vector<128x128xf32>
    %get3A_9 = arith.constant 0 : index
    %get3A_10 = arith.constant 0 : index
    %get3A_11 = vector.load %arg2[%get3A_9, %get3A_10] : memref<128x128xf32, #tpu.memory_space<vmem>>, vector<128x128xf32>
    %add3A_12 = arith.addf %add3A, %get3A_11 : vector<128x128xf32>
    %get3A_13 = arith.constant 0 : index
    %get3A_14 = arith.constant 0 : index
    %get3A_15 = vector.load %arg3[%get3A_13, %get3A_14] : memref<128x1xf32, #tpu.memory_space<vmem>>, vector<128x1xf32>
    %mul3A = vector.broadcast %get3A_15 : vector<128x1xf32> to vector<128x128xf32>
    %mul3A_16 = arith.mulf %add3A_12, %mul3A : vector<128x128xf32>
    %get3A_17 = arith.constant 0 : index
    %get3A_18 = arith.constant 0 : index
    %get3A_19 = vector.load %arg4[%get3A_17, %get3A_18] : memref<1x128xf32, #tpu.memory_space<vmem>>, vector<1x128xf32>
    %add3A_20 = vector.broadcast %get3A_19 : vector<1x128xf32> to vector<128x128xf32>
    %add3A_21 = arith.addf %mul3A_16, %add3A_20 : vector<128x128xf32>
    %max3A = arith.constant 0.000000e+00 : f32
    %max3A_22 = vector.broadcast %max3A : f32 to vector<128x128xf32>
    %max3A_23 = arith.maximumf %add3A_21, %max3A_22 : vector<128x128xf32>
    %get3A_24 = arith.constant 0 : index
    %get3A_25 = arith.constant 0 : index
    %get3A_26 = vector.load %arg5[%get3A_24, %get3A_25] : memref<128x128xf32, #tpu.memory_space<vmem>>, vector<128x128xf32>
    %dot_general3A = arith.constant dense<0.000000e+00> : vector<128x128xf32>
    %dot_general3A_27 = tpu.matmul %max3A_23, %get3A_26, %dot_general3A {dimension_numbers = #tpu.dot_dimension_numbers<[1], [0], [0], [1], [0, 0, 1, 1], [], []>, transpose_lhs_hint = false} : vector<128x128xf32>, vector<128x128xf32>, vector<128x128xf32> -> vector<128x128xf32>
    %get3A_28 = arith.constant 0 : index
    %get3A_29 = arith.constant 0 : index
    %get3A_30 = vector.load %arg3[%get3A_28, %get3A_29] : memref<128x1xf32, #tpu.memory_space<vmem>>, vector<128x1xf32>
    %mul3A_31 = vector.broadcast %get3A_30 : vector<128x1xf32> to vector<128x128xf32>
    %mul3A_32 = arith.mulf %dot_general3A_27, %mul3A_31 : vector<128x128xf32>
    %swap3A = arith.constant 0 : index
    %swap3A_33 = arith.constant 0 : index
    %swap3A_34 = vector.load %arg6[%swap3A, %swap3A_33] : memref<128x128xf32, #tpu.memory_space<vmem>>, vector<128x128xf32>
    tpu.vector_store %arg6[%swap3A, %swap3A_33], %mul3A_32 {strides = array<i32>} : memref<128x128xf32, #tpu.memory_space<vmem>>, vector<128x128xf32>,
    return
  }
  func.func @transform_0(%arg0: i32) -> (i32, i32, i32) {
    %c0_i32 = arith.constant 0 : i32
    %c0_i32_0 = arith.constant 0 : i32
    %c0_i32_1 = arith.constant 0 : i32
    return %c0_i32, %arg0, %c0_i32_0 : i32, i32, i32
  }
  func.func @transform_1(%arg0: i32) -> (i32, i32) {
    %c0_i32 = arith.constant 0 : i32
    %c0_i32_0 = arith.constant 0 : i32
    return %arg0, %c0_i32 : i32, i32
  }
  func.func @transform_2(%arg0: i32) -> (i32, i32) {
    %c0_i32 = arith.constant 0 : i32
    %c0_i32_0 = arith.constant 0 : i32
    return %arg0, %c0_i32 : i32, i32
  }
  func.func @transform_3(%arg0: i32) -> (i32, i32) {
    %c0_i32 = arith.constant 0 : i32
    %c0_i32_0 = arith.constant 0 : i32
    %c0_i32_1 = arith.constant 0 : i32
    return %c0_i32, %c0_i32_0 : i32, i32
  }
  func.func @transform_4(%arg0: i32) -> (i32, i32) {
    %c0_i32 = arith.constant 0 : i32
    %c0_i32_0 = arith.constant 0 : i32
    %c0_i32_1 = arith.constant 0 : i32
    return %c0_i32, %c0_i32_0 : i32, i32
  }
  func.func @transform_5(%arg0: i32) -> (i32, i32) {
    %c0_i32 = arith.constant 0 : i32
    %c0_i32_0 = arith.constant 0 : i32
    return %arg0, %c0_i32 : i32, i32
  }
}

module attributes {stable_mosaic.version = 14 : i64} {
  func.func @body(%arg0: i32, %arg1: memref<2x128x128xf32, #tpu.memory_space<vmem>>, %arg2: memref<128x128xf32, #tpu.memory_space<vmem>>, %arg3: memref<128x1xf32, #tpu.memory_space<vmem>>, %arg4: memref<1x128xf32, #tpu.memory_space<vmem>>, %arg5: memref<128x128xf32, #tpu.memory_space<vmem>>) attributes {dimension_semantics = [#tpu.dimension_semantics<arbitrary>], iteration_bounds = array<i64: 80>, scalar_prefetch = 0 : i64, scratch_operands = 0 : i64, tpu.core_type = #tpu.core_type<tc>, window_params = [{transform_indices = @transform_0, window_bounds = array<i64: 2, 128, 128>}, {transform_indices = @transform_1, window_bounds = array<i64: 128, 128>}, {transform_indices = @transform_2, window_bounds = array<i64: 128, 1>}, {pipeline_mode = #tpu.pipeline_mode<synchronous>, transform_indices = @transform_3, window_bounds = array<i64: 1, 128>}, {transform_indices = @transform_4, window_bounds = array<i64: 128, 128>}]} {
    %get3A = arith.constant 0 : index
    %get3A_0 = arith.constant 0 : index
    %get3A_1 = arith.constant 0 : index
    %get3A_2 = vector.load %arg1[%get3A, %get3A_0, %get3A_1] : memref<2x128x128xf32, #tpu.memory_space<vmem>>, vector<1x128x128xf32>
    %get3A_3 = vector.shape_cast %get3A_2 : vector<1x128x128xf32> to vector<128x128xf32>
    %get3A_4 = arith.constant 1 : index
    %get3A_5 = arith.constant 0 : index
    %get3A_6 = arith.constant 0 : index
    %get3A_7 = vector.load %arg1[%get3A_4, %get3A_5, %get3A_6] : memref<2x128x128xf32, #tpu.memory_space<vmem>>, vector<1x128x128xf32>
    %get3A_8 = vector.shape_cast %get3A_7 : vector<1x128x128xf32> to vector<128x128xf32>
    %add3A = arith.addf %get3A_3, %get3A_8 : vector<128x128xf32>
    %get3A_9 = arith.constant 0 : index
    %get3A_10 = arith.constant 0 : index
    %get3A_11 = vector.load %arg2[%get3A_9, %get3A_10] : memref<128x128xf32, #tpu.memory_space<vmem>>, vector<128x128xf32>
    %add3A_12 = arith.addf %add3A, %get3A_11 : vector<128x128xf32>
    %get3A_13 = arith.constant 0 : index
    %get3A_14 = arith.constant 0 : index
    %get3A_15 = vector.load %arg3[%get3A_13, %get3A_14] : memref<128x1xf32, #tpu.memory_space<vmem>>, vector<128x1xf32>
    %mul3A = vector.broadcast %get3A_15 : vector<128x1xf32> to vector<128x128xf32>
    %mul3A_16 = arith.mulf %add3A_12, %mul3A : vector<128x128xf32>
    %get3A_17 = arith.constant 0 : index
    %get3A_18 = arith.constant 0 : index
    %get3A_19 = vector.load %arg4[%get3A_17, %get3A_18] : memref<1x128xf32, #tpu.memory_space<vmem>>, vector<1x128xf32>
    %add3A_20 = vector.broadcast %get3A_19 : vector<1x128xf32> to vector<128x128xf32>
    %add3A_21 = arith.addf %mul3A_16, %add3A_20 : vector<128x128xf32>
    %swap3A = arith.constant 0 : index
    %swap3A_22 = arith.constant 0 : index
    %swap3A_23 = vector.load %arg5[%swap3A, %swap3A_22] : memref<128x128xf32, #tpu.memory_space<vmem>>, vector<128x128xf32>
    tpu.vector_store %arg5[%swap3A, %swap3A_22], %add3A_21 {strides = array<i32>} : memref<128x128xf32, #tpu.memory_space<vmem>>, vector<128x128xf32>,
    return
  }
  func.func @transform_0(%arg0: i32) -> (i32, i32, i32) {
    %c0_i32 = arith.constant 0 : i32
    %c0_i32_0 = arith.constant 0 : i32
    %c0_i32_1 = arith.constant 0 : i32
    return %c0_i32, %arg0, %c0_i32_0 : i32, i32, i32
  }
  func.func @transform_1(%arg0: i32) -> (i32, i32) {
    %c0_i32 = arith.constant 0 : i32
    %c0_i32_0 = arith.constant 0 : i32
    return %arg0, %c0_i32 : i32, i32
  }
  func.func @transform_2(%arg0: i32) -> (i32, i32) {
    %c0_i32 = arith.constant 0 : i32
    %c0_i32_0 = arith.constant 0 : i32
    return %arg0, %c0_i32 : i32, i32
  }
  func.func @transform_3(%arg0: i32) -> (i32, i32) {
    %c0_i32 = arith.constant 0 : i32
    %c0_i32_0 = arith.constant 0 : i32
    %c0_i32_1 = arith.constant 0 : i32
    return %c0_i32, %c0_i32_0 : i32, i32
  }
  func.func @transform_4(%arg0: i32) -> (i32, i32) {
    %c0_i32 = arith.constant 0 : i32
    %c0_i32_0 = arith.constant 0 : i32
    return %arg0, %c0_i32 : i32, i32
  }
}

</mosaic_0001>

<sc_bundles>
// kernel: kernel.11.cloned.1.call-start
scs
__scs_entry_jumppad:
0x0: {  	(pc) =	sbr.rel $0x88, $3  }
0x1: {  	(tag) =	ssettag $0x0;
	lr =	simm.s32 $0x1  }
0x2: {  	[smem:$0x3F9B] =	sst lr;
	_ =	strace $0xD0000000  }
0x3: {  	_ = 	snop  }
0x4: {  	_ = 	snop  }
0x5: {  	_ = 	snop  }
0x6: {  	_ = 	snop  }
0x7: {  	_ = 	snop  }
__scs_overlays_trampoline_lowered:
0x8: {  	[smem:$0x3FAA] =	sst s0  }
0x9: {  	[smem:$0x3FAB] =	sst s1  }
0xa: {  	[smem:$0x3FAC] =	sst s2  }
0xb: {  	[smem:$0x3FAD] =	sst s3  }
0xc: {  	[smem:$0x3FAE] =	sst s4  }
0xd: {  	[smem:$0x3FAF] =	sst s5  }
0xe: {  	[smem:$0x3FB0] =	sst s6  }
0xf: {  	[smem:$0x3FB1] =	sst s7  }
0x10: {  	[smem:$0x3FB2] =	sst s8  }
0x11: {  	[smem:$0x3FB3] =	sst s9;
	s0 =	simm.s32 @!p0 $0x0  }
0x12: {  	s1 =	sld [smem:$0x3F99];
	s0 =	simm.s32 @p0 $0x1  }
0x13: {  	[smem:$0x3FB4] =	sst s0;
	s0 =	simm.s32 @!p1 $0x0  }
0x14: {  	s2 =	sld [smem:$0x3F98];
	s0 =	simm.s32 @p1 $0x1  }
0x15: {  	[smem:$0x3FB5] =	sst s0;
	s0 =	simm.s32 @!p2 $0x0  }
0x16: {  	s3 =	sld [smem:$0x3FDB];
	s0 =	simm.s32 @p2 $0x1  }
0x17: {  	s4 =	simm.s32 $0x1BF5;
	[smem:$0x3FB7] =	sst s0  }
0x18: {  	s0 =	sld [smem:$0x3F9A];
	_ =	swait.ge [sflag:s4], $0x0  }
0x19: {  	s7 =	sld [smem:$0x3F9B]  }
0x1a: {  	s8 =	sadd.s32 $0xFFFFE003, lr  }
0x1b: {  	s9 =	sadd.s32 $0xFFFFFEF7, lr;
	s5 =	simm.s32 $0xFFFFFFFF;
	p2 =	slt.u32 s8, $0xFFFFF086  }
0x1c: {  	p1 =	slt.u32 s9, $0xF7A;
	s5 =	simm.s32 @!p2 $0x0  }
0x1d: {  	s5 =	simm.s32 @p1 $0x1;
	p0 =	seq.s32 s7, s2  }
0x1e: {  	s7 =	smul.u32 @!p0 $0xF7A, s2;
	p2 =	seq.s32 @!p0 s5, $0x0  }
0x1f: {  	s9 =	smul.u32 $0xF7A, s1;
	s8 =	simm.s32 @!p0 $0x1BF5;
	p2 =	por !p2, p0  }
0x20: {  	[sflag:s8] =	ssyncset.s32 @!p0 $0xFFFFF086;
	s6 =	sadd.s32 @!p0 s3, s7;
	s7 =	simm.s32 @!p0 $0x108  }
0x21: {  	s3 =	sadd.s32 s3, s9;
	s6 =	sadd.s32 @!p0 $0x88, s6;
	s7 =	simm.s32 @p2 $0x1082  }
0x22: {  	[simem:s7], [sflag:s8] =	dma.local @!p0 [hbm:s6], $0xF7A  }
0x23: {  	s9 =	sor.u32 $0xD0000000, s2;
	s6 =	simm.s32 $0x108;
	_ =	swait.ge @!p0 [sflag:s8], $0x0  }
0x24: {  	s3 =	sadd.s32 $0x88, s3;
	s6 =	simm.s32 @!p1 $0x1082;
	[sflag:s4] =	ssyncset.s32 $0xFFFFF086  }
0x25: {  	[simem:s6], [sflag:s4] =	dma.local [hbm:s3], $0xF7A  }
0x26: {  	[smem:$0x3F9B] =	sst s1;
	(tag) =	ssettag s2;
	_ =	strace s9  }
0x27: {  	s1 =	sld [smem:$0x3FAB]  }
0x28: {  	s2 =	sld [smem:$0x3FAC]  }
0x29: {  	s4 =	sld [smem:$0x3FAE]  }
0x2a: {  	p0 =	seq.s32 s5, $0x0;
	s5 =	sld [smem:$0x3FAF]  }
0x2b: {  	s6 =	sld [smem:$0x3FB0]  }
0x2c: {  	s7 =	sld [smem:$0x3FB1]  }
0x2d: {  	s3 =	simm.s32 $0x108;
	s8 =	sld [smem:$0x3FB2]  }
0x2e: {  	s3 =	simm.s32 @!p0 $0x1082;
	s9 =	sld [smem:$0x3FB3]  }
0x2f: {  	lr =	sadd.s32 s0, s3;
	s0 =	sld [smem:$0x3FAA]  }
0x30: {  	s3 =	sld [smem:$0x3FAD]  }
0x31: {  	[smem:$0x3FB6] =	sst s10  }
0x32: {  	s10 =	sld [smem:$0x3FB4];
	_ =	sdelay $0x3  }
0x33: {  	p0 =	seq.s32 s10, $0x1;
	s10 =	sld [smem:$0x3FB6];
	_ =	sdelay $0x3  }
0x34: {  	[smem:$0x3FB6] =	sst s10  }
0x35: {  	s10 =	sld [smem:$0x3FB5];
	_ =	sdelay $0x3  }
0x36: {  	p1 =	seq.s32 s10, $0x1;
	s10 =	sld [smem:$0x3FB6];
	_ =	sdelay $0x3  }
0x37: {  	[smem:$0x3FB6] =	sst s10  }
0x38: {  	s10 =	sld [smem:$0x3FB7]  }
0x39: {  	_ = 	snop;
	(pc) =	sbr.ind lr, $3  }
0x3a: {  	_ = 	snop  }
0x3b: {  	_ = 	snop  }
0x3c: {  	p2 =	seq.s32 s10, $0x1;
	s10 =	sld [smem:$0x3FB6]  }
0x3d: {  	_ =	shalt  }
0x3e: {  	_ =	shalt  }
0x3f: {  	_ =	shalt  }
0x40: {  	_ =	shalt  }
0x41: {  	_ =	shalt  }
0x42: {  	_ =	shalt  }
0x43: {  	_ =	shalt  }
0x44: {  	_ =	shalt  }
0x45: {  	_ =	shalt  }
0x46: {  	_ =	shalt  }
0x47: {  	_ =	shalt  }
0x48: {  	_ =	shalt  }
0x49: {  	_ =	shalt  }
0x4a: {  	_ =	shalt  }
0x4b: {  	_ =	shalt  }
0x4c: {  	_ =	shalt  }
0x4d: {  	_ =	shalt  }
0x4e: {  	_ =	shalt  }
0x4f: {  	_ =	shalt  }
0x50: {  	_ =	shalt  }
0x51: {  	_ =	shalt  }
0x52: {  	_ =	shalt  }
0x53: {  	_ =	shalt  }
0x54: {  	_ =	shalt  }
0x55: {  	_ =	shalt  }
0x56: {  	_ =	shalt  }
0x57: {  	_ =	shalt  }
0x58: {  	_ =	shalt  }
0x59: {  	_ =	shalt  }
0x5a: {  	_ =	shalt  }
0x5b: {  	_ =	shalt  }
0x5c: {  	_ =	shalt  }
0x5d: {  	_ =	shalt  }
0x5e: {  	_ =	shalt  }
0x5f: {  	_ =	shalt  }
0x60: {  	_ =	shalt  }
0x61: {  	_ =	shalt  }
0x62: {  	_ =	shalt  }
0x63: {  	_ =	shalt  }
0x64: {  	_ =	shalt  }
0x65: {  	_ =	shalt  }
0x66: {  	_ =	shalt  }
0x67: {  	_ =	shalt  }
0x68: {  	_ =	shalt  }
0x69: {  	_ =	shalt  }
0x6a: {  	_ =	shalt  }
0x6b: {  	_ =	shalt  }
0x6c: {  	_ =	shalt  }
0x6d: {  	_ =	shalt  }
0x6e: {  	_ =	shalt  }
0x6f: {  	_ =	shalt  }
0x70: {  	_ =	shalt  }
0x71: {  	_ =	shalt  }
0x72: {  	_ =	shalt  }
0x73: {  	_ =	shalt  }
0x74: {  	_ =	shalt  }
0x75: {  	_ =	shalt  }
0x76: {  	_ =	shalt  }
0x77: {  	_ =	shalt  }
0x78: {  	_ =	shalt  }
0x79: {  	_ =	shalt  }
0x7a: {  	_ =	shalt  }
0x7b: {  	_ =	shalt  }
0x7c: {  	_ =	shalt  }
0x7d: {  	_ =	shalt  }
0x7e: {  	_ =	shalt  }
0x7f: {  	_ =	shalt  }
0x80: {  	_ =	shalt  }
0x81: {  	_ =	shalt  }
0x82: {  	_ =	shalt  }
0x83: {  	_ =	shalt  }
0x84: {  	_ =	shalt  }
0x85: {  	_ =	shalt  }
0x86: {  	_ =	shalt  }
0x87: {  	_ =	shalt  }
.Lfunc_end0:
.L_simem_size_0:
called_computation.1_lowered:
.L_overlay_start_0:
0x88: {  	s2 =	sld [smem:$0x3FD9]  }
0x89: {  	s3 =	sld [smem:$0x3FFE];
	_ =	sdelay $0x1  }
0x8a: {  	s1 =	srdreg.scid  }
0x8b: {  	s0 =	sand.u32 $0x1, s1  }
0x8c: {  	s17 =	sshll.u32 s0, $0xA;
	s2 =	sadd.s32 s3, s2  }
0x8d: {  	s2 =	sadd.s32 s2, s17  }
0x8e: {  	[smem:$0x3FC2] =	sst s2  }
0x8f: {  	_ = 	snop  }
0x90: {  	s2 =	sld [smem:$0x3FD0];
	(tm) =	ssettm $0x1  }
0x91: {  	s18 =	sld [smem:$0x3FFB];
	_ =	sdelay $0x3  }
0x92: {  	_ =	strace s18  }
0x93: {  	s3 =	sld [smem:$0x3FFC];
	_ =	sdelay $0x3  }
0x94: {  	_ =	strace s3  }
0x95: {  	s3 =	sld [smem:$0x3FFD];
	_ =	sdelay $0x3  }
0x96: {  	_ =	strace s3  }
0x97: {  	_ =	strace $0x8FFFFFFF  }
0x98: {  	s19 =	sld [smem:$0x3FDB];
	_ =	sdelay $0x1  }
0x99: {  	s4 =	simm.s32 $_scs_section_size  }
0x9a: {  	s5 =	simm.s32 $_size__tile_overlayer_lowered;
	s6 =	simm.s32 $_tile_overlayer_lowered  }
0x9b: {  	s22 =	simm.s32 $0x1BFF;
	s21 =	sshll.u32 s6, $0x1;
	s3 =	sadd.s32 s4, s19  }
0x9c: {  	s7 =	simm.s32 $0x0;
	s20 =	sshll.u32 s5, $0x1;
	s5 =	sadd.s32 s21, s3  }
0x9d: {  	[timem:s7], [sflag:s22] =	dma.local [hbm:s5], s20  }
0x9e: {  	_ =	swait.ge [sflag:s22], s20  }
0x9f: {  	s4 =	ssub.s32 $0x0, s20;
	[sflag:s22] =	ssyncset.done $0x0  }
0xa0: {  	[sflag:s22] =	ssyncadd.s32 s4;
	_ =	sdelay $0x1  }
0xa1: {  	s23 =	simm.s32 $0x1B8B  }
0xa2: {  	_ =	swait.ge [sflag:s23], $0x1  }
0xa3: {  	[sflag:s23] =	ssyncset.done $0x0  }
0xa4: {  	s25 =	simm.s32 $0x1B8E;
	s24 =	sld [smem:$0x3FFE];
	[sflag:s23] =	ssyncadd.s32 $0xFFFFFFFF  }
0xa5: {  	s26 =	simm.s32 $execute0_lowered;
	[smem:$0x3FD2] =	sst s25  }
0xa6: {  	s5 =	sshll.u32 s26, $0x1;
	_ =	strace $0x80000049;
	[dreg:$0x1] =	wrdreg $0xFFFFFFFF  }
0xa7: {  	s28 =	simm.s32 $_size_execute0_lowered;
	s3 =	sadd.s32 s3, s5;
	[dreg:$0x0] =	wrdreg $0x0  }
0xa8: {  	s5 =	sshll.u32 s28, $0x1;
	[dreg:$0x2] =	wrdreg s3  }
0xa9: {  	[dreg:$0x3] =	wrdreg s5  }
0xaa: {  	[dreg:$0x4] =	wrdreg $0xC0  }
0xab: {  	_ =	task [dreg:s7], $0x5FFFF  }
0xac: {  	[dreg:$0x1] =	wrdreg $0xFFFFFFFF  }
0xad: {  	[dreg:$0x0] =	wrdreg $0x60  }
0xae: {  	[dreg:$0x2] =	wrdreg s24  }
0xaf: {  	[dreg:$0x3] =	wrdreg s2  }
0xb0: {  	[dreg:$0x4] =	wrdreg $0x88000  }
0xb1: {  	[dreg:$0x5] =	wrdreg $0x9  }
0xb2: {  	_ =	task.clear_ibuf [dreg:s7], $0x6FFFF;
	_ =	strace $0x90000049  }
0xb3: {  	s29 =	simm.s32 $0x9;
	_ =	strace $0x8000004B  }
0xb4: {  	_ =	swait.ge [sflag:s29], $0x1  }
0xb5: {  	[sflag:s29] =	ssyncadd.s32 $0xFFFFFFFF  }
0xb6: {  	_ =	strace $0x9000004B  }
0xb7: {  	_ =	sfence  }
0xb8: {  	s30 =	sld [smem:$0x0];
	_ =	sdelay $0x2  }
0xb9: {  	s31 =	sshll.u32 s1, $0xD;
	s1 =	sshrl.u32 s1, $0x2  }
0xba: {  	s3 =	sand.u32 $0x4000, s31;
	s1 =	sadd.s32 s1, s30  }
0xbb: {  	s0 =	sor.u32 s3, s0;
	s1 =	sshll.u32 s1, $0x11  }
0xbc: {  	s0 =	sor.u32 s1, s0  }
0xbd: {  	s0 =	sadd.s32 $0x8F2B, s0  }
0xbe: {  	[sflag:s0] =	ssyncadd.remote.s32 $0x1  }
0xbf: {  	_ =	sfence.sel $0xFFFF  }
0xc0: {  	[dreg:$0x0] =	wrdreg $0xFFFFFFFF;
	(pc) =	sbr.abs _section_cstart, $3  }
0xc1: {  	[dreg:$0x1] =	wrdreg $0xFFFFFFFF  }
0xc2: {  	_ =	task.clear_ibuf [dreg:s7], $0x2FFFF;
	_ =	strace $0x9FFFFFFF  }
0xc3: {  	(tm) =	ssettm $0x7FFFFFFF  }
tec
execute0_lowered:
.L_overlay_start_1:
0x0: {  	(tag) =	ssettag $0x1  }
0x1: {  	s0 =	srdreg.scid  }
0x2: {  	s1 =	rddreg [dreg:$0x0];
	s5 =	sand.u32 $0x1, s0  }
0x3: {  	s4 =	rddreg [dreg:$0x1];
	s19 =	stileid.u32;
	s0 =	sshll.u32 s5, $0x4  }
0x4: {  	s2 =	rddreg [dreg:$0x2];
	s7 =	ssub.s32 $0x2, s5;
	s0 =	sor.u32 s19, s0  }
0x5: {  	s3 =	simm.s32 $0x0;
	s25 =	sshrl.u32 s7, $0x1;
	s8 =	smul.u32 $0x2800, s0  }
0x6: {  	[smem:$0x7FF] =	sst s3;
	s0 =	ssub.s32 s7, s25  }
0x7: {  	s6 =	sadd.s32 $0x52E00, s1;
	s0 =	smax.u32 s0, $0x1;
	s7 =	sshrl.u32 s8, $0x3  }
0x8: {  	_ =	strace $0x8000004A;
	[smem:$0x7F3] =	sst s0;
	s8 =	sadd.s32 s6, s7  }
0x9: {  	s26 =	sadd.s32 s4, s7;
	s28 =	sor.u32 $0x8, s7;
	[dreg:$0x14] =	wrdreg s8  }
0xa: {  	s11 =	smul.u32 $0x2800, s19;
	[dreg:$0x15] =	wrdreg s26;
	s9 =	sadd.s32 s6, s28  }
0xb: {  	s30 =	sor.u32 $0x10, s7;
	s8 =	sadd.s32 s4, s28;
	[dreg:$0x16] =	wrdreg s9  }
0xc: {  	s10 =	sor.u32 $0x18, s7;
	s12 =	sadd.s32 s6, s30;
	[dreg:$0x17] =	wrdreg s8  }
0xd: {  	s31 =	sadd.s32 $0x1E00, s1;
	s13 =	sadd.s32 s6, s10;
	[dreg:$0x18] =	wrdreg s12  }
0xe: {  	s15 =	sor.u32 $0x20, s7;
	s14 =	sadd.s32 s4, s10;
	[dreg:$0x1a] =	wrdreg s13  }
0xf: {  	s17 =	sor.u32 $0x28, s7;
	s16 =	sadd.s32 s6, s15;
	[dreg:$0x1b] =	wrdreg s14  }
0x10: {  	s29 =	smul.u32 $0x28000, s5;
	s18 =	sadd.s32 s6, s17;
	[dreg:$0x1c] =	wrdreg s16  }
0x11: {  	s5 =	smul.u32 $0x2800, s5;
	s10 =	sadd.s32 s4, s17;
	[dreg:$0x1e] =	wrdreg s18  }
0x12: {  	s9 =	sadd.s32 s4, s30;
	s8 =	sadd.s32 s11, s29;
	[dreg:$0x1f] =	wrdreg s10  }
0x13: {  	s0 =	simm.s32 $0x0;
	[dreg:$0x19] =	wrdreg s9;
	s11 =	sor.u32 $0x3C0, s8  }
0x14: {  	s9 =	sadd.s32 s4, s15;
	s22 =	sor.u32 $0x380, s8;
	s20 =	sshrl.u32 s11, $0x3  }
0x15: {  	s25 =	sor.u32 $0x340, s8;
	[dreg:$0x1d] =	wrdreg s9;
	s21 =	sadd.s32 s20, s4  }
0x16: {  	s23 =	sshrl.u32 s22, $0x3;
	s9 =	sadd.s32 s20, s6;
	[dreg:$0x4] =	wrdreg s21  }
0x17: {  	s30 =	sor.u32 $0x300, s8;
	s24 =	sadd.s32 s23, s4;
	[dreg:$0x5] =	wrdreg s9  }
0x18: {  	s28 =	sshrl.u32 s25, $0x3;
	s26 =	sadd.s32 s23, s6;
	[dreg:$0x6] =	wrdreg s24  }
0x19: {  	s15 =	sor.u32 $0x2C0, s8;
	s29 =	sadd.s32 s28, s4;
	[dreg:$0x7] =	wrdreg s26  }
0x1a: {  	s13 =	sshrl.u32 s30, $0x3;
	s12 =	sadd.s32 s28, s6;
	[dreg:$0x8] =	wrdreg s29  }
0x1b: {  	s17 =	sshrl.u32 s15, $0x3;
	s14 =	sadd.s32 s13, s4;
	[dreg:$0x9] =	wrdreg s12  }
0x1c: {  	s30 =	smul.u32 $0x280, s19;
	s16 =	sadd.s32 s13, s6;
	[dreg:$0xa] =	wrdreg s14  }
0x1d: {  	s18 =	sadd.s32 s17, s4;
	s20 =	sor.u32 $0x280, s8;
	[dreg:$0xb] =	wrdreg s16  }
0x1e: {  	[dreg:$0xc] =	wrdreg s18;
	s21 =	sadd.s32 s17, s6;
	s22 =	sshrl.u32 s20, $0x3  }
0x1f: {  	s24 =	sor.u32 $0x240, s8;
	s8 =	sor.u32 $0x200, s8;
	s12 =	sor.u32 $0x30, s7  }
0x20: {  	s7 =	sor.u32 $0x38, s7;
	s16 =	sadd.s32 s30, s5;
	s9 =	sadd.s32 $0x80, s30  }
0x21: {  	s10 =	sadd.s32 $0x240, s30;
	[dreg:$0xd] =	wrdreg s21;
	s23 =	sadd.s32 s22, s4  }
0x22: {  	s25 =	sadd.s32 s22, s6;
	s26 =	sshrl.u32 s24, $0x3;
	s8 =	sshrl.u32 s8, $0x3  }
0x23: {  	s13 =	sadd.s32 s6, s12;
	s14 =	sadd.s32 s4, s12;
	[dreg:$0xe] =	wrdreg s23  }
0x24: {  	s15 =	sadd.s32 s6, s7;
	s12 =	sadd.s32 $0x100, s30;
	[dreg:$0xf] =	wrdreg s25  }
0x25: {  	s18 =	sadd.s32 s5, s9;
	s28 =	sadd.s32 s26, s4;
	[smem:$0x7E4] =	sst s13  }
0x26: {  	s29 =	sadd.s32 s26, s6;
	s11 =	sadd.s32 s8, s4;
	[smem:$0x7E5] =	sst s14  }
0x27: {  	s4 =	sadd.s32 s4, s7;
	[smem:$0x7E7] =	sst s15;
	s6 =	sadd.s32 s8, s6  }
0x28: {  	s7 =	sadd.s32 $0x5CE00, s1;
	s8 =	sor.u32 $0x40, s30;
	[dreg:$0x10] =	wrdreg s28  }
0x29: {  	s13 =	sadd.s32 $0x140, s30;
	s14 =	sadd.s32 $0x180, s30;
	[dreg:$0x11] =	wrdreg s29  }
0x2a: {  	s15 =	sadd.s32 $0x1C0, s30;
	s1 =	sadd.s32 $0x29E00, s1;
	[dreg:$0x12] =	wrdreg s11  }
0x2b: {  	[smem:$0x7E6] =	sst s4;
	s4 =	sshll.u32 s16, $0x4;
	s11 =	sadd.s32 $0xC0, s30  }
0x2c: {  	s16 =	sadd.s32 $0x200, s30;
	s17 =	sadd.s32 s5, s8;
	s23 =	sadd.s32 s5, s13  }
0x2d: {  	s24 =	sadd.s32 s5, s14;
	s25 =	sadd.s32 s5, s15;
	[dreg:$0x13] =	wrdreg s6  }
0x2e: {  	s30 =	smul.u32 $0x50000, s19;
	[smem:$0x7F2] =	sst s1;
	s19 =	sshll.u32 s9, $0x7  }
0x2f: {  	s4 =	sadd.s32 s7, s4;
	s17 =	sshll.u32 s17, $0x4;
	s20 =	sadd.s32 s5, s11  }
0x30: {  	s28 =	sshll.u32 s25, $0x4;
	s29 =	sadd.s32 s5, s16;
	s25 =	sshll.u32 s13, $0x7  }
0x31: {  	[smem:$0x7E8] =	sst s4;
	s4 =	sadd.s32 s7, s17;
	s17 =	sshll.u32 s20, $0x4  }
0x32: {  	s20 =	sshll.u32 s11, $0x7;
	s25 =	sadd.s32 s25, s2;
	s11 =	simm.s32 $0x80  }
0x33: {  	[smem:$0x7E9] =	sst s4;
	s4 =	sshll.u32 s18, $0x4;
	s18 =	sadd.s32 s5, s12  }
0x34: {  	s21 =	sadd.s32 s7, s17;
	s17 =	sshll.u32 s24, $0x4;
	[smem:$0x7F9] =	sst s25  }
0x35: {  	s5 =	sadd.s32 s5, s10;
	s24 =	sadd.s32 s20, s2;
	[smem:$0x7EB] =	sst s21  }
0x36: {  	s4 =	sadd.s32 s7, s4;
	s22 =	sshll.u32 s18, $0x4;
	[smem:$0x7F7] =	sst s24  }
0x37: {  	s26 =	sadd.s32 s7, s17;
	s5 =	sshll.u32 s5, $0x4;
	[smem:$0x7EA] =	sst s4  }
0x38: {  	s18 =	sshll.u32 s8, $0x7;
	s4 =	sadd.s32 s7, s22;
	[smem:$0x7EE] =	sst s26  }
0x39: {  	s21 =	sadd.s32 s18, s2;
	s22 =	sshll.u32 s12, $0x7;
	[smem:$0x7EC] =	sst s4  }
0x3a: {  	s4 =	sshll.u32 s23, $0x4;
	s23 =	sadd.s32 s19, s2;
	[smem:$0x7F5] =	sst s21  }
0x3b: {  	s26 =	sshll.u32 s14, $0x7;
	s13 =	sadd.s32 s22, s2;
	[smem:$0x7F6] =	sst s23  }
0x3c: {  	s17 =	sshrl.u32 s30, $0x2;
	s26 =	sadd.s32 s26, s2;
	[smem:$0x7F8] =	sst s13  }
0x3d: {  	s30 =	sshll.u32 s10, $0x7;
	s4 =	sadd.s32 s7, s4;
	[smem:$0x7FA] =	sst s26  }
0x3e: {  	[smem:$0x7ED] =	sst s4;
	s4 =	sadd.s32 s7, s28;
	s28 =	sshll.u32 s15, $0x7  }
0x3f: {  	[smem:$0x7EF] =	sst s4;
	s4 =	sshll.u32 s29, $0x4;
	s6 =	sadd.s32 s28, s2  }
0x40: {  	s19 =	simm.s32 $0x100;
	s4 =	sadd.s32 s7, s4;
	[smem:$0x7FB] =	sst s6  }
0x41: {  	s29 =	sshll.u32 s16, $0x7;
	s7 =	sadd.s32 s7, s5;
	[smem:$0x7F0] =	sst s4  }
0x42: {  	s22 =	simm.s32 $0x180;
	s8 =	sadd.s32 s29, s2;
	[smem:$0x7F1] =	sst s7  }
0x43: {  	s15 =	simm.s32 $0x19;
	s5 =	sadd.s32 s30, s2;
	[smem:$0x7FC] =	sst s8  }
0x44: {  	s16 =	simm.s32 $0x3;
	s7 =	sadd.s32 s17, s2;
	[smem:$0x7FD] =	sst s5  }
0x45: {  	s4 =	simm.s32 $0x40;
	s17 =	simm.s32 $0x4;
	[smem:$0x7F4] =	sst s7  }
.LBB2_1:
0x46: {  	[smem:$0x7E3] =	sst s0  }
0x47: {  	s1 =	rddreg [dreg:$0x14]  }
0x48: {  	s18 =	rddreg [dreg:$0x15]  }
0x49: {  	[tilespmem:s3], [sflag:$0x1] =	stream.linear.gather [hbm4b:s1+s3], $0x40, $0x38;
	[tilespmem:$0x1C800] =	vst v63  }
0x4a: {  	s2 =	simm.s32 $0x400;
	s20 =	rddreg [dreg:$0x16]  }
0x4b: {  	[tilespmem:s2], [sflag:$0x9] =	stream.linear.gather [hbm4b:s18+s3], $0x40, $0x38;
	[tilespmem:$0x1C800] =	vst v63  }
0x4c: {  	s28 =	rddreg [dreg:$0x17]  }
0x4d: {  	[tilespmem:s11], [sflag:$0x2] =	stream.linear.gather [hbm4b:s20+s3], $0x40, $0x38;
	[tilespmem:$0x1C800] =	vst v63  }
0x4e: {  	s12 =	simm.s32 $0x480;
	s29 =	rddreg [dreg:$0x18]  }
0x4f: {  	[tilespmem:s12], [sflag:$0xA] =	stream.linear.gather [hbm4b:s28+s3], $0x40, $0x38;
	[tilespmem:$0x1C800] =	vst v63  }
0x50: {  	s30 =	rddreg [dreg:$0x19]  }
0x51: {  	[tilespmem:s19], [sflag:$0x3] =	stream.linear.gather [hbm4b:s29+s3], $0x40, $0x38;
	[tilespmem:$0x1C800] =	vst v63  }
0x52: {  	s0 =	rddreg [dreg:$0x1a];
	s20 =	simm.s32 $0x500  }
0x53: {  	[tilespmem:s20], [sflag:$0xB] =	stream.linear.gather [hbm4b:s30+s3], $0x40, $0x38;
	[tilespmem:$0x1C800] =	vst v63  }
0x54: {  	s9 =	rddreg [dreg:$0x1b]  }
0x55: {  	[tilespmem:s22], [sflag:$0x4] =	stream.linear.gather [hbm4b:s0+s3], $0x40, $0x38;
	[tilespmem:$0x1C800] =	vst v63  }
0x56: {  	s10 =	rddreg [dreg:$0x1c];
	s30 =	simm.s32 $0x580  }
0x57: {  	[tilespmem:s30], [sflag:$0xC] =	stream.linear.gather [hbm4b:s9+s3], $0x40, $0x38;
	[tilespmem:$0x1C800] =	vst v63  }
0x58: {  	s14 =	simm.s32 $0x200;
	s18 =	rddreg [dreg:$0x1d]  }
0x59: {  	[tilespmem:s14], [sflag:$0x5] =	stream.linear.gather [hbm4b:s10+s3], $0x40, $0x38;
	[tilespmem:$0x1C800] =	vst v63  }
0x5a: {  	s28 =	simm.s32 $0x600;
	s0 =	rddreg [dreg:$0x1e]  }
0x5b: {  	[tilespmem:s28], [sflag:$0xD] =	stream.linear.gather [hbm4b:s18+s3], $0x40, $0x38;
	[tilespmem:$0x1C800] =	vst v63  }
0x5c: {  	s9 =	simm.s32 $0x280;
	s10 =	rddreg [dreg:$0x1f]  }
0x5d: {  	[tilespmem:s9], [sflag:$0x6] =	stream.linear.gather [hbm4b:s0+s3], $0x40, $0x38;
	[tilespmem:$0x1C800] =	vst v63  }
0x5e: {  	s14 =	simm.s32 $0x680;
	s18 =	sld [smem:$0x7E4]  }
0x5f: {  	[tilespmem:s14], [sflag:$0xE] =	stream.linear.gather [hbm4b:s10+s3], $0x40, $0x38;
	[tilespmem:$0x1C800] =	vst v63  }
0x60: {  	s28 =	simm.s32 $0x300;
	s0 =	sld [smem:$0x7E5]  }
0x61: {  	[tilespmem:s28], [sflag:$0x7] =	stream.linear.gather [hbm4b:s18+s3], $0x40, $0x38;
	[tilespmem:$0x1C800] =	vst v63  }
0x62: {  	s9 =	simm.s32 $0x700;
	s10 =	sld [smem:$0x7E7]  }
0x63: {  	[tilespmem:s9], [sflag:$0xF] =	stream.linear.gather [hbm4b:s0+s3], $0x40, $0x38;
	[tilespmem:$0x1C800] =	vst v63  }
0x64: {  	s14 =	simm.s32 $0x380;
	s18 =	sld [smem:$0x7E6]  }
0x65: {  	[tilespmem:s14], [sflag:$0x8] =	stream.linear.gather [hbm4b:s10+s3], $0x40, $0x38;
	[tilespmem:$0x1C800] =	vst v63  }
0x66: {  	s28 =	simm.s32 $0x780;
	s0 =	sld [smem:$0x7F2]  }
0x67: {  	[tilespmem:s28], [sflag:$0x10] =	stream.linear.gather [hbm4b:s18+s3], $0x40, $0x38;
	[tilespmem:$0x1C800] =	vst v63  }
0x68: {  	s14 =	simm.s32 $0x800  }
0x69: {  	[tilespmem:s14], [sflag:$0x19] =	stream.linear.gather [hbm4b:s0+s3], $0x2000, $0x38;
	[tilespmem:$0x1C800] =	vst v63  }
0x6a: {  	_ =	swait.ge [sflag:s15], $0x2000  }
0x6b: {  	[sflag:s15] =	ssyncset.done $0x0  }
0x6c: {  	[sflag:s15] =	ssyncadd.s32 $0xFFFFE000  }
0x6d: {  	[spmem:s7] =	stream.linear.scatter [tilespmem:s14], [sflag:$0x19], $0x2000, $0x38;
	[tilespmem:$0x1C800] =	vst v63  }
0x6e: {  	_ =	swait.ge [sflag:s15], $0x2000  }
0x6f: {  	[sflag:s15] =	ssyncset.done $0x0  }
0x70: {  	[sflag:s15] =	ssyncadd.s32 $0xFFFFE000  }
0x71: {  	[spmem:s21] =	stream.linear.scatter [tilespmem:s14], [sflag:$0x19], $0x2000, $0x38;
	[tilespmem:$0x1C800] =	vst v63  }
0x72: {  	_ =	swait.ge [sflag:s15], $0x2000  }
0x73: {  	[sflag:s15] =	ssyncset.done $0x0  }
0x74: {  	[sflag:s15] =	ssyncadd.s32 $0xFFFFE000  }
0x75: {  	[spmem:s23] =	stream.linear.scatter [tilespmem:s14], [sflag:$0x19], $0x2000, $0x38;
	[tilespmem:$0x1C800] =	vst v63  }
0x76: {  	_ =	swait.ge [sflag:s15], $0x2000  }
0x77: {  	[sflag:s15] =	ssyncset.done $0x0  }
0x78: {  	[sflag:s15] =	ssyncadd.s32 $0xFFFFE000  }
0x79: {  	[spmem:s24] =	stream.linear.scatter [tilespmem:s14], [sflag:$0x19], $0x2000, $0x38;
	[tilespmem:$0x1C800] =	vst v63  }
0x7a: {  	_ =	swait.ge [sflag:s15], $0x2000  }
0x7b: {  	[sflag:s15] =	ssyncset.done $0x0  }
0x7c: {  	[sflag:s15] =	ssyncadd.s32 $0xFFFFE000  }
0x7d: {  	[spmem:s13] =	stream.linear.scatter [tilespmem:s14], [sflag:$0x19], $0x2000, $0x38;
	[tilespmem:$0x1C800] =	vst v63  }
0x7e: {  	_ =	swait.ge [sflag:s15], $0x2000  }
0x7f: {  	[sflag:s15] =	ssyncset.done $0x0  }
0x80: {  	[sflag:s15] =	ssyncadd.s32 $0xFFFFE000  }
0x81: {  	[spmem:s25] =	stream.linear.scatter [tilespmem:s14], [sflag:$0x19], $0x2000, $0x38;
	[tilespmem:$0x1C800] =	vst v63  }
0x82: {  	_ =	swait.ge [sflag:s15], $0x2000  }
0x83: {  	[sflag:s15] =	ssyncset.done $0x0  }
0x84: {  	[sflag:s15] =	ssyncadd.s32 $0xFFFFE000  }
0x85: {  	[spmem:s26] =	stream.linear.scatter [tilespmem:s14], [sflag:$0x19], $0x2000, $0x38;
	[tilespmem:$0x1C800] =	vst v63  }
0x86: {  	_ =	swait.ge [sflag:s15], $0x2000  }
0x87: {  	[sflag:s15] =	ssyncset.done $0x0  }
0x88: {  	[sflag:s15] =	ssyncadd.s32 $0xFFFFE000  }
0x89: {  	[spmem:s6] =	stream.linear.scatter [tilespmem:s14], [sflag:$0x19], $0x2000, $0x38;
	[tilespmem:$0x1C800] =	vst v63  }
0x8a: {  	_ =	swait.ge [sflag:s15], $0x2000  }
0x8b: {  	[sflag:s15] =	ssyncset.done $0x0  }
0x8c: {  	[sflag:s15] =	ssyncadd.s32 $0xFFFFE000  }
0x8d: {  	[spmem:s8] =	stream.linear.scatter [tilespmem:s14], [sflag:$0x19], $0x2000, $0x38;
	[tilespmem:$0x1C800] =	vst v63  }
0x8e: {  	_ =	swait.ge [sflag:s15], $0x2000  }
0x8f: {  	[sflag:s15] =	ssyncset.done $0x0  }
0x90: {  	[sflag:s15] =	ssyncadd.s32 $0xFFFFE000  }
0x91: {  	[spmem:s5] =	stream.linear.scatter [tilespmem:s14], [sflag:$0x19], $0x2000, $0x38;
	[tilespmem:$0x1C800] =	vst v63  }
0x92: {  	_ =	swait.ge [sflag:s15], $0x2000  }
0x93: {  	[sflag:s15] =	ssyncset.done $0x0  }
0x94: {  	s6 =	simm.s32 $0x1;
	[sflag:s15] =	ssyncadd.s32 $0xFFFFE000  }
0x95: {  	_ =	swait.ge [sflag:s6], $0x40  }
0x96: {  	[sflag:s6] =	ssyncset.done $0x0  }
0x97: {  	s7 =	simm.s32 $0x9;
	[sflag:s6] =	ssyncadd.s32 $0xFFFFFFC0  }
0x98: {  	_ =	swait.ge [sflag:s7], $0x40  }
0x99: {  	[sflag:s7] =	ssyncset.done $0x0  }
0x9a: {  	s8 =	simm.s32 $0x2;
	[sflag:s7] =	ssyncadd.s32 $0xFFFFFFC0  }
0x9b: {  	[tilespmem:s14], [sflag:$0x11] =	stream.indirect.gather [hbm4b:s31+s4], $0x80, s3, s4, $0xb8;
	[tilespmem:$0x1C800] =	vst v63  }
0x9c: {  	_ =	swait.ge [sflag:s8], $0x40  }
0x9d: {  	[sflag:s8] =	ssyncset.done $0x0  }
0x9e: {  	s10 =	simm.s32 $0xA;
	[sflag:s8] =	ssyncadd.s32 $0xFFFFFFC0  }
0x9f: {  	_ =	swait.ge [sflag:s10], $0x40  }
0xa0: {  	[sflag:s10] =	ssyncset.done $0x0  }
0xa1: {  	s23 =	simm.s32 $0x2800;
	[sflag:s10] =	ssyncadd.s32 $0xFFFFFFC0  }
0xa2: {  	[tilespmem:s23], [sflag:$0x12] =	stream.indirect.gather [hbm4b:s31+s4], $0x80, s11, s4, $0xb8;
	[tilespmem:$0x1C800] =	vst v63  }
0xa3: {  	_ =	swait.ge [sflag:s16], $0x40  }
0xa4: {  	[sflag:s16] =	ssyncset.done $0x0  }
0xa5: {  	s13 =	simm.s32 $0xB;
	[sflag:s16] =	ssyncadd.s32 $0xFFFFFFC0  }
0xa6: {  	_ =	swait.ge [sflag:s13], $0x40  }
0xa7: {  	[sflag:s13] =	ssyncset.done $0x0  }
0xa8: {  	s25 =	simm.s32 $0x4800;
	[sflag:s13] =	ssyncadd.s32 $0xFFFFFFC0  }
0xa9: {  	[tilespmem:s25], [sflag:$0x13] =	stream.indirect.gather [hbm4b:s31+s4], $0x80, s19, s4, $0xb8;
	[tilespmem:$0x1C800] =	vst v63  }
0xaa: {  	_ =	swait.ge [sflag:s17], $0x40  }
0xab: {  	[sflag:s17] =	ssyncset.done $0x0  }
0xac: {  	s15 =	simm.s32 $0xC;
	[sflag:s17] =	ssyncadd.s32 $0xFFFFFFC0  }
0xad: {  	_ =	swait.ge [sflag:s15], $0x40  }
0xae: {  	[sflag:s15] =	ssyncset.done $0x0  }
0xaf: {  	s26 =	simm.s32 $0x6800;
	[sflag:s15] =	ssyncadd.s32 $0xFFFFFFC0  }
0xb0: {  	[tilespmem:s26], [sflag:$0x14] =	stream.indirect.gather [hbm4b:s31+s4], $0x80, s22, s4, $0xb8;
	[tilespmem:$0x1C800] =	vst v63  }
0xb1: {  	s18 =	simm.s32 $0x11;
	[bflag:$0x0] =	sbarrier.arrive $0xFFFF  }
0xb2: {  	_ =	swait.ge [sflag:s18], $0x2000  }
0xb3: {  	[sflag:s18] =	ssyncset.done $0x0  }
0xb4: {  	[sflag:s18] =	ssyncadd.s32 $0xFFFFE000  }
0xb5: {  	s0 =	simm.s32 $0x12;
	s9 =	rddreg [dreg:$0x2]  }
0xb6: {  	[spmem:s9] =	stream.indirect.scatter.add.f32 [tilespmem:s14], [sflag:$0x15], $0x80, s2, s4, $0xb8;
	[tilespmem:$0x1C800] =	vst v63  }
0xb7: {  	_ =	swait.ge [sflag:s0], $0x2000  }
0xb8: {  	[sflag:s0] =	ssyncset.done $0x0  }
0xb9: {  	s21 =	simm.s32 $0x13;
	[sflag:s0] =	ssyncadd.s32 $0xFFFFE000  }
0xba: {  	[spmem:s9] =	stream.indirect.scatter.add.f32 [tilespmem:s23], [sflag:$0x16], $0x80, s12, s4, $0xb8;
	[tilespmem:$0x1C800] =	vst v63  }
0xbb: {  	_ =	swait.ge [sflag:s21], $0x2000  }
0xbc: {  	[sflag:s21] =	ssyncset.done $0x0  }
0xbd: {  	s24 =	simm.s32 $0x14;
	[sflag:s21] =	ssyncadd.s32 $0xFFFFE000  }
0xbe: {  	[spmem:s9] =	stream.indirect.scatter.add.f32 [tilespmem:s25], [sflag:$0x17], $0x80, s20, s4, $0xb8;
	[tilespmem:$0x1C800] =	vst v63  }
0xbf: {  	_ =	swait.ge [sflag:s24], $0x2000  }
0xc0: {  	[sflag:s24] =	ssyncset.done $0x0  }
0xc1: {  	s28 =	simm.s32 $0x15;
	[sflag:s24] =	ssyncadd.s32 $0xFFFFE000  }
0xc2: {  	[spmem:s9] =	stream.indirect.scatter.add.f32 [tilespmem:s26], [sflag:$0x18], $0x80, s30, s4, $0xb8;
	[tilespmem:$0x1C800] =	vst v63  }
0xc3: {  	_ =	swait.ge [sflag:s28], $0x2000  }
0xc4: {  	[sflag:s28] =	ssyncset.done $0x0  }
0xc5: {  	s5 =	simm.s32 $0x5;
	[sflag:s28] =	ssyncadd.s32 $0xFFFFE000  }
0xc6: {  	_ =	swait.ge [sflag:s5], $0x40  }
0xc7: {  	[sflag:s5] =	ssyncset.done $0x0  }
0xc8: {  	[sflag:s5] =	ssyncadd.s32 $0xFFFFFFC0;
	s5 =	simm.s32 $0xD  }
0xc9: {  	_ =	swait.ge [sflag:s5], $0x40  }
0xca: {  	[sflag:s5] =	ssyncset.done $0x0  }
0xcb: {  	s29 =	simm.s32 $0x200;
	s1 =	rddreg [dreg:$0x13];
	[sflag:s5] =	ssyncadd.s32 $0xFFFFFFC0  }
0xcc: {  	[tilespmem:s14], [sflag:$0x11] =	stream.indirect.gather [hbm4b:s31+s4], $0x80, s29, s4, $0xb8;
	[tilespmem:$0x1C800] =	vst v63  }
0xcd: {  	s5 =	rddreg [dreg:$0x12];
	s1 =	sadd.s32 $0x0, s1  }
0xce: {  	[tilespmem:s3], [sflag:$0x1] =	stream.linear.gather [hbm4b:s1+s3], $0x40, $0x38;
	[tilespmem:$0x1C800] =	vst v63  }
0xcf: {  	s29 =	sadd.s32 $0x0, s5  }
0xd0: {  	[tilespmem:s2], [sflag:$0x9] =	stream.linear.gather [hbm4b:s29+s3], $0x40, $0x38;
	[tilespmem:$0x1C800] =	vst v63  }
0xd1: {  	s2 =	simm.s32 $0x16  }
0xd2: {  	_ =	swait.ge [sflag:s2], $0x2000  }
0xd3: {  	[sflag:s2] =	ssyncset.done $0x0  }
0xd4: {  	s5 =	simm.s32 $0x6;
	[sflag:s2] =	ssyncadd.s32 $0xFFFFE000  }
0xd5: {  	_ =	swait.ge [sflag:s5], $0x40  }
0xd6: {  	[sflag:s5] =	ssyncset.done $0x0  }
0xd7: {  	s29 =	simm.s32 $0xE;
	[sflag:s5] =	ssyncadd.s32 $0xFFFFFFC0  }
0xd8: {  	_ =	swait.ge [sflag:s29], $0x40  }
0xd9: {  	[sflag:s29] =	ssyncset.done $0x0  }
0xda: {  	s1 =	rddreg [dreg:$0x11];
	[sflag:s29] =	ssyncadd.s32 $0xFFFFFFC0;
	s29 =	simm.s32 $0x280  }
0xdb: {  	[tilespmem:s23], [sflag:$0x12] =	stream.indirect.gather [hbm4b:s31+s4], $0x80, s29, s4, $0xb8;
	[tilespmem:$0x1C800] =	vst v63  }
0xdc: {  	s5 =	rddreg [dreg:$0x10];
	s1 =	sadd.s32 $0x0, s1  }
0xdd: {  	[tilespmem:s11], [sflag:$0x2] =	stream.linear.gather [hbm4b:s1+s3], $0x40, $0x38;
	[tilespmem:$0x1C800] =	vst v63  }
0xde: {  	s29 =	sadd.s32 $0x0, s5  }
0xdf: {  	[tilespmem:s12], [sflag:$0xA] =	stream.linear.gather [hbm4b:s29+s3], $0x40, $0x38;
	[tilespmem:$0x1C800] =	vst v63  }
0xe0: {  	s12 =	simm.s32 $0x17  }
0xe1: {  	_ =	swait.ge [sflag:s12], $0x2000  }
0xe2: {  	[sflag:s12] =	ssyncset.done $0x0  }
0xe3: {  	s5 =	simm.s32 $0x7;
	[sflag:s12] =	ssyncadd.s32 $0xFFFFE000  }
0xe4: {  	_ =	swait.ge [sflag:s5], $0x40  }
0xe5: {  	[sflag:s5] =	ssyncset.done $0x0  }
0xe6: {  	s29 =	simm.s32 $0xF;
	[sflag:s5] =	ssyncadd.s32 $0xFFFFFFC0  }
0xe7: {  	_ =	swait.ge [sflag:s29], $0x40  }
0xe8: {  	[sflag:s29] =	ssyncset.done $0x0  }
0xe9: {  	s1 =	rddreg [dreg:$0xf];
	[sflag:s29] =	ssyncadd.s32 $0xFFFFFFC0;
	s29 =	simm.s32 $0x300  }
0xea: {  	[tilespmem:s25], [sflag:$0x13] =	stream.indirect.gather [hbm4b:s31+s4], $0x80, s29, s4, $0xb8;
	[tilespmem:$0x1C800] =	vst v63  }
0xeb: {  	s5 =	rddreg [dreg:$0xe];
	s1 =	sadd.s32 $0x0, s1  }
0xec: {  	[tilespmem:s19], [sflag:$0x3] =	stream.linear.gather [hbm4b:s1+s3], $0x40, $0x38;
	[tilespmem:$0x1C800] =	vst v63  }
0xed: {  	s29 =	sadd.s32 $0x0, s5  }
0xee: {  	[tilespmem:s20], [sflag:$0xB] =	stream.linear.gather [hbm4b:s29+s3], $0x40, $0x38;
	[tilespmem:$0x1C800] =	vst v63  }
0xef: {  	s20 =	simm.s32 $0x18  }
0xf0: {  	_ =	swait.ge [sflag:s20], $0x2000  }
0xf1: {  	[sflag:s20] =	ssyncset.done $0x0  }
0xf2: {  	s5 =	simm.s32 $0x8;
	[sflag:s20] =	ssyncadd.s32 $0xFFFFE000  }
0xf3: {  	_ =	swait.ge [sflag:s5], $0x40  }
0xf4: {  	[sflag:s5] =	ssyncset.done $0x0  }
0xf5: {  	s29 =	simm.s32 $0x10;
	[sflag:s5] =	ssyncadd.s32 $0xFFFFFFC0  }
0xf6: {  	_ =	swait.ge [sflag:s29], $0x40  }
0xf7: {  	[sflag:s29] =	ssyncset.done $0x0  }
0xf8: {  	s1 =	rddreg [dreg:$0xd];
	[sflag:s29] =	ssyncadd.s32 $0xFFFFFFC0;
	s29 =	simm.s32 $0x380  }
0xf9: {  	[tilespmem:s26], [sflag:$0x14] =	stream.indirect.gather [hbm4b:s31+s4], $0x80, s29, s4, $0xb8;
	[tilespmem:$0x1C800] =	vst v63  }
0xfa: {  	s5 =	rddreg [dreg:$0xc];
	s1 =	sadd.s32 $0x0, s1  }
0xfb: {  	[tilespmem:s22], [sflag:$0x4] =	stream.linear.gather [hbm4b:s1+s3], $0x40, $0x38;
	[tilespmem:$0x1C800] =	vst v63  }
0xfc: {  	s5 =	sadd.s32 $0x0, s5  }
0xfd: {  	[tilespmem:s30], [sflag:$0xC] =	stream.linear.gather [hbm4b:s5+s3], $0x40, $0x38;
	[tilespmem:$0x1C800] =	vst v63  }
0xfe: {  	_ =	swait.ge [sflag:s18], $0x2000  }
0xff: {  	[sflag:s18] =	ssyncset.done $0x0  }
0x100: {  	s30 =	simm.s32 $0x600;
	[sflag:s18] =	ssyncadd.s32 $0xFFFFE000  }
0x101: {  	[spmem:s9] =	stream.indirect.scatter.add.f32 [tilespmem:s14], [sflag:$0x15], $0x80, s30, s4, $0xb8;
	[tilespmem:$0x1C800] =	vst v63  }
0x102: {  	_ =	swait.ge [sflag:s0], $0x2000  }
0x103: {  	[sflag:s0] =	ssyncset.done $0x0  }
0x104: {  	s18 =	simm.s32 $0x680;
	[sflag:s0] =	ssyncadd.s32 $0xFFFFE000  }
0x105: {  	[spmem:s9] =	stream.indirect.scatter.add.f32 [tilespmem:s23], [sflag:$0x16], $0x80, s18, s4, $0xb8;
	[tilespmem:$0x1C800] =	vst v63  }
0x106: {  	_ =	swait.ge [sflag:s21], $0x2000  }
0x107: {  	[sflag:s21] =	ssyncset.done $0x0  }
0x108: {  	s0 =	simm.s32 $0x700;
	[sflag:s21] =	ssyncadd.s32 $0xFFFFE000  }
0x109: {  	[spmem:s9] =	stream.indirect.scatter.add.f32 [tilespmem:s25], [sflag:$0x17], $0x80, s0, s4, $0xb8;
	[tilespmem:$0x1C800] =	vst v63  }
0x10a: {  	_ =	swait.ge [sflag:s24], $0x2000  }
0x10b: {  	[sflag:s24] =	ssyncset.done $0x0  }
0x10c: {  	s5 =	simm.s32 $0x780;
	[sflag:s24] =	ssyncadd.s32 $0xFFFFE000  }
0x10d: {  	[spmem:s9] =	stream.indirect.scatter.add.f32 [tilespmem:s26], [sflag:$0x18], $0x80, s5, s4, $0xb8;
	[tilespmem:$0x1C800] =	vst v63  }
0x10e: {  	_ =	swait.ge [sflag:s28], $0x2000  }
0x10f: {  	[sflag:s28] =	ssyncset.done $0x0  }
0x110: {  	[sflag:s28] =	ssyncadd.s32 $0xFFFFE000  }
0x111: {  	_ =	swait.ge [sflag:s6], $0x40  }
0x112: {  	[sflag:s6] =	ssyncset.done $0x0  }
0x113: {  	[sflag:s6] =	ssyncadd.s32 $0xFFFFFFC0  }
0x114: {  	_ =	swait.ge [sflag:s7], $0x40  }
0x115: {  	[sflag:s7] =	ssyncset.done $0x0  }
0x116: {  	s21 =	rddreg [dreg:$0xb];
	[sflag:s7] =	ssyncadd.s32 $0xFFFFFFC0  }
0x117: {  	[tilespmem:s14], [sflag:$0x11] =	stream.indirect.gather [hbm4b:s31+s4], $0x80, s3, s4, $0xb8;
	[tilespmem:$0x1C800] =	vst v63  }
0x118: {  	s28 =	simm.s32 $0x200;
	s24 =	rddreg [dreg:$0xa];
	s1 =	sadd.s32 $0x0, s21  }
0x119: {  	[tilespmem:s28], [sflag:$0x5] =	stream.linear.gather [hbm4b:s1+s3], $0x40, $0x38;
	[tilespmem:$0x1C800] =	vst v63  }
0x11a: {  	s7 =	sadd.s32 $0x0, s24  }
0x11b: {  	[tilespmem:s30], [sflag:$0xD] =	stream.linear.gather [hbm4b:s7+s3], $0x40, $0x38;
	[tilespmem:$0x1C800] =	vst v63  }
0x11c: {  	_ =	swait.ge [sflag:s2], $0x2000  }
0x11d: {  	[sflag:s2] =	ssyncset.done $0x0  }
0x11e: {  	[sflag:s2] =	ssyncadd.s32 $0xFFFFE000  }
0x11f: {  	_ =	swait.ge [sflag:s8], $0x40  }
0x120: {  	[sflag:s8] =	ssyncset.done $0x0  }
0x121: {  	[sflag:s8] =	ssyncadd.s32 $0xFFFFFFC0  }
0x122: {  	_ =	swait.ge [sflag:s10], $0x40  }
0x123: {  	[sflag:s10] =	ssyncset.done $0x0  }
0x124: {  	s9 =	rddreg [dreg:$0x9];
	[sflag:s10] =	ssyncadd.s32 $0xFFFFFFC0  }
0x125: {  	[tilespmem:s23], [sflag:$0x12] =	stream.indirect.gather [hbm4b:s31+s4], $0x80, s11, s4, $0xb8;
	[tilespmem:$0x1C800] =	vst v63  }
0x126: {  	s10 =	rddreg [dreg:$0x8];
	s1 =	sadd.s32 $0x0, s9;
	s11 =	simm.s32 $0x280  }
0x127: {  	[tilespmem:s11], [sflag:$0x6] =	stream.linear.gather [hbm4b:s1+s3], $0x40, $0x38;
	[tilespmem:$0x1C800] =	vst v63  }
0x128: {  	s14 =	sadd.s32 $0x0, s10  }
0x129: {  	[tilespmem:s18], [sflag:$0xE] =	stream.linear.gather [hbm4b:s14+s3], $0x40, $0x38;
	[tilespmem:$0x1C800] =	vst v63  }
0x12a: {  	_ =	swait.ge [sflag:s12], $0x2000  }
0x12b: {  	[sflag:s12] =	ssyncset.done $0x0  }
0x12c: {  	[sflag:s12] =	ssyncadd.s32 $0xFFFFE000  }
0x12d: {  	_ =	swait.ge [sflag:s16], $0x40  }
0x12e: {  	[sflag:s16] =	ssyncset.done $0x0  }
0x12f: {  	[sflag:s16] =	ssyncadd.s32 $0xFFFFFFC0  }
0x130: {  	_ =	swait.ge [sflag:s13], $0x40  }
0x131: {  	[sflag:s13] =	ssyncset.done $0x0  }
0x132: {  	s21 =	rddreg [dreg:$0x7];
	[sflag:s13] =	ssyncadd.s32 $0xFFFFFFC0  }
0x133: {  	[tilespmem:s25], [sflag:$0x13] =	stream.indirect.gather [hbm4b:s31+s4], $0x80, s19, s4, $0xb8;
	[tilespmem:$0x1C800] =	vst v63  }
0x134: {  	s24 =	simm.s32 $0x300;
	s23 =	rddreg [dreg:$0x6];
	s1 =	sadd.s32 $0x0, s21  }
0x135: {  	[tilespmem:s24], [sflag:$0x7] =	stream.linear.gather [hbm4b:s1+s3], $0x40, $0x38;
	[tilespmem:$0x1C800] =	vst v63  }
0x136: {  	s25 =	sadd.s32 $0x0, s23  }
0x137: {  	[tilespmem:s0], [sflag:$0xF] =	stream.linear.gather [hbm4b:s25+s3], $0x40, $0x38;
	[tilespmem:$0x1C800] =	vst v63  }
0x138: {  	_ =	swait.ge [sflag:s20], $0x2000  }
0x139: {  	[sflag:s20] =	ssyncset.done $0x0  }
0x13a: {  	[sflag:s20] =	ssyncadd.s32 $0xFFFFE000  }
0x13b: {  	_ =	swait.ge [sflag:s17], $0x40  }
0x13c: {  	[sflag:s17] =	ssyncset.done $0x0  }
0x13d: {  	[sflag:s17] =	ssyncadd.s32 $0xFFFFFFC0  }
0x13e: {  	_ =	swait.ge [sflag:s15], $0x40  }
0x13f: {  	[sflag:s15] =	ssyncset.done $0x0  }
0x140: {  	s28 =	rddreg [dreg:$0x5];
	[sflag:s15] =	ssyncadd.s32 $0xFFFFFFC0  }
0x141: {  	[tilespmem:s26], [sflag:$0x14] =	stream.indirect.gather [hbm4b:s31+s4], $0x80, s22, s4, $0xb8;
	[tilespmem:$0x1C800] =	vst v63  }
0x142: {  	s30 =	rddreg [dreg:$0x4];
	s1 =	sadd.s32 $0x0, s28  }
0x143: {  	[tilespmem:s29], [sflag:$0x8] =	stream.linear.gather [hbm4b:s1+s3], $0x40, $0x38;
	[tilespmem:$0x1C800] =	vst v63  }
0x144: {  	s5 =	sadd.s32 $0x0, s30;
	s1 =	simm.s32 $0x40  }
.LBB2_2:
0x145: {  	s14 =	simm.s32 $0x780;
	s10 =	simm.s32 $0x11  }
0x146: {  	[tilespmem:s14], [sflag:$0x10] =	stream.linear.gather [hbm4b:s5+s3], $0x40, $0x38;
	[tilespmem:$0x1C800] =	vst v63  }
0x147: {  	_ =	swait.ge [sflag:s10], $0x2000  }
0x148: {  	[sflag:s10] =	ssyncset.done $0x0  }
0x149: {  	s11 =	simm.s32 $0x400;
	[sflag:s10] =	ssyncadd.s32 $0xFFFFE000  }
0x14a: {  	s15 =	simm.s32 $0x800;
	s30 =	simm.s32 $0x12;
	s9 =	rddreg [dreg:$0x2]  }
0x14b: {  	[spmem:s9] =	stream.indirect.scatter.add.f32 [tilespmem:s15], [sflag:$0x15], $0x80, s11, s4, $0xb8;
	[tilespmem:$0x1C800] =	vst v63  }
0x14c: {  	_ =	swait.ge [sflag:s30], $0x2000  }
0x14d: {  	s19 =	simm.s32 $0x480;
	[sflag:s30] =	ssyncset.done $0x0  }
0x14e: {  	s16 =	simm.s32 $0x2800;
	s21 =	simm.s32 $0x13;
	[sflag:s30] =	ssyncadd.s32 $0xFFFFE000  }
0x14f: {  	[spmem:s9] =	stream.indirect.scatter.add.f32 [tilespmem:s16], [sflag:$0x16], $0x80, s19, s4, $0xb8;
	[tilespmem:$0x1C800] =	vst v63  }
0x150: {  	_ =	swait.ge [sflag:s21], $0x2000  }
0x151: {  	s22 =	simm.s32 $0x500;
	[sflag:s21] =	ssyncset.done $0x0  }
0x152: {  	s17 =	simm.s32 $0x4800;
	s24 =	simm.s32 $0x14;
	[sflag:s21] =	ssyncadd.s32 $0xFFFFE000  }
0x153: {  	[spmem:s9] =	stream.indirect.scatter.add.f32 [tilespmem:s17], [sflag:$0x17], $0x80, s22, s4, $0xb8;
	[tilespmem:$0x1C800] =	vst v63  }
0x154: {  	_ =	swait.ge [sflag:s24], $0x2000  }
0x155: {  	s25 =	simm.s32 $0x580;
	[sflag:s24] =	ssyncset.done $0x0  }
0x156: {  	s18 =	simm.s32 $0x6800;
	s28 =	simm.s32 $0x15;
	[sflag:s24] =	ssyncadd.s32 $0xFFFFE000  }
0x157: {  	[spmem:s9] =	stream.indirect.scatter.add.f32 [tilespmem:s18], [sflag:$0x18], $0x80, s25, s4, $0xb8;
	[tilespmem:$0x1C800] =	vst v63  }
0x158: {  	_ =	swait.ge [sflag:s28], $0x2000  }
0x159: {  	[sflag:s28] =	ssyncset.done $0x0  }
0x15a: {  	s0 =	simm.s32 $0x5;
	[sflag:s28] =	ssyncadd.s32 $0xFFFFE000  }
0x15b: {  	_ =	swait.ge [sflag:s0], $0x40  }
0x15c: {  	[sflag:s0] =	ssyncset.done $0x0  }
0x15d: {  	s8 =	simm.s32 $0xD;
	[sflag:s0] =	ssyncadd.s32 $0xFFFFFFC0  }
0x15e: {  	_ =	swait.ge [sflag:s8], $0x40  }
0x15f: {  	s26 =	simm.s32 $0x200;
	[sflag:s8] =	ssyncset.done $0x0  }
0x160: {  	s5 =	smov.u32 s1;
	s6 =	rddreg [dreg:$0x13];
	[sflag:s8] =	ssyncadd.s32 $0xFFFFFFC0  }
0x161: {  	[tilespmem:s15], [sflag:$0x11] =	stream.indirect.gather [hbm4b:s31+s4], $0x80, s26, s4, $0xb8;
	[tilespmem:$0x1C800] =	vst v63  }
0x162: {  	s8 =	rddreg [dreg:$0x12];
	s6 =	sadd.s32 s5, s6  }
0x163: {  	[tilespmem:s3], [sflag:$0x1] =	stream.linear.gather [hbm4b:s6+s3], $0x40, $0x38;
	[tilespmem:$0x1C800] =	vst v63  }
0x164: {  	s2 =	simm.s32 $0x16;
	s12 =	sadd.s32 s5, s8  }
0x165: {  	[tilespmem:s11], [sflag:$0x9] =	stream.linear.gather [hbm4b:s12+s3], $0x40, $0x38;
	[tilespmem:$0x1C800] =	vst v63  }
0x166: {  	_ =	swait.ge [sflag:s2], $0x2000  }
0x167: {  	[sflag:s2] =	ssyncset.done $0x0  }
0x168: {  	s13 =	simm.s32 $0x6;
	[sflag:s2] =	ssyncadd.s32 $0xFFFFE000  }
0x169: {  	_ =	swait.ge [sflag:s13], $0x40  }
0x16a: {  	[sflag:s13] =	ssyncset.done $0x0  }
0x16b: {  	s20 =	simm.s32 $0xE;
	[sflag:s13] =	ssyncadd.s32 $0xFFFFFFC0  }
0x16c: {  	_ =	swait.ge [sflag:s20], $0x40  }
0x16d: {  	[sflag:s20] =	ssyncset.done $0x0  }
0x16e: {  	s13 =	simm.s32 $0x280;
	s23 =	rddreg [dreg:$0x11];
	[sflag:s20] =	ssyncadd.s32 $0xFFFFFFC0  }
0x16f: {  	[tilespmem:s16], [sflag:$0x12] =	stream.indirect.gather [hbm4b:s31+s4], $0x80, s13, s4, $0xb8;
	[tilespmem:$0x1C800] =	vst v63  }
0x170: {  	s11 =	simm.s32 $0x80;
	s0 =	rddreg [dreg:$0x10];
	s6 =	sadd.s32 s5, s23  }
0x171: {  	[tilespmem:s11], [sflag:$0x2] =	stream.linear.gather [hbm4b:s6+s3], $0x40, $0x38;
	[tilespmem:$0x1C800] =	vst v63  }
0x172: {  	s12 =	simm.s32 $0x17;
	s7 =	sadd.s32 s5, s0  }
0x173: {  	[tilespmem:s19], [sflag:$0xA] =	stream.linear.gather [hbm4b:s7+s3], $0x40, $0x38;
	[tilespmem:$0x1C800] =	vst v63  }
0x174: {  	_ =	swait.ge [sflag:s12], $0x2000  }
0x175: {  	[sflag:s12] =	ssyncset.done $0x0  }
0x176: {  	s8 =	simm.s32 $0x7;
	[sflag:s12] =	ssyncadd.s32 $0xFFFFE000  }
0x177: {  	_ =	swait.ge [sflag:s8], $0x40  }
0x178: {  	[sflag:s8] =	ssyncset.done $0x0  }
0x179: {  	s20 =	simm.s32 $0xF;
	[sflag:s8] =	ssyncadd.s32 $0xFFFFFFC0  }
0x17a: {  	_ =	swait.ge [sflag:s20], $0x40  }
0x17b: {  	[sflag:s20] =	ssyncset.done $0x0  }
0x17c: {  	s7 =	simm.s32 $0x300;
	s23 =	rddreg [dreg:$0xf];
	[sflag:s20] =	ssyncadd.s32 $0xFFFFFFC0  }
0x17d: {  	[tilespmem:s17], [sflag:$0x13] =	stream.indirect.gather [hbm4b:s31+s4], $0x80, s7, s4, $0xb8;
	[tilespmem:$0x1C800] =	vst v63  }
0x17e: {  	s19 =	simm.s32 $0x100;
	s0 =	rddreg [dreg:$0xe];
	s6 =	sadd.s32 s5, s23  }
0x17f: {  	[tilespmem:s19], [sflag:$0x3] =	stream.linear.gather [hbm4b:s6+s3], $0x40, $0x38;
	[tilespmem:$0x1C800] =	vst v63  }
0x180: {  	s20 =	sadd.s32 s5, s0  }
0x181: {  	[tilespmem:s22], [sflag:$0xB] =	stream.linear.gather [hbm4b:s20+s3], $0x40, $0x38;
	[tilespmem:$0x1C800] =	vst v63  }
0x182: {  	s20 =	simm.s32 $0x18  }
0x183: {  	_ =	swait.ge [sflag:s20], $0x2000  }
0x184: {  	[sflag:s20] =	ssyncset.done $0x0  }
0x185: {  	s23 =	simm.s32 $0x8;
	[sflag:s20] =	ssyncadd.s32 $0xFFFFE000  }
0x186: {  	_ =	swait.ge [sflag:s23], $0x40  }
0x187: {  	[sflag:s23] =	ssyncset.done $0x0  }
0x188: {  	s6 =	simm.s32 $0x10;
	[sflag:s23] =	ssyncadd.s32 $0xFFFFFFC0  }
0x189: {  	_ =	swait.ge [sflag:s6], $0x40  }
0x18a: {  	[sflag:s6] =	ssyncset.done $0x0  }
0x18b: {  	s0 =	simm.s32 $0x380;
	s8 =	rddreg [dreg:$0xd];
	[sflag:s6] =	ssyncadd.s32 $0xFFFFFFC0  }
0x18c: {  	[tilespmem:s18], [sflag:$0x14] =	stream.indirect.gather [hbm4b:s31+s4], $0x80, s0, s4, $0xb8;
	[tilespmem:$0x1C800] =	vst v63  }
0x18d: {  	s22 =	simm.s32 $0x180;
	s23 =	rddreg [dreg:$0xc];
	s6 =	sadd.s32 s5, s8  }
0x18e: {  	[tilespmem:s22], [sflag:$0x4] =	stream.linear.gather [hbm4b:s6+s3], $0x40, $0x38;
	[tilespmem:$0x1C800] =	vst v63  }
0x18f: {  	s8 =	sadd.s32 s5, s23  }
0x190: {  	[tilespmem:s25], [sflag:$0xC] =	stream.linear.gather [hbm4b:s8+s3], $0x40, $0x38;
	[tilespmem:$0x1C800] =	vst v63  }
0x191: {  	_ =	swait.ge [sflag:s10], $0x2000  }
0x192: {  	[sflag:s10] =	ssyncset.done $0x0  }
0x193: {  	s29 =	simm.s32 $0x600;
	[sflag:s10] =	ssyncadd.s32 $0xFFFFE000  }
0x194: {  	[spmem:s9] =	stream.indirect.scatter.add.f32 [tilespmem:s15], [sflag:$0x15], $0x80, s29, s4, $0xb8;
	[tilespmem:$0x1C800] =	vst v63  }
0x195: {  	_ =	swait.ge [sflag:s30], $0x2000  }
0x196: {  	[sflag:s30] =	ssyncset.done $0x0  }
0x197: {  	[sflag:s30] =	ssyncadd.s32 $0xFFFFE000;
	s30 =	simm.s32 $0x680  }
0x198: {  	[spmem:s9] =	stream.indirect.scatter.add.f32 [tilespmem:s16], [sflag:$0x16], $0x80, s30, s4, $0xb8;
	[tilespmem:$0x1C800] =	vst v63  }
0x199: {  	_ =	swait.ge [sflag:s21], $0x2000  }
0x19a: {  	[sflag:s21] =	ssyncset.done $0x0  }
0x19b: {  	s10 =	simm.s32 $0x700;
	[sflag:s21] =	ssyncadd.s32 $0xFFFFE000  }
0x19c: {  	[spmem:s9] =	stream.indirect.scatter.add.f32 [tilespmem:s17], [sflag:$0x17], $0x80, s10, s4, $0xb8;
	[tilespmem:$0x1C800] =	vst v63  }
0x19d: {  	_ =	swait.ge [sflag:s24], $0x2000  }
0x19e: {  	[sflag:s24] =	ssyncset.done $0x0  }
0x19f: {  	[sflag:s24] =	ssyncadd.s32 $0xFFFFE000  }
0x1a0: {  	[spmem:s9] =	stream.indirect.scatter.add.f32 [tilespmem:s18], [sflag:$0x18], $0x80, s14, s4, $0xb8;
	[tilespmem:$0x1C800] =	vst v63  }
0x1a1: {  	_ =	swait.ge [sflag:s28], $0x2000  }
0x1a2: {  	[sflag:s28] =	ssyncset.done $0x0  }
0x1a3: {  	[sflag:s28] =	ssyncadd.s32 $0xFFFFE000;
	s28 =	simm.s32 $0x1  }
0x1a4: {  	_ =	swait.ge [sflag:s28], $0x40  }
0x1a5: {  	[sflag:s28] =	ssyncset.done $0x0  }
0x1a6: {  	s6 =	simm.s32 $0x9;
	[sflag:s28] =	ssyncadd.s32 $0xFFFFFFC0  }
0x1a7: {  	_ =	swait.ge [sflag:s6], $0x40  }
0x1a8: {  	[sflag:s6] =	ssyncset.done $0x0  }
0x1a9: {  	s9 =	rddreg [dreg:$0xb];
	[sflag:s6] =	ssyncadd.s32 $0xFFFFFFC0  }
0x1aa: {  	[tilespmem:s15], [sflag:$0x11] =	stream.indirect.gather [hbm4b:s31+s4], $0x80, s3, s4, $0xb8;
	[tilespmem:$0x1C800] =	vst v63  }
0x1ab: {  	s14 =	rddreg [dreg:$0xa];
	s6 =	sadd.s32 s5, s9  }
0x1ac: {  	[tilespmem:s26], [sflag:$0x5] =	stream.linear.gather [hbm4b:s6+s3], $0x40, $0x38;
	[tilespmem:$0x1C800] =	vst v63  }
0x1ad: {  	s15 =	sadd.s32 s5, s14  }
0x1ae: {  	[tilespmem:s29], [sflag:$0xD] =	stream.linear.gather [hbm4b:s15+s3], $0x40, $0x38;
	[tilespmem:$0x1C800] =	vst v63  }
0x1af: {  	_ =	swait.ge [sflag:s2], $0x2000  }
0x1b0: {  	[sflag:s2] =	ssyncset.done $0x0  }
0x1b1: {  	s21 =	simm.s32 $0x2;
	[sflag:s2] =	ssyncadd.s32 $0xFFFFE000  }
0x1b2: {  	_ =	swait.ge [sflag:s21], $0x40  }
0x1b3: {  	[sflag:s21] =	ssyncset.done $0x0  }
0x1b4: {  	s24 =	simm.s32 $0xA;
	[sflag:s21] =	ssyncadd.s32 $0xFFFFFFC0  }
0x1b5: {  	_ =	swait.ge [sflag:s24], $0x40  }
0x1b6: {  	[sflag:s24] =	ssyncset.done $0x0  }
0x1b7: {  	s28 =	rddreg [dreg:$0x9];
	[sflag:s24] =	ssyncadd.s32 $0xFFFFFFC0  }
0x1b8: {  	[tilespmem:s16], [sflag:$0x12] =	stream.indirect.gather [hbm4b:s31+s4], $0x80, s11, s4, $0xb8;
	[tilespmem:$0x1C800] =	vst v63  }
0x1b9: {  	s2 =	rddreg [dreg:$0x8];
	s6 =	sadd.s32 s5, s28  }
0x1ba: {  	[tilespmem:s13], [sflag:$0x6] =	stream.linear.gather [hbm4b:s6+s3], $0x40, $0x38;
	[tilespmem:$0x1C800] =	vst v63  }
0x1bb: {  	s8 =	sadd.s32 s5, s2  }
0x1bc: {  	[tilespmem:s30], [sflag:$0xE] =	stream.linear.gather [hbm4b:s8+s3], $0x40, $0x38;
	[tilespmem:$0x1C800] =	vst v63  }
0x1bd: {  	_ =	swait.ge [sflag:s12], $0x2000  }
0x1be: {  	[sflag:s12] =	ssyncset.done $0x0  }
0x1bf: {  	s16 =	simm.s32 $0x3;
	[sflag:s12] =	ssyncadd.s32 $0xFFFFE000  }
0x1c0: {  	_ =	swait.ge [sflag:s16], $0x40  }
0x1c1: {  	[sflag:s16] =	ssyncset.done $0x0  }
0x1c2: {  	s9 =	simm.s32 $0xB;
	[sflag:s16] =	ssyncadd.s32 $0xFFFFFFC0  }
0x1c3: {  	_ =	swait.ge [sflag:s9], $0x40  }
0x1c4: {  	[sflag:s9] =	ssyncset.done $0x0  }
0x1c5: {  	s12 =	rddreg [dreg:$0x7];
	[sflag:s9] =	ssyncadd.s32 $0xFFFFFFC0  }
0x1c6: {  	[tilespmem:s17], [sflag:$0x13] =	stream.indirect.gather [hbm4b:s31+s4], $0x80, s19, s4, $0xb8;
	[tilespmem:$0x1C800] =	vst v63  }
0x1c7: {  	s14 =	rddreg [dreg:$0x6];
	s6 =	sadd.s32 s5, s12  }
0x1c8: {  	[tilespmem:s7], [sflag:$0x7] =	stream.linear.gather [hbm4b:s6+s3], $0x40, $0x38;
	[tilespmem:$0x1C800] =	vst v63  }
0x1c9: {  	s15 =	sadd.s32 s5, s14  }
0x1ca: {  	[tilespmem:s10], [sflag:$0xF] =	stream.linear.gather [hbm4b:s15+s3], $0x40, $0x38;
	[tilespmem:$0x1C800] =	vst v63  }
0x1cb: {  	_ =	swait.ge [sflag:s20], $0x2000  }
0x1cc: {  	[sflag:s20] =	ssyncset.done $0x0  }
0x1cd: {  	p0 =	sne.s32 s1, $0x480;
	s17 =	simm.s32 $0x4;
	[sflag:s20] =	ssyncadd.s32 $0xFFFFE000  }
0x1ce: {  	s1 =	sadd.s32 $0x40, s1;
	s23 =	simm.s32 $0x580;
	_ =	swait.ge [sflag:s17], $0x40  }
0x1cf: {  	s25 =	simm.s32 $0x200;
	s26 =	simm.s32 $0x600;
	[sflag:s17] =	ssyncset.done $0x0  }
0x1d0: {  	s29 =	simm.s32 $0x280;
	s21 =	simm.s32 $0xC;
	[sflag:s17] =	ssyncadd.s32 $0xFFFFFFC0  }
0x1d1: {  	s13 =	simm.s32 $0x680;
	s30 =	simm.s32 $0x300;
	_ =	swait.ge [sflag:s21], $0x40  }
.Ltmp0:
0x1d2: {  	[sflag:s21] =	ssyncset.done $0x0;
	s24 =	rddreg [dreg:$0x5];
	(pc) =	sbr.rel @p0 .LBB2_2-.Ltmp0, $4  }
0x1d3: {  	s7 =	simm.s32 $0x700;
	s28 =	rddreg [dreg:$0x4];
	[sflag:s21] =	ssyncadd.s32 $0xFFFFFFC0  }
0x1d4: {  	[tilespmem:s18], [sflag:$0x14] =	stream.indirect.gather [hbm4b:s31+s4], $0x80, s22, s4, $0xb8;
	[tilespmem:$0x1C800] =	vst v63  }
0x1d5: {  	s10 =	simm.s32 $0x380;
	s6 =	sadd.s32 s5, s24;
	s5 =	sadd.s32 s5, s28  }
0x1d6: {  	[tilespmem:s0], [sflag:$0x8] =	stream.linear.gather [hbm4b:s6+s3], $0x40, $0x38;
	[tilespmem:$0x1C800] =	vst v63  }
0x1d7: {  	s0 =	simm.s32 $0x780;
	s14 =	simm.s32 $0x11  }
0x1d8: {  	[tilespmem:s0], [sflag:$0x10] =	stream.linear.gather [hbm4b:s5+s3], $0x40, $0x38;
	[tilespmem:$0x1C800] =	vst v63  }
0x1d9: {  	_ =	swait.ge [sflag:s14], $0x2000  }
0x1da: {  	[sflag:s14] =	ssyncset.done $0x0  }
0x1db: {  	s1 =	simm.s32 $0x400;
	[sflag:s14] =	ssyncadd.s32 $0xFFFFE000  }
0x1dc: {  	s18 =	simm.s32 $0x12;
	s5 =	simm.s32 $0x800;
	s21 =	rddreg [dreg:$0x2]  }
0x1dd: {  	[spmem:s21] =	stream.indirect.scatter.add.f32 [tilespmem:s5], [sflag:$0x15], $0x80, s1, s4, $0xb8;
	[tilespmem:$0x1C800] =	vst v63  }
0x1de: {  	_ =	swait.ge [sflag:s18], $0x2000  }
0x1df: {  	s9 =	simm.s32 $0x2800;
	[sflag:s18] =	ssyncset.done $0x0  }
0x1e0: {  	s24 =	simm.s32 $0x480;
	s12 =	simm.s32 $0x13;
	[sflag:s18] =	ssyncadd.s32 $0xFFFFE000  }
0x1e1: {  	[spmem:s21] =	stream.indirect.scatter.add.f32 [tilespmem:s9], [sflag:$0x16], $0x80, s24, s4, $0xb8;
	[tilespmem:$0x1C800] =	vst v63  }
0x1e2: {  	_ =	swait.ge [sflag:s12], $0x2000  }
0x1e3: {  	s6 =	simm.s32 $0x4800;
	[sflag:s12] =	ssyncset.done $0x0  }
0x1e4: {  	s28 =	simm.s32 $0x500;
	s20 =	simm.s32 $0x14;
	[sflag:s12] =	ssyncadd.s32 $0xFFFFE000  }
0x1e5: {  	[spmem:s21] =	stream.indirect.scatter.add.f32 [tilespmem:s6], [sflag:$0x17], $0x80, s28, s4, $0xb8;
	[tilespmem:$0x1C800] =	vst v63  }
0x1e6: {  	_ =	swait.ge [sflag:s20], $0x2000  }
0x1e7: {  	[sflag:s20] =	ssyncset.done $0x0  }
0x1e8: {  	s8 =	simm.s32 $0x6800;
	s1 =	simm.s32 $0x15;
	[sflag:s20] =	ssyncadd.s32 $0xFFFFE000  }
0x1e9: {  	[spmem:s21] =	stream.indirect.scatter.add.f32 [tilespmem:s8], [sflag:$0x18], $0x80, s23, s4, $0xb8;
	[tilespmem:$0x1C800] =	vst v63  }
0x1ea: {  	_ =	swait.ge [sflag:s1], $0x2000  }
0x1eb: {  	[sflag:s1] =	ssyncset.done $0x0  }
0x1ec: {  	s15 =	simm.s32 $0x5;
	[sflag:s1] =	ssyncadd.s32 $0xFFFFE000  }
0x1ed: {  	_ =	swait.ge [sflag:s15], $0x40  }
0x1ee: {  	[sflag:s15] =	ssyncset.done $0x0  }
0x1ef: {  	s2 =	simm.s32 $0xD;
	[sflag:s15] =	ssyncadd.s32 $0xFFFFFFC0  }
0x1f0: {  	_ =	swait.ge [sflag:s2], $0x40  }
0x1f1: {  	[sflag:s2] =	ssyncset.done $0x0  }
0x1f2: {  	[sflag:s2] =	ssyncadd.s32 $0xFFFFFFC0;
	s2 =	simm.s32 $0x16  }
0x1f3: {  	[tilespmem:s5], [sflag:$0x11] =	stream.indirect.gather [hbm4b:s31+s4], $0x80, s25, s4, $0xb8;
	[tilespmem:$0x1C800] =	vst v63  }
0x1f4: {  	_ =	swait.ge [sflag:s2], $0x2000  }
0x1f5: {  	[sflag:s2] =	ssyncset.done $0x0  }
0x1f6: {  	s23 =	simm.s32 $0x6;
	[sflag:s2] =	ssyncadd.s32 $0xFFFFE000  }
0x1f7: {  	_ =	swait.ge [sflag:s23], $0x40  }
0x1f8: {  	[sflag:s23] =	ssyncset.done $0x0  }
0x1f9: {  	s24 =	simm.s32 $0xE;
	[sflag:s23] =	ssyncadd.s32 $0xFFFFFFC0  }
0x1fa: {  	_ =	swait.ge [sflag:s24], $0x40  }
0x1fb: {  	[sflag:s24] =	ssyncset.done $0x0  }
0x1fc: {  	s15 =	simm.s32 $0x17;
	[sflag:s24] =	ssyncadd.s32 $0xFFFFFFC0  }
0x1fd: {  	[tilespmem:s9], [sflag:$0x12] =	stream.indirect.gather [hbm4b:s31+s4], $0x80, s29, s4, $0xb8;
	[tilespmem:$0x1C800] =	vst v63  }
0x1fe: {  	_ =	swait.ge [sflag:s15], $0x2000  }
0x1ff: {  	[sflag:s15] =	ssyncset.done $0x0  }
0x200: {  	s25 =	simm.s32 $0x7;
	[sflag:s15] =	ssyncadd.s32 $0xFFFFE000  }
0x201: {  	_ =	swait.ge [sflag:s25], $0x40  }
0x202: {  	[sflag:s25] =	ssyncset.done $0x0  }
0x203: {  	s28 =	simm.s32 $0xF;
	[sflag:s25] =	ssyncadd.s32 $0xFFFFFFC0  }
0x204: {  	_ =	swait.ge [sflag:s28], $0x40  }
0x205: {  	[sflag:s28] =	ssyncset.done $0x0  }
0x206: {  	s29 =	simm.s32 $0x18;
	[sflag:s28] =	ssyncadd.s32 $0xFFFFFFC0  }
0x207: {  	[tilespmem:s6], [sflag:$0x13] =	stream.indirect.gather [hbm4b:s31+s4], $0x80, s30, s4, $0xb8;
	[tilespmem:$0x1C800] =	vst v63  }
0x208: {  	_ =	swait.ge [sflag:s29], $0x2000  }
0x209: {  	[sflag:s29] =	ssyncset.done $0x0  }
0x20a: {  	s24 =	simm.s32 $0x8;
	[sflag:s29] =	ssyncadd.s32 $0xFFFFE000  }
0x20b: {  	_ =	swait.ge [sflag:s24], $0x40  }
0x20c: {  	[sflag:s24] =	ssyncset.done $0x0  }
0x20d: {  	s30 =	simm.s32 $0x10;
	[sflag:s24] =	ssyncadd.s32 $0xFFFFFFC0  }
0x20e: {  	_ =	swait.ge [sflag:s30], $0x40  }
0x20f: {  	[sflag:s30] =	ssyncset.done $0x0  }
0x210: {  	[sflag:s30] =	ssyncadd.s32 $0xFFFFFFC0  }
0x211: {  	[tilespmem:s8], [sflag:$0x14] =	stream.indirect.gather [hbm4b:s31+s4], $0x80, s10, s4, $0xb8;
	[tilespmem:$0x1C800] =	vst v63  }
0x212: {  	_ =	swait.ge [sflag:s14], $0x2000  }
0x213: {  	[sflag:s14] =	ssyncset.done $0x0  }
0x214: {  	[sflag:s14] =	ssyncadd.s32 $0xFFFFE000  }
0x215: {  	[spmem:s21] =	stream.indirect.scatter.add.f32 [tilespmem:s5], [sflag:$0x15], $0x80, s26, s4, $0xb8;
	[tilespmem:$0x1C800] =	vst v63  }
0x216: {  	_ =	swait.ge [sflag:s18], $0x2000  }
0x217: {  	[sflag:s18] =	ssyncset.done $0x0  }
0x218: {  	[sflag:s18] =	ssyncadd.s32 $0xFFFFE000  }
0x219: {  	[spmem:s21] =	stream.indirect.scatter.add.f32 [tilespmem:s9], [sflag:$0x16], $0x80, s13, s4, $0xb8;
	[tilespmem:$0x1C800] =	vst v63  }
0x21a: {  	_ =	swait.ge [sflag:s12], $0x2000  }
0x21b: {  	[sflag:s12] =	ssyncset.done $0x0  }
0x21c: {  	[sflag:s12] =	ssyncadd.s32 $0xFFFFE000  }
0x21d: {  	[spmem:s21] =	stream.indirect.scatter.add.f32 [tilespmem:s6], [sflag:$0x17], $0x80, s7, s4, $0xb8;
	[tilespmem:$0x1C800] =	vst v63  }
0x21e: {  	_ =	swait.ge [sflag:s20], $0x2000  }
0x21f: {  	[sflag:s20] =	ssyncset.done $0x0  }
0x220: {  	[sflag:s20] =	ssyncadd.s32 $0xFFFFE000  }
0x221: {  	[spmem:s21] =	stream.indirect.scatter.add.f32 [tilespmem:s8], [sflag:$0x18], $0x80, s0, s4, $0xb8;
	[tilespmem:$0x1C800] =	vst v63  }
0x222: {  	_ =	swait.ge [sflag:s1], $0x2000  }
0x223: {  	[sflag:s1] =	ssyncset.done $0x0  }
0x224: {  	[sflag:s1] =	ssyncadd.s32 $0xFFFFE000  }
0x225: {  	_ =	swait.ge [sflag:s2], $0x2000  }
0x226: {  	[sflag:s2] =	ssyncset.done $0x0  }
0x227: {  	[sflag:s2] =	ssyncadd.s32 $0xFFFFE000  }
0x228: {  	_ =	swait.ge [sflag:s15], $0x2000  }
0x229: {  	[sflag:s15] =	ssyncset.done $0x0  }
0x22a: {  	[sflag:s15] =	ssyncadd.s32 $0xFFFFE000  }
0x22b: {  	_ =	swait.ge [sflag:s29], $0x2000  }
0x22c: {  	[sflag:s29] =	ssyncset.done $0x0  }
0x22d: {  	[sflag:s29] =	ssyncadd.s32 $0xFFFFE000  }
0x22e: {  	[bflag:$0x0] =	sbarrier.arrive $0xFFFF  }
0x22f: {  	s7 =	sld [smem:$0x7F4];
	_ =	sdelay $0x1  }
0x230: {  	s15 =	simm.s32 $0x19  }
0x231: {  	[tilespmem:s5], [sflag:$0x19] =	stream.linear.gather [spmem:s7], $0x2000, $0x38;
	[tilespmem:$0x1C800] =	vst v63  }
0x232: {  	_ =	swait.ge [sflag:s15], $0x2000  }
0x233: {  	s24 =	sld [smem:$0x7E8]  }
0x234: {  	[sflag:s15] =	ssyncset.done $0x0  }
0x235: {  	s21 =	sld [smem:$0x7F5];
	[sflag:s15] =	ssyncadd.s32 $0xFFFFE000  }
0x236: {  	[hbm4b:s24+s3] =	stream.linear.scatter [tilespmem:s5], [sflag:$0x11], $0x2000, $0x38;
	[tilespmem:$0x1C800] =	vst v63  }
0x237: {  	_ = 	snop  }
0x238: {  	[tilespmem:s9], [sflag:$0x19] =	stream.linear.gather [spmem:s21], $0x2000, $0x38;
	[tilespmem:$0x1C800] =	vst v63  }
0x239: {  	_ =	swait.ge [sflag:s15], $0x2000  }
0x23a: {  	s25 =	sld [smem:$0x7E9]  }
0x23b: {  	[sflag:s15] =	ssyncset.done $0x0  }
0x23c: {  	s23 =	sld [smem:$0x7F6];
	[sflag:s15] =	ssyncadd.s32 $0xFFFFE000  }
0x23d: {  	[hbm4b:s25+s3] =	stream.linear.scatter [tilespmem:s9], [sflag:$0x12], $0x2000, $0x38;
	[tilespmem:$0x1C800] =	vst v63  }
0x23e: {  	_ = 	snop  }
0x23f: {  	[tilespmem:s6], [sflag:$0x19] =	stream.linear.gather [spmem:s23], $0x2000, $0x38;
	[tilespmem:$0x1C800] =	vst v63  }
0x240: {  	_ =	swait.ge [sflag:s15], $0x2000  }
0x241: {  	s26 =	sld [smem:$0x7EA]  }
0x242: {  	[sflag:s15] =	ssyncset.done $0x0  }
0x243: {  	s24 =	sld [smem:$0x7F7];
	[sflag:s15] =	ssyncadd.s32 $0xFFFFE000  }
0x244: {  	[hbm4b:s26+s3] =	stream.linear.scatter [tilespmem:s6], [sflag:$0x13], $0x2000, $0x38;
	[tilespmem:$0x1C800] =	vst v63  }
0x245: {  	_ = 	snop  }
0x246: {  	[tilespmem:s8], [sflag:$0x19] =	stream.linear.gather [spmem:s24], $0x2000, $0x38;
	[tilespmem:$0x1C800] =	vst v63  }
0x247: {  	_ =	swait.ge [sflag:s15], $0x2000  }
0x248: {  	s28 =	sld [smem:$0x7EB]  }
0x249: {  	[sflag:s15] =	ssyncset.done $0x0  }
0x24a: {  	[sflag:s15] =	ssyncadd.s32 $0xFFFFE000  }
0x24b: {  	[hbm4b:s28+s3] =	stream.linear.scatter [tilespmem:s8], [sflag:$0x14], $0x2000, $0x38;
	[tilespmem:$0x1C800] =	vst v63  }
0x24c: {  	_ =	swait.ge [sflag:s14], $0x2000  }
0x24d: {  	s13 =	sld [smem:$0x7F8]  }
0x24e: {  	[sflag:s14] =	ssyncset.done $0x0  }
0x24f: {  	[sflag:s14] =	ssyncadd.s32 $0xFFFFE000  }
0x250: {  	[tilespmem:s5], [sflag:$0x19] =	stream.linear.gather [spmem:s13], $0x2000, $0x38;
	[tilespmem:$0x1C800] =	vst v63  }
0x251: {  	_ =	swait.ge [sflag:s15], $0x2000  }
0x252: {  	s29 =	sld [smem:$0x7EC]  }
0x253: {  	[sflag:s15] =	ssyncset.done $0x0  }
0x254: {  	[sflag:s15] =	ssyncadd.s32 $0xFFFFE000  }
0x255: {  	[hbm4b:s29+s3] =	stream.linear.scatter [tilespmem:s5], [sflag:$0x11], $0x2000, $0x38;
	[tilespmem:$0x1C800] =	vst v63  }
0x256: {  	_ =	swait.ge [sflag:s18], $0x2000  }
0x257: {  	s25 =	sld [smem:$0x7F9]  }
0x258: {  	[sflag:s18] =	ssyncset.done $0x0  }
0x259: {  	[sflag:s18] =	ssyncadd.s32 $0xFFFFE000  }
0x25a: {  	[tilespmem:s9], [sflag:$0x19] =	stream.linear.gather [spmem:s25], $0x2000, $0x38;
	[tilespmem:$0x1C800] =	vst v63  }
0x25b: {  	_ =	swait.ge [sflag:s15], $0x2000  }
0x25c: {  	s30 =	sld [smem:$0x7ED]  }
0x25d: {  	[sflag:s15] =	ssyncset.done $0x0  }
0x25e: {  	[sflag:s15] =	ssyncadd.s32 $0xFFFFE000  }
0x25f: {  	[hbm4b:s30+s3] =	stream.linear.scatter [tilespmem:s9], [sflag:$0x12], $0x2000, $0x38;
	[tilespmem:$0x1C800] =	vst v63  }
0x260: {  	_ =	swait.ge [sflag:s12], $0x2000  }
0x261: {  	s26 =	sld [smem:$0x7FA]  }
0x262: {  	[sflag:s12] =	ssyncset.done $0x0  }
0x263: {  	[sflag:s12] =	ssyncadd.s32 $0xFFFFE000  }
0x264: {  	[tilespmem:s6], [sflag:$0x19] =	stream.linear.gather [spmem:s26], $0x2000, $0x38;
	[tilespmem:$0x1C800] =	vst v63  }
0x265: {  	_ =	swait.ge [sflag:s15], $0x2000  }
0x266: {  	s0 =	sld [smem:$0x7EE]  }
0x267: {  	[sflag:s15] =	ssyncset.done $0x0  }
0x268: {  	[sflag:s15] =	ssyncadd.s32 $0xFFFFE000  }
0x269: {  	[hbm4b:s0+s3] =	stream.linear.scatter [tilespmem:s6], [sflag:$0x13], $0x2000, $0x38;
	[tilespmem:$0x1C800] =	vst v63  }
0x26a: {  	_ =	swait.ge [sflag:s20], $0x2000  }
0x26b: {  	s6 =	sld [smem:$0x7FB]  }
0x26c: {  	[sflag:s20] =	ssyncset.done $0x0  }
0x26d: {  	[sflag:s20] =	ssyncadd.s32 $0xFFFFE000  }
0x26e: {  	[tilespmem:s8], [sflag:$0x19] =	stream.linear.gather [spmem:s6], $0x2000, $0x38;
	[tilespmem:$0x1C800] =	vst v63  }
0x26f: {  	_ =	swait.ge [sflag:s15], $0x2000  }
0x270: {  	s2 =	sld [smem:$0x7EF]  }
0x271: {  	[sflag:s15] =	ssyncset.done $0x0  }
0x272: {  	[sflag:s15] =	ssyncadd.s32 $0xFFFFE000  }
0x273: {  	[hbm4b:s2+s3] =	stream.linear.scatter [tilespmem:s8], [sflag:$0x14], $0x2000, $0x38;
	[tilespmem:$0x1C800] =	vst v63  }
0x274: {  	_ =	swait.ge [sflag:s14], $0x2000  }
0x275: {  	s8 =	sld [smem:$0x7FC]  }
0x276: {  	[sflag:s14] =	ssyncset.done $0x0  }
0x277: {  	[sflag:s14] =	ssyncadd.s32 $0xFFFFE000  }
0x278: {  	[tilespmem:s5], [sflag:$0x19] =	stream.linear.gather [spmem:s8], $0x2000, $0x38;
	[tilespmem:$0x1C800] =	vst v63  }
0x279: {  	_ =	swait.ge [sflag:s15], $0x2000  }
0x27a: {  	s10 =	sld [smem:$0x7F0]  }
0x27b: {  	[sflag:s15] =	ssyncset.done $0x0  }
0x27c: {  	[sflag:s15] =	ssyncadd.s32 $0xFFFFE000  }
0x27d: {  	[hbm4b:s10+s3] =	stream.linear.scatter [tilespmem:s5], [sflag:$0x11], $0x2000, $0x38;
	[tilespmem:$0x1C800] =	vst v63  }
0x27e: {  	_ =	swait.ge [sflag:s18], $0x2000  }
0x27f: {  	s5 =	sld [smem:$0x7FD]  }
0x280: {  	[sflag:s18] =	ssyncset.done $0x0  }
0x281: {  	[sflag:s18] =	ssyncadd.s32 $0xFFFFE000  }
0x282: {  	[tilespmem:s9], [sflag:$0x19] =	stream.linear.gather [spmem:s5], $0x2000, $0x38;
	[tilespmem:$0x1C800] =	vst v63  }
0x283: {  	_ =	swait.ge [sflag:s15], $0x2000  }
0x284: {  	s28 =	sld [smem:$0x7F1]  }
0x285: {  	[sflag:s15] =	ssyncset.done $0x0  }
0x286: {  	[sflag:s15] =	ssyncadd.s32 $0xFFFFE000  }
0x287: {  	[hbm4b:s28+s3] =	stream.linear.scatter [tilespmem:s9], [sflag:$0x12], $0x2000, $0x38;
	[tilespmem:$0x1C800] =	vst v63  }
0x288: {  	_ =	swait.ge [sflag:s12], $0x2000  }
0x289: {  	[sflag:s12] =	ssyncset.done $0x0  }
0x28a: {  	[sflag:s12] =	ssyncadd.s32 $0xFFFFE000  }
0x28b: {  	_ =	swait.ge [sflag:s20], $0x2000  }
0x28c: {  	[sflag:s20] =	ssyncset.done $0x0  }
0x28d: {  	[sflag:s20] =	ssyncadd.s32 $0xFFFFE000  }
0x28e: {  	_ =	swait.ge [sflag:s14], $0x2000  }
0x28f: {  	[sflag:s14] =	ssyncset.done $0x0  }
0x290: {  	[sflag:s14] =	ssyncadd.s32 $0xFFFFE000  }
0x291: {  	_ =	swait.ge [sflag:s18], $0x2000  }
0x292: {  	s29 =	sld [smem:$0x7E3]  }
0x293: {  	s30 =	sld [smem:$0x7F3];
	_ =	sdelay $0x1  }
0x294: {  	s0 =	sadd.s32 $0x1, s29  }
0x295: {  	p0 =	sne.s32 s0, s30  }
.Ltmp1:
0x296: {  	_ = 	snop;
	(pc) =	sbr.rel @p0 .LBB2_1-.Ltmp1, $3  }
0x297: {  	_ =	sdelay $0x1  }
0x298: {  	[sflag:s18] =	ssyncset.done $0x0  }
0x299: {  	[sflag:s18] =	ssyncadd.s32 $0xFFFFE000  }
0x29a: {  	_ =	sfence.sel $0x180000  }
0x29b: {  	[bflag:$0x0] =	sbarrier.arrive $0xFFFF  }
0x29c: {  	_ =	strace $0x9000004A  }
0x29d: {  	s0 =	stileid.u32;
	[bflag:$0x2] =	sbarrier.arrive $0xFFFF  }
0x29e: {  	p0 =	sne.s32 s0, $0x0;
	s0 =	rddreg [dreg:$0x3]  }
0x29f: {  	s0 =	sadd.s32 @!p0 $0x100000, s0  }
0x2a0: {  	[sflag:s0] =	ssyncadd.tile.s32 @!p0 $0x1;
	_ =	shalt  }
.Lfunc_end2:
_tile_overlayer_lowered:
.L_overlay_start_2:
0x2a1: {  	(tag) =	ssettag $0x2  }
0x2a2: {  	s0 =	rddreg [dreg:$0x0];
	s2 =	stileid.u32  }
0x2a3: {  	s1 =	rddreg [dreg:$0x1];
	p0 =	sne.s32 s2, $0x0  }
0x2a4: {  	s3 =	rddreg [dreg:$0x2];
	[bflag:$0x3] =	sbarrier.arrive $0xFFFF;
	s2 =	simm.s32 @!p0 $0x1C19  }
0x2a5: {  	[timem:s3], [sflag:s2] =	dma.local @!p0 [hbm:s0], s1  }
0x2a6: {  	s0 =	simm.s32 @!p0 $0x19  }
0x2a7: {  	_ =	swait.ge @!p0 [sflag:s0], s1  }
0x2a8: {  	s1 =	ssub.s32 @!p0 $0x0, s1;
	[sflag:s0] =	ssyncset.done @!p0 $0x0  }
0x2a9: {  	[sflag:s0] =	ssyncadd.s32 @!p0 s1  }
0x2aa: {  	[bflag:$0x3] =	sbarrier.arrive $0xFFFF  }
0x2ab: {  	_ =	shalt  }

// kernel: kernel.14.cloned.1.call-start
scs
__scs_entry_jumppad:
0x0: {  	(pc) =	sbr.rel $0x88, $3  }
0x1: {  	(tag) =	ssettag $0x0;
	lr =	simm.s32 $0x1  }
0x2: {  	[smem:$0x3F9B] =	sst lr;
	_ =	strace $0xD0000000  }
0x3: {  	_ = 	snop  }
0x4: {  	_ = 	snop  }
0x5: {  	_ = 	snop  }
0x6: {  	_ = 	snop  }
0x7: {  	_ = 	snop  }
__scs_overlays_trampoline_lowered:
0x8: {  	[smem:$0x3FAA] =	sst s0  }
0x9: {  	[smem:$0x3FAB] =	sst s1  }
0xa: {  	[smem:$0x3FAC] =	sst s2  }
0xb: {  	[smem:$0x3FAD] =	sst s3  }
0xc: {  	[smem:$0x3FAE] =	sst s4  }
0xd: {  	[smem:$0x3FAF] =	sst s5  }
0xe: {  	[smem:$0x3FB0] =	sst s6  }
0xf: {  	[smem:$0x3FB1] =	sst s7  }
0x10: {  	[smem:$0x3FB2] =	sst s8  }
0x11: {  	[smem:$0x3FB3] =	sst s9;
	s0 =	simm.s32 @!p0 $0x0  }
0x12: {  	s1 =	sld [smem:$0x3F99];
	s0 =	simm.s32 @p0 $0x1  }
0x13: {  	[smem:$0x3FB4] =	sst s0;
	s0 =	simm.s32 @!p1 $0x0  }
0x14: {  	s2 =	sld [smem:$0x3F98];
	s0 =	simm.s32 @p1 $0x1  }
0x15: {  	[smem:$0x3FB5] =	sst s0;
	s0 =	simm.s32 @!p2 $0x0  }
0x16: {  	s3 =	sld [smem:$0x3FDB];
	s0 =	simm.s32 @p2 $0x1  }
0x17: {  	s4 =	simm.s32 $0x1BF5;
	[smem:$0x3FB7] =	sst s0  }
0x18: {  	s0 =	sld [smem:$0x3F9A];
	_ =	swait.ge [sflag:s4], $0x0  }
0x19: {  	s7 =	sld [smem:$0x3F9B]  }
0x1a: {  	s8 =	sadd.s32 $0xFFFFE003, lr  }
0x1b: {  	s9 =	sadd.s32 $0xFFFFFEF7, lr;
	s5 =	simm.s32 $0xFFFFFFFF;
	p2 =	slt.u32 s8, $0xFFFFF086  }
0x1c: {  	p1 =	slt.u32 s9, $0xF7A;
	s5 =	simm.s32 @!p2 $0x0  }
0x1d: {  	s5 =	simm.s32 @p1 $0x1;
	p0 =	seq.s32 s7, s2  }
0x1e: {  	s7 =	smul.u32 @!p0 $0xF7A, s2;
	p2 =	seq.s32 @!p0 s5, $0x0  }
0x1f: {  	s9 =	smul.u32 $0xF7A, s1;
	s8 =	simm.s32 @!p0 $0x1BF5;
	p2 =	por !p2, p0  }
0x20: {  	[sflag:s8] =	ssyncset.s32 @!p0 $0xFFFFF086;
	s6 =	sadd.s32 @!p0 s3, s7;
	s7 =	simm.s32 @!p0 $0x108  }
0x21: {  	s3 =	sadd.s32 s3, s9;
	s6 =	sadd.s32 @!p0 $0x88, s6;
	s7 =	simm.s32 @p2 $0x1082  }
0x22: {  	[simem:s7], [sflag:s8] =	dma.local @!p0 [hbm:s6], $0xF7A  }
0x23: {  	s9 =	sor.u32 $0xD0000000, s2;
	s6 =	simm.s32 $0x108;
	_ =	swait.ge @!p0 [sflag:s8], $0x0  }
0x24: {  	s3 =	sadd.s32 $0x88, s3;
	s6 =	simm.s32 @!p1 $0x1082;
	[sflag:s4] =	ssyncset.s32 $0xFFFFF086  }
0x25: {  	[simem:s6], [sflag:s4] =	dma.local [hbm:s3], $0xF7A  }
0x26: {  	[smem:$0x3F9B] =	sst s1;
	(tag) =	ssettag s2;
	_ =	strace s9  }
0x27: {  	s1 =	sld [smem:$0x3FAB]  }
0x28: {  	s2 =	sld [smem:$0x3FAC]  }
0x29: {  	s4 =	sld [smem:$0x3FAE]  }
0x2a: {  	p0 =	seq.s32 s5, $0x0;
	s5 =	sld [smem:$0x3FAF]  }
0x2b: {  	s6 =	sld [smem:$0x3FB0]  }
0x2c: {  	s7 =	sld [smem:$0x3FB1]  }
0x2d: {  	s3 =	simm.s32 $0x108;
	s8 =	sld [smem:$0x3FB2]  }
0x2e: {  	s3 =	simm.s32 @!p0 $0x1082;
	s9 =	sld [smem:$0x3FB3]  }
0x2f: {  	lr =	sadd.s32 s0, s3;
	s0 =	sld [smem:$0x3FAA]  }
0x30: {  	s3 =	sld [smem:$0x3FAD]  }
0x31: {  	[smem:$0x3FB6] =	sst s10  }
0x32: {  	s10 =	sld [smem:$0x3FB4];
	_ =	sdelay $0x3  }
0x33: {  	p0 =	seq.s32 s10, $0x1;
	s10 =	sld [smem:$0x3FB6];
	_ =	sdelay $0x3  }
0x34: {  	[smem:$0x3FB6] =	sst s10  }
0x35: {  	s10 =	sld [smem:$0x3FB5];
	_ =	sdelay $0x3  }
0x36: {  	p1 =	seq.s32 s10, $0x1;
	s10 =	sld [smem:$0x3FB6];
	_ =	sdelay $0x3  }
0x37: {  	[smem:$0x3FB6] =	sst s10  }
0x38: {  	s10 =	sld [smem:$0x3FB7]  }
0x39: {  	_ = 	snop;
	(pc) =	sbr.ind lr, $3  }
0x3a: {  	_ = 	snop  }
0x3b: {  	_ = 	snop  }
0x3c: {  	p2 =	seq.s32 s10, $0x1;
	s10 =	sld [smem:$0x3FB6]  }
0x3d: {  	_ =	shalt  }
0x3e: {  	_ =	shalt  }
0x3f: {  	_ =	shalt  }
0x40: {  	_ =	shalt  }
0x41: {  	_ =	shalt  }
0x42: {  	_ =	shalt  }
0x43: {  	_ =	shalt  }
0x44: {  	_ =	shalt  }
0x45: {  	_ =	shalt  }
0x46: {  	_ =	shalt  }
0x47: {  	_ =	shalt  }
0x48: {  	_ =	shalt  }
0x49: {  	_ =	shalt  }
0x4a: {  	_ =	shalt  }
0x4b: {  	_ =	shalt  }
0x4c: {  	_ =	shalt  }
0x4d: {  	_ =	shalt  }
0x4e: {  	_ =	shalt  }
0x4f: {  	_ =	shalt  }
0x50: {  	_ =	shalt  }
0x51: {  	_ =	shalt  }
0x52: {  	_ =	shalt  }
0x53: {  	_ =	shalt  }
0x54: {  	_ =	shalt  }
0x55: {  	_ =	shalt  }
0x56: {  	_ =	shalt  }
0x57: {  	_ =	shalt  }
0x58: {  	_ =	shalt  }
0x59: {  	_ =	shalt  }
0x5a: {  	_ =	shalt  }
0x5b: {  	_ =	shalt  }
0x5c: {  	_ =	shalt  }
0x5d: {  	_ =	shalt  }
0x5e: {  	_ =	shalt  }
0x5f: {  	_ =	shalt  }
0x60: {  	_ =	shalt  }
0x61: {  	_ =	shalt  }
0x62: {  	_ =	shalt  }
0x63: {  	_ =	shalt  }
0x64: {  	_ =	shalt  }
0x65: {  	_ =	shalt  }
0x66: {  	_ =	shalt  }
0x67: {  	_ =	shalt  }
0x68: {  	_ =	shalt  }
0x69: {  	_ =	shalt  }
0x6a: {  	_ =	shalt  }
0x6b: {  	_ =	shalt  }
0x6c: {  	_ =	shalt  }
0x6d: {  	_ =	shalt  }
0x6e: {  	_ =	shalt  }
0x6f: {  	_ =	shalt  }
0x70: {  	_ =	shalt  }
0x71: {  	_ =	shalt  }
0x72: {  	_ =	shalt  }
0x73: {  	_ =	shalt  }
0x74: {  	_ =	shalt  }
0x75: {  	_ =	shalt  }
0x76: {  	_ =	shalt  }
0x77: {  	_ =	shalt  }
0x78: {  	_ =	shalt  }
0x79: {  	_ =	shalt  }
0x7a: {  	_ =	shalt  }
0x7b: {  	_ =	shalt  }
0x7c: {  	_ =	shalt  }
0x7d: {  	_ =	shalt  }
0x7e: {  	_ =	shalt  }
0x7f: {  	_ =	shalt  }
0x80: {  	_ =	shalt  }
0x81: {  	_ =	shalt  }
0x82: {  	_ =	shalt  }
0x83: {  	_ =	shalt  }
0x84: {  	_ =	shalt  }
0x85: {  	_ =	shalt  }
0x86: {  	_ =	shalt  }
0x87: {  	_ =	shalt  }
.Lfunc_end0:
.L_simem_size_0:
called_computation.2_lowered:
.L_overlay_start_0:
0x88: {  	s2 =	sld [smem:$0x3FD9]  }
0x89: {  	s3 =	sld [smem:$0x3FFE];
	_ =	sdelay $0x1  }
0x8a: {  	s1 =	srdreg.scid  }
0x8b: {  	s0 =	sand.u32 $0x1, s1  }
0x8c: {  	s17 =	sshll.u32 s0, $0xA;
	s2 =	sadd.s32 s3, s2  }
0x8d: {  	s2 =	sadd.s32 s2, s17  }
0x8e: {  	[smem:$0x3FC2] =	sst s2  }
0x8f: {  	_ = 	snop  }
0x90: {  	s2 =	sld [smem:$0x3FD0];
	(tm) =	ssettm $0x1  }
0x91: {  	s18 =	sld [smem:$0x3FFB];
	_ =	sdelay $0x3  }
0x92: {  	_ =	strace s18  }
0x93: {  	s3 =	sld [smem:$0x3FFC];
	_ =	sdelay $0x3  }
0x94: {  	_ =	strace s3  }
0x95: {  	s3 =	sld [smem:$0x3FFD];
	_ =	sdelay $0x3  }
0x96: {  	_ =	strace s3  }
0x97: {  	_ =	strace $0x8FFFFFFF  }
0x98: {  	s19 =	sld [smem:$0x3FDB];
	_ =	sdelay $0x1  }
0x99: {  	s4 =	simm.s32 $_scs_section_size  }
0x9a: {  	s5 =	simm.s32 $_size__tile_overlayer_lowered;
	s6 =	simm.s32 $_tile_overlayer_lowered  }
0x9b: {  	s22 =	simm.s32 $0x1BFF;
	s21 =	sshll.u32 s6, $0x1;
	s3 =	sadd.s32 s4, s19  }
0x9c: {  	s7 =	simm.s32 $0x0;
	s20 =	sshll.u32 s5, $0x1;
	s5 =	sadd.s32 s21, s3  }
0x9d: {  	[timem:s7], [sflag:s22] =	dma.local [hbm:s5], s20  }
0x9e: {  	_ =	swait.ge [sflag:s22], s20  }
0x9f: {  	s4 =	ssub.s32 $0x0, s20;
	[sflag:s22] =	ssyncset.done $0x0  }
0xa0: {  	[sflag:s22] =	ssyncadd.s32 s4;
	_ =	sdelay $0x1  }
0xa1: {  	s23 =	simm.s32 $0x1B8B  }
0xa2: {  	_ =	swait.ge [sflag:s23], $0x1  }
0xa3: {  	[sflag:s23] =	ssyncset.done $0x0  }
0xa4: {  	s25 =	simm.s32 $0x1B8E;
	s24 =	sld [smem:$0x3FFE];
	[sflag:s23] =	ssyncadd.s32 $0xFFFFFFFF  }
0xa5: {  	s26 =	simm.s32 $execute0_lowered;
	[smem:$0x3FD2] =	sst s25  }
0xa6: {  	s5 =	sshll.u32 s26, $0x1;
	_ =	strace $0x8000004C;
	[dreg:$0x1] =	wrdreg $0xFFFFFFFF  }
0xa7: {  	s28 =	simm.s32 $_size_execute0_lowered;
	s3 =	sadd.s32 s3, s5;
	[dreg:$0x0] =	wrdreg $0x0  }
0xa8: {  	s5 =	sshll.u32 s28, $0x1;
	[dreg:$0x2] =	wrdreg s3  }
0xa9: {  	[dreg:$0x3] =	wrdreg s5  }
0xaa: {  	[dreg:$0x4] =	wrdreg $0xC0  }
0xab: {  	_ =	task [dreg:s7], $0x5FFFF  }
0xac: {  	[dreg:$0x1] =	wrdreg $0xFFFFFFFF  }
0xad: {  	[dreg:$0x0] =	wrdreg $0x60  }
0xae: {  	[dreg:$0x2] =	wrdreg s24  }
0xaf: {  	[dreg:$0x3] =	wrdreg s2  }
0xb0: {  	[dreg:$0x4] =	wrdreg $0x88000  }
0xb1: {  	[dreg:$0x5] =	wrdreg $0x9  }
0xb2: {  	_ =	task.clear_ibuf [dreg:s7], $0x6FFFF;
	_ =	strace $0x9000004C  }
0xb3: {  	s29 =	simm.s32 $0x9;
	_ =	strace $0x8000004E  }
0xb4: {  	_ =	swait.ge [sflag:s29], $0x1  }
0xb5: {  	[sflag:s29] =	ssyncadd.s32 $0xFFFFFFFF  }
0xb6: {  	_ =	strace $0x9000004E  }
0xb7: {  	_ =	sfence  }
0xb8: {  	s30 =	sld [smem:$0x0];
	_ =	sdelay $0x2  }
0xb9: {  	s31 =	sshll.u32 s1, $0xD;
	s1 =	sshrl.u32 s1, $0x2  }
0xba: {  	s3 =	sand.u32 $0x4000, s31;
	s1 =	sadd.s32 s1, s30  }
0xbb: {  	s0 =	sor.u32 s3, s0;
	s1 =	sshll.u32 s1, $0x11  }
0xbc: {  	s0 =	sor.u32 s1, s0  }
0xbd: {  	s0 =	sadd.s32 $0x8F2B, s0  }
0xbe: {  	[sflag:s0] =	ssyncadd.remote.s32 $0x1  }
0xbf: {  	_ =	sfence.sel $0xFFFF  }
0xc0: {  	[dreg:$0x0] =	wrdreg $0xFFFFFFFF;
	(pc) =	sbr.abs _section_cstart, $3  }
0xc1: {  	[dreg:$0x1] =	wrdreg $0xFFFFFFFF  }
0xc2: {  	_ =	task.clear_ibuf [dreg:s7], $0x2FFFF;
	_ =	strace $0x9FFFFFFF  }
0xc3: {  	(tm) =	ssettm $0x7FFFFFFF  }
tec
execute0_lowered:
.L_overlay_start_1:
0x0: {  	(tag) =	ssettag $0x1  }
0x1: {  	s0 =	srdreg.scid  }
0x2: {  	s1 =	rddreg [dreg:$0x0];
	s5 =	sand.u32 $0x1, s0  }
0x3: {  	s4 =	rddreg [dreg:$0x1];
	s19 =	stileid.u32;
	s0 =	sshll.u32 s5, $0x4  }
0x4: {  	s2 =	rddreg [dreg:$0x2];
	s7 =	ssub.s32 $0x2, s5;
	s0 =	sor.u32 s19, s0  }
0x5: {  	s3 =	simm.s32 $0x0;
	s25 =	sshrl.u32 s7, $0x1;
	s8 =	smul.u32 $0x2800, s0  }
0x6: {  	[smem:$0x7FF] =	sst s3;
	s0 =	ssub.s32 s7, s25  }
0x7: {  	s6 =	sadd.s32 $0x52E00, s1;
	s0 =	smax.u32 s0, $0x1;
	s7 =	sshrl.u32 s8, $0x3  }
0x8: {  	_ =	strace $0x8000004D;
	[smem:$0x7F3] =	sst s0;
	s8 =	sadd.s32 s6, s7  }
0x9: {  	s26 =	sadd.s32 s4, s7;
	s28 =	sor.u32 $0x8, s7;
	[dreg:$0x14] =	wrdreg s8  }
0xa: {  	s11 =	smul.u32 $0x2800, s19;
	[dreg:$0x15] =	wrdreg s26;
	s9 =	sadd.s32 s6, s28  }
0xb: {  	s30 =	sor.u32 $0x10, s7;
	s8 =	sadd.s32 s4, s28;
	[dreg:$0x16] =	wrdreg s9  }
0xc: {  	s10 =	sor.u32 $0x18, s7;
	s12 =	sadd.s32 s6, s30;
	[dreg:$0x17] =	wrdreg s8  }
0xd: {  	s31 =	sadd.s32 $0x1E00, s1;
	s13 =	sadd.s32 s6, s10;
	[dreg:$0x18] =	wrdreg s12  }
0xe: {  	s15 =	sor.u32 $0x20, s7;
	s14 =	sadd.s32 s4, s10;
	[dreg:$0x1a] =	wrdreg s13  }
0xf: {  	s17 =	sor.u32 $0x28, s7;
	s16 =	sadd.s32 s6, s15;
	[dreg:$0x1b] =	wrdreg s14  }
0x10: {  	s29 =	smul.u32 $0x28000, s5;
	s18 =	sadd.s32 s6, s17;
	[dreg:$0x1c] =	wrdreg s16  }
0x11: {  	s5 =	smul.u32 $0x2800, s5;
	s10 =	sadd.s32 s4, s17;
	[dreg:$0x1e] =	wrdreg s18  }
0x12: {  	s9 =	sadd.s32 s4, s30;
	s8 =	sadd.s32 s11, s29;
	[dreg:$0x1f] =	wrdreg s10  }
0x13: {  	s0 =	simm.s32 $0x0;
	[dreg:$0x19] =	wrdreg s9;
	s11 =	sor.u32 $0x3C0, s8  }
0x14: {  	s9 =	sadd.s32 s4, s15;
	s22 =	sor.u32 $0x380, s8;
	s20 =	sshrl.u32 s11, $0x3  }
0x15: {  	s25 =	sor.u32 $0x340, s8;
	[dreg:$0x1d] =	wrdreg s9;
	s21 =	sadd.s32 s20, s4  }
0x16: {  	s23 =	sshrl.u32 s22, $0x3;
	s9 =	sadd.s32 s20, s6;
	[dreg:$0x4] =	wrdreg s21  }
0x17: {  	s30 =	sor.u32 $0x300, s8;
	s24 =	sadd.s32 s23, s4;
	[dreg:$0x5] =	wrdreg s9  }
0x18: {  	s28 =	sshrl.u32 s25, $0x3;
	s26 =	sadd.s32 s23, s6;
	[dreg:$0x6] =	wrdreg s24  }
0x19: {  	s15 =	sor.u32 $0x2C0, s8;
	s29 =	sadd.s32 s28, s4;
	[dreg:$0x7] =	wrdreg s26  }
0x1a: {  	s13 =	sshrl.u32 s30, $0x3;
	s12 =	sadd.s32 s28, s6;
	[dreg:$0x8] =	wrdreg s29  }
0x1b: {  	s17 =	sshrl.u32 s15, $0x3;
	s14 =	sadd.s32 s13, s4;
	[dreg:$0x9] =	wrdreg s12  }
0x1c: {  	s30 =	smul.u32 $0x280, s19;
	s16 =	sadd.s32 s13, s6;
	[dreg:$0xa] =	wrdreg s14  }
0x1d: {  	s18 =	sadd.s32 s17, s4;
	s20 =	sor.u32 $0x280, s8;
	[dreg:$0xb] =	wrdreg s16  }
0x1e: {  	[dreg:$0xc] =	wrdreg s18;
	s21 =	sadd.s32 s17, s6;
	s22 =	sshrl.u32 s20, $0x3  }
0x1f: {  	s24 =	sor.u32 $0x240, s8;
	s8 =	sor.u32 $0x200, s8;
	s12 =	sor.u32 $0x30, s7  }
0x20: {  	s7 =	sor.u32 $0x38, s7;
	s16 =	sadd.s32 s30, s5;
	s9 =	sadd.s32 $0x80, s30  }
0x21: {  	s10 =	sadd.s32 $0x240, s30;
	[dreg:$0xd] =	wrdreg s21;
	s23 =	sadd.s32 s22, s4  }
0x22: {  	s25 =	sadd.s32 s22, s6;
	s26 =	sshrl.u32 s24, $0x3;
	s8 =	sshrl.u32 s8, $0x3  }
0x23: {  	s13 =	sadd.s32 s6, s12;
	s14 =	sadd.s32 s4, s12;
	[dreg:$0xe] =	wrdreg s23  }
0x24: {  	s15 =	sadd.s32 s6, s7;
	s12 =	sadd.s32 $0x100, s30;
	[dreg:$0xf] =	wrdreg s25  }
0x25: {  	s18 =	sadd.s32 s5, s9;
	s28 =	sadd.s32 s26, s4;
	[smem:$0x7E4] =	sst s13  }
0x26: {  	s29 =	sadd.s32 s26, s6;
	s11 =	sadd.s32 s8, s4;
	[smem:$0x7E5] =	sst s14  }
0x27: {  	s4 =	sadd.s32 s4, s7;
	[smem:$0x7E7] =	sst s15;
	s6 =	sadd.s32 s8, s6  }
0x28: {  	s7 =	sadd.s32 $0x5CE00, s1;
	s8 =	sor.u32 $0x40, s30;
	[dreg:$0x10] =	wrdreg s28  }
0x29: {  	s13 =	sadd.s32 $0x140, s30;
	s14 =	sadd.s32 $0x180, s30;
	[dreg:$0x11] =	wrdreg s29  }
0x2a: {  	s15 =	sadd.s32 $0x1C0, s30;
	s1 =	sadd.s32 $0x29E00, s1;
	[dreg:$0x12] =	wrdreg s11  }
0x2b: {  	[smem:$0x7E6] =	sst s4;
	s4 =	sshll.u32 s16, $0x4;
	s11 =	sadd.s32 $0xC0, s30  }
0x2c: {  	s16 =	sadd.s32 $0x200, s30;
	s17 =	sadd.s32 s5, s8;
	s23 =	sadd.s32 s5, s13  }
0x2d: {  	s24 =	sadd.s32 s5, s14;
	s25 =	sadd.s32 s5, s15;
	[dreg:$0x13] =	wrdreg s6  }
0x2e: {  	s30 =	smul.u32 $0x50000, s19;
	[smem:$0x7F2] =	sst s1;
	s19 =	sshll.u32 s9, $0x7  }
0x2f: {  	s4 =	sadd.s32 s7, s4;
	s17 =	sshll.u32 s17, $0x4;
	s20 =	sadd.s32 s5, s11  }
0x30: {  	s28 =	sshll.u32 s25, $0x4;
	s29 =	sadd.s32 s5, s16;
	s25 =	sshll.u32 s13, $0x7  }
0x31: {  	[smem:$0x7E8] =	sst s4;
	s4 =	sadd.s32 s7, s17;
	s17 =	sshll.u32 s20, $0x4  }
0x32: {  	s20 =	sshll.u32 s11, $0x7;
	s25 =	sadd.s32 s25, s2;
	s11 =	simm.s32 $0x80  }
0x33: {  	[smem:$0x7E9] =	sst s4;
	s4 =	sshll.u32 s18, $0x4;
	s18 =	sadd.s32 s5, s12  }
0x34: {  	s21 =	sadd.s32 s7, s17;
	s17 =	sshll.u32 s24, $0x4;
	[smem:$0x7F9] =	sst s25  }
0x35: {  	s5 =	sadd.s32 s5, s10;
	s24 =	sadd.s32 s20, s2;
	[smem:$0x7EB] =	sst s21  }
0x36: {  	s4 =	sadd.s32 s7, s4;
	s22 =	sshll.u32 s18, $0x4;
	[smem:$0x7F7] =	sst s24  }
0x37: {  	s26 =	sadd.s32 s7, s17;
	s5 =	sshll.u32 s5, $0x4;
	[smem:$0x7EA] =	sst s4  }
0x38: {  	s18 =	sshll.u32 s8, $0x7;
	s4 =	sadd.s32 s7, s22;
	[smem:$0x7EE] =	sst s26  }
0x39: {  	s21 =	sadd.s32 s18, s2;
	s22 =	sshll.u32 s12, $0x7;
	[smem:$0x7EC] =	sst s4  }
0x3a: {  	s4 =	sshll.u32 s23, $0x4;
	s23 =	sadd.s32 s19, s2;
	[smem:$0x7F5] =	sst s21  }
0x3b: {  	s26 =	sshll.u32 s14, $0x7;
	s13 =	sadd.s32 s22, s2;
	[smem:$0x7F6] =	sst s23  }
0x3c: {  	s17 =	sshrl.u32 s30, $0x2;
	s26 =	sadd.s32 s26, s2;
	[smem:$0x7F8] =	sst s13  }
0x3d: {  	s30 =	sshll.u32 s10, $0x7;
	s4 =	sadd.s32 s7, s4;
	[smem:$0x7FA] =	sst s26  }
0x3e: {  	[smem:$0x7ED] =	sst s4;
	s4 =	sadd.s32 s7, s28;
	s28 =	sshll.u32 s15, $0x7  }
0x3f: {  	[smem:$0x7EF] =	sst s4;
	s4 =	sshll.u32 s29, $0x4;
	s6 =	sadd.s32 s28, s2  }
0x40: {  	s19 =	simm.s32 $0x100;
	s4 =	sadd.s32 s7, s4;
	[smem:$0x7FB] =	sst s6  }
0x41: {  	s29 =	sshll.u32 s16, $0x7;
	s7 =	sadd.s32 s7, s5;
	[smem:$0x7F0] =	sst s4  }
0x42: {  	s22 =	simm.s32 $0x180;
	s8 =	sadd.s32 s29, s2;
	[smem:$0x7F1] =	sst s7  }
0x43: {  	s15 =	simm.s32 $0x19;
	s5 =	sadd.s32 s30, s2;
	[smem:$0x7FC] =	sst s8  }
0x44: {  	s16 =	simm.s32 $0x3;
	s7 =	sadd.s32 s17, s2;
	[smem:$0x7FD] =	sst s5  }
0x45: {  	s4 =	simm.s32 $0x40;
	s17 =	simm.s32 $0x4;
	[smem:$0x7F4] =	sst s7  }
.LBB2_1:
0x46: {  	[smem:$0x7E3] =	sst s0  }
0x47: {  	s1 =	rddreg [dreg:$0x14]  }
0x48: {  	s18 =	rddreg [dreg:$0x15]  }
0x49: {  	[tilespmem:s3], [sflag:$0x1] =	stream.linear.gather [hbm4b:s1+s3], $0x40, $0x38;
	[tilespmem:$0x1C800] =	vst v63  }
0x4a: {  	s2 =	simm.s32 $0x400;
	s20 =	rddreg [dreg:$0x16]  }
0x4b: {  	[tilespmem:s2], [sflag:$0x9] =	stream.linear.gather [hbm4b:s18+s3], $0x40, $0x38;
	[tilespmem:$0x1C800] =	vst v63  }
0x4c: {  	s28 =	rddreg [dreg:$0x17]  }
0x4d: {  	[tilespmem:s11], [sflag:$0x2] =	stream.linear.gather [hbm4b:s20+s3], $0x40, $0x38;
	[tilespmem:$0x1C800] =	vst v63  }
0x4e: {  	s12 =	simm.s32 $0x480;
	s29 =	rddreg [dreg:$0x18]  }
0x4f: {  	[tilespmem:s12], [sflag:$0xA] =	stream.linear.gather [hbm4b:s28+s3], $0x40, $0x38;
	[tilespmem:$0x1C800] =	vst v63  }
0x50: {  	s30 =	rddreg [dreg:$0x19]  }
0x51: {  	[tilespmem:s19], [sflag:$0x3] =	stream.linear.gather [hbm4b:s29+s3], $0x40, $0x38;
	[tilespmem:$0x1C800] =	vst v63  }
0x52: {  	s0 =	rddreg [dreg:$0x1a];
	s20 =	simm.s32 $0x500  }
0x53: {  	[tilespmem:s20], [sflag:$0xB] =	stream.linear.gather [hbm4b:s30+s3], $0x40, $0x38;
	[tilespmem:$0x1C800] =	vst v63  }
0x54: {  	s9 =	rddreg [dreg:$0x1b]  }
0x55: {  	[tilespmem:s22], [sflag:$0x4] =	stream.linear.gather [hbm4b:s0+s3], $0x40, $0x38;
	[tilespmem:$0x1C800] =	vst v63  }
0x56: {  	s10 =	rddreg [dreg:$0x1c];
	s30 =	simm.s32 $0x580  }
0x57: {  	[tilespmem:s30], [sflag:$0xC] =	stream.linear.gather [hbm4b:s9+s3], $0x40, $0x38;
	[tilespmem:$0x1C800] =	vst v63  }
0x58: {  	s14 =	simm.s32 $0x200;
	s18 =	rddreg [dreg:$0x1d]  }
0x59: {  	[tilespmem:s14], [sflag:$0x5] =	stream.linear.gather [hbm4b:s10+s3], $0x40, $0x38;
	[tilespmem:$0x1C800] =	vst v63  }
0x5a: {  	s28 =	simm.s32 $0x600;
	s0 =	rddreg [dreg:$0x1e]  }
0x5b: {  	[tilespmem:s28], [sflag:$0xD] =	stream.linear.gather [hbm4b:s18+s3], $0x40, $0x38;
	[tilespmem:$0x1C800] =	vst v63  }
0x5c: {  	s9 =	simm.s32 $0x280;
	s10 =	rddreg [dreg:$0x1f]  }
0x5d: {  	[tilespmem:s9], [sflag:$0x6] =	stream.linear.gather [hbm4b:s0+s3], $0x40, $0x38;
	[tilespmem:$0x1C800] =	vst v63  }
0x5e: {  	s14 =	simm.s32 $0x680;
	s18 =	sld [smem:$0x7E4]  }
0x5f: {  	[tilespmem:s14], [sflag:$0xE] =	stream.linear.gather [hbm4b:s10+s3], $0x40, $0x38;
	[tilespmem:$0x1C800] =	vst v63  }
0x60: {  	s28 =	simm.s32 $0x300;
	s0 =	sld [smem:$0x7E5]  }
0x61: {  	[tilespmem:s28], [sflag:$0x7] =	stream.linear.gather [hbm4b:s18+s3], $0x40, $0x38;
	[tilespmem:$0x1C800] =	vst v63  }
0x62: {  	s9 =	simm.s32 $0x700;
	s10 =	sld [smem:$0x7E7]  }
0x63: {  	[tilespmem:s9], [sflag:$0xF] =	stream.linear.gather [hbm4b:s0+s3], $0x40, $0x38;
	[tilespmem:$0x1C800] =	vst v63  }
0x64: {  	s14 =	simm.s32 $0x380;
	s18 =	sld [smem:$0x7E6]  }
0x65: {  	[tilespmem:s14], [sflag:$0x8] =	stream.linear.gather [hbm4b:s10+s3], $0x40, $0x38;
	[tilespmem:$0x1C800] =	vst v63  }
0x66: {  	s28 =	simm.s32 $0x780;
	s0 =	sld [smem:$0x7F2]  }
0x67: {  	[tilespmem:s28], [sflag:$0x10] =	stream.linear.gather [hbm4b:s18+s3], $0x40, $0x38;
	[tilespmem:$0x1C800] =	vst v63  }
0x68: {  	s14 =	simm.s32 $0x800  }
0x69: {  	[tilespmem:s14], [sflag:$0x19] =	stream.linear.gather [hbm4b:s0+s3], $0x2000, $0x38;
	[tilespmem:$0x1C800] =	vst v63  }
0x6a: {  	_ =	swait.ge [sflag:s15], $0x2000  }
0x6b: {  	[sflag:s15] =	ssyncset.done $0x0  }
0x6c: {  	[sflag:s15] =	ssyncadd.s32 $0xFFFFE000  }
0x6d: {  	[spmem:s7] =	stream.linear.scatter [tilespmem:s14], [sflag:$0x19], $0x2000, $0x38;
	[tilespmem:$0x1C800] =	vst v63  }
0x6e: {  	_ =	swait.ge [sflag:s15], $0x2000  }
0x6f: {  	[sflag:s15] =	ssyncset.done $0x0  }
0x70: {  	[sflag:s15] =	ssyncadd.s32 $0xFFFFE000  }
0x71: {  	[spmem:s21] =	stream.linear.scatter [tilespmem:s14], [sflag:$0x19], $0x2000, $0x38;
	[tilespmem:$0x1C800] =	vst v63  }
0x72: {  	_ =	swait.ge [sflag:s15], $0x2000  }
0x73: {  	[sflag:s15] =	ssyncset.done $0x0  }
0x74: {  	[sflag:s15] =	ssyncadd.s32 $0xFFFFE000  }
0x75: {  	[spmem:s23] =	stream.linear.scatter [tilespmem:s14], [sflag:$0x19], $0x2000, $0x38;
	[tilespmem:$0x1C800] =	vst v63  }
0x76: {  	_ =	swait.ge [sflag:s15], $0x2000  }
0x77: {  	[sflag:s15] =	ssyncset.done $0x0  }
0x78: {  	[sflag:s15] =	ssyncadd.s32 $0xFFFFE000  }
0x79: {  	[spmem:s24] =	stream.linear.scatter [tilespmem:s14], [sflag:$0x19], $0x2000, $0x38;
	[tilespmem:$0x1C800] =	vst v63  }
0x7a: {  	_ =	swait.ge [sflag:s15], $0x2000  }
0x7b: {  	[sflag:s15] =	ssyncset.done $0x0  }
0x7c: {  	[sflag:s15] =	ssyncadd.s32 $0xFFFFE000  }
0x7d: {  	[spmem:s13] =	stream.linear.scatter [tilespmem:s14], [sflag:$0x19], $0x2000, $0x38;
	[tilespmem:$0x1C800] =	vst v63  }
0x7e: {  	_ =	swait.ge [sflag:s15], $0x2000  }
0x7f: {  	[sflag:s15] =	ssyncset.done $0x0  }
0x80: {  	[sflag:s15] =	ssyncadd.s32 $0xFFFFE000  }
0x81: {  	[spmem:s25] =	stream.linear.scatter [tilespmem:s14], [sflag:$0x19], $0x2000, $0x38;
	[tilespmem:$0x1C800] =	vst v63  }
0x82: {  	_ =	swait.ge [sflag:s15], $0x2000  }
0x83: {  	[sflag:s15] =	ssyncset.done $0x0  }
0x84: {  	[sflag:s15] =	ssyncadd.s32 $0xFFFFE000  }
0x85: {  	[spmem:s26] =	stream.linear.scatter [tilespmem:s14], [sflag:$0x19], $0x2000, $0x38;
	[tilespmem:$0x1C800] =	vst v63  }
0x86: {  	_ =	swait.ge [sflag:s15], $0x2000  }
0x87: {  	[sflag:s15] =	ssyncset.done $0x0  }
0x88: {  	[sflag:s15] =	ssyncadd.s32 $0xFFFFE000  }
0x89: {  	[spmem:s6] =	stream.linear.scatter [tilespmem:s14], [sflag:$0x19], $0x2000, $0x38;
	[tilespmem:$0x1C800] =	vst v63  }
0x8a: {  	_ =	swait.ge [sflag:s15], $0x2000  }
0x8b: {  	[sflag:s15] =	ssyncset.done $0x0  }
0x8c: {  	[sflag:s15] =	ssyncadd.s32 $0xFFFFE000  }
0x8d: {  	[spmem:s8] =	stream.linear.scatter [tilespmem:s14], [sflag:$0x19], $0x2000, $0x38;
	[tilespmem:$0x1C800] =	vst v63  }
0x8e: {  	_ =	swait.ge [sflag:s15], $0x2000  }
0x8f: {  	[sflag:s15] =	ssyncset.done $0x0  }
0x90: {  	[sflag:s15] =	ssyncadd.s32 $0xFFFFE000  }
0x91: {  	[spmem:s5] =	stream.linear.scatter [tilespmem:s14], [sflag:$0x19], $0x2000, $0x38;
	[tilespmem:$0x1C800] =	vst v63  }
0x92: {  	_ =	swait.ge [sflag:s15], $0x2000  }
0x93: {  	[sflag:s15] =	ssyncset.done $0x0  }
0x94: {  	s6 =	simm.s32 $0x1;
	[sflag:s15] =	ssyncadd.s32 $0xFFFFE000  }
0x95: {  	_ =	swait.ge [sflag:s6], $0x40  }
0x96: {  	[sflag:s6] =	ssyncset.done $0x0  }
0x97: {  	s7 =	simm.s32 $0x9;
	[sflag:s6] =	ssyncadd.s32 $0xFFFFFFC0  }
0x98: {  	_ =	swait.ge [sflag:s7], $0x40  }
0x99: {  	[sflag:s7] =	ssyncset.done $0x0  }
0x9a: {  	s8 =	simm.s32 $0x2;
	[sflag:s7] =	ssyncadd.s32 $0xFFFFFFC0  }
0x9b: {  	[tilespmem:s14], [sflag:$0x11] =	stream.indirect.gather [hbm4b:s31+s4], $0x80, s3, s4, $0xb8;
	[tilespmem:$0x1C800] =	vst v63  }
0x9c: {  	_ =	swait.ge [sflag:s8], $0x40  }
0x9d: {  	[sflag:s8] =	ssyncset.done $0x0  }
0x9e: {  	s10 =	simm.s32 $0xA;
	[sflag:s8] =	ssyncadd.s32 $0xFFFFFFC0  }
0x9f: {  	_ =	swait.ge [sflag:s10], $0x40  }
0xa0: {  	[sflag:s10] =	ssyncset.done $0x0  }
0xa1: {  	s23 =	simm.s32 $0x2800;
	[sflag:s10] =	ssyncadd.s32 $0xFFFFFFC0  }
0xa2: {  	[tilespmem:s23], [sflag:$0x12] =	stream.indirect.gather [hbm4b:s31+s4], $0x80, s11, s4, $0xb8;
	[tilespmem:$0x1C800] =	vst v63  }
0xa3: {  	_ =	swait.ge [sflag:s16], $0x40  }
0xa4: {  	[sflag:s16] =	ssyncset.done $0x0  }
0xa5: {  	s13 =	simm.s32 $0xB;
	[sflag:s16] =	ssyncadd.s32 $0xFFFFFFC0  }
0xa6: {  	_ =	swait.ge [sflag:s13], $0x40  }
0xa7: {  	[sflag:s13] =	ssyncset.done $0x0  }
0xa8: {  	s25 =	simm.s32 $0x4800;
	[sflag:s13] =	ssyncadd.s32 $0xFFFFFFC0  }
0xa9: {  	[tilespmem:s25], [sflag:$0x13] =	stream.indirect.gather [hbm4b:s31+s4], $0x80, s19, s4, $0xb8;
	[tilespmem:$0x1C800] =	vst v63  }
0xaa: {  	_ =	swait.ge [sflag:s17], $0x40  }
0xab: {  	[sflag:s17] =	ssyncset.done $0x0  }
0xac: {  	s15 =	simm.s32 $0xC;
	[sflag:s17] =	ssyncadd.s32 $0xFFFFFFC0  }
0xad: {  	_ =	swait.ge [sflag:s15], $0x40  }
0xae: {  	[sflag:s15] =	ssyncset.done $0x0  }
0xaf: {  	s26 =	simm.s32 $0x6800;
	[sflag:s15] =	ssyncadd.s32 $0xFFFFFFC0  }
0xb0: {  	[tilespmem:s26], [sflag:$0x14] =	stream.indirect.gather [hbm4b:s31+s4], $0x80, s22, s4, $0xb8;
	[tilespmem:$0x1C800] =	vst v63  }
0xb1: {  	s18 =	simm.s32 $0x11;
	[bflag:$0x0] =	sbarrier.arrive $0xFFFF  }
0xb2: {  	_ =	swait.ge [sflag:s18], $0x2000  }
0xb3: {  	[sflag:s18] =	ssyncset.done $0x0  }
0xb4: {  	[sflag:s18] =	ssyncadd.s32 $0xFFFFE000  }
0xb5: {  	s0 =	simm.s32 $0x12;
	s9 =	rddreg [dreg:$0x2]  }
0xb6: {  	[spmem:s9] =	stream.indirect.scatter.add.f32 [tilespmem:s14], [sflag:$0x15], $0x80, s2, s4, $0xb8;
	[tilespmem:$0x1C800] =	vst v63  }
0xb7: {  	_ =	swait.ge [sflag:s0], $0x2000  }
0xb8: {  	[sflag:s0] =	ssyncset.done $0x0  }
0xb9: {  	s21 =	simm.s32 $0x13;
	[sflag:s0] =	ssyncadd.s32 $0xFFFFE000  }
0xba: {  	[spmem:s9] =	stream.indirect.scatter.add.f32 [tilespmem:s23], [sflag:$0x16], $0x80, s12, s4, $0xb8;
	[tilespmem:$0x1C800] =	vst v63  }
0xbb: {  	_ =	swait.ge [sflag:s21], $0x2000  }
0xbc: {  	[sflag:s21] =	ssyncset.done $0x0  }
0xbd: {  	s24 =	simm.s32 $0x14;
	[sflag:s21] =	ssyncadd.s32 $0xFFFFE000  }
0xbe: {  	[spmem:s9] =	stream.indirect.scatter.add.f32 [tilespmem:s25], [sflag:$0x17], $0x80, s20, s4, $0xb8;
	[tilespmem:$0x1C800] =	vst v63  }
0xbf: {  	_ =	swait.ge [sflag:s24], $0x2000  }
0xc0: {  	[sflag:s24] =	ssyncset.done $0x0  }
0xc1: {  	s28 =	simm.s32 $0x15;
	[sflag:s24] =	ssyncadd.s32 $0xFFFFE000  }
0xc2: {  	[spmem:s9] =	stream.indirect.scatter.add.f32 [tilespmem:s26], [sflag:$0x18], $0x80, s30, s4, $0xb8;
	[tilespmem:$0x1C800] =	vst v63  }
0xc3: {  	_ =	swait.ge [sflag:s28], $0x2000  }
0xc4: {  	[sflag:s28] =	ssyncset.done $0x0  }
0xc5: {  	s5 =	simm.s32 $0x5;
	[sflag:s28] =	ssyncadd.s32 $0xFFFFE000  }
0xc6: {  	_ =	swait.ge [sflag:s5], $0x40  }
0xc7: {  	[sflag:s5] =	ssyncset.done $0x0  }
0xc8: {  	[sflag:s5] =	ssyncadd.s32 $0xFFFFFFC0;
	s5 =	simm.s32 $0xD  }
0xc9: {  	_ =	swait.ge [sflag:s5], $0x40  }
0xca: {  	[sflag:s5] =	ssyncset.done $0x0  }
0xcb: {  	s29 =	simm.s32 $0x200;
	s1 =	rddreg [dreg:$0x13];
	[sflag:s5] =	ssyncadd.s32 $0xFFFFFFC0  }
0xcc: {  	[tilespmem:s14], [sflag:$0x11] =	stream.indirect.gather [hbm4b:s31+s4], $0x80, s29, s4, $0xb8;
	[tilespmem:$0x1C800] =	vst v63  }
0xcd: {  	s5 =	rddreg [dreg:$0x12];
	s1 =	sadd.s32 $0x0, s1  }
0xce: {  	[tilespmem:s3], [sflag:$0x1] =	stream.linear.gather [hbm4b:s1+s3], $0x40, $0x38;
	[tilespmem:$0x1C800] =	vst v63  }
0xcf: {  	s29 =	sadd.s32 $0x0, s5  }
0xd0: {  	[tilespmem:s2], [sflag:$0x9] =	stream.linear.gather [hbm4b:s29+s3], $0x40, $0x38;
	[tilespmem:$0x1C800] =	vst v63  }
0xd1: {  	s2 =	simm.s32 $0x16  }
0xd2: {  	_ =	swait.ge [sflag:s2], $0x2000  }
0xd3: {  	[sflag:s2] =	ssyncset.done $0x0  }
0xd4: {  	s5 =	simm.s32 $0x6;
	[sflag:s2] =	ssyncadd.s32 $0xFFFFE000  }
0xd5: {  	_ =	swait.ge [sflag:s5], $0x40  }
0xd6: {  	[sflag:s5] =	ssyncset.done $0x0  }
0xd7: {  	s29 =	simm.s32 $0xE;
	[sflag:s5] =	ssyncadd.s32 $0xFFFFFFC0  }
0xd8: {  	_ =	swait.ge [sflag:s29], $0x40  }
0xd9: {  	[sflag:s29] =	ssyncset.done $0x0  }
0xda: {  	s1 =	rddreg [dreg:$0x11];
	[sflag:s29] =	ssyncadd.s32 $0xFFFFFFC0;
	s29 =	simm.s32 $0x280  }
0xdb: {  	[tilespmem:s23], [sflag:$0x12] =	stream.indirect.gather [hbm4b:s31+s4], $0x80, s29, s4, $0xb8;
	[tilespmem:$0x1C800] =	vst v63  }
0xdc: {  	s5 =	rddreg [dreg:$0x10];
	s1 =	sadd.s32 $0x0, s1  }
0xdd: {  	[tilespmem:s11], [sflag:$0x2] =	stream.linear.gather [hbm4b:s1+s3], $0x40, $0x38;
	[tilespmem:$0x1C800] =	vst v63  }
0xde: {  	s29 =	sadd.s32 $0x0, s5  }
0xdf: {  	[tilespmem:s12], [sflag:$0xA] =	stream.linear.gather [hbm4b:s29+s3], $0x40, $0x38;
	[tilespmem:$0x1C800] =	vst v63  }
0xe0: {  	s12 =	simm.s32 $0x17  }
0xe1: {  	_ =	swait.ge [sflag:s12], $0x2000  }
0xe2: {  	[sflag:s12] =	ssyncset.done $0x0  }
0xe3: {  	s5 =	simm.s32 $0x7;
	[sflag:s12] =	ssyncadd.s32 $0xFFFFE000  }
0xe4: {  	_ =	swait.ge [sflag:s5], $0x40  }
0xe5: {  	[sflag:s5] =	ssyncset.done $0x0  }
0xe6: {  	s29 =	simm.s32 $0xF;
	[sflag:s5] =	ssyncadd.s32 $0xFFFFFFC0  }
0xe7: {  	_ =	swait.ge [sflag:s29], $0x40  }
0xe8: {  	[sflag:s29] =	ssyncset.done $0x0  }
0xe9: {  	s1 =	rddreg [dreg:$0xf];
	[sflag:s29] =	ssyncadd.s32 $0xFFFFFFC0;
	s29 =	simm.s32 $0x300  }
0xea: {  	[tilespmem:s25], [sflag:$0x13] =	stream.indirect.gather [hbm4b:s31+s4], $0x80, s29, s4, $0xb8;
	[tilespmem:$0x1C800] =	vst v63  }
0xeb: {  	s5 =	rddreg [dreg:$0xe];
	s1 =	sadd.s32 $0x0, s1  }
0xec: {  	[tilespmem:s19], [sflag:$0x3] =	stream.linear.gather [hbm4b:s1+s3], $0x40, $0x38;
	[tilespmem:$0x1C800] =	vst v63  }
0xed: {  	s29 =	sadd.s32 $0x0, s5  }
0xee: {  	[tilespmem:s20], [sflag:$0xB] =	stream.linear.gather [hbm4b:s29+s3], $0x40, $0x38;
	[tilespmem:$0x1C800] =	vst v63  }
0xef: {  	s20 =	simm.s32 $0x18  }
0xf0: {  	_ =	swait.ge [sflag:s20], $0x2000  }
0xf1: {  	[sflag:s20] =	ssyncset.done $0x0  }
0xf2: {  	s5 =	simm.s32 $0x8;
	[sflag:s20] =	ssyncadd.s32 $0xFFFFE000  }
0xf3: {  	_ =	swait.ge [sflag:s5], $0x40  }
0xf4: {  	[sflag:s5] =	ssyncset.done $0x0  }
0xf5: {  	s29 =	simm.s32 $0x10;
	[sflag:s5] =	ssyncadd.s32 $0xFFFFFFC0  }
0xf6: {  	_ =	swait.ge [sflag:s29], $0x40  }
0xf7: {  	[sflag:s29] =	ssyncset.done $0x0  }
0xf8: {  	s1 =	rddreg [dreg:$0xd];
	[sflag:s29] =	ssyncadd.s32 $0xFFFFFFC0;
	s29 =	simm.s32 $0x380  }
0xf9: {  	[tilespmem:s26], [sflag:$0x14] =	stream.indirect.gather [hbm4b:s31+s4], $0x80, s29, s4, $0xb8;
	[tilespmem:$0x1C800] =	vst v63  }
0xfa: {  	s5 =	rddreg [dreg:$0xc];
	s1 =	sadd.s32 $0x0, s1  }
0xfb: {  	[tilespmem:s22], [sflag:$0x4] =	stream.linear.gather [hbm4b:s1+s3], $0x40, $0x38;
	[tilespmem:$0x1C800] =	vst v63  }
0xfc: {  	s5 =	sadd.s32 $0x0, s5  }
0xfd: {  	[tilespmem:s30], [sflag:$0xC] =	stream.linear.gather [hbm4b:s5+s3], $0x40, $0x38;
	[tilespmem:$0x1C800] =	vst v63  }
0xfe: {  	_ =	swait.ge [sflag:s18], $0x2000  }
0xff: {  	[sflag:s18] =	ssyncset.done $0x0  }
0x100: {  	s30 =	simm.s32 $0x600;
	[sflag:s18] =	ssyncadd.s32 $0xFFFFE000  }
0x101: {  	[spmem:s9] =	stream.indirect.scatter.add.f32 [tilespmem:s14], [sflag:$0x15], $0x80, s30, s4, $0xb8;
	[tilespmem:$0x1C800] =	vst v63  }
0x102: {  	_ =	swait.ge [sflag:s0], $0x2000  }
0x103: {  	[sflag:s0] =	ssyncset.done $0x0  }
0x104: {  	s18 =	simm.s32 $0x680;
	[sflag:s0] =	ssyncadd.s32 $0xFFFFE000  }
0x105: {  	[spmem:s9] =	stream.indirect.scatter.add.f32 [tilespmem:s23], [sflag:$0x16], $0x80, s18, s4, $0xb8;
	[tilespmem:$0x1C800] =	vst v63  }
0x106: {  	_ =	swait.ge [sflag:s21], $0x2000  }
0x107: {  	[sflag:s21] =	ssyncset.done $0x0  }
0x108: {  	s0 =	simm.s32 $0x700;
	[sflag:s21] =	ssyncadd.s32 $0xFFFFE000  }
0x109: {  	[spmem:s9] =	stream.indirect.scatter.add.f32 [tilespmem:s25], [sflag:$0x17], $0x80, s0, s4, $0xb8;
	[tilespmem:$0x1C800] =	vst v63  }
0x10a: {  	_ =	swait.ge [sflag:s24], $0x2000  }
0x10b: {  	[sflag:s24] =	ssyncset.done $0x0  }
0x10c: {  	s5 =	simm.s32 $0x780;
	[sflag:s24] =	ssyncadd.s32 $0xFFFFE000  }
0x10d: {  	[spmem:s9] =	stream.indirect.scatter.add.f32 [tilespmem:s26], [sflag:$0x18], $0x80, s5, s4, $0xb8;
	[tilespmem:$0x1C800] =	vst v63  }
0x10e: {  	_ =	swait.ge [sflag:s28], $0x2000  }
0x10f: {  	[sflag:s28] =	ssyncset.done $0x0  }
0x110: {  	[sflag:s28] =	ssyncadd.s32 $0xFFFFE000  }
0x111: {  	_ =	swait.ge [sflag:s6], $0x40  }
0x112: {  	[sflag:s6] =	ssyncset.done $0x0  }
0x113: {  	[sflag:s6] =	ssyncadd.s32 $0xFFFFFFC0  }
0x114: {  	_ =	swait.ge [sflag:s7], $0x40  }
0x115: {  	[sflag:s7] =	ssyncset.done $0x0  }
0x116: {  	s21 =	rddreg [dreg:$0xb];
	[sflag:s7] =	ssyncadd.s32 $0xFFFFFFC0  }
0x117: {  	[tilespmem:s14], [sflag:$0x11] =	stream.indirect.gather [hbm4b:s31+s4], $0x80, s3, s4, $0xb8;
	[tilespmem:$0x1C800] =	vst v63  }
0x118: {  	s28 =	simm.s32 $0x200;
	s24 =	rddreg [dreg:$0xa];
	s1 =	sadd.s32 $0x0, s21  }
0x119: {  	[tilespmem:s28], [sflag:$0x5] =	stream.linear.gather [hbm4b:s1+s3], $0x40, $0x38;
	[tilespmem:$0x1C800] =	vst v63  }
0x11a: {  	s7 =	sadd.s32 $0x0, s24  }
0x11b: {  	[tilespmem:s30], [sflag:$0xD] =	stream.linear.gather [hbm4b:s7+s3], $0x40, $0x38;
	[tilespmem:$0x1C800] =	vst v63  }
0x11c: {  	_ =	swait.ge [sflag:s2], $0x2000  }
0x11d: {  	[sflag:s2] =	ssyncset.done $0x0  }
0x11e: {  	[sflag:s2] =	ssyncadd.s32 $0xFFFFE000  }
0x11f: {  	_ =	swait.ge [sflag:s8], $0x40  }
0x120: {  	[sflag:s8] =	ssyncset.done $0x0  }
0x121: {  	[sflag:s8] =	ssyncadd.s32 $0xFFFFFFC0  }
0x122: {  	_ =	swait.ge [sflag:s10], $0x40  }
0x123: {  	[sflag:s10] =	ssyncset.done $0x0  }
0x124: {  	s9 =	rddreg [dreg:$0x9];
	[sflag:s10] =	ssyncadd.s32 $0xFFFFFFC0  }
0x125: {  	[tilespmem:s23], [sflag:$0x12] =	stream.indirect.gather [hbm4b:s31+s4], $0x80, s11, s4, $0xb8;
	[tilespmem:$0x1C800] =	vst v63  }
0x126: {  	s10 =	rddreg [dreg:$0x8];
	s1 =	sadd.s32 $0x0, s9;
	s11 =	simm.s32 $0x280  }
0x127: {  	[tilespmem:s11], [sflag:$0x6] =	stream.linear.gather [hbm4b:s1+s3], $0x40, $0x38;
	[tilespmem:$0x1C800] =	vst v63  }
0x128: {  	s14 =	sadd.s32 $0x0, s10  }
0x129: {  	[tilespmem:s18], [sflag:$0xE] =	stream.linear.gather [hbm4b:s14+s3], $0x40, $0x38;
	[tilespmem:$0x1C800] =	vst v63  }
0x12a: {  	_ =	swait.ge [sflag:s12], $0x2000  }
0x12b: {  	[sflag:s12] =	ssyncset.done $0x0  }
0x12c: {  	[sflag:s12] =	ssyncadd.s32 $0xFFFFE000  }
0x12d: {  	_ =	swait.ge [sflag:s16], $0x40  }
0x12e: {  	[sflag:s16] =	ssyncset.done $0x0  }
0x12f: {  	[sflag:s16] =	ssyncadd.s32 $0xFFFFFFC0  }
0x130: {  	_ =	swait.ge [sflag:s13], $0x40  }
0x131: {  	[sflag:s13] =	ssyncset.done $0x0  }
0x132: {  	s21 =	rddreg [dreg:$0x7];
	[sflag:s13] =	ssyncadd.s32 $0xFFFFFFC0  }
0x133: {  	[tilespmem:s25], [sflag:$0x13] =	stream.indirect.gather [hbm4b:s31+s4], $0x80, s19, s4, $0xb8;
	[tilespmem:$0x1C800] =	vst v63  }
0x134: {  	s24 =	simm.s32 $0x300;
	s23 =	rddreg [dreg:$0x6];
	s1 =	sadd.s32 $0x0, s21  }
0x135: {  	[tilespmem:s24], [sflag:$0x7] =	stream.linear.gather [hbm4b:s1+s3], $0x40, $0x38;
	[tilespmem:$0x1C800] =	vst v63  }
0x136: {  	s25 =	sadd.s32 $0x0, s23  }
0x137: {  	[tilespmem:s0], [sflag:$0xF] =	stream.linear.gather [hbm4b:s25+s3], $0x40, $0x38;
	[tilespmem:$0x1C800] =	vst v63  }
0x138: {  	_ =	swait.ge [sflag:s20], $0x2000  }
0x139: {  	[sflag:s20] =	ssyncset.done $0x0  }
0x13a: {  	[sflag:s20] =	ssyncadd.s32 $0xFFFFE000  }
0x13b: {  	_ =	swait.ge [sflag:s17], $0x40  }
0x13c: {  	[sflag:s17] =	ssyncset.done $0x0  }
0x13d: {  	[sflag:s17] =	ssyncadd.s32 $0xFFFFFFC0  }
0x13e: {  	_ =	swait.ge [sflag:s15], $0x40  }
0x13f: {  	[sflag:s15] =	ssyncset.done $0x0  }
0x140: {  	s28 =	rddreg [dreg:$0x5];
	[sflag:s15] =	ssyncadd.s32 $0xFFFFFFC0  }
0x141: {  	[tilespmem:s26], [sflag:$0x14] =	stream.indirect.gather [hbm4b:s31+s4], $0x80, s22, s4, $0xb8;
	[tilespmem:$0x1C800] =	vst v63  }
0x142: {  	s30 =	rddreg [dreg:$0x4];
	s1 =	sadd.s32 $0x0, s28  }
0x143: {  	[tilespmem:s29], [sflag:$0x8] =	stream.linear.gather [hbm4b:s1+s3], $0x40, $0x38;
	[tilespmem:$0x1C800] =	vst v63  }
0x144: {  	s5 =	sadd.s32 $0x0, s30;
	s1 =	simm.s32 $0x40  }
.LBB2_2:
0x145: {  	s14 =	simm.s32 $0x780;
	s10 =	simm.s32 $0x11  }
0x146: {  	[tilespmem:s14], [sflag:$0x10] =	stream.linear.gather [hbm4b:s5+s3], $0x40, $0x38;
	[tilespmem:$0x1C800] =	vst v63  }
0x147: {  	_ =	swait.ge [sflag:s10], $0x2000  }
0x148: {  	[sflag:s10] =	ssyncset.done $0x0  }
0x149: {  	s11 =	simm.s32 $0x400;
	[sflag:s10] =	ssyncadd.s32 $0xFFFFE000  }
0x14a: {  	s15 =	simm.s32 $0x800;
	s30 =	simm.s32 $0x12;
	s9 =	rddreg [dreg:$0x2]  }
0x14b: {  	[spmem:s9] =	stream.indirect.scatter.add.f32 [tilespmem:s15], [sflag:$0x15], $0x80, s11, s4, $0xb8;
	[tilespmem:$0x1C800] =	vst v63  }
0x14c: {  	_ =	swait.ge [sflag:s30], $0x2000  }
0x14d: {  	s19 =	simm.s32 $0x480;
	[sflag:s30] =	ssyncset.done $0x0  }
0x14e: {  	s16 =	simm.s32 $0x2800;
	s21 =	simm.s32 $0x13;
	[sflag:s30] =	ssyncadd.s32 $0xFFFFE000  }
0x14f: {  	[spmem:s9] =	stream.indirect.scatter.add.f32 [tilespmem:s16], [sflag:$0x16], $0x80, s19, s4, $0xb8;
	[tilespmem:$0x1C800] =	vst v63  }
0x150: {  	_ =	swait.ge [sflag:s21], $0x2000  }
0x151: {  	s22 =	simm.s32 $0x500;
	[sflag:s21] =	ssyncset.done $0x0  }
0x152: {  	s17 =	simm.s32 $0x4800;
	s24 =	simm.s32 $0x14;
	[sflag:s21] =	ssyncadd.s32 $0xFFFFE000  }
0x153: {  	[spmem:s9] =	stream.indirect.scatter.add.f32 [tilespmem:s17], [sflag:$0x17], $0x80, s22, s4, $0xb8;
	[tilespmem:$0x1C800] =	vst v63  }
0x154: {  	_ =	swait.ge [sflag:s24], $0x2000  }
0x155: {  	s25 =	simm.s32 $0x580;
	[sflag:s24] =	ssyncset.done $0x0  }
0x156: {  	s18 =	simm.s32 $0x6800;
	s28 =	simm.s32 $0x15;
	[sflag:s24] =	ssyncadd.s32 $0xFFFFE000  }
0x157: {  	[spmem:s9] =	stream.indirect.scatter.add.f32 [tilespmem:s18], [sflag:$0x18], $0x80, s25, s4, $0xb8;
	[tilespmem:$0x1C800] =	vst v63  }
0x158: {  	_ =	swait.ge [sflag:s28], $0x2000  }
0x159: {  	[sflag:s28] =	ssyncset.done $0x0  }
0x15a: {  	s0 =	simm.s32 $0x5;
	[sflag:s28] =	ssyncadd.s32 $0xFFFFE000  }
0x15b: {  	_ =	swait.ge [sflag:s0], $0x40  }
0x15c: {  	[sflag:s0] =	ssyncset.done $0x0  }
0x15d: {  	s8 =	simm.s32 $0xD;
	[sflag:s0] =	ssyncadd.s32 $0xFFFFFFC0  }
0x15e: {  	_ =	swait.ge [sflag:s8], $0x40  }
0x15f: {  	s26 =	simm.s32 $0x200;
	[sflag:s8] =	ssyncset.done $0x0  }
0x160: {  	s5 =	smov.u32 s1;
	s6 =	rddreg [dreg:$0x13];
	[sflag:s8] =	ssyncadd.s32 $0xFFFFFFC0  }
0x161: {  	[tilespmem:s15], [sflag:$0x11] =	stream.indirect.gather [hbm4b:s31+s4], $0x80, s26, s4, $0xb8;
	[tilespmem:$0x1C800] =	vst v63  }
0x162: {  	s8 =	rddreg [dreg:$0x12];
	s6 =	sadd.s32 s5, s6  }
0x163: {  	[tilespmem:s3], [sflag:$0x1] =	stream.linear.gather [hbm4b:s6+s3], $0x40, $0x38;
	[tilespmem:$0x1C800] =	vst v63  }
0x164: {  	s2 =	simm.s32 $0x16;
	s12 =	sadd.s32 s5, s8  }
0x165: {  	[tilespmem:s11], [sflag:$0x9] =	stream.linear.gather [hbm4b:s12+s3], $0x40, $0x38;
	[tilespmem:$0x1C800] =	vst v63  }
0x166: {  	_ =	swait.ge [sflag:s2], $0x2000  }
0x167: {  	[sflag:s2] =	ssyncset.done $0x0  }
0x168: {  	s13 =	simm.s32 $0x6;
	[sflag:s2] =	ssyncadd.s32 $0xFFFFE000  }
0x169: {  	_ =	swait.ge [sflag:s13], $0x40  }
0x16a: {  	[sflag:s13] =	ssyncset.done $0x0  }
0x16b: {  	s20 =	simm.s32 $0xE;
	[sflag:s13] =	ssyncadd.s32 $0xFFFFFFC0  }
0x16c: {  	_ =	swait.ge [sflag:s20], $0x40  }
0x16d: {  	[sflag:s20] =	ssyncset.done $0x0  }
0x16e: {  	s13 =	simm.s32 $0x280;
	s23 =	rddreg [dreg:$0x11];
	[sflag:s20] =	ssyncadd.s32 $0xFFFFFFC0  }
0x16f: {  	[tilespmem:s16], [sflag:$0x12] =	stream.indirect.gather [hbm4b:s31+s4], $0x80, s13, s4, $0xb8;
	[tilespmem:$0x1C800] =	vst v63  }
0x170: {  	s11 =	simm.s32 $0x80;
	s0 =	rddreg [dreg:$0x10];
	s6 =	sadd.s32 s5, s23  }
0x171: {  	[tilespmem:s11], [sflag:$0x2] =	stream.linear.gather [hbm4b:s6+s3], $0x40, $0x38;
	[tilespmem:$0x1C800] =	vst v63  }
0x172: {  	s12 =	simm.s32 $0x17;
	s7 =	sadd.s32 s5, s0  }
0x173: {  	[tilespmem:s19], [sflag:$0xA] =	stream.linear.gather [hbm4b:s7+s3], $0x40, $0x38;
	[tilespmem:$0x1C800] =	vst v63  }
0x174: {  	_ =	swait.ge [sflag:s12], $0x2000  }
0x175: {  	[sflag:s12] =	ssyncset.done $0x0  }
0x176: {  	s8 =	simm.s32 $0x7;
	[sflag:s12] =	ssyncadd.s32 $0xFFFFE000  }
0x177: {  	_ =	swait.ge [sflag:s8], $0x40  }
0x178: {  	[sflag:s8] =	ssyncset.done $0x0  }
0x179: {  	s20 =	simm.s32 $0xF;
	[sflag:s8] =	ssyncadd.s32 $0xFFFFFFC0  }
0x17a: {  	_ =	swait.ge [sflag:s20], $0x40  }
0x17b: {  	[sflag:s20] =	ssyncset.done $0x0  }
0x17c: {  	s7 =	simm.s32 $0x300;
	s23 =	rddreg [dreg:$0xf];
	[sflag:s20] =	ssyncadd.s32 $0xFFFFFFC0  }
0x17d: {  	[tilespmem:s17], [sflag:$0x13] =	stream.indirect.gather [hbm4b:s31+s4], $0x80, s7, s4, $0xb8;
	[tilespmem:$0x1C800] =	vst v63  }
0x17e: {  	s19 =	simm.s32 $0x100;
	s0 =	rddreg [dreg:$0xe];
	s6 =	sadd.s32 s5, s23  }
0x17f: {  	[tilespmem:s19], [sflag:$0x3] =	stream.linear.gather [hbm4b:s6+s3], $0x40, $0x38;
	[tilespmem:$0x1C800] =	vst v63  }
0x180: {  	s20 =	sadd.s32 s5, s0  }
0x181: {  	[tilespmem:s22], [sflag:$0xB] =	stream.linear.gather [hbm4b:s20+s3], $0x40, $0x38;
	[tilespmem:$0x1C800] =	vst v63  }
0x182: {  	s20 =	simm.s32 $0x18  }
0x183: {  	_ =	swait.ge [sflag:s20], $0x2000  }
0x184: {  	[sflag:s20] =	ssyncset.done $0x0  }
0x185: {  	s23 =	simm.s32 $0x8;
	[sflag:s20] =	ssyncadd.s32 $0xFFFFE000  }
0x186: {  	_ =	swait.ge [sflag:s23], $0x40  }
0x187: {  	[sflag:s23] =	ssyncset.done $0x0  }
0x188: {  	s6 =	simm.s32 $0x10;
	[sflag:s23] =	ssyncadd.s32 $0xFFFFFFC0  }
0x189: {  	_ =	swait.ge [sflag:s6], $0x40  }
0x18a: {  	[sflag:s6] =	ssyncset.done $0x0  }
0x18b: {  	s0 =	simm.s32 $0x380;
	s8 =	rddreg [dreg:$0xd];
	[sflag:s6] =	ssyncadd.s32 $0xFFFFFFC0  }
0x18c: {  	[tilespmem:s18], [sflag:$0x14] =	stream.indirect.gather [hbm4b:s31+s4], $0x80, s0, s4, $0xb8;
	[tilespmem:$0x1C800] =	vst v63  }
0x18d: {  	s22 =	simm.s32 $0x180;
	s23 =	rddreg [dreg:$0xc];
	s6 =	sadd.s32 s5, s8  }
0x18e: {  	[tilespmem:s22], [sflag:$0x4] =	stream.linear.gather [hbm4b:s6+s3], $0x40, $0x38;
	[tilespmem:$0x1C800] =	vst v63  }
0x18f: {  	s8 =	sadd.s32 s5, s23  }
0x190: {  	[tilespmem:s25], [sflag:$0xC] =	stream.linear.gather [hbm4b:s8+s3], $0x40, $0x38;
	[tilespmem:$0x1C800] =	vst v63  }
0x191: {  	_ =	swait.ge [sflag:s10], $0x2000  }
0x192: {  	[sflag:s10] =	ssyncset.done $0x0  }
0x193: {  	s29 =	simm.s32 $0x600;
	[sflag:s10] =	ssyncadd.s32 $0xFFFFE000  }
0x194: {  	[spmem:s9] =	stream.indirect.scatter.add.f32 [tilespmem:s15], [sflag:$0x15], $0x80, s29, s4, $0xb8;
	[tilespmem:$0x1C800] =	vst v63  }
0x195: {  	_ =	swait.ge [sflag:s30], $0x2000  }
0x196: {  	[sflag:s30] =	ssyncset.done $0x0  }
0x197: {  	[sflag:s30] =	ssyncadd.s32 $0xFFFFE000;
	s30 =	simm.s32 $0x680  }
0x198: {  	[spmem:s9] =	stream.indirect.scatter.add.f32 [tilespmem:s16], [sflag:$0x16], $0x80, s30, s4, $0xb8;
	[tilespmem:$0x1C800] =	vst v63  }
0x199: {  	_ =	swait.ge [sflag:s21], $0x2000  }
0x19a: {  	[sflag:s21] =	ssyncset.done $0x0  }
0x19b: {  	s10 =	simm.s32 $0x700;
	[sflag:s21] =	ssyncadd.s32 $0xFFFFE000  }
0x19c: {  	[spmem:s9] =	stream.indirect.scatter.add.f32 [tilespmem:s17], [sflag:$0x17], $0x80, s10, s4, $0xb8;
	[tilespmem:$0x1C800] =	vst v63  }
0x19d: {  	_ =	swait.ge [sflag:s24], $0x2000  }
0x19e: {  	[sflag:s24] =	ssyncset.done $0x0  }
0x19f: {  	[sflag:s24] =	ssyncadd.s32 $0xFFFFE000  }
0x1a0: {  	[spmem:s9] =	stream.indirect.scatter.add.f32 [tilespmem:s18], [sflag:$0x18], $0x80, s14, s4, $0xb8;
	[tilespmem:$0x1C800] =	vst v63  }
0x1a1: {  	_ =	swait.ge [sflag:s28], $0x2000  }
0x1a2: {  	[sflag:s28] =	ssyncset.done $0x0  }
0x1a3: {  	[sflag:s28] =	ssyncadd.s32 $0xFFFFE000;
	s28 =	simm.s32 $0x1  }
0x1a4: {  	_ =	swait.ge [sflag:s28], $0x40  }
0x1a5: {  	[sflag:s28] =	ssyncset.done $0x0  }
0x1a6: {  	s6 =	simm.s32 $0x9;
	[sflag:s28] =	ssyncadd.s32 $0xFFFFFFC0  }
0x1a7: {  	_ =	swait.ge [sflag:s6], $0x40  }
0x1a8: {  	[sflag:s6] =	ssyncset.done $0x0  }
0x1a9: {  	s9 =	rddreg [dreg:$0xb];
	[sflag:s6] =	ssyncadd.s32 $0xFFFFFFC0  }
0x1aa: {  	[tilespmem:s15], [sflag:$0x11] =	stream.indirect.gather [hbm4b:s31+s4], $0x80, s3, s4, $0xb8;
	[tilespmem:$0x1C800] =	vst v63  }
0x1ab: {  	s14 =	rddreg [dreg:$0xa];
	s6 =	sadd.s32 s5, s9  }
0x1ac: {  	[tilespmem:s26], [sflag:$0x5] =	stream.linear.gather [hbm4b:s6+s3], $0x40, $0x38;
	[tilespmem:$0x1C800] =	vst v63  }
0x1ad: {  	s15 =	sadd.s32 s5, s14  }
0x1ae: {  	[tilespmem:s29], [sflag:$0xD] =	stream.linear.gather [hbm4b:s15+s3], $0x40, $0x38;
	[tilespmem:$0x1C800] =	vst v63  }
0x1af: {  	_ =	swait.ge [sflag:s2], $0x2000  }
0x1b0: {  	[sflag:s2] =	ssyncset.done $0x0  }
0x1b1: {  	s21 =	simm.s32 $0x2;
	[sflag:s2] =	ssyncadd.s32 $0xFFFFE000  }
0x1b2: {  	_ =	swait.ge [sflag:s21], $0x40  }
0x1b3: {  	[sflag:s21] =	ssyncset.done $0x0  }
0x1b4: {  	s24 =	simm.s32 $0xA;
	[sflag:s21] =	ssyncadd.s32 $0xFFFFFFC0  }
0x1b5: {  	_ =	swait.ge [sflag:s24], $0x40  }
0x1b6: {  	[sflag:s24] =	ssyncset.done $0x0  }
0x1b7: {  	s28 =	rddreg [dreg:$0x9];
	[sflag:s24] =	ssyncadd.s32 $0xFFFFFFC0  }
0x1b8: {  	[tilespmem:s16], [sflag:$0x12] =	stream.indirect.gather [hbm4b:s31+s4], $0x80, s11, s4, $0xb8;
	[tilespmem:$0x1C800] =	vst v63  }
0x1b9: {  	s2 =	rddreg [dreg:$0x8];
	s6 =	sadd.s32 s5, s28  }
0x1ba: {  	[tilespmem:s13], [sflag:$0x6] =	stream.linear.gather [hbm4b:s6+s3], $0x40, $0x38;
	[tilespmem:$0x1C800] =	vst v63  }
0x1bb: {  	s8 =	sadd.s32 s5, s2  }
0x1bc: {  	[tilespmem:s30], [sflag:$0xE] =	stream.linear.gather [hbm4b:s8+s3], $0x40, $0x38;
	[tilespmem:$0x1C800] =	vst v63  }
0x1bd: {  	_ =	swait.ge [sflag:s12], $0x2000  }
0x1be: {  	[sflag:s12] =	ssyncset.done $0x0  }
0x1bf: {  	s16 =	simm.s32 $0x3;
	[sflag:s12] =	ssyncadd.s32 $0xFFFFE000  }
0x1c0: {  	_ =	swait.ge [sflag:s16], $0x40  }
0x1c1: {  	[sflag:s16] =	ssyncset.done $0x0  }
0x1c2: {  	s9 =	simm.s32 $0xB;
	[sflag:s16] =	ssyncadd.s32 $0xFFFFFFC0  }
0x1c3: {  	_ =	swait.ge [sflag:s9], $0x40  }
0x1c4: {  	[sflag:s9] =	ssyncset.done $0x0  }
0x1c5: {  	s12 =	rddreg [dreg:$0x7];
	[sflag:s9] =	ssyncadd.s32 $0xFFFFFFC0  }
0x1c6: {  	[tilespmem:s17], [sflag:$0x13] =	stream.indirect.gather [hbm4b:s31+s4], $0x80, s19, s4, $0xb8;
	[tilespmem:$0x1C800] =	vst v63  }
0x1c7: {  	s14 =	rddreg [dreg:$0x6];
	s6 =	sadd.s32 s5, s12  }
0x1c8: {  	[tilespmem:s7], [sflag:$0x7] =	stream.linear.gather [hbm4b:s6+s3], $0x40, $0x38;
	[tilespmem:$0x1C800] =	vst v63  }
0x1c9: {  	s15 =	sadd.s32 s5, s14  }
0x1ca: {  	[tilespmem:s10], [sflag:$0xF] =	stream.linear.gather [hbm4b:s15+s3], $0x40, $0x38;
	[tilespmem:$0x1C800] =	vst v63  }
0x1cb: {  	_ =	swait.ge [sflag:s20], $0x2000  }
0x1cc: {  	[sflag:s20] =	ssyncset.done $0x0  }
0x1cd: {  	p0 =	sne.s32 s1, $0x480;
	s17 =	simm.s32 $0x4;
	[sflag:s20] =	ssyncadd.s32 $0xFFFFE000  }
0x1ce: {  	s1 =	sadd.s32 $0x40, s1;
	s23 =	simm.s32 $0x580;
	_ =	swait.ge [sflag:s17], $0x40  }
0x1cf: {  	s25 =	simm.s32 $0x200;
	s26 =	simm.s32 $0x600;
	[sflag:s17] =	ssyncset.done $0x0  }
0x1d0: {  	s29 =	simm.s32 $0x280;
	s21 =	simm.s32 $0xC;
	[sflag:s17] =	ssyncadd.s32 $0xFFFFFFC0  }
0x1d1: {  	s13 =	simm.s32 $0x680;
	s30 =	simm.s32 $0x300;
	_ =	swait.ge [sflag:s21], $0x40  }
.Ltmp0:
0x1d2: {  	[sflag:s21] =	ssyncset.done $0x0;
	s24 =	rddreg [dreg:$0x5];
	(pc) =	sbr.rel @p0 .LBB2_2-.Ltmp0, $4  }
0x1d3: {  	s7 =	simm.s32 $0x700;
	s28 =	rddreg [dreg:$0x4];
	[sflag:s21] =	ssyncadd.s32 $0xFFFFFFC0  }
0x1d4: {  	[tilespmem:s18], [sflag:$0x14] =	stream.indirect.gather [hbm4b:s31+s4], $0x80, s22, s4, $0xb8;
	[tilespmem:$0x1C800] =	vst v63  }
0x1d5: {  	s10 =	simm.s32 $0x380;
	s6 =	sadd.s32 s5, s24;
	s5 =	sadd.s32 s5, s28  }
0x1d6: {  	[tilespmem:s0], [sflag:$0x8] =	stream.linear.gather [hbm4b:s6+s3], $0x40, $0x38;
	[tilespmem:$0x1C800] =	vst v63  }
0x1d7: {  	s0 =	simm.s32 $0x780;
	s14 =	simm.s32 $0x11  }
0x1d8: {  	[tilespmem:s0], [sflag:$0x10] =	stream.linear.gather [hbm4b:s5+s3], $0x40, $0x38;
	[tilespmem:$0x1C800] =	vst v63  }
0x1d9: {  	_ =	swait.ge [sflag:s14], $0x2000  }
0x1da: {  	[sflag:s14] =	ssyncset.done $0x0  }
0x1db: {  	s1 =	simm.s32 $0x400;
	[sflag:s14] =	ssyncadd.s32 $0xFFFFE000  }
0x1dc: {  	s18 =	simm.s32 $0x12;
	s5 =	simm.s32 $0x800;
	s21 =	rddreg [dreg:$0x2]  }
0x1dd: {  	[spmem:s21] =	stream.indirect.scatter.add.f32 [tilespmem:s5], [sflag:$0x15], $0x80, s1, s4, $0xb8;
	[tilespmem:$0x1C800] =	vst v63  }
0x1de: {  	_ =	swait.ge [sflag:s18], $0x2000  }
0x1df: {  	s9 =	simm.s32 $0x2800;
	[sflag:s18] =	ssyncset.done $0x0  }
0x1e0: {  	s24 =	simm.s32 $0x480;
	s12 =	simm.s32 $0x13;
	[sflag:s18] =	ssyncadd.s32 $0xFFFFE000  }
0x1e1: {  	[spmem:s21] =	stream.indirect.scatter.add.f32 [tilespmem:s9], [sflag:$0x16], $0x80, s24, s4, $0xb8;
	[tilespmem:$0x1C800] =	vst v63  }
0x1e2: {  	_ =	swait.ge [sflag:s12], $0x2000  }
0x1e3: {  	s6 =	simm.s32 $0x4800;
	[sflag:s12] =	ssyncset.done $0x0  }
0x1e4: {  	s28 =	simm.s32 $0x500;
	s20 =	simm.s32 $0x14;
	[sflag:s12] =	ssyncadd.s32 $0xFFFFE000  }
0x1e5: {  	[spmem:s21] =	stream.indirect.scatter.add.f32 [tilespmem:s6], [sflag:$0x17], $0x80, s28, s4, $0xb8;
	[tilespmem:$0x1C800] =	vst v63  }
0x1e6: {  	_ =	swait.ge [sflag:s20], $0x2000  }
0x1e7: {  	[sflag:s20] =	ssyncset.done $0x0  }
0x1e8: {  	s8 =	simm.s32 $0x6800;
	s1 =	simm.s32 $0x15;
	[sflag:s20] =	ssyncadd.s32 $0xFFFFE000  }
0x1e9: {  	[spmem:s21] =	stream.indirect.scatter.add.f32 [tilespmem:s8], [sflag:$0x18], $0x80, s23, s4, $0xb8;
	[tilespmem:$0x1C800] =	vst v63  }
0x1ea: {  	_ =	swait.ge [sflag:s1], $0x2000  }
0x1eb: {  	[sflag:s1] =	ssyncset.done $0x0  }
0x1ec: {  	s15 =	simm.s32 $0x5;
	[sflag:s1] =	ssyncadd.s32 $0xFFFFE000  }
0x1ed: {  	_ =	swait.ge [sflag:s15], $0x40  }
0x1ee: {  	[sflag:s15] =	ssyncset.done $0x0  }
0x1ef: {  	s2 =	simm.s32 $0xD;
	[sflag:s15] =	ssyncadd.s32 $0xFFFFFFC0  }
0x1f0: {  	_ =	swait.ge [sflag:s2], $0x40  }
0x1f1: {  	[sflag:s2] =	ssyncset.done $0x0  }
0x1f2: {  	[sflag:s2] =	ssyncadd.s32 $0xFFFFFFC0;
	s2 =	simm.s32 $0x16  }
0x1f3: {  	[tilespmem:s5], [sflag:$0x11] =	stream.indirect.gather [hbm4b:s31+s4], $0x80, s25, s4, $0xb8;
	[tilespmem:$0x1C800] =	vst v63  }
0x1f4: {  	_ =	swait.ge [sflag:s2], $0x2000  }
0x1f5: {  	[sflag:s2] =	ssyncset.done $0x0  }
0x1f6: {  	s23 =	simm.s32 $0x6;
	[sflag:s2] =	ssyncadd.s32 $0xFFFFE000  }
0x1f7: {  	_ =	swait.ge [sflag:s23], $0x40  }
0x1f8: {  	[sflag:s23] =	ssyncset.done $0x0  }
0x1f9: {  	s24 =	simm.s32 $0xE;
	[sflag:s23] =	ssyncadd.s32 $0xFFFFFFC0  }
0x1fa: {  	_ =	swait.ge [sflag:s24], $0x40  }
0x1fb: {  	[sflag:s24] =	ssyncset.done $0x0  }
0x1fc: {  	s15 =	simm.s32 $0x17;
	[sflag:s24] =	ssyncadd.s32 $0xFFFFFFC0  }
0x1fd: {  	[tilespmem:s9], [sflag:$0x12] =	stream.indirect.gather [hbm4b:s31+s4], $0x80, s29, s4, $0xb8;
	[tilespmem:$0x1C800] =	vst v63  }
0x1fe: {  	_ =	swait.ge [sflag:s15], $0x2000  }
0x1ff: {  	[sflag:s15] =	ssyncset.done $0x0  }
0x200: {  	s25 =	simm.s32 $0x7;
	[sflag:s15] =	ssyncadd.s32 $0xFFFFE000  }
0x201: {  	_ =	swait.ge [sflag:s25], $0x40  }
0x202: {  	[sflag:s25] =	ssyncset.done $0x0  }
0x203: {  	s28 =	simm.s32 $0xF;
	[sflag:s25] =	ssyncadd.s32 $0xFFFFFFC0  }
0x204: {  	_ =	swait.ge [sflag:s28], $0x40  }
0x205: {  	[sflag:s28] =	ssyncset.done $0x0  }
0x206: {  	s29 =	simm.s32 $0x18;
	[sflag:s28] =	ssyncadd.s32 $0xFFFFFFC0  }
0x207: {  	[tilespmem:s6], [sflag:$0x13] =	stream.indirect.gather [hbm4b:s31+s4], $0x80, s30, s4, $0xb8;
	[tilespmem:$0x1C800] =	vst v63  }
0x208: {  	_ =	swait.ge [sflag:s29], $0x2000  }
0x209: {  	[sflag:s29] =	ssyncset.done $0x0  }
0x20a: {  	s24 =	simm.s32 $0x8;
	[sflag:s29] =	ssyncadd.s32 $0xFFFFE000  }
0x20b: {  	_ =	swait.ge [sflag:s24], $0x40  }
0x20c: {  	[sflag:s24] =	ssyncset.done $0x0  }
0x20d: {  	s30 =	simm.s32 $0x10;
	[sflag:s24] =	ssyncadd.s32 $0xFFFFFFC0  }
0x20e: {  	_ =	swait.ge [sflag:s30], $0x40  }
0x20f: {  	[sflag:s30] =	ssyncset.done $0x0  }
0x210: {  	[sflag:s30] =	ssyncadd.s32 $0xFFFFFFC0  }
0x211: {  	[tilespmem:s8], [sflag:$0x14] =	stream.indirect.gather [hbm4b:s31+s4], $0x80, s10, s4, $0xb8;
	[tilespmem:$0x1C800] =	vst v63  }
0x212: {  	_ =	swait.ge [sflag:s14], $0x2000  }
0x213: {  	[sflag:s14] =	ssyncset.done $0x0  }
0x214: {  	[sflag:s14] =	ssyncadd.s32 $0xFFFFE000  }
0x215: {  	[spmem:s21] =	stream.indirect.scatter.add.f32 [tilespmem:s5], [sflag:$0x15], $0x80, s26, s4, $0xb8;
	[tilespmem:$0x1C800] =	vst v63  }
0x216: {  	_ =	swait.ge [sflag:s18], $0x2000  }
0x217: {  	[sflag:s18] =	ssyncset.done $0x0  }
0x218: {  	[sflag:s18] =	ssyncadd.s32 $0xFFFFE000  }
0x219: {  	[spmem:s21] =	stream.indirect.scatter.add.f32 [tilespmem:s9], [sflag:$0x16], $0x80, s13, s4, $0xb8;
	[tilespmem:$0x1C800] =	vst v63  }
0x21a: {  	_ =	swait.ge [sflag:s12], $0x2000  }
0x21b: {  	[sflag:s12] =	ssyncset.done $0x0  }
0x21c: {  	[sflag:s12] =	ssyncadd.s32 $0xFFFFE000  }
0x21d: {  	[spmem:s21] =	stream.indirect.scatter.add.f32 [tilespmem:s6], [sflag:$0x17], $0x80, s7, s4, $0xb8;
	[tilespmem:$0x1C800] =	vst v63  }
0x21e: {  	_ =	swait.ge [sflag:s20], $0x2000  }
0x21f: {  	[sflag:s20] =	ssyncset.done $0x0  }
0x220: {  	[sflag:s20] =	ssyncadd.s32 $0xFFFFE000  }
0x221: {  	[spmem:s21] =	stream.indirect.scatter.add.f32 [tilespmem:s8], [sflag:$0x18], $0x80, s0, s4, $0xb8;
	[tilespmem:$0x1C800] =	vst v63  }
0x222: {  	_ =	swait.ge [sflag:s1], $0x2000  }
0x223: {  	[sflag:s1] =	ssyncset.done $0x0  }
0x224: {  	[sflag:s1] =	ssyncadd.s32 $0xFFFFE000  }
0x225: {  	_ =	swait.ge [sflag:s2], $0x2000  }
0x226: {  	[sflag:s2] =	ssyncset.done $0x0  }
0x227: {  	[sflag:s2] =	ssyncadd.s32 $0xFFFFE000  }
0x228: {  	_ =	swait.ge [sflag:s15], $0x2000  }
0x229: {  	[sflag:s15] =	ssyncset.done $0x0  }
0x22a: {  	[sflag:s15] =	ssyncadd.s32 $0xFFFFE000  }
0x22b: {  	_ =	swait.ge [sflag:s29], $0x2000  }
0x22c: {  	[sflag:s29] =	ssyncset.done $0x0  }
0x22d: {  	[sflag:s29] =	ssyncadd.s32 $0xFFFFE000  }
0x22e: {  	[bflag:$0x0] =	sbarrier.arrive $0xFFFF  }
0x22f: {  	s7 =	sld [smem:$0x7F4];
	_ =	sdelay $0x1  }
0x230: {  	s15 =	simm.s32 $0x19  }
0x231: {  	[tilespmem:s5], [sflag:$0x19] =	stream.linear.gather [spmem:s7], $0x2000, $0x38;
	[tilespmem:$0x1C800] =	vst v63  }
0x232: {  	_ =	swait.ge [sflag:s15], $0x2000  }
0x233: {  	s24 =	sld [smem:$0x7E8]  }
0x234: {  	[sflag:s15] =	ssyncset.done $0x0  }
0x235: {  	s21 =	sld [smem:$0x7F5];
	[sflag:s15] =	ssyncadd.s32 $0xFFFFE000  }
0x236: {  	[hbm4b:s24+s3] =	stream.linear.scatter [tilespmem:s5], [sflag:$0x11], $0x2000, $0x38;
	[tilespmem:$0x1C800] =	vst v63  }
0x237: {  	_ = 	snop  }
0x238: {  	[tilespmem:s9], [sflag:$0x19] =	stream.linear.gather [spmem:s21], $0x2000, $0x38;
	[tilespmem:$0x1C800] =	vst v63  }
0x239: {  	_ =	swait.ge [sflag:s15], $0x2000  }
0x23a: {  	s25 =	sld [smem:$0x7E9]  }
0x23b: {  	[sflag:s15] =	ssyncset.done $0x0  }
0x23c: {  	s23 =	sld [smem:$0x7F6];
	[sflag:s15] =	ssyncadd.s32 $0xFFFFE000  }
0x23d: {  	[hbm4b:s25+s3] =	stream.linear.scatter [tilespmem:s9], [sflag:$0x12], $0x2000, $0x38;
	[tilespmem:$0x1C800] =	vst v63  }
0x23e: {  	_ = 	snop  }
0x23f: {  	[tilespmem:s6], [sflag:$0x19] =	stream.linear.gather [spmem:s23], $0x2000, $0x38;
	[tilespmem:$0x1C800] =	vst v63  }
0x240: {  	_ =	swait.ge [sflag:s15], $0x2000  }
0x241: {  	s26 =	sld [smem:$0x7EA]  }
0x242: {  	[sflag:s15] =	ssyncset.done $0x0  }
0x243: {  	s24 =	sld [smem:$0x7F7];
	[sflag:s15] =	ssyncadd.s32 $0xFFFFE000  }
0x244: {  	[hbm4b:s26+s3] =	stream.linear.scatter [tilespmem:s6], [sflag:$0x13], $0x2000, $0x38;
	[tilespmem:$0x1C800] =	vst v63  }
0x245: {  	_ = 	snop  }
0x246: {  	[tilespmem:s8], [sflag:$0x19] =	stream.linear.gather [spmem:s24], $0x2000, $0x38;
	[tilespmem:$0x1C800] =	vst v63  }
0x247: {  	_ =	swait.ge [sflag:s15], $0x2000  }
0x248: {  	s28 =	sld [smem:$0x7EB]  }
0x249: {  	[sflag:s15] =	ssyncset.done $0x0  }
0x24a: {  	[sflag:s15] =	ssyncadd.s32 $0xFFFFE000  }
0x24b: {  	[hbm4b:s28+s3] =	stream.linear.scatter [tilespmem:s8], [sflag:$0x14], $0x2000, $0x38;
	[tilespmem:$0x1C800] =	vst v63  }
0x24c: {  	_ =	swait.ge [sflag:s14], $0x2000  }
0x24d: {  	s13 =	sld [smem:$0x7F8]  }
0x24e: {  	[sflag:s14] =	ssyncset.done $0x0  }
0x24f: {  	[sflag:s14] =	ssyncadd.s32 $0xFFFFE000  }
0x250: {  	[tilespmem:s5], [sflag:$0x19] =	stream.linear.gather [spmem:s13], $0x2000, $0x38;
	[tilespmem:$0x1C800] =	vst v63  }
0x251: {  	_ =	swait.ge [sflag:s15], $0x2000  }
0x252: {  	s29 =	sld [smem:$0x7EC]  }
0x253: {  	[sflag:s15] =	ssyncset.done $0x0  }
0x254: {  	[sflag:s15] =	ssyncadd.s32 $0xFFFFE000  }
0x255: {  	[hbm4b:s29+s3] =	stream.linear.scatter [tilespmem:s5], [sflag:$0x11], $0x2000, $0x38;
	[tilespmem:$0x1C800] =	vst v63  }
0x256: {  	_ =	swait.ge [sflag:s18], $0x2000  }
0x257: {  	s25 =	sld [smem:$0x7F9]  }
0x258: {  	[sflag:s18] =	ssyncset.done $0x0  }
0x259: {  	[sflag:s18] =	ssyncadd.s32 $0xFFFFE000  }
0x25a: {  	[tilespmem:s9], [sflag:$0x19] =	stream.linear.gather [spmem:s25], $0x2000, $0x38;
	[tilespmem:$0x1C800] =	vst v63  }
0x25b: {  	_ =	swait.ge [sflag:s15], $0x2000  }
0x25c: {  	s30 =	sld [smem:$0x7ED]  }
0x25d: {  	[sflag:s15] =	ssyncset.done $0x0  }
0x25e: {  	[sflag:s15] =	ssyncadd.s32 $0xFFFFE000  }
0x25f: {  	[hbm4b:s30+s3] =	stream.linear.scatter [tilespmem:s9], [sflag:$0x12], $0x2000, $0x38;
	[tilespmem:$0x1C800] =	vst v63  }
0x260: {  	_ =	swait.ge [sflag:s12], $0x2000  }
0x261: {  	s26 =	sld [smem:$0x7FA]  }
0x262: {  	[sflag:s12] =	ssyncset.done $0x0  }
0x263: {  	[sflag:s12] =	ssyncadd.s32 $0xFFFFE000  }
0x264: {  	[tilespmem:s6], [sflag:$0x19] =	stream.linear.gather [spmem:s26], $0x2000, $0x38;
	[tilespmem:$0x1C800] =	vst v63  }
0x265: {  	_ =	swait.ge [sflag:s15], $0x2000  }
0x266: {  	s0 =	sld [smem:$0x7EE]  }
0x267: {  	[sflag:s15] =	ssyncset.done $0x0  }
0x268: {  	[sflag:s15] =	ssyncadd.s32 $0xFFFFE000  }
0x269: {  	[hbm4b:s0+s3] =	stream.linear.scatter [tilespmem:s6], [sflag:$0x13], $0x2000, $0x38;
	[tilespmem:$0x1C800] =	vst v63  }
0x26a: {  	_ =	swait.ge [sflag:s20], $0x2000  }
0x26b: {  	s6 =	sld [smem:$0x7FB]  }
0x26c: {  	[sflag:s20] =	ssyncset.done $0x0  }
0x26d: {  	[sflag:s20] =	ssyncadd.s32 $0xFFFFE000  }
0x26e: {  	[tilespmem:s8], [sflag:$0x19] =	stream.linear.gather [spmem:s6], $0x2000, $0x38;
	[tilespmem:$0x1C800] =	vst v63  }
0x26f: {  	_ =	swait.ge [sflag:s15], $0x2000  }
0x270: {  	s2 =	sld [smem:$0x7EF]  }
0x271: {  	[sflag:s15] =	ssyncset.done $0x0  }
0x272: {  	[sflag:s15] =	ssyncadd.s32 $0xFFFFE000  }
0x273: {  	[hbm4b:s2+s3] =	stream.linear.scatter [tilespmem:s8], [sflag:$0x14], $0x2000, $0x38;
	[tilespmem:$0x1C800] =	vst v63  }
0x274: {  	_ =	swait.ge [sflag:s14], $0x2000  }
0x275: {  	s8 =	sld [smem:$0x7FC]  }
0x276: {  	[sflag:s14] =	ssyncset.done $0x0  }
0x277: {  	[sflag:s14] =	ssyncadd.s32 $0xFFFFE000  }
0x278: {  	[tilespmem:s5], [sflag:$0x19] =	stream.linear.gather [spmem:s8], $0x2000, $0x38;
	[tilespmem:$0x1C800] =	vst v63  }
0x279: {  	_ =	swait.ge [sflag:s15], $0x2000  }
0x27a: {  	s10 =	sld [smem:$0x7F0]  }
0x27b: {  	[sflag:s15] =	ssyncset.done $0x0  }
0x27c: {  	[sflag:s15] =	ssyncadd.s32 $0xFFFFE000  }
0x27d: {  	[hbm4b:s10+s3] =	stream.linear.scatter [tilespmem:s5], [sflag:$0x11], $0x2000, $0x38;
	[tilespmem:$0x1C800] =	vst v63  }
0x27e: {  	_ =	swait.ge [sflag:s18], $0x2000  }
0x27f: {  	s5 =	sld [smem:$0x7FD]  }
0x280: {  	[sflag:s18] =	ssyncset.done $0x0  }
0x281: {  	[sflag:s18] =	ssyncadd.s32 $0xFFFFE000  }
0x282: {  	[tilespmem:s9], [sflag:$0x19] =	stream.linear.gather [spmem:s5], $0x2000, $0x38;
	[tilespmem:$0x1C800] =	vst v63  }
0x283: {  	_ =	swait.ge [sflag:s15], $0x2000  }
0x284: {  	s28 =	sld [smem:$0x7F1]  }
0x285: {  	[sflag:s15] =	ssyncset.done $0x0  }
0x286: {  	[sflag:s15] =	ssyncadd.s32 $0xFFFFE000  }
0x287: {  	[hbm4b:s28+s3] =	stream.linear.scatter [tilespmem:s9], [sflag:$0x12], $0x2000, $0x38;
	[tilespmem:$0x1C800] =	vst v63  }
0x288: {  	_ =	swait.ge [sflag:s12], $0x2000  }
0x289: {  	[sflag:s12] =	ssyncset.done $0x0  }
0x28a: {  	[sflag:s12] =	ssyncadd.s32 $0xFFFFE000  }
0x28b: {  	_ =	swait.ge [sflag:s20], $0x2000  }
0x28c: {  	[sflag:s20] =	ssyncset.done $0x0  }
0x28d: {  	[sflag:s20] =	ssyncadd.s32 $0xFFFFE000  }
0x28e: {  	_ =	swait.ge [sflag:s14], $0x2000  }
0x28f: {  	[sflag:s14] =	ssyncset.done $0x0  }
0x290: {  	[sflag:s14] =	ssyncadd.s32 $0xFFFFE000  }
0x291: {  	_ =	swait.ge [sflag:s18], $0x2000  }
0x292: {  	s29 =	sld [smem:$0x7E3]  }
0x293: {  	s30 =	sld [smem:$0x7F3];
	_ =	sdelay $0x1  }
0x294: {  	s0 =	sadd.s32 $0x1, s29  }
0x295: {  	p0 =	sne.s32 s0, s30  }
.Ltmp1:
0x296: {  	_ = 	snop;
	(pc) =	sbr.rel @p0 .LBB2_1-.Ltmp1, $3  }
0x297: {  	_ =	sdelay $0x1  }
0x298: {  	[sflag:s18] =	ssyncset.done $0x0  }
0x299: {  	[sflag:s18] =	ssyncadd.s32 $0xFFFFE000  }
0x29a: {  	_ =	sfence.sel $0x180000  }
0x29b: {  	[bflag:$0x0] =	sbarrier.arrive $0xFFFF  }
0x29c: {  	_ =	strace $0x9000004D  }
0x29d: {  	s0 =	stileid.u32;
	[bflag:$0x2] =	sbarrier.arrive $0xFFFF  }
0x29e: {  	p0 =	sne.s32 s0, $0x0;
	s0 =	rddreg [dreg:$0x3]  }
0x29f: {  	s0 =	sadd.s32 @!p0 $0x100000, s0  }
0x2a0: {  	[sflag:s0] =	ssyncadd.tile.s32 @!p0 $0x1;
	_ =	shalt  }
.Lfunc_end2:
_tile_overlayer_lowered:
.L_overlay_start_2:
0x2a1: {  	(tag) =	ssettag $0x2  }
0x2a2: {  	s0 =	rddreg [dreg:$0x0];
	s2 =	stileid.u32  }
0x2a3: {  	s1 =	rddreg [dreg:$0x1];
	p0 =	sne.s32 s2, $0x0  }
0x2a4: {  	s3 =	rddreg [dreg:$0x2];
	[bflag:$0x3] =	sbarrier.arrive $0xFFFF;
	s2 =	simm.s32 @!p0 $0x1C19  }
0x2a5: {  	[timem:s3], [sflag:s2] =	dma.local @!p0 [hbm:s0], s1  }
0x2a6: {  	s0 =	simm.s32 @!p0 $0x19  }
0x2a7: {  	_ =	swait.ge @!p0 [sflag:s0], s1  }
0x2a8: {  	s1 =	ssub.s32 @!p0 $0x0, s1;
	[sflag:s0] =	ssyncset.done @!p0 $0x0  }
0x2a9: {  	[sflag:s0] =	ssyncadd.s32 @!p0 s1  }
0x2aa: {  	[bflag:$0x3] =	sbarrier.arrive $0xFFFF  }
0x2ab: {  	_ =	shalt  }

// kernel: kernel.8.cloned.1.call-start
scs
__scs_entry_jumppad:
0x0: {  	(pc) =	sbr.rel $0x88, $3  }
0x1: {  	(tag) =	ssettag $0x0;
	lr =	simm.s32 $0x1  }
0x2: {  	[smem:$0x3F9B] =	sst lr;
	_ =	strace $0xD0000000  }
0x3: {  	_ = 	snop  }
0x4: {  	_ = 	snop  }
0x5: {  	_ = 	snop  }
0x6: {  	_ = 	snop  }
0x7: {  	_ = 	snop  }
__scs_overlays_trampoline_lowered:
0x8: {  	[smem:$0x3FAA] =	sst s0  }
0x9: {  	[smem:$0x3FAB] =	sst s1  }
0xa: {  	[smem:$0x3FAC] =	sst s2  }
0xb: {  	[smem:$0x3FAD] =	sst s3  }
0xc: {  	[smem:$0x3FAE] =	sst s4  }
0xd: {  	[smem:$0x3FAF] =	sst s5  }
0xe: {  	[smem:$0x3FB0] =	sst s6  }
0xf: {  	[smem:$0x3FB1] =	sst s7  }
0x10: {  	[smem:$0x3FB2] =	sst s8  }
0x11: {  	[smem:$0x3FB3] =	sst s9;
	s0 =	simm.s32 @!p0 $0x0  }
0x12: {  	s1 =	sld [smem:$0x3F99];
	s0 =	simm.s32 @p0 $0x1  }
0x13: {  	[smem:$0x3FB4] =	sst s0;
	s0 =	simm.s32 @!p1 $0x0  }
0x14: {  	s2 =	sld [smem:$0x3F98];
	s0 =	simm.s32 @p1 $0x1  }
0x15: {  	[smem:$0x3FB5] =	sst s0;
	s0 =	simm.s32 @!p2 $0x0  }
0x16: {  	s3 =	sld [smem:$0x3FDB];
	s0 =	simm.s32 @p2 $0x1  }
0x17: {  	s4 =	simm.s32 $0x1BF5;
	[smem:$0x3FB7] =	sst s0  }
0x18: {  	s0 =	sld [smem:$0x3F9A];
	_ =	swait.ge [sflag:s4], $0x0  }
0x19: {  	s7 =	sld [smem:$0x3F9B]  }
0x1a: {  	s8 =	sadd.s32 $0xFFFFE003, lr  }
0x1b: {  	s9 =	sadd.s32 $0xFFFFFEF7, lr;
	s5 =	simm.s32 $0xFFFFFFFF;
	p2 =	slt.u32 s8, $0xFFFFF086  }
0x1c: {  	p1 =	slt.u32 s9, $0xF7A;
	s5 =	simm.s32 @!p2 $0x0  }
0x1d: {  	s5 =	simm.s32 @p1 $0x1;
	p0 =	seq.s32 s7, s2  }
0x1e: {  	s7 =	smul.u32 @!p0 $0xF7A, s2;
	p2 =	seq.s32 @!p0 s5, $0x0  }
0x1f: {  	s9 =	smul.u32 $0xF7A, s1;
	s8 =	simm.s32 @!p0 $0x1BF5;
	p2 =	por !p2, p0  }
0x20: {  	[sflag:s8] =	ssyncset.s32 @!p0 $0xFFFFF086;
	s6 =	sadd.s32 @!p0 s3, s7;
	s7 =	simm.s32 @!p0 $0x108  }
0x21: {  	s3 =	sadd.s32 s3, s9;
	s6 =	sadd.s32 @!p0 $0x88, s6;
	s7 =	simm.s32 @p2 $0x1082  }
0x22: {  	[simem:s7], [sflag:s8] =	dma.local @!p0 [hbm:s6], $0xF7A  }
0x23: {  	s9 =	sor.u32 $0xD0000000, s2;
	s6 =	simm.s32 $0x108;
	_ =	swait.ge @!p0 [sflag:s8], $0x0  }
0x24: {  	s3 =	sadd.s32 $0x88, s3;
	s6 =	simm.s32 @!p1 $0x1082;
	[sflag:s4] =	ssyncset.s32 $0xFFFFF086  }
0x25: {  	[simem:s6], [sflag:s4] =	dma.local [hbm:s3], $0xF7A  }
0x26: {  	[smem:$0x3F9B] =	sst s1;
	(tag) =	ssettag s2;
	_ =	strace s9  }
0x27: {  	s1 =	sld [smem:$0x3FAB]  }
0x28: {  	s2 =	sld [smem:$0x3FAC]  }
0x29: {  	s4 =	sld [smem:$0x3FAE]  }
0x2a: {  	p0 =	seq.s32 s5, $0x0;
	s5 =	sld [smem:$0x3FAF]  }
0x2b: {  	s6 =	sld [smem:$0x3FB0]  }
0x2c: {  	s7 =	sld [smem:$0x3FB1]  }
0x2d: {  	s3 =	simm.s32 $0x108;
	s8 =	sld [smem:$0x3FB2]  }
0x2e: {  	s3 =	simm.s32 @!p0 $0x1082;
	s9 =	sld [smem:$0x3FB3]  }
0x2f: {  	lr =	sadd.s32 s0, s3;
	s0 =	sld [smem:$0x3FAA]  }
0x30: {  	s3 =	sld [smem:$0x3FAD]  }
0x31: {  	[smem:$0x3FB6] =	sst s10  }
0x32: {  	s10 =	sld [smem:$0x3FB4];
	_ =	sdelay $0x3  }
0x33: {  	p0 =	seq.s32 s10, $0x1;
	s10 =	sld [smem:$0x3FB6];
	_ =	sdelay $0x3  }
0x34: {  	[smem:$0x3FB6] =	sst s10  }
0x35: {  	s10 =	sld [smem:$0x3FB5];
	_ =	sdelay $0x3  }
0x36: {  	p1 =	seq.s32 s10, $0x1;
	s10 =	sld [smem:$0x3FB6];
	_ =	sdelay $0x3  }
0x37: {  	[smem:$0x3FB6] =	sst s10  }
0x38: {  	s10 =	sld [smem:$0x3FB7]  }
0x39: {  	_ = 	snop;
	(pc) =	sbr.ind lr, $3  }
0x3a: {  	_ = 	snop  }
0x3b: {  	_ = 	snop  }
0x3c: {  	p2 =	seq.s32 s10, $0x1;
	s10 =	sld [smem:$0x3FB6]  }
0x3d: {  	_ =	shalt  }
0x3e: {  	_ =	shalt  }
0x3f: {  	_ =	shalt  }
0x40: {  	_ =	shalt  }
0x41: {  	_ =	shalt  }
0x42: {  	_ =	shalt  }
0x43: {  	_ =	shalt  }
0x44: {  	_ =	shalt  }
0x45: {  	_ =	shalt  }
0x46: {  	_ =	shalt  }
0x47: {  	_ =	shalt  }
0x48: {  	_ =	shalt  }
0x49: {  	_ =	shalt  }
0x4a: {  	_ =	shalt  }
0x4b: {  	_ =	shalt  }
0x4c: {  	_ =	shalt  }
0x4d: {  	_ =	shalt  }
0x4e: {  	_ =	shalt  }
0x4f: {  	_ =	shalt  }
0x50: {  	_ =	shalt  }
0x51: {  	_ =	shalt  }
0x52: {  	_ =	shalt  }
0x53: {  	_ =	shalt  }
0x54: {  	_ =	shalt  }
0x55: {  	_ =	shalt  }
0x56: {  	_ =	shalt  }
0x57: {  	_ =	shalt  }
0x58: {  	_ =	shalt  }
0x59: {  	_ =	shalt  }
0x5a: {  	_ =	shalt  }
0x5b: {  	_ =	shalt  }
0x5c: {  	_ =	shalt  }
0x5d: {  	_ =	shalt  }
0x5e: {  	_ =	shalt  }
0x5f: {  	_ =	shalt  }
0x60: {  	_ =	shalt  }
0x61: {  	_ =	shalt  }
0x62: {  	_ =	shalt  }
0x63: {  	_ =	shalt  }
0x64: {  	_ =	shalt  }
0x65: {  	_ =	shalt  }
0x66: {  	_ =	shalt  }
0x67: {  	_ =	shalt  }
0x68: {  	_ =	shalt  }
0x69: {  	_ =	shalt  }
0x6a: {  	_ =	shalt  }
0x6b: {  	_ =	shalt  }
0x6c: {  	_ =	shalt  }
0x6d: {  	_ =	shalt  }
0x6e: {  	_ =	shalt  }
0x6f: {  	_ =	shalt  }
0x70: {  	_ =	shalt  }
0x71: {  	_ =	shalt  }
0x72: {  	_ =	shalt  }
0x73: {  	_ =	shalt  }
0x74: {  	_ =	shalt  }
0x75: {  	_ =	shalt  }
0x76: {  	_ =	shalt  }
0x77: {  	_ =	shalt  }
0x78: {  	_ =	shalt  }
0x79: {  	_ =	shalt  }
0x7a: {  	_ =	shalt  }
0x7b: {  	_ =	shalt  }
0x7c: {  	_ =	shalt  }
0x7d: {  	_ =	shalt  }
0x7e: {  	_ =	shalt  }
0x7f: {  	_ =	shalt  }
0x80: {  	_ =	shalt  }
0x81: {  	_ =	shalt  }
0x82: {  	_ =	shalt  }
0x83: {  	_ =	shalt  }
0x84: {  	_ =	shalt  }
0x85: {  	_ =	shalt  }
0x86: {  	_ =	shalt  }
0x87: {  	_ =	shalt  }
.Lfunc_end0:
.L_simem_size_0:
called_computation_lowered:
.L_overlay_start_0:
0x88: {  	s2 =	sld [smem:$0x3FD9]  }
0x89: {  	s3 =	sld [smem:$0x3FFE];
	_ =	sdelay $0x1  }
0x8a: {  	s1 =	srdreg.scid  }
0x8b: {  	s0 =	sand.u32 $0x1, s1  }
0x8c: {  	s17 =	sshll.u32 s0, $0xA;
	s2 =	sadd.s32 s3, s2  }
0x8d: {  	s2 =	sadd.s32 s2, s17  }
0x8e: {  	[smem:$0x3FC2] =	sst s2  }
0x8f: {  	_ = 	snop  }
0x90: {  	s2 =	sld [smem:$0x3FD0];
	(tm) =	ssettm $0x1  }
0x91: {  	s18 =	sld [smem:$0x3FFB];
	_ =	sdelay $0x3  }
0x92: {  	_ =	strace s18  }
0x93: {  	s3 =	sld [smem:$0x3FFC];
	_ =	sdelay $0x3  }
0x94: {  	_ =	strace s3  }
0x95: {  	s3 =	sld [smem:$0x3FFD];
	_ =	sdelay $0x3  }
0x96: {  	_ =	strace s3  }
0x97: {  	_ =	strace $0x8FFFFFFF  }
0x98: {  	s19 =	sld [smem:$0x3FDB];
	_ =	sdelay $0x1  }
0x99: {  	s4 =	simm.s32 $_scs_section_size  }
0x9a: {  	s5 =	simm.s32 $_size__tile_overlayer_lowered;
	s6 =	simm.s32 $_tile_overlayer_lowered  }
0x9b: {  	s22 =	simm.s32 $0x1BFF;
	s21 =	sshll.u32 s6, $0x1;
	s3 =	sadd.s32 s4, s19  }
0x9c: {  	s7 =	simm.s32 $0x0;
	s20 =	sshll.u32 s5, $0x1;
	s5 =	sadd.s32 s21, s3  }
0x9d: {  	[timem:s7], [sflag:s22] =	dma.local [hbm:s5], s20  }
0x9e: {  	_ =	swait.ge [sflag:s22], s20  }
0x9f: {  	s4 =	ssub.s32 $0x0, s20;
	[sflag:s22] =	ssyncset.done $0x0  }
0xa0: {  	[sflag:s22] =	ssyncadd.s32 s4;
	_ =	sdelay $0x1  }
0xa1: {  	s23 =	simm.s32 $0x1B8B  }
0xa2: {  	_ =	swait.ge [sflag:s23], $0x1  }
0xa3: {  	[sflag:s23] =	ssyncset.done $0x0  }
0xa4: {  	s25 =	simm.s32 $0x1B8E;
	s24 =	sld [smem:$0x3FFE];
	[sflag:s23] =	ssyncadd.s32 $0xFFFFFFFF  }
0xa5: {  	s26 =	simm.s32 $execute0_lowered;
	[smem:$0x3FD2] =	sst s25  }
0xa6: {  	s5 =	sshll.u32 s26, $0x1;
	_ =	strace $0x80000046;
	[dreg:$0x1] =	wrdreg $0xFFFFFFFF  }
0xa7: {  	s28 =	simm.s32 $_size_execute0_lowered;
	s3 =	sadd.s32 s3, s5;
	[dreg:$0x0] =	wrdreg $0x0  }
0xa8: {  	s5 =	sshll.u32 s28, $0x1;
	[dreg:$0x2] =	wrdreg s3  }
0xa9: {  	[dreg:$0x3] =	wrdreg s5  }
0xaa: {  	[dreg:$0x4] =	wrdreg $0xC0  }
0xab: {  	_ =	task [dreg:s7], $0x5FFFF  }
0xac: {  	[dreg:$0x1] =	wrdreg $0xFFFFFFFF  }
0xad: {  	[dreg:$0x0] =	wrdreg $0x60  }
0xae: {  	[dreg:$0x2] =	wrdreg s2  }
0xaf: {  	[dreg:$0x3] =	wrdreg s24  }
0xb0: {  	[dreg:$0x4] =	wrdreg $0x82000  }
0xb1: {  	[dreg:$0x5] =	wrdreg $0x9  }
0xb2: {  	_ =	task.clear_ibuf [dreg:s7], $0x6FFFF;
	_ =	strace $0x90000046  }
0xb3: {  	s29 =	simm.s32 $0x9;
	_ =	strace $0x80000048  }
0xb4: {  	_ =	swait.ge [sflag:s29], $0x1  }
0xb5: {  	[sflag:s29] =	ssyncadd.s32 $0xFFFFFFFF  }
0xb6: {  	_ =	strace $0x90000048  }
0xb7: {  	_ =	sfence  }
0xb8: {  	s30 =	sld [smem:$0x0];
	_ =	sdelay $0x2  }
0xb9: {  	s31 =	sshll.u32 s1, $0xD;
	s1 =	sshrl.u32 s1, $0x2  }
0xba: {  	s3 =	sand.u32 $0x4000, s31;
	s1 =	sadd.s32 s1, s30  }
0xbb: {  	s0 =	sor.u32 s3, s0;
	s1 =	sshll.u32 s1, $0x11  }
0xbc: {  	s0 =	sor.u32 s1, s0  }
0xbd: {  	s0 =	sadd.s32 $0x8F2B, s0  }
0xbe: {  	[sflag:s0] =	ssyncadd.remote.s32 $0x1  }
0xbf: {  	_ =	sfence.sel $0xFFFF  }
0xc0: {  	[dreg:$0x0] =	wrdreg $0xFFFFFFFF;
	(pc) =	sbr.abs _section_cstart, $3  }
0xc1: {  	[dreg:$0x1] =	wrdreg $0xFFFFFFFF  }
0xc2: {  	_ =	task.clear_ibuf [dreg:s7], $0x2FFFF;
	_ =	strace $0x9FFFFFFF  }
0xc3: {  	(tm) =	ssettm $0x7FFFFFFF  }
tec
execute0_lowered:
.L_overlay_start_1:
0x0: {  	(tag) =	ssettag $0x1  }
0x1: {  	s0 =	rddreg [dreg:$0x0]  }
0x2: {  	s1 =	srdreg.scid;
	s4 =	rddreg [dreg:$0x1]  }
0x3: {  	s2 =	rddreg [dreg:$0x2];
	s17 =	stileid.u32;
	s3 =	simm.s32 $0x0  }
0x4: {  	s28 =	simm.s32 $0x180;
	s29 =	simm.s32 $0x4200;
	s30 =	simm.s32 $0x9  }
0x5: {  	s31 =	simm.s32 $0x200;
	s1 =	sand.u32 $0x1, s1;
	[smem:$0x7FF] =	sst s3  }
0x6: {  	s6 =	sadd.s32 $0x2600, s4;
	s24 =	sadd.s32 $0x1E00, s4;
	s26 =	smul.u32 $0x280, s17  }
0x7: {  	s4 =	sadd.s32 $0x2E00, s4;
	s18 =	smul.u32 $0x50000, s17;
	s5 =	sshll.u32 s1, $0x4  }
0x8: {  	_ =	strace $0x80000047;
	[dreg:$0x4] =	wrdreg s6;
	s25 =	ssub.s32 $0x2, s1  }
0x9: {  	[dreg:$0x5] =	wrdreg s24;
	s5 =	sor.u32 s17, s5;
	s7 =	sshrl.u32 s25, $0x1  }
0xa: {  	s19 =	sadd.s32 $0x80, s26;
	s15 =	sadd.s32 $0x100, s26;
	s22 =	sadd.s32 $0x180, s26  }
0xb: {  	s5 =	smul.u32 $0x2800, s5;
	s6 =	ssub.s32 s25, s7;
	s7 =	sshrl.u32 s18, $0x2  }
0xc: {  	s20 =	sshll.u32 s19, $0x7;
	s21 =	sshll.u32 s15, $0x7;
	s18 =	smul.u32 $0x2800, s1  }
0xd: {  	s23 =	sshll.u32 s22, $0x7;
	s1 =	smul.u32 $0x28000, s1;
	s10 =	sadd.s32 s7, s2  }
0xe: {  	s11 =	sadd.s32 s20, s2;
	s12 =	sadd.s32 s21, s2;
	s13 =	sadd.s32 s23, s2  }
0xf: {  	s5 =	sshrl.u32 s5, $0x3;
	s24 =	sadd.s32 s18, s19;
	s25 =	sadd.s32 s18, s15  }
0x10: {  	s20 =	sadd.s32 s18, s22;
	s15 =	simm.s32 $0x0;
	s8 =	sadd.s32 s0, s5  }
0x11: {  	s5 =	sadd.s32 s26, s18;
	s16 =	sadd.s32 $0x10, s8;
	[dreg:$0x6] =	wrdreg s8  }
0x12: {  	s7 =	sshll.u32 s24, $0x4;
	s9 =	sadd.s32 $0x20, s8;
	[dreg:$0x7] =	wrdreg s16  }
0x13: {  	s19 =	sshll.u32 s25, $0x4;
	s8 =	sadd.s32 $0x30, s8;
	[dreg:$0x8] =	wrdreg s9  }
0x14: {  	s5 =	sshll.u32 s5, $0x4;
	[dreg:$0x9] =	wrdreg s8;
	s16 =	sadd.s32 $0x200, s26  }
0x15: {  	s26 =	smul.u32 $0x2800, s17;
	s5 =	sadd.s32 s4, s5;
	s17 =	sadd.s32 s4, s7  }
0x16: {  	s7 =	simm.s32 $0x6;
	s8 =	simm.s32 $0x4;
	[dreg:$0xa] =	wrdreg s5  }
0x17: {  	s9 =	simm.s32 $0x7;
	s14 =	sshll.u32 s16, $0x7;
	[dreg:$0xb] =	wrdreg s17  }
0x18: {  	s5 =	sadd.s32 s4, s19;
	s21 =	sadd.s32 s18, s16;
	s14 =	sadd.s32 s14, s2  }
0x19: {  	[dreg:$0xc] =	wrdreg s5;
	s1 =	sadd.s32 s26, s1;
	s5 =	sshll.u32 s20, $0x4  }
0x1a: {  	s23 =	sshll.u32 s21, $0x4;
	s20 =	smax.u32 s6, $0x1;
	s6 =	simm.s32 $0x8  }
0x1b: {  	s22 =	sor.u32 $0x380, s1;
	s5 =	sadd.s32 s4, s5;
	s19 =	sadd.s32 s4, s23  }
0x1c: {  	s25 =	sor.u32 $0x300, s1;
	s26 =	sor.u32 $0x280, s1;
	s1 =	sor.u32 $0x200, s1  }
0x1d: {  	[dreg:$0xd] =	wrdreg s5;
	s24 =	sshrl.u32 s22, $0x3;
	s4 =	sshrl.u32 s25, $0x3  }
0x1e: {  	s5 =	sshrl.u32 s26, $0x3;
	s1 =	sshrl.u32 s1, $0x3;
	s25 =	simm.s32 $0x80  }
0x1f: {  	s26 =	simm.s32 $0x100;
	s21 =	sadd.s32 s24, s0;
	s22 =	sadd.s32 s4, s0  }
0x20: {  	s23 =	sadd.s32 s5, s0;
	s24 =	sadd.s32 s1, s0;
	s0 =	simm.s32 $0x1  }
0x21: {  	s1 =	simm.s32 $0x2;
	s4 =	simm.s32 $0x5;
	s5 =	simm.s32 $0x3  }
.LBB2_1:
0x22: {  	s16 =	rddreg [dreg:$0x6]  }
0x23: {  	[tilespmem:s3], [sflag:$0x1] =	stream.linear.gather [hbm4b:s16+s3], $0x80, $0x38;
	[tilespmem:$0x1C200] =	vst v63  }
0x24: {  	s18 =	rddreg [dreg:$0x7]  }
0x25: {  	[tilespmem:s25], [sflag:$0x2] =	stream.linear.gather [hbm4b:s18+s3], $0x80, $0x38;
	[tilespmem:$0x1C200] =	vst v63  }
0x26: {  	s17 =	rddreg [dreg:$0x8]  }
0x27: {  	[tilespmem:s26], [sflag:$0x3] =	stream.linear.gather [hbm4b:s17+s3], $0x80, $0x38;
	[tilespmem:$0x1C200] =	vst v63  }
0x28: {  	s18 =	rddreg [dreg:$0x9]  }
0x29: {  	[tilespmem:s28], [sflag:$0x4] =	stream.linear.gather [hbm4b:s18+s3], $0x80, $0x38;
	[tilespmem:$0x1C200] =	vst v63  }
0x2a: {  	s17 =	rddreg [dreg:$0x4]  }
0x2b: {  	[tilespmem:s29], [sflag:$0x9] =	stream.linear.gather [hbm4b:s17+s3], $0x4000, $0x38;
	[tilespmem:$0x1C200] =	vst v63  }
0x2c: {  	_ =	swait.ge [sflag:s30], $0x4000  }
0x2d: {  	[sflag:s30] =	ssyncset.done $0x0  }
0x2e: {  	[sflag:s30] =	ssyncadd.s32 $0xFFFFC000  }
0x2f: {  	[spmem:s10] =	stream.linear.scatter [tilespmem:s29], [sflag:$0x9], $0x4000, $0x38;
	[tilespmem:$0x1C200] =	vst v63  }
0x30: {  	_ =	swait.ge [sflag:s30], $0x4000  }
0x31: {  	[sflag:s30] =	ssyncset.done $0x0  }
0x32: {  	[sflag:s30] =	ssyncadd.s32 $0xFFFFC000  }
0x33: {  	[spmem:s11] =	stream.linear.scatter [tilespmem:s29], [sflag:$0x9], $0x4000, $0x38;
	[tilespmem:$0x1C200] =	vst v63  }
0x34: {  	_ =	swait.ge [sflag:s30], $0x4000  }
0x35: {  	[sflag:s30] =	ssyncset.done $0x0  }
0x36: {  	[sflag:s30] =	ssyncadd.s32 $0xFFFFC000  }
0x37: {  	[spmem:s12] =	stream.linear.scatter [tilespmem:s29], [sflag:$0x9], $0x4000, $0x38;
	[tilespmem:$0x1C200] =	vst v63  }
0x38: {  	_ =	swait.ge [sflag:s30], $0x4000  }
0x39: {  	[sflag:s30] =	ssyncset.done $0x0  }
0x3a: {  	[sflag:s30] =	ssyncadd.s32 $0xFFFFC000  }
0x3b: {  	[spmem:s13] =	stream.linear.scatter [tilespmem:s29], [sflag:$0x9], $0x4000, $0x38;
	[tilespmem:$0x1C200] =	vst v63  }
0x3c: {  	_ =	swait.ge [sflag:s30], $0x4000  }
0x3d: {  	[sflag:s30] =	ssyncset.done $0x0  }
0x3e: {  	[sflag:s30] =	ssyncadd.s32 $0xFFFFC000  }
0x3f: {  	[spmem:s14] =	stream.linear.scatter [tilespmem:s29], [sflag:$0x9], $0x4000, $0x38;
	[tilespmem:$0x1C200] =	vst v63  }
0x40: {  	_ =	swait.ge [sflag:s30], $0x4000  }
0x41: {  	[sflag:s30] =	ssyncset.done $0x0  }
0x42: {  	s18 =	rddreg [dreg:$0x5];
	[sflag:s30] =	ssyncadd.s32 $0xFFFFC000  }
0x43: {  	[tilespmem:s31], [sflag:$0x9] =	stream.linear.gather [hbm4b:s18+s3], $0x4000, $0x38;
	[tilespmem:$0x1C200] =	vst v63  }
0x44: {  	_ =	swait.ge [sflag:s30], $0x4000  }
0x45: {  	[sflag:s30] =	ssyncset.done $0x0  }
0x46: {  	[sflag:s30] =	ssyncadd.s32 $0xFFFFC000  }
0x47: {  	[bflag:$0x0] =	sbarrier.arrive $0xFFFF  }
0x48: {  	_ =	swait.ge [sflag:s0], $0x80  }
0x49: {  	[sflag:s0] =	ssyncset.done $0x0  }
0x4a: {  	[sflag:s0] =	ssyncadd.s32 $0xFFFFFF80  }
0x4b: {  	[spmem:s2] =	stream.indirect.scatter.add.f32 [tilespmem:s31], [sflag:$0x5], $0x80, s3, s25, $0xb8;
	[tilespmem:$0x1C200] =	vst v63  }
0x4c: {  	_ =	swait.ge [sflag:s1], $0x80  }
0x4d: {  	[sflag:s1] =	ssyncset.done $0x0  }
0x4e: {  	[sflag:s1] =	ssyncadd.s32 $0xFFFFFF80  }
0x4f: {  	[spmem:s2] =	stream.indirect.scatter.add.f32 [tilespmem:s31], [sflag:$0x6], $0x80, s25, s25, $0xb8;
	[tilespmem:$0x1C200] =	vst v63  }
0x50: {  	_ =	swait.ge [sflag:s4], $0x4000  }
0x51: {  	[sflag:s4] =	ssyncset.done $0x0  }
0x52: {  	s17 =	sadd.s32 $0x0, s24;
	[sflag:s4] =	ssyncadd.s32 $0xFFFFC000  }
0x53: {  	[tilespmem:s3], [sflag:$0x1] =	stream.linear.gather [hbm4b:s17+s3], $0x80, $0x38;
	[tilespmem:$0x1C200] =	vst v63  }
0x54: {  	_ =	swait.ge [sflag:s5], $0x80  }
0x55: {  	[sflag:s5] =	ssyncset.done $0x0  }
0x56: {  	[sflag:s5] =	ssyncadd.s32 $0xFFFFFF80  }
0x57: {  	[spmem:s2] =	stream.indirect.scatter.add.f32 [tilespmem:s31], [sflag:$0x5], $0x80, s26, s25, $0xb8;
	[tilespmem:$0x1C200] =	vst v63  }
0x58: {  	_ =	swait.ge [sflag:s7], $0x4000  }
0x59: {  	[sflag:s7] =	ssyncset.done $0x0  }
0x5a: {  	s18 =	sadd.s32 $0x0, s23;
	[sflag:s7] =	ssyncadd.s32 $0xFFFFC000  }
0x5b: {  	[tilespmem:s25], [sflag:$0x2] =	stream.linear.gather [hbm4b:s18+s3], $0x80, $0x38;
	[tilespmem:$0x1C200] =	vst v63  }
0x5c: {  	_ =	swait.ge [sflag:s8], $0x80  }
0x5d: {  	[sflag:s8] =	ssyncset.done $0x0  }
0x5e: {  	[sflag:s8] =	ssyncadd.s32 $0xFFFFFF80  }
0x5f: {  	[spmem:s2] =	stream.indirect.scatter.add.f32 [tilespmem:s31], [sflag:$0x6], $0x80, s28, s25, $0xb8;
	[tilespmem:$0x1C200] =	vst v63  }
0x60: {  	_ =	swait.ge [sflag:s4], $0x4000  }
0x61: {  	[sflag:s4] =	ssyncset.done $0x0  }
0x62: {  	s17 =	sadd.s32 $0x0, s22;
	[sflag:s4] =	ssyncadd.s32 $0xFFFFC000  }
0x63: {  	[tilespmem:s26], [sflag:$0x3] =	stream.linear.gather [hbm4b:s17+s3], $0x80, $0x38;
	[tilespmem:$0x1C200] =	vst v63  }
0x64: {  	_ =	swait.ge [sflag:s0], $0x80  }
0x65: {  	[sflag:s0] =	ssyncset.done $0x0  }
0x66: {  	[sflag:s0] =	ssyncadd.s32 $0xFFFFFF80  }
0x67: {  	[spmem:s2] =	stream.indirect.scatter.add.f32 [tilespmem:s31], [sflag:$0x5], $0x80, s3, s25, $0xb8;
	[tilespmem:$0x1C200] =	vst v63  }
0x68: {  	_ =	swait.ge [sflag:s7], $0x4000  }
0x69: {  	[sflag:s7] =	ssyncset.done $0x0  }
0x6a: {  	s18 =	sadd.s32 $0x0, s21;
	[sflag:s7] =	ssyncadd.s32 $0xFFFFC000  }
0x6b: {  	[tilespmem:s28], [sflag:$0x4] =	stream.linear.gather [hbm4b:s18+s3], $0x80, $0x38;
	[tilespmem:$0x1C200] =	vst v63  }
0x6c: {  	_ =	swait.ge [sflag:s1], $0x80  }
0x6d: {  	[sflag:s1] =	ssyncset.done $0x0  }
0x6e: {  	s16 =	simm.s32 $0x40;
	[sflag:s1] =	ssyncadd.s32 $0xFFFFFF80  }
.LBB2_2:
0x6f: {  	[spmem:s2] =	stream.indirect.scatter.add.f32 [tilespmem:s31], [sflag:$0x6], $0x80, s25, s25, $0xb8;
	[tilespmem:$0x1C200] =	vst v63  }
0x70: {  	s17 =	smov.u32 s16  }
0x71: {  	p0 =	sne.s32 s16, $0x480;
	s16 =	sadd.s32 $0x40, s16;
	_ =	swait.ge [sflag:s4], $0x4000  }
0x72: {  	[sflag:s4] =	ssyncset.done $0x0  }
0x73: {  	s18 =	sadd.s32 s17, s24;
	[sflag:s4] =	ssyncadd.s32 $0xFFFFC000  }
0x74: {  	[tilespmem:s3], [sflag:$0x1] =	stream.linear.gather [hbm4b:s18+s3], $0x80, $0x38;
	[tilespmem:$0x1C200] =	vst v63  }
0x75: {  	_ =	swait.ge [sflag:s5], $0x80  }
0x76: {  	[sflag:s5] =	ssyncset.done $0x0  }
0x77: {  	[sflag:s5] =	ssyncadd.s32 $0xFFFFFF80  }
0x78: {  	[spmem:s2] =	stream.indirect.scatter.add.f32 [tilespmem:s31], [sflag:$0x5], $0x80, s26, s25, $0xb8;
	[tilespmem:$0x1C200] =	vst v63  }
0x79: {  	_ =	swait.ge [sflag:s7], $0x4000  }
0x7a: {  	[sflag:s7] =	ssyncset.done $0x0  }
0x7b: {  	s18 =	sadd.s32 s17, s23;
	[sflag:s7] =	ssyncadd.s32 $0xFFFFC000  }
0x7c: {  	[tilespmem:s25], [sflag:$0x2] =	stream.linear.gather [hbm4b:s18+s3], $0x80, $0x38;
	[tilespmem:$0x1C200] =	vst v63  }
0x7d: {  	_ =	swait.ge [sflag:s8], $0x80  }
0x7e: {  	[sflag:s8] =	ssyncset.done $0x0  }
0x7f: {  	[sflag:s8] =	ssyncadd.s32 $0xFFFFFF80  }
0x80: {  	[spmem:s2] =	stream.indirect.scatter.add.f32 [tilespmem:s31], [sflag:$0x6], $0x80, s28, s25, $0xb8;
	[tilespmem:$0x1C200] =	vst v63  }
0x81: {  	_ =	swait.ge [sflag:s4], $0x4000  }
0x82: {  	[sflag:s4] =	ssyncset.done $0x0  }
0x83: {  	s18 =	sadd.s32 s17, s22;
	[sflag:s4] =	ssyncadd.s32 $0xFFFFC000  }
0x84: {  	[tilespmem:s26], [sflag:$0x3] =	stream.linear.gather [hbm4b:s18+s3], $0x80, $0x38;
	[tilespmem:$0x1C200] =	vst v63  }
0x85: {  	_ =	swait.ge [sflag:s0], $0x80  }
0x86: {  	[sflag:s0] =	ssyncset.done $0x0  }
0x87: {  	[sflag:s0] =	ssyncadd.s32 $0xFFFFFF80  }
0x88: {  	[spmem:s2] =	stream.indirect.scatter.add.f32 [tilespmem:s31], [sflag:$0x5], $0x80, s3, s25, $0xb8;
	[tilespmem:$0x1C200] =	vst v63  }
0x89: {  	_ =	swait.ge [sflag:s7], $0x4000  }
0x8a: {  	[sflag:s7] =	ssyncset.done $0x0  }
.Ltmp0:
0x8b: {  	s17 =	sadd.s32 s17, s21;
	[sflag:s7] =	ssyncadd.s32 $0xFFFFC000;
	(pc) =	sbr.rel @p0 .LBB2_2-.Ltmp0, $4  }
0x8c: {  	[tilespmem:s28], [sflag:$0x4] =	stream.linear.gather [hbm4b:s17+s3], $0x80, $0x38;
	[tilespmem:$0x1C200] =	vst v63  }
0x8d: {  	_ =	swait.ge [sflag:s1], $0x80  }
0x8e: {  	[sflag:s1] =	ssyncset.done $0x0  }
0x8f: {  	[sflag:s1] =	ssyncadd.s32 $0xFFFFFF80  }
0x90: {  	[spmem:s2] =	stream.indirect.scatter.add.f32 [tilespmem:s31], [sflag:$0x6], $0x80, s25, s25, $0xb8;
	[tilespmem:$0x1C200] =	vst v63  }
0x91: {  	_ =	swait.ge [sflag:s4], $0x4000  }
0x92: {  	[sflag:s4] =	ssyncset.done $0x0  }
0x93: {  	[sflag:s4] =	ssyncadd.s32 $0xFFFFC000  }
0x94: {  	_ =	swait.ge [sflag:s5], $0x80  }
0x95: {  	[sflag:s5] =	ssyncset.done $0x0  }
0x96: {  	[sflag:s5] =	ssyncadd.s32 $0xFFFFFF80  }
0x97: {  	[spmem:s2] =	stream.indirect.scatter.add.f32 [tilespmem:s31], [sflag:$0x5], $0x80, s26, s25, $0xb8;
	[tilespmem:$0x1C200] =	vst v63  }
0x98: {  	_ =	swait.ge [sflag:s7], $0x4000  }
0x99: {  	[sflag:s7] =	ssyncset.done $0x0  }
0x9a: {  	[sflag:s7] =	ssyncadd.s32 $0xFFFFC000  }
0x9b: {  	_ =	swait.ge [sflag:s8], $0x80  }
0x9c: {  	[sflag:s8] =	ssyncset.done $0x0  }
0x9d: {  	[sflag:s8] =	ssyncadd.s32 $0xFFFFFF80  }
0x9e: {  	[spmem:s2] =	stream.indirect.scatter.add.f32 [tilespmem:s31], [sflag:$0x6], $0x80, s28, s25, $0xb8;
	[tilespmem:$0x1C200] =	vst v63  }
0x9f: {  	_ =	swait.ge [sflag:s4], $0x4000  }
0xa0: {  	[sflag:s4] =	ssyncset.done $0x0  }
0xa1: {  	[sflag:s4] =	ssyncadd.s32 $0xFFFFC000  }
0xa2: {  	_ =	swait.ge [sflag:s7], $0x4000  }
0xa3: {  	[sflag:s7] =	ssyncset.done $0x0  }
0xa4: {  	[sflag:s7] =	ssyncadd.s32 $0xFFFFC000  }
0xa5: {  	[bflag:$0x0] =	sbarrier.arrive $0xFFFF  }
0xa6: {  	[tilespmem:s31], [sflag:$0x9] =	stream.linear.gather [spmem:s10], $0x4000, $0x38;
	[tilespmem:$0x1C200] =	vst v63  }
0xa7: {  	_ =	swait.ge [sflag:s30], $0x4000  }
0xa8: {  	[sflag:s30] =	ssyncset.done $0x0  }
0xa9: {  	s16 =	rddreg [dreg:$0xa];
	[sflag:s30] =	ssyncadd.s32 $0xFFFFC000  }
0xaa: {  	[hbm4b:s16+s3] =	stream.linear.scatter [tilespmem:s31], [sflag:$0x7], $0x4000, $0x38;
	[tilespmem:$0x1C200] =	vst v63  }
0xab: {  	_ = 	snop  }
0xac: {  	[tilespmem:s29], [sflag:$0x9] =	stream.linear.gather [spmem:s11], $0x4000, $0x38;
	[tilespmem:$0x1C200] =	vst v63  }
0xad: {  	_ =	swait.ge [sflag:s30], $0x4000  }
0xae: {  	[sflag:s30] =	ssyncset.done $0x0  }
0xaf: {  	s18 =	rddreg [dreg:$0xb];
	[sflag:s30] =	ssyncadd.s32 $0xFFFFC000  }
0xb0: {  	[hbm4b:s18+s3] =	stream.linear.scatter [tilespmem:s29], [sflag:$0x8], $0x4000, $0x38;
	[tilespmem:$0x1C200] =	vst v63  }
0xb1: {  	_ =	swait.ge [sflag:s9], $0x4000  }
0xb2: {  	[sflag:s9] =	ssyncset.done $0x0  }
0xb3: {  	[sflag:s9] =	ssyncadd.s32 $0xFFFFC000  }
0xb4: {  	[tilespmem:s31], [sflag:$0x9] =	stream.linear.gather [spmem:s12], $0x4000, $0x38;
	[tilespmem:$0x1C200] =	vst v63  }
0xb5: {  	_ =	swait.ge [sflag:s30], $0x4000  }
0xb6: {  	[sflag:s30] =	ssyncset.done $0x0  }
0xb7: {  	s17 =	rddreg [dreg:$0xc];
	[sflag:s30] =	ssyncadd.s32 $0xFFFFC000  }
0xb8: {  	[hbm4b:s17+s3] =	stream.linear.scatter [tilespmem:s31], [sflag:$0x7], $0x4000, $0x38;
	[tilespmem:$0x1C200] =	vst v63  }
0xb9: {  	_ =	swait.ge [sflag:s6], $0x4000  }
0xba: {  	[sflag:s6] =	ssyncset.done $0x0  }
0xbb: {  	[sflag:s6] =	ssyncadd.s32 $0xFFFFC000  }
0xbc: {  	[tilespmem:s29], [sflag:$0x9] =	stream.linear.gather [spmem:s13], $0x4000, $0x38;
	[tilespmem:$0x1C200] =	vst v63  }
0xbd: {  	_ =	swait.ge [sflag:s30], $0x4000  }
0xbe: {  	[sflag:s30] =	ssyncset.done $0x0  }
0xbf: {  	s18 =	rddreg [dreg:$0xd];
	[sflag:s30] =	ssyncadd.s32 $0xFFFFC000  }
0xc0: {  	[hbm4b:s18+s3] =	stream.linear.scatter [tilespmem:s29], [sflag:$0x8], $0x4000, $0x38;
	[tilespmem:$0x1C200] =	vst v63  }
0xc1: {  	_ =	swait.ge [sflag:s9], $0x4000  }
0xc2: {  	[sflag:s9] =	ssyncset.done $0x0  }
0xc3: {  	[sflag:s9] =	ssyncadd.s32 $0xFFFFC000  }
0xc4: {  	[tilespmem:s31], [sflag:$0x9] =	stream.linear.gather [spmem:s14], $0x4000, $0x38;
	[tilespmem:$0x1C200] =	vst v63  }
0xc5: {  	_ =	swait.ge [sflag:s30], $0x4000  }
0xc6: {  	[sflag:s30] =	ssyncset.done $0x0  }
0xc7: {  	s15 =	sadd.s32 $0x1, s15;
	[sflag:s30] =	ssyncadd.s32 $0xFFFFC000  }
0xc8: {  	[hbm4b:s19+s3] =	stream.linear.scatter [tilespmem:s31], [sflag:$0x7], $0x4000, $0x38;
	[tilespmem:$0x1C200] =	vst v63  }
0xc9: {  	p0 =	sne.s32 s15, s20;
	_ =	swait.ge [sflag:s6], $0x4000  }
.Ltmp1:
0xca: {  	[sflag:s6] =	ssyncset.done $0x0;
	(pc) =	sbr.rel @p0 .LBB2_1-.Ltmp1, $4  }
0xcb: {  	[sflag:s6] =	ssyncadd.s32 $0xFFFFC000  }
0xcc: {  	_ =	swait.ge [sflag:s9], $0x4000  }
0xcd: {  	[sflag:s9] =	ssyncset.done $0x0  }
0xce: {  	[sflag:s9] =	ssyncadd.s32 $0xFFFFC000  }
0xcf: {  	_ =	sfence.sel $0x180000  }
0xd0: {  	[bflag:$0x0] =	sbarrier.arrive $0xFFFF  }
0xd1: {  	_ =	strace $0x90000047  }
0xd2: {  	s0 =	stileid.u32;
	[bflag:$0x2] =	sbarrier.arrive $0xFFFF  }
0xd3: {  	p0 =	sne.s32 s0, $0x0;
	s0 =	rddreg [dreg:$0x3]  }
0xd4: {  	s0 =	sadd.s32 @!p0 $0x100000, s0  }
0xd5: {  	[sflag:s0] =	ssyncadd.tile.s32 @!p0 $0x1;
	_ =	shalt  }
.Lfunc_end2:
_tile_overlayer_lowered:
.L_overlay_start_2:
0xd6: {  	(tag) =	ssettag $0x2  }
0xd7: {  	s0 =	rddreg [dreg:$0x0];
	s2 =	stileid.u32  }
0xd8: {  	s1 =	rddreg [dreg:$0x1];
	p0 =	sne.s32 s2, $0x0  }
0xd9: {  	s3 =	rddreg [dreg:$0x2];
	[bflag:$0x3] =	sbarrier.arrive $0xFFFF;
	s2 =	simm.s32 @!p0 $0x1C09  }
0xda: {  	[timem:s3], [sflag:s2] =	dma.local @!p0 [hbm:s0], s1  }
0xdb: {  	s0 =	simm.s32 @!p0 $0x9  }
0xdc: {  	_ =	swait.ge @!p0 [sflag:s0], s1  }
0xdd: {  	s1 =	ssub.s32 @!p0 $0x0, s1;
	[sflag:s0] =	ssyncset.done @!p0 $0x0  }
0xde: {  	[sflag:s0] =	ssyncadd.s32 @!p0 s1  }
0xdf: {  	[bflag:$0x3] =	sbarrier.arrive $0xFFFF  }
0xe0: {  	_ =	shalt  }

</sc_bundles>
